<compile_context>
chip_gen: v7x
topology: tpu7x:2x2x1
jax: 0.10.2.dev20260603
libtpu: 0.0.44.dev20260713+nightly
codegen_flags: <defaults>
</compile_context>

<pallas_src>
import jax
import jax.numpy as jnp
from jax import lax
from jax.experimental import pallas as pl
from jax.experimental.pallas import tpu as pltpu
from jax.experimental.pallas import tpu_sc as plsc

_NUM_PTS = 128
_K_SAMPLE = 32
_K_SCORE = 4
_SIGMA = 0.01
_FEAT = 128
_BIG = 1e30
_IBIG = 1 << 30
_NW = 32
_PPW = 4
_MF = 6


def _prep_body(sidx_ref, noisyT_ref, W1_ref, b1_ref, W2_ref, b2_ref,
               S1a_ref, S1b_ref, sb1_ref, S2_ref, sb2_ref,
               F_ref, E_ref, cen_ref, rad_ref):
    n = noisyT_ref.shape[2]
    px = noisyT_ref[0, 0:1, :]
    py = noisyT_ref[0, 1:2, :]
    pz = noisyT_ref[0, 2:3, :]
    sidx = sidx_ref[...]
    col = jax.lax.broadcasted_iota(jnp.int32, (_NUM_PTS, n), 1)
    smask = col == sidx
    zero = jnp.float32(0.0)
    sx = jnp.sum(jnp.where(smask, px, zero), axis=1, keepdims=True)
    sy = jnp.sum(jnp.where(smask, py, zero), axis=1, keepdims=True)
    sz = jnp.sum(jnp.where(smask, pz, zero), axis=1, keepdims=True)

    h1 = jnp.maximum(sx * W1_ref[0:1, :] + sy * W1_ref[1:2, :]
                     + sz * W1_ref[2:3, :] + b1_ref[...], zero)
    feat = jnp.dot(h1, W2_ref[...], preferred_element_type=jnp.float32) + b2_ref[...]
    zS = jnp.dot(feat, S1b_ref[...], preferred_element_type=jnp.float32) + sb1_ref[...]

    d1 = (sx - px) ** 2 + (sy - py) ** 2 + (sz - pz) ** 2
    csum = [[zero] * 3, [zero] * 3]
    for k in range(_K_SAMPLE):
        m = jnp.min(d1, axis=1, keepdims=True)
        eq = d1 == m
        fi = jnp.min(jnp.where(eq, col, _IBIG), axis=1, keepdims=True)
        sel = col == fi
        d1 = jnp.where(sel, _BIG, d1)
        fx = jnp.sum(jnp.where(sel, px, zero), axis=1, keepdims=True)
        fy = jnp.sum(jnp.where(sel, py, zero), axis=1, keepdims=True)
        fz = jnp.sum(jnp.where(sel, pz, zero), axis=1, keepdims=True)
        F_ref[0, k * _NUM_PTS:(k + 1) * _NUM_PTS, :] = jnp.concatenate(
            [fx, fy, fz], axis=1)
        hh = k // 16
        csum[hh] = [csum[hh][0] + fx, csum[hh][1] + fy, csum[hh][2] + fz]
        xh = (fx - sx) * S1a_ref[0:1, :] + (fy - sy) * S1a_ref[1:2, :] \
            + (fz - sz) * S1a_ref[2:3, :]
        h = jnp.maximum(xh + zS, zero)
        ek = jnp.dot(h, S2_ref[...], preferred_element_type=jnp.float32) + sb2_ref[...]
        E_ref[0, k * _NUM_PTS:(k + 1) * _NUM_PTS, :] = ek

    rads = []
    for hh in range(2):
        cx = csum[hh][0] * (1.0 / 16.0)
        cy = csum[hh][1] * (1.0 / 16.0)
        cz = csum[hh][2] * (1.0 / 16.0)
        cen_ref[0, :, 3 * hh:3 * hh + 3] = jnp.concatenate([cx, cy, cz], axis=1)
        r2 = jnp.zeros((_NUM_PTS, 1), jnp.float32)
        for k in range(hh * 16, (hh + 1) * 16):
            fx = F_ref[0, k * _NUM_PTS:(k + 1) * _NUM_PTS, 0:1]
            fy = F_ref[0, k * _NUM_PTS:(k + 1) * _NUM_PTS, 1:2]
            fz = F_ref[0, k * _NUM_PTS:(k + 1) * _NUM_PTS, 2:3]
            r2 = jnp.maximum(
                r2, (fx - cx) ** 2 + (fy - cy) ** 2 + (fz - cz) ** 2)
        r2 = r2 * 1.0002 + 1e-12
        rads.append(r2)
        rads.append(jnp.sqrt(r2) * 1.0001)
    rad_ref[0, :, :] = jnp.concatenate(rads, axis=1)


def _lane_permute(x, perm):
    dnums = jax.lax.GatherDimensionNumbers(
        offset_dims=(), collapsed_slice_dims=(0,), start_index_map=(0,))
    return jax.lax.gather(x, perm[:, None], dnums, (1,),
                          mode=jax.lax.GatherScatterMode.PROMISE_IN_BOUNDS)


def _lane_max(x):
    lanes = jax.lax.broadcasted_iota(jnp.int32, (16,), 0)
    for k in (8, 4, 2, 1):
        x = jnp.maximum(x, _lane_permute(x, lanes ^ k))
    return x


def _lane_min(x):
    lanes = jax.lax.broadcasted_iota(jnp.int32, (16,), 0)
    for k in (8, 4, 2, 1):
        x = jnp.minimum(x, _lane_permute(x, lanes ^ k))
    return x


def _sqrt_upper(x):
    u = jax.lax.bitcast_convert_type(x, jnp.int32)
    u = 0x5F3759DF - jax.lax.shift_right_logical(u, 1)
    y = jax.lax.bitcast_convert_type(u, jnp.float32)
    for _ in range(3):
        y = y * (1.5 - 0.5 * x * y * y)
    return x * y * 1.0002


def _sc_knn2(Ft_hbm, Et_hbm, cleanT_hbm, Mt_hbm, out_hbm,
             F_v, E_v, M_v, clean_v, keys_v, idxs_v, acc_v):
    wid = lax.axis_index("s") * 2 + lax.axis_index("c")
    pltpu.sync_copy(Ft_hbm.at[wid], F_v)
    pltpu.sync_copy(Et_hbm.at[wid], E_v)
    pltpu.sync_copy(Mt_hbm.at[wid], M_v)
    acc_v[...] = jnp.zeros((16,), jnp.float32)
    m_pts = cleanT_hbm.shape[1] // 3
    n_chunks = m_pts // 16
    n_groups = Ft_hbm.shape[1] // (3 * _K_SAMPLE) * 2

    def group_body(g, carry):
        b = g // (2 * _PPW)
        rem = g - b * (2 * _PPW)
        p = rem // 2
        h = rem - p * 2

        @pl.when(rem == 0)
        def _():
            pltpu.sync_copy(cleanT_hbm.at[b], clean_v)

        zi = jnp.zeros((16,), jnp.int32)
        base_q = (b * 3 * _PPW + p) * _K_SAMPLE + h * 16
        qx = F_v[pl.ds(base_q, 16)]
        qy = F_v[pl.ds(base_q + _PPW * _K_SAMPLE, 16)]
        qz = F_v[pl.ds(base_q + 2 * _PPW * _K_SAMPLE, 16)]
        moff = ((b * _PPW + p) * 2 + h) * (_MF * 16)
        gx = M_v[pl.ds(moff, 16)]
        gy = M_v[pl.ds(moff + 16, 16)]
        gz = M_v[pl.ds(moff + 32, 16)]
        rho2 = M_v[pl.ds(moff + 48, 16)]
        rho = M_v[pl.ds(moff + 64, 16)]
        start = M_v[pl.ds(moff + 80, 16)][0].astype(jnp.int32)

        for lvl in range(_K_SCORE):
            keys_v[pl.ds(lvl * 16, 16)] = jnp.full((16,), _BIG, jnp.float32)
            idxs_v[pl.ds(lvl * 16, 16)] = jnp.zeros((16,), jnp.int32)

        def chunk_body(cc, thr):
            ci = start + cc
            ci = ci - jnp.where(ci >= n_chunks, n_chunks, 0)
            base = ci * 16
            cx = clean_v[pl.ds(base, 16)]
            cy = clean_v[pl.ds(base + m_pts, 16)]
            cz = clean_v[pl.ds(base + 2 * m_pts, 16)]
            dcx = cx - gx
            dcy = cy - gy
            dcz = cz - gz
            dc = dcx * dcx + dcy * dcy + dcz * dcz

            def slow_path(_):
                def cand_body(t, c3):
                    i0 = zi + (base + t)
                    cxi = plsc.load_gather(clean_v, [i0])
                    cyi = plsc.load_gather(clean_v, [i0 + m_pts])
                    czi = plsc.load_gather(clean_v, [i0 + 2 * m_pts])
                    ddx = qx - cxi
                    ddy = qy - cyi
                    ddz = qz - czi
                    ck = ddx * ddx + ddy * ddy + ddz * ddz
                    cidx = i0
                    for lvl in range(_K_SCORE):
                        bk = keys_v[pl.ds(lvl * 16, 16)]
                        bi = idxs_v[pl.ds(lvl * 16, 16)]
                        pr = ck < bk
                        keys_v[pl.ds(lvl * 16, 16)] = jnp.where(pr, ck, bk)
                        idxs_v[pl.ds(lvl * 16, 16)] = jnp.where(pr, cidx, bi)
                        ck = jnp.where(pr, bk, ck)
                        cidx = jnp.where(pr, bi, cidx)
                    return c3

                lax.fori_loop(0, 16, cand_body, 0)
                tmax = _lane_max(keys_v[pl.ds(3 * 16, 16)])
                return rho2 + tmax + 2.0 * rho * _sqrt_upper(tmax)

            return lax.cond(_lane_min(dc - thr)[0] <= 0.0,
                            slow_path, lambda _: thr, 0)

        lax.fori_loop(0, n_chunks, chunk_body,
                      jnp.full((16,), _BIG, jnp.float32))

        nnx = jnp.zeros((16,), jnp.float32)
        nny = jnp.zeros((16,), jnp.float32)
        nnz = jnp.zeros((16,), jnp.float32)
        for lvl in range(_K_SCORE):
            ii = idxs_v[pl.ds(lvl * 16, 16)]
            nnx = nnx + plsc.load_gather(clean_v, [ii])
            nny = nny + plsc.load_gather(clean_v, [ii + m_pts])
            nnz = nnz + plsc.load_gather(clean_v, [ii + 2 * m_pts])
        inv = jnp.float32(1.0 / _K_SCORE)
        ex = E_v[pl.ds(base_q, 16)]
        ey = E_v[pl.ds(base_q + _PPW * _K_SAMPLE, 16)]
        ez = E_v[pl.ds(base_q + 2 * _PPW * _K_SAMPLE, 16)]
        dx = ex - (nnx * inv - qx)
        dy = ey - (nny * inv - qy)
        dz = ez - (nnz * inv - qz)
        acc_v[...] = acc_v[...] + dx * dx + dy * dy + dz * dz
        return carry

    lax.fori_loop(0, n_groups, group_body, 0)
    pltpu.sync_copy(acc_v, out_hbm.at[wid])


def _bsp_order(clean_pc):
    B, M, _ = clean_pc.shape
    ox = jnp.argsort(clean_pc[..., 0], axis=1)
    s1 = jnp.take_along_axis(clean_pc, ox[..., None], 1)
    r1 = s1.reshape(B, 16, M // 16, 3)
    oy = jnp.argsort(r1[..., 1], axis=2)
    r2 = jnp.take_along_axis(r1, oy[..., None], 2)
    r3 = r2.reshape(B, 16, 16, M // 256, 3)
    oz = jnp.argsort(r3[..., 2], axis=3)
    r4 = jnp.take_along_axis(r3, oz[..., None], 3)
    xb = r1[:, :, 0, 0]
    yb = r2.reshape(B, 16, 16, M // 256, 3)[:, :, :, 0, 1]
    return r4.reshape(B, M, 3), xb, yb


def kernel(noisy_pc, clean_pc, W1, b1, W2, b2, S1, sb1, S2, sb2):
    B, N, _ = noisy_pc.shape
    M = clean_pc.shape[1]
    Q = _NUM_PTS * _K_SAMPLE

    sidx = jax.random.permutation(jax.random.key(1), N)[:_NUM_PTS]
    sidx = sidx.astype(jnp.int32).reshape(_NUM_PTS, 1)
    noisyT = jnp.transpose(noisy_pc, (0, 2, 1))

    fixed = lambda *shape: pl.BlockSpec(shape, lambda b: (0,) * len(shape))
    F, E, cen, rad = pl.pallas_call(
        _prep_body,
        grid=(B,),
        in_specs=[
            fixed(_NUM_PTS, 1),
            pl.BlockSpec((1, 3, N), lambda b: (b, 0, 0)),
            fixed(3, _FEAT), fixed(1, _FEAT),
            fixed(_FEAT, _FEAT), fixed(1, _FEAT),
            fixed(3, _FEAT), fixed(_FEAT, _FEAT), fixed(1, _FEAT),
            fixed(_FEAT, 3), fixed(1, 3),
        ],
        out_specs=[
            pl.BlockSpec((1, Q, 3), lambda b: (b, 0, 0)),
            pl.BlockSpec((1, Q, 3), lambda b: (b, 0, 0)),
            pl.BlockSpec((1, _NUM_PTS, 6), lambda b: (b, 0, 0)),
            pl.BlockSpec((1, _NUM_PTS, 4), lambda b: (b, 0, 0)),
        ],
        out_shape=[
            jax.ShapeDtypeStruct((B, Q, 3), jnp.float32),
            jax.ShapeDtypeStruct((B, Q, 3), jnp.float32),
            jax.ShapeDtypeStruct((B, _NUM_PTS, 6), jnp.float32),
            jax.ShapeDtypeStruct((B, _NUM_PTS, 4), jnp.float32),
        ],
    )(sidx, noisyT, W1, b1.reshape(1, _FEAT), W2, b2.reshape(1, _FEAT),
      S1[:3], S1[3:], sb1.reshape(1, _FEAT), S2, sb2.reshape(1, 3))

    clean_s, xb, yb = _bsp_order(clean_pc)
    cleanT = jnp.transpose(clean_s, (0, 2, 1)).reshape(B, 3 * M)

    cgx = cen[..., 0::3]
    cgy = cen[..., 1::3]
    ii = jnp.clip(jnp.sum(xb[:, None, None, :] <= cgx[..., None], -1) - 1,
                  0, 15)
    yb_g = yb[jnp.arange(B)[:, None, None], ii]
    jj = jnp.clip(jnp.sum(yb_g <= cgy[..., None], -1) - 1, 0, 15)
    startc = (ii * 16 + jj).astype(jnp.float32)

    def tileflat(a):
        return (a.transpose(2, 0, 3, 1)
                .reshape(_NW, _PPW, B, 3, _K_SAMPLE)
                .transpose(0, 2, 3, 1, 4)
                .reshape(_NW, B * 3 * _PPW * _K_SAMPLE))
    Ft = tileflat(F.reshape(B, _K_SAMPLE, _NUM_PTS, 3))
    Et = tileflat(E.reshape(B, _K_SAMPLE, _NUM_PTS, 3))

    meta = jnp.stack([cen[..., 0::3], cen[..., 1::3], cen[..., 2::3],
                      rad[..., 0::2], rad[..., 1::2], startc],
                     axis=-1)
    Mt = (meta.transpose(1, 0, 2, 3)
          .reshape(_NW, _PPW, B, 2, _MF)
          .transpose(0, 2, 1, 3, 4)
          .reshape(_NW, B * _PPW * 2 * _MF))
    Mt = jnp.broadcast_to(Mt[:, :, None], (_NW, B * _PPW * 2 * _MF, 16)) \
        .reshape(_NW, B * _PPW * 2 * _MF * 16)

    mesh = plsc.VectorSubcoreMesh(core_axis_name="c", subcore_axis_name="s")
    parts = pl.kernel(
        _sc_knn2,
        out_type=jax.ShapeDtypeStruct((_NW, 16), jnp.float32),
        mesh=mesh,
        compiler_params=pltpu.CompilerParams(needs_layout_passes=False),
        scratch_types=[
            pltpu.VMEM((B * 3 * _PPW * _K_SAMPLE,), jnp.float32),
            pltpu.VMEM((B * 3 * _PPW * _K_SAMPLE,), jnp.float32),
            pltpu.VMEM((B * _PPW * 2 * _MF * 16,), jnp.float32),
            pltpu.VMEM((3 * M,), jnp.float32),
            pltpu.VMEM((_K_SCORE * 16,), jnp.float32),
            pltpu.VMEM((_K_SCORE * 16,), jnp.int32),
            pltpu.VMEM((16,), jnp.float32),
        ],
    )(Ft, Et, cleanT, Mt)

    denom = B * _NUM_PTS * _K_SAMPLE
    return 0.5 * (1.0 / _SIGMA) * jnp.sum(parts) / denom

# --- scband reference (transcript-rebuilt; emitter-appended) ---
"""Pipeline reference for scband-denoise-net-37709812859383 (READ-ONLY COPY).

The authoritative reference and input builder live on the scoring server;
editing this copy changes nothing except your own understanding.
"""

import jax, jax.numpy as jnp
import numpy as np

NUM_PTS = 128
K_SAMPLE = 32
K_SCORE = 4
SIGMA = 0.01
FEAT = 128


def knn_gather(p1, p2, K):
    # p1: [B, P1, 3], p2: [B, P2, 3] -> nn points [B, P1, K, 3]
    d = (jnp.sum(p1 ** 2, axis=-1)[:, :, None]
         + jnp.sum(p2 ** 2, axis=-1)[:, None, :]
         - 2.0 * jnp.einsum('bid,bjd->bij', p1, p2))
    d = jax.lax.stop_gradient(d)
    _, idx = jax.lax.top_k(-d, K)
    nn = jax.vmap(lambda pts, ii: pts[ii])(p2, idx)
    return nn


def feature_extraction(pc, W1, b1, W2, b2):
    # pointwise MLP feature extractor: [B, N, 3] -> [B, N, FEAT]
    h = jax.nn.relu(pc @ W1 + b1)
    return h @ W2 + b2


def score_network(x, z, S1, sb1, S2, sb2):
    # x: [P, K, 3] local coords, z: [P, FEAT] context -> [P, K, 3]
    zz = jnp.broadcast_to(z[:, None, :], (x.shape[0], x.shape[1], z.shape[-1]))
    h = jnp.concatenate([x, zz], axis=-1)
    h = jax.nn.relu(h @ S1 + sb1)
    return h @ S2 + sb2


def setup_inputs(seed: int = 0) -> dict:
    key = jax.random.key(seed)
    ks = jax.random.split(key, 8)
    B, N, M = 4, 4096, 4096
    return {
        'noisy_pc': jax.random.normal(ks[0], (B, N, 3), dtype=jnp.float32),
        'clean_pc': jax.random.normal(ks[1], (B, M, 3), dtype=jnp.float32),
        'W1': jax.random.normal(ks[2], (3, FEAT), dtype=jnp.float32) * 0.1,
        'b1': jnp.zeros((FEAT,), dtype=jnp.float32),
        'W2': jax.random.normal(ks[3], (FEAT, FEAT), dtype=jnp.float32) * 0.1,
        'b2': jnp.zeros((FEAT,), dtype=jnp.float32),
        'S1': jax.random.normal(ks[4], (3 + FEAT, FEAT), dtype=jnp.float32) * 0.1,
        'sb1': jnp.zeros((FEAT,), dtype=jnp.float32),
        'S2': jax.random.normal(ks[5], (FEAT, 3), dtype=jnp.float32) * 0.1,
        'sb2': jnp.zeros((3,), dtype=jnp.float32),
    }


def reference(noisy_pc, clean_pc, W1, b1, W2, b2, S1, sb1, S2, sb2):
    B, N, _ = noisy_pc.shape
    M = clean_pc.shape[1]
    # deterministic stand-in for random.shuffle sampling
    sampled_idx = jax.random.permutation(jax.random.key(1), N)[:NUM_PTS]
    sampled = noisy_pc[:, sampled_idx, :]                      # [B, num_pts, 3]
    f_origin = sampled[:, :, None, :]                          # [B, num_pts, 1, 3]
    noisy_feat = feature_extraction(noisy_pc, W1, b1, W2, b2)[:, sampled_idx, :]
    f = knn_gather(sampled, noisy_pc, K_SAMPLE)                # [B, num_pts, K_SAMPLE, 3]
    x = (f - f_origin).reshape(-1, K_SAMPLE, 3)
    z = noisy_feat.reshape(-1, FEAT)
    estim_score = score_network(x, z, S1, sb1, S2, sb2).reshape(B, NUM_PTS, K_SAMPLE, 3)
    merge_f = f.reshape(-1, K_SAMPLE, 3)
    merge_f_origin = jnp.broadcast_to(clean_pc[:, None, :, :], (B, NUM_PTS, M, 3)).reshape(-1, M, 3)
    nn = knn_gather(merge_f, merge_f_origin, K_SCORE)          # [B*num_pts, K_SAMPLE, K_SCORE, 3]
    ground_score = nn.reshape(B, NUM_PTS, K_SAMPLE, K_SCORE, 3)
    ground_score = ground_score - f[:, :, :, None, :]
    ground_score = jnp.mean(ground_score, axis=3)
    loss = 0.5 * jnp.mean(jnp.sum((estim_score - ground_score) ** 2 * (1.0 / SIGMA), axis=-1))
    return loss

if __name__ == "__main__":
    import jax
    _d = setup_inputs()
    print(jax.jit(kernel)(*tuple(_d.values())))

</pallas_src>

<mosaic_0001>
#map = affine_map<(d0, d1) -> (0, 0)>
module attributes {stable_mosaic.version = 14 : i64} {
  func.func @_sc_knn2(%arg0: i32, %arg1: i32, %arg2: memref<32x1536xf32, #tpu.memory_space<hbm>>, %arg3: memref<32x1536xf32, #tpu.memory_space<hbm>>, %arg4: memref<4x12288xf32, #tpu.memory_space<hbm>>, %arg5: memref<32x3072xf32, #tpu.memory_space<hbm>>, %arg6: memref<32x16xf32, #tpu.memory_space<hbm>>, %arg7: memref<1536xf32, #tpu.memory_space<vmem>>, %arg8: memref<1536xf32, #tpu.memory_space<vmem>>, %arg9: memref<3072xf32, #tpu.memory_space<vmem>>, %arg10: memref<12288xf32, #tpu.memory_space<vmem>>, %arg11: memref<64xf32, #tpu.memory_space<vmem>>, %arg12: memref<64xi32, #tpu.memory_space<vmem>>, %arg13: memref<16xf32, #tpu.memory_space<vmem>>) attributes {dimension_semantics = [#tpu.dimension_semantics<core_parallel>, #tpu.dimension_semantics<subcore_parallel>], iteration_bounds = array<i64: 2, 16>, scalar_prefetch = 0 : i64, scratch_operands = 7 : i64, tpu.core_type = #tpu.core_type<sc_vector_subcore>, window_params = [{transform_indices = #map}, {transform_indices = #map}, {transform_indices = #map}, {transform_indices = #map}, {transform_indices = #map}]} {
    %mul3A = arith.constant 2 : i32
    %mul3A_0 = arith.muli %arg1, %mul3A : i32
    %add3A = arith.addi %mul3A_0, %arg0 : i32
    "tpu.region"() ({
      %run_scoped3A = tpu.sem_alloc : memref<!tpu.dma_semaphore, #tpu.memory_space<semaphore_mem>>
      %dma_start3A = arith.constant 0 : i32
      %dma_start3A_8 = tpu.memref_slice %arg2[%add3A, %dma_start3A] : memref<32x1536xf32, #tpu.memory_space<hbm>> -> memref<1x1536xf32, #tpu.memory_space<hbm>>
      %dma_start3A_9 = tpu.memref_squeeze %dma_start3A_8 : memref<1x1536xf32, #tpu.memory_space<hbm>> -> memref<1536xf32, #tpu.memory_space<hbm>>
      %dma_start3A_10 = arith.constant 0 : i32
      %dma_start3A_11 = tpu.memref_slice %arg2[%add3A, %dma_start3A_10] : memref<32x1536xf32, #tpu.memory_space<hbm>> -> memref<1x1536xf32, #tpu.memory_space<hbm>>
      %dma_start3A_12 = tpu.memref_squeeze %dma_start3A_11 : memref<1x1536xf32, #tpu.memory_space<hbm>> -> memref<1536xf32, #tpu.memory_space<hbm>>
      tpu.enqueue_dma source(%dma_start3A_12 : memref<1536xf32, #tpu.memory_space<hbm>>) target(%arg7 : memref<1536xf32, #tpu.memory_space<vmem>>) target_semaphore(%run_scoped3A : memref<!tpu.dma_semaphore, #tpu.memory_space<semaphore_mem>>)
      %dma_wait3A = arith.constant 0 : i32
      %dma_wait3A_13 = tpu.memref_slice %arg2[%add3A, %dma_wait3A] : memref<32x1536xf32, #tpu.memory_space<hbm>> -> memref<1x1536xf32, #tpu.memory_space<hbm>>
      %dma_wait3A_14 = tpu.memref_squeeze %dma_wait3A_13 : memref<1x1536xf32, #tpu.memory_space<hbm>> -> memref<1536xf32, #tpu.memory_space<hbm>>
      %dma_wait3A_15 = arith.constant 0 : i32
      %dma_wait3A_16 = tpu.memref_slice %arg2[%add3A, %dma_wait3A_15] : memref<32x1536xf32, #tpu.memory_space<hbm>> -> memref<1x1536xf32, #tpu.memory_space<hbm>>
      %dma_wait3A_17 = tpu.memref_squeeze %dma_wait3A_16 : memref<1x1536xf32, #tpu.memory_space<hbm>> -> memref<1536xf32, #tpu.memory_space<hbm>>
      tpu.wait_dma2 semaphore(%run_scoped3A : memref<!tpu.dma_semaphore, #tpu.memory_space<semaphore_mem>>) src(%dma_wait3A_17 : memref<1536xf32, #tpu.memory_space<hbm>>) dst(%arg7 : memref<1536xf32, #tpu.memory_space<vmem>>)
      tpu.yield
    }) : () -> ()
    "tpu.region"() ({
      %run_scoped3A = tpu.sem_alloc : memref<!tpu.dma_semaphore, #tpu.memory_space<semaphore_mem>>
      %dma_start3A = arith.constant 0 : i32
      %dma_start3A_8 = tpu.memref_slice %arg3[%add3A, %dma_start3A] : memref<32x1536xf32, #tpu.memory_space<hbm>> -> memref<1x1536xf32, #tpu.memory_space<hbm>>
      %dma_start3A_9 = tpu.memref_squeeze %dma_start3A_8 : memref<1x1536xf32, #tpu.memory_space<hbm>> -> memref<1536xf32, #tpu.memory_space<hbm>>
      %dma_start3A_10 = arith.constant 0 : i32
      %dma_start3A_11 = tpu.memref_slice %arg3[%add3A, %dma_start3A_10] : memref<32x1536xf32, #tpu.memory_space<hbm>> -> memref<1x1536xf32, #tpu.memory_space<hbm>>
      %dma_start3A_12 = tpu.memref_squeeze %dma_start3A_11 : memref<1x1536xf32, #tpu.memory_space<hbm>> -> memref<1536xf32, #tpu.memory_space<hbm>>
      tpu.enqueue_dma source(%dma_start3A_12 : memref<1536xf32, #tpu.memory_space<hbm>>) target(%arg8 : memref<1536xf32, #tpu.memory_space<vmem>>) target_semaphore(%run_scoped3A : memref<!tpu.dma_semaphore, #tpu.memory_space<semaphore_mem>>)
      %dma_wait3A = arith.constant 0 : i32
      %dma_wait3A_13 = tpu.memref_slice %arg3[%add3A, %dma_wait3A] : memref<32x1536xf32, #tpu.memory_space<hbm>> -> memref<1x1536xf32, #tpu.memory_space<hbm>>
      %dma_wait3A_14 = tpu.memref_squeeze %dma_wait3A_13 : memref<1x1536xf32, #tpu.memory_space<hbm>> -> memref<1536xf32, #tpu.memory_space<hbm>>
      %dma_wait3A_15 = arith.constant 0 : i32
      %dma_wait3A_16 = tpu.memref_slice %arg3[%add3A, %dma_wait3A_15] : memref<32x1536xf32, #tpu.memory_space<hbm>> -> memref<1x1536xf32, #tpu.memory_space<hbm>>
      %dma_wait3A_17 = tpu.memref_squeeze %dma_wait3A_16 : memref<1x1536xf32, #tpu.memory_space<hbm>> -> memref<1536xf32, #tpu.memory_space<hbm>>
      tpu.wait_dma2 semaphore(%run_scoped3A : memref<!tpu.dma_semaphore, #tpu.memory_space<semaphore_mem>>) src(%dma_wait3A_17 : memref<1536xf32, #tpu.memory_space<hbm>>) dst(%arg8 : memref<1536xf32, #tpu.memory_space<vmem>>)
      tpu.yield
    }) : () -> ()
    "tpu.region"() ({
      %run_scoped3A = tpu.sem_alloc : memref<!tpu.dma_semaphore, #tpu.memory_space<semaphore_mem>>
      %dma_start3A = arith.constant 0 : i32
      %dma_start3A_8 = tpu.memref_slice %arg5[%add3A, %dma_start3A] : memref<32x3072xf32, #tpu.memory_space<hbm>> -> memref<1x3072xf32, #tpu.memory_space<hbm>>
      %dma_start3A_9 = tpu.memref_squeeze %dma_start3A_8 : memref<1x3072xf32, #tpu.memory_space<hbm>> -> memref<3072xf32, #tpu.memory_space<hbm>>
      %dma_start3A_10 = arith.constant 0 : i32
      %dma_start3A_11 = tpu.memref_slice %arg5[%add3A, %dma_start3A_10] : memref<32x3072xf32, #tpu.memory_space<hbm>> -> memref<1x3072xf32, #tpu.memory_space<hbm>>
      %dma_start3A_12 = tpu.memref_squeeze %dma_start3A_11 : memref<1x3072xf32, #tpu.memory_space<hbm>> -> memref<3072xf32, #tpu.memory_space<hbm>>
      tpu.enqueue_dma source(%dma_start3A_12 : memref<3072xf32, #tpu.memory_space<hbm>>) target(%arg9 : memref<3072xf32, #tpu.memory_space<vmem>>) target_semaphore(%run_scoped3A : memref<!tpu.dma_semaphore, #tpu.memory_space<semaphore_mem>>)
      %dma_wait3A = arith.constant 0 : i32
      %dma_wait3A_13 = tpu.memref_slice %arg5[%add3A, %dma_wait3A] : memref<32x3072xf32, #tpu.memory_space<hbm>> -> memref<1x3072xf32, #tpu.memory_space<hbm>>
      %dma_wait3A_14 = tpu.memref_squeeze %dma_wait3A_13 : memref<1x3072xf32, #tpu.memory_space<hbm>> -> memref<3072xf32, #tpu.memory_space<hbm>>
      %dma_wait3A_15 = arith.constant 0 : i32
      %dma_wait3A_16 = tpu.memref_slice %arg5[%add3A, %dma_wait3A_15] : memref<32x3072xf32, #tpu.memory_space<hbm>> -> memref<1x3072xf32, #tpu.memory_space<hbm>>
      %dma_wait3A_17 = tpu.memref_squeeze %dma_wait3A_16 : memref<1x3072xf32, #tpu.memory_space<hbm>> -> memref<3072xf32, #tpu.memory_space<hbm>>
      tpu.wait_dma2 semaphore(%run_scoped3A : memref<!tpu.dma_semaphore, #tpu.memory_space<semaphore_mem>>) src(%dma_wait3A_17 : memref<3072xf32, #tpu.memory_space<hbm>>) dst(%arg9 : memref<3072xf32, #tpu.memory_space<vmem>>)
      tpu.yield
    }) : () -> ()
    %broadcast_in_dim3A = arith.constant 0.000000e+00 : f32
    %broadcast_in_dim3A_1 = vector.broadcast %broadcast_in_dim3A : f32 to vector<16xf32>
    %swap3A = arith.constant 0 : index
    %swap3A_2 = tpu.vector_load %arg13[%swap3A] {strides = array<i32>} : memref<16xf32, #tpu.memory_space<vmem>>, vector<16xf32>,
    tpu.vector_store %arg13[%swap3A], %broadcast_in_dim3A_1 {strides = array<i32>} : memref<16xf32, #tpu.memory_space<vmem>>, vector<16xf32>,
    %scan3A = arith.constant 0 : i32
    %scan3A_3 = arith.constant 0 : i32
    %scan3A_4 = arith.constant 32 : i32
    %scan3A_5 = arith.addi %scan3A_3, %scan3A_4 : i32
    %scan3A_6 = arith.constant 1 : i32
    scf.for %scan3A_8 = %scan3A_3 to %scan3A_5 step %scan3A_6  : i32 {
      %jit3A = arith.constant 8 : i32
      %div3A = arith.divsi %scan3A_8, %jit3A : i32
      %sign3A = arith.constant 0 : i32
      %sign3A_9 = arith.cmpi sgt, %scan3A_8, %sign3A : i32
      %sign3A_10 = arith.extui %sign3A_9 : i1 to i32
      %sign3A_11 = arith.constant 0 : i32
      %sign3A_12 = arith.cmpi slt, %scan3A_8, %sign3A_11 : i32
      %sign3A_13 = arith.extui %sign3A_12 : i1 to i32
      %sign3A_14 = arith.subi %sign3A_10, %sign3A_13 : i32
      %sign3A_15 = arith.constant 0 : i32
      %sign3A_16 = arith.cmpi sgt, %jit3A, %sign3A_15 : i32
      %sign3A_17 = arith.extui %sign3A_16 : i1 to i32
      %sign3A_18 = arith.constant 0 : i32
      %sign3A_19 = arith.cmpi slt, %jit3A, %sign3A_18 : i32
      %sign3A_20 = arith.extui %sign3A_19 : i1 to i32
      %sign3A_21 = arith.subi %sign3A_17, %sign3A_20 : i32
      %ne3A = arith.cmpi ne, %sign3A_14, %sign3A_21 : i32
      %rem3A = arith.remsi %scan3A_8, %jit3A : i32
      %ne3A_22 = arith.constant 0 : i32
      %ne3A_23 = arith.cmpi ne, %rem3A, %ne3A_22 : i32
      %and3A = arith.andi %ne3A, %ne3A_23 : i1
      %sub3A = arith.constant 1 : i32
      %sub3A_24 = arith.subi %div3A, %sub3A : i32
      %select_n3A = arith.select %and3A, %sub3A_24, %div3A : i32
      %mul3A_25 = arith.constant 8 : i32
      %mul3A_26 = arith.muli %select_n3A, %mul3A_25 : i32
      %sub3A_27 = arith.subi %scan3A_8, %mul3A_26 : i32
      %jit3A_28 = arith.constant 2 : i32
      %div3A_29 = arith.divsi %sub3A_27, %jit3A_28 : i32
      %sign3A_30 = arith.constant 0 : i32
      %sign3A_31 = arith.cmpi sgt, %sub3A_27, %sign3A_30 : i32
      %sign3A_32 = arith.extui %sign3A_31 : i1 to i32
      %sign3A_33 = arith.constant 0 : i32
      %sign3A_34 = arith.cmpi slt, %sub3A_27, %sign3A_33 : i32
      %sign3A_35 = arith.extui %sign3A_34 : i1 to i32
      %sign3A_36 = arith.subi %sign3A_32, %sign3A_35 : i32
      %sign3A_37 = arith.constant 0 : i32
      %sign3A_38 = arith.cmpi sgt, %jit3A_28, %sign3A_37 : i32
      %sign3A_39 = arith.extui %sign3A_38 : i1 to i32
      %sign3A_40 = arith.constant 0 : i32
      %sign3A_41 = arith.cmpi slt, %jit3A_28, %sign3A_40 : i32
      %sign3A_42 = arith.extui %sign3A_41 : i1 to i32
      %sign3A_43 = arith.subi %sign3A_39, %sign3A_42 : i32
      %ne3A_44 = arith.cmpi ne, %sign3A_36, %sign3A_43 : i32
      %rem3A_45 = arith.remsi %sub3A_27, %jit3A_28 : i32
      %ne3A_46 = arith.constant 0 : i32
      %ne3A_47 = arith.cmpi ne, %rem3A_45, %ne3A_46 : i32
      %and3A_48 = arith.andi %ne3A_44, %ne3A_47 : i1
      %sub3A_49 = arith.constant 1 : i32
      %sub3A_50 = arith.subi %div3A_29, %sub3A_49 : i32
      %select_n3A_51 = arith.select %and3A_48, %sub3A_50, %div3A_29 : i32
      %mul3A_52 = arith.constant 2 : i32
      %mul3A_53 = arith.muli %select_n3A_51, %mul3A_52 : i32
      %sub3A_54 = arith.subi %sub3A_27, %mul3A_53 : i32
      %eq3A = arith.constant 0 : i32
      %eq3A_55 = arith.cmpi eq, %sub3A_27, %eq3A : i32
      %convert_element_type3A = arith.extui %eq3A_55 : i1 to i32
      %cond3A = arith.constant 0 : i32
      %cond3A_56 = arith.cmpi ne, %convert_element_type3A, %cond3A : i32
      scf.if %cond3A_56 {
        "tpu.region"() ({
          %run_scoped3A = tpu.sem_alloc : memref<!tpu.dma_semaphore, #tpu.memory_space<semaphore_mem>>
          %dma_start3A = arith.constant 0 : i32
          %dma_start3A_245 = tpu.memref_slice %arg4[%select_n3A, %dma_start3A] : memref<4x12288xf32, #tpu.memory_space<hbm>> -> memref<1x12288xf32, #tpu.memory_space<hbm>>
          %dma_start3A_246 = tpu.memref_squeeze %dma_start3A_245 : memref<1x12288xf32, #tpu.memory_space<hbm>> -> memref<12288xf32, #tpu.memory_space<hbm>>
          %dma_start3A_247 = arith.constant 0 : i32
          %dma_start3A_248 = tpu.memref_slice %arg4[%select_n3A, %dma_start3A_247] : memref<4x12288xf32, #tpu.memory_space<hbm>> -> memref<1x12288xf32, #tpu.memory_space<hbm>>
          %dma_start3A_249 = tpu.memref_squeeze %dma_start3A_248 : memref<1x12288xf32, #tpu.memory_space<hbm>> -> memref<12288xf32, #tpu.memory_space<hbm>>
          tpu.enqueue_dma source(%dma_start3A_249 : memref<12288xf32, #tpu.memory_space<hbm>>) target(%arg10 : memref<12288xf32, #tpu.memory_space<vmem>>) target_semaphore(%run_scoped3A : memref<!tpu.dma_semaphore, #tpu.memory_space<semaphore_mem>>)
          %dma_wait3A = arith.constant 0 : i32
          %dma_wait3A_250 = tpu.memref_slice %arg4[%select_n3A, %dma_wait3A] : memref<4x12288xf32, #tpu.memory_space<hbm>> -> memref<1x12288xf32, #tpu.memory_space<hbm>>
          %dma_wait3A_251 = tpu.memref_squeeze %dma_wait3A_250 : memref<1x12288xf32, #tpu.memory_space<hbm>> -> memref<12288xf32, #tpu.memory_space<hbm>>
          %dma_wait3A_252 = arith.constant 0 : i32
          %dma_wait3A_253 = tpu.memref_slice %arg4[%select_n3A, %dma_wait3A_252] : memref<4x12288xf32, #tpu.memory_space<hbm>> -> memref<1x12288xf32, #tpu.memory_space<hbm>>
          %dma_wait3A_254 = tpu.memref_squeeze %dma_wait3A_253 : memref<1x12288xf32, #tpu.memory_space<hbm>> -> memref<12288xf32, #tpu.memory_space<hbm>>
          tpu.wait_dma2 semaphore(%run_scoped3A : memref<!tpu.dma_semaphore, #tpu.memory_space<semaphore_mem>>) src(%dma_wait3A_254 : memref<12288xf32, #tpu.memory_space<hbm>>) dst(%arg10 : memref<12288xf32, #tpu.memory_space<vmem>>)
          tpu.yield
        }) : () -> ()
      } else {
      }
      %broadcast_in_dim3A_57 = arith.constant 0 : i32
      %broadcast_in_dim3A_58 = vector.broadcast %broadcast_in_dim3A_57 : i32 to vector<16xi32>
      %mul3A_59 = arith.constant 3 : i32
      %mul3A_60 = arith.muli %select_n3A, %mul3A_59 : i32
      %mul3A_61 = arith.constant 4 : i32
      %mul3A_62 = arith.muli %mul3A_60, %mul3A_61 : i32
      %add3A_63 = arith.addi %mul3A_62, %select_n3A_51 : i32
      %mul3A_64 = arith.constant 32 : i32
      %mul3A_65 = arith.muli %add3A_63, %mul3A_64 : i32
      %mul3A_66 = arith.constant 16 : i32
      %mul3A_67 = arith.muli %sub3A_54, %mul3A_66 : i32
      %add3A_68 = arith.addi %mul3A_65, %mul3A_67 : i32
      %get3A = arith.index_cast %add3A_68 : i32 to index
      %get3A_69 = tpu.vector_load %arg7[%get3A] {strides = array<i32>} : memref<1536xf32, #tpu.memory_space<vmem>>, vector<16xf32>,
      %add3A_70 = arith.constant 128 : i32
      %add3A_71 = arith.addi %add3A_68, %add3A_70 : i32
      %get3A_72 = arith.index_cast %add3A_71 : i32 to index
      %get3A_73 = tpu.vector_load %arg7[%get3A_72] {strides = array<i32>} : memref<1536xf32, #tpu.memory_space<vmem>>, vector<16xf32>,
      %add3A_74 = arith.constant 256 : i32
      %add3A_75 = arith.addi %add3A_68, %add3A_74 : i32
      %get3A_76 = arith.index_cast %add3A_75 : i32 to index
      %get3A_77 = tpu.vector_load %arg7[%get3A_76] {strides = array<i32>} : memref<1536xf32, #tpu.memory_space<vmem>>, vector<16xf32>,
      %mul3A_78 = arith.constant 4 : i32
      %mul3A_79 = arith.muli %select_n3A, %mul3A_78 : i32
      %add3A_80 = arith.addi %mul3A_79, %select_n3A_51 : i32
      %mul3A_81 = arith.constant 2 : i32
      %mul3A_82 = arith.muli %add3A_80, %mul3A_81 : i32
      %add3A_83 = arith.addi %mul3A_82, %sub3A_54 : i32
      %mul3A_84 = arith.constant 96 : i32
      %mul3A_85 = arith.muli %add3A_83, %mul3A_84 : i32
      %get3A_86 = arith.index_cast %mul3A_85 : i32 to index
      %get3A_87 = tpu.vector_load %arg9[%get3A_86] {strides = array<i32>} : memref<3072xf32, #tpu.memory_space<vmem>>, vector<16xf32>,
      %add3A_88 = arith.constant 16 : i32
      %add3A_89 = arith.addi %mul3A_85, %add3A_88 : i32
      %get3A_90 = arith.index_cast %add3A_89 : i32 to index
      %get3A_91 = tpu.vector_load %arg9[%get3A_90] {strides = array<i32>} : memref<3072xf32, #tpu.memory_space<vmem>>, vector<16xf32>,
      %add3A_92 = arith.constant 32 : i32
      %add3A_93 = arith.addi %mul3A_85, %add3A_92 : i32
      %get3A_94 = arith.index_cast %add3A_93 : i32 to index
      %get3A_95 = tpu.vector_load %arg9[%get3A_94] {strides = array<i32>} : memref<3072xf32, #tpu.memory_space<vmem>>, vector<16xf32>,
      %add3A_96 = arith.constant 48 : i32
      %add3A_97 = arith.addi %mul3A_85, %add3A_96 : i32
      %get3A_98 = arith.index_cast %add3A_97 : i32 to index
      %get3A_99 = tpu.vector_load %arg9[%get3A_98] {strides = array<i32>} : memref<3072xf32, #tpu.memory_space<vmem>>, vector<16xf32>,
      %add3A_100 = arith.constant 64 : i32
      %add3A_101 = arith.addi %mul3A_85, %add3A_100 : i32
      %get3A_102 = arith.index_cast %add3A_101 : i32 to index
      %get3A_103 = tpu.vector_load %arg9[%get3A_102] {strides = array<i32>} : memref<3072xf32, #tpu.memory_space<vmem>>, vector<16xf32>,
      %add3A_104 = arith.constant 80 : i32
      %add3A_105 = arith.addi %mul3A_85, %add3A_104 : i32
      %get3A_106 = arith.index_cast %add3A_105 : i32 to index
      %get3A_107 = tpu.vector_load %arg9[%get3A_106] {strides = array<i32>} : memref<3072xf32, #tpu.memory_space<vmem>>, vector<16xf32>,
      %slice3A = vector.extract_strided_slice %get3A_107 {offsets = [0], sizes = [1], strides = [1]} : vector<16xf32> to vector<1xf32>
      %squeeze3A = vector.extract %slice3A[0] : f32 from vector<1xf32>
      %convert_element_type3A_108 = arith.fptosi %squeeze3A : f32 to i32
      %broadcast_in_dim3A_109 = arith.constant 1.000000e+30 : f32
      %broadcast_in_dim3A_110 = vector.broadcast %broadcast_in_dim3A_109 : f32 to vector<16xf32>
      %swap3A_111 = arith.constant 0 : index
      %swap3A_112 = tpu.vector_load %arg11[%swap3A_111] {strides = array<i32>} : memref<64xf32, #tpu.memory_space<vmem>>, vector<16xf32>,
      tpu.vector_store %arg11[%swap3A_111], %broadcast_in_dim3A_110 {strides = array<i32>} : memref<64xf32, #tpu.memory_space<vmem>>, vector<16xf32>,
      %broadcast_in_dim3A_113 = arith.constant 0 : i32
      %broadcast_in_dim3A_114 = vector.broadcast %broadcast_in_dim3A_113 : i32 to vector<16xi32>
      %swap3A_115 = arith.constant 0 : index
      %swap3A_116 = tpu.vector_load %arg12[%swap3A_115] {strides = array<i32>} : memref<64xi32, #tpu.memory_space<vmem>>, vector<16xi32>,
      tpu.vector_store %arg12[%swap3A_115], %broadcast_in_dim3A_114 {strides = array<i32>} : memref<64xi32, #tpu.memory_space<vmem>>, vector<16xi32>,
      %broadcast_in_dim3A_117 = arith.constant 1.000000e+30 : f32
      %broadcast_in_dim3A_118 = vector.broadcast %broadcast_in_dim3A_117 : f32 to vector<16xf32>
      %swap3A_119 = arith.constant 16 : index
      %swap3A_120 = tpu.vector_load %arg11[%swap3A_119] {strides = array<i32>} : memref<64xf32, #tpu.memory_space<vmem>>, vector<16xf32>,
      tpu.vector_store %arg11[%swap3A_119], %broadcast_in_dim3A_118 {strides = array<i32>} : memref<64xf32, #tpu.memory_space<vmem>>, vector<16xf32>,
      %broadcast_in_dim3A_121 = arith.constant 0 : i32
      %broadcast_in_dim3A_122 = vector.broadcast %broadcast_in_dim3A_121 : i32 to vector<16xi32>
      %swap3A_123 = arith.constant 16 : index
      %swap3A_124 = tpu.vector_load %arg12[%swap3A_123] {strides = array<i32>} : memref<64xi32, #tpu.memory_space<vmem>>, vector<16xi32>,
      tpu.vector_store %arg12[%swap3A_123], %broadcast_in_dim3A_122 {strides = array<i32>} : memref<64xi32, #tpu.memory_space<vmem>>, vector<16xi32>,
      %broadcast_in_dim3A_125 = arith.constant 1.000000e+30 : f32
      %broadcast_in_dim3A_126 = vector.broadcast %broadcast_in_dim3A_125 : f32 to vector<16xf32>
      %swap3A_127 = arith.constant 32 : index
      %swap3A_128 = tpu.vector_load %arg11[%swap3A_127] {strides = array<i32>} : memref<64xf32, #tpu.memory_space<vmem>>, vector<16xf32>,
      tpu.vector_store %arg11[%swap3A_127], %broadcast_in_dim3A_126 {strides = array<i32>} : memref<64xf32, #tpu.memory_space<vmem>>, vector<16xf32>,
      %broadcast_in_dim3A_129 = arith.constant 0 : i32
      %broadcast_in_dim3A_130 = vector.broadcast %broadcast_in_dim3A_129 : i32 to vector<16xi32>
      %swap3A_131 = arith.constant 32 : index
      %swap3A_132 = tpu.vector_load %arg12[%swap3A_131] {strides = array<i32>} : memref<64xi32, #tpu.memory_space<vmem>>, vector<16xi32>,
      tpu.vector_store %arg12[%swap3A_131], %broadcast_in_dim3A_130 {strides = array<i32>} : memref<64xi32, #tpu.memory_space<vmem>>, vector<16xi32>,
      %broadcast_in_dim3A_133 = arith.constant 1.000000e+30 : f32
      %broadcast_in_dim3A_134 = vector.broadcast %broadcast_in_dim3A_133 : f32 to vector<16xf32>
      %swap3A_135 = arith.constant 48 : index
      %swap3A_136 = tpu.vector_load %arg11[%swap3A_135] {strides = array<i32>} : memref<64xf32, #tpu.memory_space<vmem>>, vector<16xf32>,
      tpu.vector_store %arg11[%swap3A_135], %broadcast_in_dim3A_134 {strides = array<i32>} : memref<64xf32, #tpu.memory_space<vmem>>, vector<16xf32>,
      %broadcast_in_dim3A_137 = arith.constant 0 : i32
      %broadcast_in_dim3A_138 = vector.broadcast %broadcast_in_dim3A_137 : i32 to vector<16xi32>
      %swap3A_139 = arith.constant 48 : index
      %swap3A_140 = tpu.vector_load %arg12[%swap3A_139] {strides = array<i32>} : memref<64xi32, #tpu.memory_space<vmem>>, vector<16xi32>,
      tpu.vector_store %arg12[%swap3A_139], %broadcast_in_dim3A_138 {strides = array<i32>} : memref<64xi32, #tpu.memory_space<vmem>>, vector<16xi32>,
      %broadcast_in_dim3A_141 = arith.constant 1.000000e+30 : f32
      %broadcast_in_dim3A_142 = vector.broadcast %broadcast_in_dim3A_141 : f32 to vector<16xf32>
      %scan3A_143 = arith.constant 0 : i32
      %scan3A_144 = arith.constant 256 : i32
      %scan3A_145 = arith.addi %scan3A_143, %scan3A_144 : i32
      %scan3A_146 = arith.constant 1 : i32
      %scan3A_147 = scf.for %scan3A_245 = %scan3A_143 to %scan3A_145 step %scan3A_146 iter_args(%scan3A_246 = %broadcast_in_dim3A_142) -> (vector<16xf32>)  : i32 {
        %add3A_247 = arith.addi %convert_element_type3A_108, %scan3A_245 : i32
        %ge3A = arith.constant 256 : i32
        %ge3A_248 = arith.cmpi sge, %add3A_247, %ge3A : i32
        %jit3A_249 = arith.constant 256 : i32
        %jit3A_250 = arith.constant 0 : i32
        %select_n3A_251 = arith.select %ge3A_248, %jit3A_249, %jit3A_250 : i32
        %sub3A_252 = arith.subi %add3A_247, %select_n3A_251 : i32
        %mul3A_253 = arith.constant 16 : i32
        %mul3A_254 = arith.muli %sub3A_252, %mul3A_253 : i32
        %get3A_255 = arith.index_cast %mul3A_254 : i32 to index
        %get3A_256 = tpu.vector_load %arg10[%get3A_255] {strides = array<i32>} : memref<12288xf32, #tpu.memory_space<vmem>>, vector<16xf32>,
        %add3A_257 = arith.constant 4096 : i32
        %add3A_258 = arith.addi %mul3A_254, %add3A_257 : i32
        %get3A_259 = arith.index_cast %add3A_258 : i32 to index
        %get3A_260 = tpu.vector_load %arg10[%get3A_259] {strides = array<i32>} : memref<12288xf32, #tpu.memory_space<vmem>>, vector<16xf32>,
        %add3A_261 = arith.constant 8192 : i32
        %add3A_262 = arith.addi %mul3A_254, %add3A_261 : i32
        %get3A_263 = arith.index_cast %add3A_262 : i32 to index
        %get3A_264 = tpu.vector_load %arg10[%get3A_263] {strides = array<i32>} : memref<12288xf32, #tpu.memory_space<vmem>>, vector<16xf32>,
        %sub3A_265 = arith.subf %get3A_256, %get3A_87 : vector<16xf32>
        %sub3A_266 = arith.subf %get3A_260, %get3A_91 : vector<16xf32>
        %sub3A_267 = arith.subf %get3A_264, %get3A_95 : vector<16xf32>
        %mul3A_268 = arith.mulf %sub3A_265, %sub3A_265 : vector<16xf32>
        %mul3A_269 = arith.mulf %sub3A_266, %sub3A_266 : vector<16xf32>
        %add3A_270 = arith.addf %mul3A_268, %mul3A_269 : vector<16xf32>
        %mul3A_271 = arith.mulf %sub3A_267, %sub3A_267 : vector<16xf32>
        %add3A_272 = arith.addf %add3A_270, %mul3A_271 : vector<16xf32>
        %sub3A_273 = arith.subf %add3A_272, %scan3A_246 : vector<16xf32>
        %iota3A = tpu.iota {dimensions = array<i32: 0>} : vector<16xi32>
        %xor3A = arith.constant 8 : i32
        %xor3A_274 = vector.broadcast %xor3A : i32 to vector<16xi32>
        %xor3A_275 = arith.xori %iota3A, %xor3A_274 : vector<16xi32>
        %broadcast_in_dim3A_276 = vector.shape_cast %xor3A_275 : vector<16xi32> to vector<16x1xi32>
        %gather3A_277 = vector.shape_cast %broadcast_in_dim3A_276 : vector<16x1xi32> to vector<16xi32>
        %gather3A_278 = tpu.dynamic_gather %sub3A_273[%gather3A_277] in [0] : vector<16xf32>, vector<16xi32> -> vector<16xf32>
        %min3A = arith.minimumf %sub3A_273, %gather3A_278 : vector<16xf32>
        %xor3A_279 = arith.constant 4 : i32
        %xor3A_280 = vector.broadcast %xor3A_279 : i32 to vector<16xi32>
        %xor3A_281 = arith.xori %iota3A, %xor3A_280 : vector<16xi32>
        %broadcast_in_dim3A_282 = vector.shape_cast %xor3A_281 : vector<16xi32> to vector<16x1xi32>
        %gather3A_283 = vector.shape_cast %broadcast_in_dim3A_282 : vector<16x1xi32> to vector<16xi32>
        %gather3A_284 = tpu.dynamic_gather %min3A[%gather3A_283] in [0] : vector<16xf32>, vector<16xi32> -> vector<16xf32>
        %min3A_285 = arith.minimumf %min3A, %gather3A_284 : vector<16xf32>
        %xor3A_286 = arith.constant 2 : i32
        %xor3A_287 = vector.broadcast %xor3A_286 : i32 to vector<16xi32>
        %xor3A_288 = arith.xori %iota3A, %xor3A_287 : vector<16xi32>
        %broadcast_in_dim3A_289 = vector.shape_cast %xor3A_288 : vector<16xi32> to vector<16x1xi32>
        %gather3A_290 = vector.shape_cast %broadcast_in_dim3A_289 : vector<16x1xi32> to vector<16xi32>
        %gather3A_291 = tpu.dynamic_gather %min3A_285[%gather3A_290] in [0] : vector<16xf32>, vector<16xi32> -> vector<16xf32>
        %min3A_292 = arith.minimumf %min3A_285, %gather3A_291 : vector<16xf32>
        %xor3A_293 = arith.constant 1 : i32
        %xor3A_294 = vector.broadcast %xor3A_293 : i32 to vector<16xi32>
        %xor3A_295 = arith.xori %iota3A, %xor3A_294 : vector<16xi32>
        %broadcast_in_dim3A_296 = vector.shape_cast %xor3A_295 : vector<16xi32> to vector<16x1xi32>
        %gather3A_297 = vector.shape_cast %broadcast_in_dim3A_296 : vector<16x1xi32> to vector<16xi32>
        %gather3A_298 = tpu.dynamic_gather %min3A_292[%gather3A_297] in [0] : vector<16xf32>, vector<16xi32> -> vector<16xf32>
        %min3A_299 = arith.minimumf %min3A_292, %gather3A_298 : vector<16xf32>
        %slice3A_300 = vector.extract_strided_slice %min3A_299 {offsets = [0], sizes = [1], strides = [1]} : vector<16xf32> to vector<1xf32>
        %squeeze3A_301 = vector.extract %slice3A_300[0] : f32 from vector<1xf32>
        %le3A = arith.constant 0.000000e+00 : f32
        %le3A_302 = arith.cmpf ole, %squeeze3A_301, %le3A : f32
        %convert_element_type3A_303 = arith.extui %le3A_302 : i1 to i32
        %cond3A_304 = arith.constant 0 : i32
        %cond3A_305 = arith.constant 0 : i32
        %cond3A_306 = arith.cmpi ne, %convert_element_type3A_303, %cond3A_305 : i32
        %cond3A_307 = scf.if %cond3A_306 -> (vector<16xf32>) {
          %scan3A_308 = arith.constant 0 : i32
          %scan3A_309 = arith.constant 0 : i32
          %scan3A_310 = arith.constant 16 : i32
          %scan3A_311 = arith.addi %scan3A_309, %scan3A_310 : i32
          %scan3A_312 = arith.constant 1 : i32
          scf.for %scan3A_387 = %scan3A_309 to %scan3A_311 step %scan3A_312  : i32 {
            %add3A_388 = arith.addi %mul3A_254, %scan3A_387 : i32
            %add3A_389 = vector.broadcast %add3A_388 : i32 to vector<16xi32>
            %add3A_390 = arith.addi %broadcast_in_dim3A_58, %add3A_389 : vector<16xi32>
            %gather3A_391 = tpu.vector_load_idx %arg10[%add3A_390] : memref<12288xf32, #tpu.memory_space<vmem>>[vector<16xi32>], vector<16xf32>,
            %add3A_392 = arith.constant 4096 : i32
            %add3A_393 = vector.broadcast %add3A_392 : i32 to vector<16xi32>
            %add3A_394 = arith.addi %add3A_390, %add3A_393 : vector<16xi32>
            %gather3A_395 = tpu.vector_load_idx %arg10[%add3A_394] : memref<12288xf32, #tpu.memory_space<vmem>>[vector<16xi32>], vector<16xf32>,
            %add3A_396 = arith.constant 8192 : i32
            %add3A_397 = vector.broadcast %add3A_396 : i32 to vector<16xi32>
            %add3A_398 = arith.addi %add3A_390, %add3A_397 : vector<16xi32>
            %gather3A_399 = tpu.vector_load_idx %arg10[%add3A_398] : memref<12288xf32, #tpu.memory_space<vmem>>[vector<16xi32>], vector<16xf32>,
            %sub3A_400 = arith.subf %get3A_69, %gather3A_391 : vector<16xf32>
            %sub3A_401 = arith.subf %get3A_73, %gather3A_395 : vector<16xf32>
            %sub3A_402 = arith.subf %get3A_77, %gather3A_399 : vector<16xf32>
            %mul3A_403 = arith.mulf %sub3A_400, %sub3A_400 : vector<16xf32>
            %mul3A_404 = arith.mulf %sub3A_401, %sub3A_401 : vector<16xf32>
            %add3A_405 = arith.addf %mul3A_403, %mul3A_404 : vector<16xf32>
            %mul3A_406 = arith.mulf %sub3A_402, %sub3A_402 : vector<16xf32>
            %add3A_407 = arith.addf %add3A_405, %mul3A_406 : vector<16xf32>
            %get3A_408 = arith.constant 0 : index
            %get3A_409 = tpu.vector_load %arg11[%get3A_408] {strides = array<i32>} : memref<64xf32, #tpu.memory_space<vmem>>, vector<16xf32>,
            %get3A_410 = arith.constant 0 : index
            %get3A_411 = tpu.vector_load %arg12[%get3A_410] {strides = array<i32>} : memref<64xi32, #tpu.memory_space<vmem>>, vector<16xi32>,
            %lt3A = arith.cmpf olt, %add3A_407, %get3A_409 : vector<16xf32>
            %select_n3A_412 = arith.select %lt3A, %add3A_407, %get3A_409 : vector<16xi1>, vector<16xf32>
            %swap3A_413 = arith.constant 0 : index
            %swap3A_414 = tpu.vector_load %arg11[%swap3A_413] {strides = array<i32>} : memref<64xf32, #tpu.memory_space<vmem>>, vector<16xf32>,
            tpu.vector_store %arg11[%swap3A_413], %select_n3A_412 {strides = array<i32>} : memref<64xf32, #tpu.memory_space<vmem>>, vector<16xf32>,
            %select_n3A_415 = arith.select %lt3A, %add3A_390, %get3A_411 : vector<16xi1>, vector<16xi32>
            %swap3A_416 = arith.constant 0 : index
            %swap3A_417 = tpu.vector_load %arg12[%swap3A_416] {strides = array<i32>} : memref<64xi32, #tpu.memory_space<vmem>>, vector<16xi32>,
            tpu.vector_store %arg12[%swap3A_416], %select_n3A_415 {strides = array<i32>} : memref<64xi32, #tpu.memory_space<vmem>>, vector<16xi32>,
            %select_n3A_418 = arith.select %lt3A, %get3A_409, %add3A_407 : vector<16xi1>, vector<16xf32>
            %select_n3A_419 = arith.select %lt3A, %get3A_411, %add3A_390 : vector<16xi1>, vector<16xi32>
            %get3A_420 = arith.constant 16 : index
            %get3A_421 = tpu.vector_load %arg11[%get3A_420] {strides = array<i32>} : memref<64xf32, #tpu.memory_space<vmem>>, vector<16xf32>,
            %get3A_422 = arith.constant 16 : index
            %get3A_423 = tpu.vector_load %arg12[%get3A_422] {strides = array<i32>} : memref<64xi32, #tpu.memory_space<vmem>>, vector<16xi32>,
            %lt3A_424 = arith.cmpf olt, %select_n3A_418, %get3A_421 : vector<16xf32>
            %select_n3A_425 = arith.select %lt3A_424, %select_n3A_418, %get3A_421 : vector<16xi1>, vector<16xf32>
            %swap3A_426 = arith.constant 16 : index
            %swap3A_427 = tpu.vector_load %arg11[%swap3A_426] {strides = array<i32>} : memref<64xf32, #tpu.memory_space<vmem>>, vector<16xf32>,
            tpu.vector_store %arg11[%swap3A_426], %select_n3A_425 {strides = array<i32>} : memref<64xf32, #tpu.memory_space<vmem>>, vector<16xf32>,
            %select_n3A_428 = arith.select %lt3A_424, %select_n3A_419, %get3A_423 : vector<16xi1>, vector<16xi32>
            %swap3A_429 = arith.constant 16 : index
            %swap3A_430 = tpu.vector_load %arg12[%swap3A_429] {strides = array<i32>} : memref<64xi32, #tpu.memory_space<vmem>>, vector<16xi32>,
            tpu.vector_store %arg12[%swap3A_429], %select_n3A_428 {strides = array<i32>} : memref<64xi32, #tpu.memory_space<vmem>>, vector<16xi32>,
            %select_n3A_431 = arith.select %lt3A_424, %get3A_421, %select_n3A_418 : vector<16xi1>, vector<16xf32>
            %select_n3A_432 = arith.select %lt3A_424, %get3A_423, %select_n3A_419 : vector<16xi1>, vector<16xi32>
            %get3A_433 = arith.constant 32 : index
            %get3A_434 = tpu.vector_load %arg11[%get3A_433] {strides = array<i32>} : memref<64xf32, #tpu.memory_space<vmem>>, vector<16xf32>,
            %get3A_435 = arith.constant 32 : index
            %get3A_436 = tpu.vector_load %arg12[%get3A_435] {strides = array<i32>} : memref<64xi32, #tpu.memory_space<vmem>>, vector<16xi32>,
            %lt3A_437 = arith.cmpf olt, %select_n3A_431, %get3A_434 : vector<16xf32>
            %select_n3A_438 = arith.select %lt3A_437, %select_n3A_431, %get3A_434 : vector<16xi1>, vector<16xf32>
            %swap3A_439 = arith.constant 32 : index
            %swap3A_440 = tpu.vector_load %arg11[%swap3A_439] {strides = array<i32>} : memref<64xf32, #tpu.memory_space<vmem>>, vector<16xf32>,
            tpu.vector_store %arg11[%swap3A_439], %select_n3A_438 {strides = array<i32>} : memref<64xf32, #tpu.memory_space<vmem>>, vector<16xf32>,
            %select_n3A_441 = arith.select %lt3A_437, %select_n3A_432, %get3A_436 : vector<16xi1>, vector<16xi32>
            %swap3A_442 = arith.constant 32 : index
            %swap3A_443 = tpu.vector_load %arg12[%swap3A_442] {strides = array<i32>} : memref<64xi32, #tpu.memory_space<vmem>>, vector<16xi32>,
            tpu.vector_store %arg12[%swap3A_442], %select_n3A_441 {strides = array<i32>} : memref<64xi32, #tpu.memory_space<vmem>>, vector<16xi32>,
            %select_n3A_444 = arith.select %lt3A_437, %get3A_434, %select_n3A_431 : vector<16xi1>, vector<16xf32>
            %select_n3A_445 = arith.select %lt3A_437, %get3A_436, %select_n3A_432 : vector<16xi1>, vector<16xi32>
            %get3A_446 = arith.constant 48 : index
            %get3A_447 = tpu.vector_load %arg11[%get3A_446] {strides = array<i32>} : memref<64xf32, #tpu.memory_space<vmem>>, vector<16xf32>,
            %get3A_448 = arith.constant 48 : index
            %get3A_449 = tpu.vector_load %arg12[%get3A_448] {strides = array<i32>} : memref<64xi32, #tpu.memory_space<vmem>>, vector<16xi32>,
            %lt3A_450 = arith.cmpf olt, %select_n3A_444, %get3A_447 : vector<16xf32>
            %select_n3A_451 = arith.select %lt3A_450, %select_n3A_444, %get3A_447 : vector<16xi1>, vector<16xf32>
            %swap3A_452 = arith.constant 48 : index
            %swap3A_453 = tpu.vector_load %arg11[%swap3A_452] {strides = array<i32>} : memref<64xf32, #tpu.memory_space<vmem>>, vector<16xf32>,
            tpu.vector_store %arg11[%swap3A_452], %select_n3A_451 {strides = array<i32>} : memref<64xf32, #tpu.memory_space<vmem>>, vector<16xf32>,
            %select_n3A_454 = arith.select %lt3A_450, %select_n3A_445, %get3A_449 : vector<16xi1>, vector<16xi32>
            %swap3A_455 = arith.constant 48 : index
            %swap3A_456 = tpu.vector_load %arg12[%swap3A_455] {strides = array<i32>} : memref<64xi32, #tpu.memory_space<vmem>>, vector<16xi32>,
            tpu.vector_store %arg12[%swap3A_455], %select_n3A_454 {strides = array<i32>} : memref<64xi32, #tpu.memory_space<vmem>>, vector<16xi32>,
            %select_n3A_457 = arith.select %lt3A_450, %get3A_447, %select_n3A_444 : vector<16xi1>, vector<16xf32>
            %select_n3A_458 = arith.select %lt3A_450, %get3A_449, %select_n3A_445 : vector<16xi1>, vector<16xi32>
          }
          %scan3A_313 = arith.constant 16 : i32
          %get3A_314 = arith.constant 48 : index
          %get3A_315 = tpu.vector_load %arg11[%get3A_314] {strides = array<i32>} : memref<64xf32, #tpu.memory_space<vmem>>, vector<16xf32>,
          %iota3A_316 = tpu.iota {dimensions = array<i32: 0>} : vector<16xi32>
          %xor3A_317 = arith.constant 8 : i32
          %xor3A_318 = vector.broadcast %xor3A_317 : i32 to vector<16xi32>
          %xor3A_319 = arith.xori %iota3A_316, %xor3A_318 : vector<16xi32>
          %broadcast_in_dim3A_320 = vector.shape_cast %xor3A_319 : vector<16xi32> to vector<16x1xi32>
          %gather3A_321 = vector.shape_cast %broadcast_in_dim3A_320 : vector<16x1xi32> to vector<16xi32>
          %gather3A_322 = tpu.dynamic_gather %get3A_315[%gather3A_321] in [0] : vector<16xf32>, vector<16xi32> -> vector<16xf32>
          %max3A = arith.maximumf %get3A_315, %gather3A_322 : vector<16xf32>
          %xor3A_323 = arith.constant 4 : i32
          %xor3A_324 = vector.broadcast %xor3A_323 : i32 to vector<16xi32>
          %xor3A_325 = arith.xori %iota3A_316, %xor3A_324 : vector<16xi32>
          %broadcast_in_dim3A_326 = vector.shape_cast %xor3A_325 : vector<16xi32> to vector<16x1xi32>
          %gather3A_327 = vector.shape_cast %broadcast_in_dim3A_326 : vector<16x1xi32> to vector<16xi32>
          %gather3A_328 = tpu.dynamic_gather %max3A[%gather3A_327] in [0] : vector<16xf32>, vector<16xi32> -> vector<16xf32>
          %max3A_329 = arith.maximumf %max3A, %gather3A_328 : vector<16xf32>
          %xor3A_330 = arith.constant 2 : i32
          %xor3A_331 = vector.broadcast %xor3A_330 : i32 to vector<16xi32>
          %xor3A_332 = arith.xori %iota3A_316, %xor3A_331 : vector<16xi32>
          %broadcast_in_dim3A_333 = vector.shape_cast %xor3A_332 : vector<16xi32> to vector<16x1xi32>
          %gather3A_334 = vector.shape_cast %broadcast_in_dim3A_333 : vector<16x1xi32> to vector<16xi32>
          %gather3A_335 = tpu.dynamic_gather %max3A_329[%gather3A_334] in [0] : vector<16xf32>, vector<16xi32> -> vector<16xf32>
          %max3A_336 = arith.maximumf %max3A_329, %gather3A_335 : vector<16xf32>
          %xor3A_337 = arith.constant 1 : i32
          %xor3A_338 = vector.broadcast %xor3A_337 : i32 to vector<16xi32>
          %xor3A_339 = arith.xori %iota3A_316, %xor3A_338 : vector<16xi32>
          %broadcast_in_dim3A_340 = vector.shape_cast %xor3A_339 : vector<16xi32> to vector<16x1xi32>
          %gather3A_341 = vector.shape_cast %broadcast_in_dim3A_340 : vector<16x1xi32> to vector<16xi32>
          %gather3A_342 = tpu.dynamic_gather %max3A_336[%gather3A_341] in [0] : vector<16xf32>, vector<16xi32> -> vector<16xf32>
          %max3A_343 = arith.maximumf %max3A_336, %gather3A_342 : vector<16xf32>
          %add3A_344 = arith.addf %get3A_99, %max3A_343 : vector<16xf32>
          %mul3A_345 = arith.constant 2.000000e+00 : f32
          %mul3A_346 = vector.broadcast %mul3A_345 : f32 to vector<16xf32>
          %mul3A_347 = arith.mulf %mul3A_346, %get3A_103 : vector<16xf32>
          %bitcast_convert_type3A = tpu.bitcast %max3A_343 : vector<16xf32> -> vector<16xi32>
          %shift_right_logical3A = arith.constant 1 : i32
          %shift_right_logical3A_348 = vector.broadcast %shift_right_logical3A : i32 to vector<16xi32>
          %shift_right_logical3A_349 = arith.shrui %bitcast_convert_type3A, %shift_right_logical3A_348 : vector<16xi32>
          %sub3A_350 = arith.constant 1597463007 : i32
          %sub3A_351 = vector.broadcast %sub3A_350 : i32 to vector<16xi32>
          %sub3A_352 = arith.subi %sub3A_351, %shift_right_logical3A_349 : vector<16xi32>
          %bitcast_convert_type3A_353 = tpu.bitcast %sub3A_352 : vector<16xi32> -> vector<16xf32>
          %mul3A_354 = arith.constant 5.000000e-01 : f32
          %mul3A_355 = vector.broadcast %mul3A_354 : f32 to vector<16xf32>
          %mul3A_356 = arith.mulf %mul3A_355, %max3A_343 : vector<16xf32>
          %mul3A_357 = arith.mulf %mul3A_356, %bitcast_convert_type3A_353 : vector<16xf32>
          %mul3A_358 = arith.mulf %mul3A_357, %bitcast_convert_type3A_353 : vector<16xf32>
          %sub3A_359 = arith.constant 1.500000e+00 : f32
          %sub3A_360 = vector.broadcast %sub3A_359 : f32 to vector<16xf32>
          %sub3A_361 = arith.subf %sub3A_360, %mul3A_358 : vector<16xf32>
          %mul3A_362 = arith.mulf %bitcast_convert_type3A_353, %sub3A_361 : vector<16xf32>
          %mul3A_363 = arith.constant 5.000000e-01 : f32
          %mul3A_364 = vector.broadcast %mul3A_363 : f32 to vector<16xf32>
          %mul3A_365 = arith.mulf %mul3A_364, %max3A_343 : vector<16xf32>
          %mul3A_366 = arith.mulf %mul3A_365, %mul3A_362 : vector<16xf32>
          %mul3A_367 = arith.mulf %mul3A_366, %mul3A_362 : vector<16xf32>
          %sub3A_368 = arith.constant 1.500000e+00 : f32
          %sub3A_369 = vector.broadcast %sub3A_368 : f32 to vector<16xf32>
          %sub3A_370 = arith.subf %sub3A_369, %mul3A_367 : vector<16xf32>
          %mul3A_371 = arith.mulf %mul3A_362, %sub3A_370 : vector<16xf32>
          %mul3A_372 = arith.constant 5.000000e-01 : f32
          %mul3A_373 = vector.broadcast %mul3A_372 : f32 to vector<16xf32>
          %mul3A_374 = arith.mulf %mul3A_373, %max3A_343 : vector<16xf32>
          %mul3A_375 = arith.mulf %mul3A_374, %mul3A_371 : vector<16xf32>
          %mul3A_376 = arith.mulf %mul3A_375, %mul3A_371 : vector<16xf32>
          %sub3A_377 = arith.constant 1.500000e+00 : f32
          %sub3A_378 = vector.broadcast %sub3A_377 : f32 to vector<16xf32>
          %sub3A_379 = arith.subf %sub3A_378, %mul3A_376 : vector<16xf32>
          %mul3A_380 = arith.mulf %mul3A_371, %sub3A_379 : vector<16xf32>
          %mul3A_381 = arith.mulf %max3A_343, %mul3A_380 : vector<16xf32>
          %mul3A_382 = arith.constant 1.000200e+00 : f32
          %mul3A_383 = vector.broadcast %mul3A_382 : f32 to vector<16xf32>
          %mul3A_384 = arith.mulf %mul3A_381, %mul3A_383 : vector<16xf32>
          %mul3A_385 = arith.mulf %mul3A_347, %mul3A_384 : vector<16xf32>
          %add3A_386 = arith.addf %add3A_344, %mul3A_385 : vector<16xf32>
          scf.yield %add3A_386 : vector<16xf32>
        } else {
          scf.yield %scan3A_246 : vector<16xf32>
        }
        scf.yield %cond3A_307 : vector<16xf32>
      }
      %scan3A_148 = arith.constant 256 : i32
      %broadcast_in_dim3A_149 = arith.constant 0.000000e+00 : f32
      %broadcast_in_dim3A_150 = vector.broadcast %broadcast_in_dim3A_149 : f32 to vector<16xf32>
      %broadcast_in_dim3A_151 = arith.constant 0.000000e+00 : f32
      %broadcast_in_dim3A_152 = vector.broadcast %broadcast_in_dim3A_151 : f32 to vector<16xf32>
      %broadcast_in_dim3A_153 = arith.constant 0.000000e+00 : f32
      %broadcast_in_dim3A_154 = vector.broadcast %broadcast_in_dim3A_153 : f32 to vector<16xf32>
      %get3A_155 = arith.constant 0 : index
      %get3A_156 = tpu.vector_load %arg12[%get3A_155] {strides = array<i32>} : memref<64xi32, #tpu.memory_space<vmem>>, vector<16xi32>,
      %gather3A = tpu.vector_load_idx %arg10[%get3A_156] : memref<12288xf32, #tpu.memory_space<vmem>>[vector<16xi32>], vector<16xf32>,
      %add3A_157 = arith.addf %broadcast_in_dim3A_150, %gather3A : vector<16xf32>
      %add3A_158 = arith.constant 4096 : i32
      %add3A_159 = vector.broadcast %add3A_158 : i32 to vector<16xi32>
      %add3A_160 = arith.addi %get3A_156, %add3A_159 : vector<16xi32>
      %gather3A_161 = tpu.vector_load_idx %arg10[%add3A_160] : memref<12288xf32, #tpu.memory_space<vmem>>[vector<16xi32>], vector<16xf32>,
      %add3A_162 = arith.addf %broadcast_in_dim3A_152, %gather3A_161 : vector<16xf32>
      %add3A_163 = arith.constant 8192 : i32
      %add3A_164 = vector.broadcast %add3A_163 : i32 to vector<16xi32>
      %add3A_165 = arith.addi %get3A_156, %add3A_164 : vector<16xi32>
      %gather3A_166 = tpu.vector_load_idx %arg10[%add3A_165] : memref<12288xf32, #tpu.memory_space<vmem>>[vector<16xi32>], vector<16xf32>,
      %add3A_167 = arith.addf %broadcast_in_dim3A_154, %gather3A_166 : vector<16xf32>
      %get3A_168 = arith.constant 16 : index
      %get3A_169 = tpu.vector_load %arg12[%get3A_168] {strides = array<i32>} : memref<64xi32, #tpu.memory_space<vmem>>, vector<16xi32>,
      %gather3A_170 = tpu.vector_load_idx %arg10[%get3A_169] : memref<12288xf32, #tpu.memory_space<vmem>>[vector<16xi32>], vector<16xf32>,
      %add3A_171 = arith.addf %add3A_157, %gather3A_170 : vector<16xf32>
      %add3A_172 = arith.constant 4096 : i32
      %add3A_173 = vector.broadcast %add3A_172 : i32 to vector<16xi32>
      %add3A_174 = arith.addi %get3A_169, %add3A_173 : vector<16xi32>
      %gather3A_175 = tpu.vector_load_idx %arg10[%add3A_174] : memref<12288xf32, #tpu.memory_space<vmem>>[vector<16xi32>], vector<16xf32>,
      %add3A_176 = arith.addf %add3A_162, %gather3A_175 : vector<16xf32>
      %add3A_177 = arith.constant 8192 : i32
      %add3A_178 = vector.broadcast %add3A_177 : i32 to vector<16xi32>
      %add3A_179 = arith.addi %get3A_169, %add3A_178 : vector<16xi32>
      %gather3A_180 = tpu.vector_load_idx %arg10[%add3A_179] : memref<12288xf32, #tpu.memory_space<vmem>>[vector<16xi32>], vector<16xf32>,
      %add3A_181 = arith.addf %add3A_167, %gather3A_180 : vector<16xf32>
      %get3A_182 = arith.constant 32 : index
      %get3A_183 = tpu.vector_load %arg12[%get3A_182] {strides = array<i32>} : memref<64xi32, #tpu.memory_space<vmem>>, vector<16xi32>,
      %gather3A_184 = tpu.vector_load_idx %arg10[%get3A_183] : memref<12288xf32, #tpu.memory_space<vmem>>[vector<16xi32>], vector<16xf32>,
      %add3A_185 = arith.addf %add3A_171, %gather3A_184 : vector<16xf32>
      %add3A_186 = arith.constant 4096 : i32
      %add3A_187 = vector.broadcast %add3A_186 : i32 to vector<16xi32>
      %add3A_188 = arith.addi %get3A_183, %add3A_187 : vector<16xi32>
      %gather3A_189 = tpu.vector_load_idx %arg10[%add3A_188] : memref<12288xf32, #tpu.memory_space<vmem>>[vector<16xi32>], vector<16xf32>,
      %add3A_190 = arith.addf %add3A_176, %gather3A_189 : vector<16xf32>
      %add3A_191 = arith.constant 8192 : i32
      %add3A_192 = vector.broadcast %add3A_191 : i32 to vector<16xi32>
      %add3A_193 = arith.addi %get3A_183, %add3A_192 : vector<16xi32>
      %gather3A_194 = tpu.vector_load_idx %arg10[%add3A_193] : memref<12288xf32, #tpu.memory_space<vmem>>[vector<16xi32>], vector<16xf32>,
      %add3A_195 = arith.addf %add3A_181, %gather3A_194 : vector<16xf32>
      %get3A_196 = arith.constant 48 : index
      %get3A_197 = tpu.vector_load %arg12[%get3A_196] {strides = array<i32>} : memref<64xi32, #tpu.memory_space<vmem>>, vector<16xi32>,
      %gather3A_198 = tpu.vector_load_idx %arg10[%get3A_197] : memref<12288xf32, #tpu.memory_space<vmem>>[vector<16xi32>], vector<16xf32>,
      %add3A_199 = arith.addf %add3A_185, %gather3A_198 : vector<16xf32>
      %add3A_200 = arith.constant 4096 : i32
      %add3A_201 = vector.broadcast %add3A_200 : i32 to vector<16xi32>
      %add3A_202 = arith.addi %get3A_197, %add3A_201 : vector<16xi32>
      %gather3A_203 = tpu.vector_load_idx %arg10[%add3A_202] : memref<12288xf32, #tpu.memory_space<vmem>>[vector<16xi32>], vector<16xf32>,
      %add3A_204 = arith.addf %add3A_190, %gather3A_203 : vector<16xf32>
      %add3A_205 = arith.constant 8192 : i32
      %add3A_206 = vector.broadcast %add3A_205 : i32 to vector<16xi32>
      %add3A_207 = arith.addi %get3A_197, %add3A_206 : vector<16xi32>
      %gather3A_208 = tpu.vector_load_idx %arg10[%add3A_207] : memref<12288xf32, #tpu.memory_space<vmem>>[vector<16xi32>], vector<16xf32>,
      %add3A_209 = arith.addf %add3A_195, %gather3A_208 : vector<16xf32>
      %get3A_210 = arith.index_cast %add3A_68 : i32 to index
      %get3A_211 = tpu.vector_load %arg8[%get3A_210] {strides = array<i32>} : memref<1536xf32, #tpu.memory_space<vmem>>, vector<16xf32>,
      %add3A_212 = arith.constant 128 : i32
      %add3A_213 = arith.addi %add3A_68, %add3A_212 : i32
      %get3A_214 = arith.index_cast %add3A_213 : i32 to index
      %get3A_215 = tpu.vector_load %arg8[%get3A_214] {strides = array<i32>} : memref<1536xf32, #tpu.memory_space<vmem>>, vector<16xf32>,
      %add3A_216 = arith.constant 256 : i32
      %add3A_217 = arith.addi %add3A_68, %add3A_216 : i32
      %get3A_218 = arith.index_cast %add3A_217 : i32 to index
      %get3A_219 = tpu.vector_load %arg8[%get3A_218] {strides = array<i32>} : memref<1536xf32, #tpu.memory_space<vmem>>, vector<16xf32>,
      %mul3A_220 = arith.constant 2.500000e-01 : f32
      %mul3A_221 = vector.broadcast %mul3A_220 : f32 to vector<16xf32>
      %mul3A_222 = arith.mulf %add3A_199, %mul3A_221 : vector<16xf32>
      %sub3A_223 = arith.subf %mul3A_222, %get3A_69 : vector<16xf32>
      %sub3A_224 = arith.subf %get3A_211, %sub3A_223 : vector<16xf32>
      %mul3A_225 = arith.constant 2.500000e-01 : f32
      %mul3A_226 = vector.broadcast %mul3A_225 : f32 to vector<16xf32>
      %mul3A_227 = arith.mulf %add3A_204, %mul3A_226 : vector<16xf32>
      %sub3A_228 = arith.subf %mul3A_227, %get3A_73 : vector<16xf32>
      %sub3A_229 = arith.subf %get3A_215, %sub3A_228 : vector<16xf32>
      %mul3A_230 = arith.constant 2.500000e-01 : f32
      %mul3A_231 = vector.broadcast %mul3A_230 : f32 to vector<16xf32>
      %mul3A_232 = arith.mulf %add3A_209, %mul3A_231 : vector<16xf32>
      %sub3A_233 = arith.subf %mul3A_232, %get3A_77 : vector<16xf32>
      %sub3A_234 = arith.subf %get3A_219, %sub3A_233 : vector<16xf32>
      %get3A_235 = arith.constant 0 : index
      %get3A_236 = tpu.vector_load %arg13[%get3A_235] {strides = array<i32>} : memref<16xf32, #tpu.memory_space<vmem>>, vector<16xf32>,
      %mul3A_237 = arith.mulf %sub3A_224, %sub3A_224 : vector<16xf32>
      %add3A_238 = arith.addf %get3A_236, %mul3A_237 : vector<16xf32>
      %mul3A_239 = arith.mulf %sub3A_229, %sub3A_229 : vector<16xf32>
      %add3A_240 = arith.addf %add3A_238, %mul3A_239 : vector<16xf32>
      %mul3A_241 = arith.mulf %sub3A_234, %sub3A_234 : vector<16xf32>
      %add3A_242 = arith.addf %add3A_240, %mul3A_241 : vector<16xf32>
      %swap3A_243 = arith.constant 0 : index
      %swap3A_244 = tpu.vector_load %arg13[%swap3A_243] {strides = array<i32>} : memref<16xf32, #tpu.memory_space<vmem>>, vector<16xf32>,
      tpu.vector_store %arg13[%swap3A_243], %add3A_242 {strides = array<i32>} : memref<16xf32, #tpu.memory_space<vmem>>, vector<16xf32>,
    }
    %scan3A_7 = arith.constant 32 : i32
    "tpu.region"() ({
      %run_scoped3A = tpu.sem_alloc : memref<!tpu.dma_semaphore, #tpu.memory_space<semaphore_mem>>
      %dma_start3A = arith.constant 0 : i32
      %dma_start3A_8 = tpu.memref_slice %arg6[%add3A, %dma_start3A] : memref<32x16xf32, #tpu.memory_space<hbm>> -> memref<1x16xf32, #tpu.memory_space<hbm>>
      %dma_start3A_9 = tpu.memref_squeeze %dma_start3A_8 : memref<1x16xf32, #tpu.memory_space<hbm>> -> memref<16xf32, #tpu.memory_space<hbm>>
      %dma_start3A_10 = arith.constant 0 : i32
      %dma_start3A_11 = tpu.memref_slice %arg6[%add3A, %dma_start3A_10] : memref<32x16xf32, #tpu.memory_space<hbm>> -> memref<1x16xf32, #tpu.memory_space<hbm>>
      %dma_start3A_12 = tpu.memref_squeeze %dma_start3A_11 : memref<1x16xf32, #tpu.memory_space<hbm>> -> memref<16xf32, #tpu.memory_space<hbm>>
      tpu.enqueue_dma source(%arg13 : memref<16xf32, #tpu.memory_space<vmem>>) target(%dma_start3A_12 : memref<16xf32, #tpu.memory_space<hbm>>) target_semaphore(%run_scoped3A : memref<!tpu.dma_semaphore, #tpu.memory_space<semaphore_mem>>)
      %dma_wait3A = arith.constant 0 : i32
      %dma_wait3A_13 = tpu.memref_slice %arg6[%add3A, %dma_wait3A] : memref<32x16xf32, #tpu.memory_space<hbm>> -> memref<1x16xf32, #tpu.memory_space<hbm>>
      %dma_wait3A_14 = tpu.memref_squeeze %dma_wait3A_13 : memref<1x16xf32, #tpu.memory_space<hbm>> -> memref<16xf32, #tpu.memory_space<hbm>>
      %dma_wait3A_15 = arith.constant 0 : i32
      %dma_wait3A_16 = tpu.memref_slice %arg6[%add3A, %dma_wait3A_15] : memref<32x16xf32, #tpu.memory_space<hbm>> -> memref<1x16xf32, #tpu.memory_space<hbm>>
      %dma_wait3A_17 = tpu.memref_squeeze %dma_wait3A_16 : memref<1x16xf32, #tpu.memory_space<hbm>> -> memref<16xf32, #tpu.memory_space<hbm>>
      tpu.wait_dma2 semaphore(%run_scoped3A : memref<!tpu.dma_semaphore, #tpu.memory_space<semaphore_mem>>) src(%arg13 : memref<16xf32, #tpu.memory_space<vmem>>) dst(%dma_wait3A_17 : memref<16xf32, #tpu.memory_space<hbm>>)
      tpu.yield
    }) : () -> ()
    return
  }
}

module attributes {stable_mosaic.version = 14 : i64} {
  func.func @_prep_body(%arg0: i32, %arg1: memref<128x1xi32, #tpu.memory_space<vmem>>, %arg2: memref<1x3x4096xf32, #tpu.memory_space<vmem>>, %arg3: memref<3x128xf32, #tpu.memory_space<vmem>>, %arg4: memref<1x128xf32, #tpu.memory_space<vmem>>, %arg5: memref<128x128xf32, #tpu.memory_space<vmem>>, %arg6: memref<1x128xf32, #tpu.memory_space<vmem>>, %arg7: memref<3x128xf32, #tpu.memory_space<vmem>>, %arg8: memref<128x128xf32, #tpu.memory_space<vmem>>, %arg9: memref<1x128xf32, #tpu.memory_space<vmem>>, %arg10: memref<128x3xf32, #tpu.memory_space<vmem>>, %arg11: memref<1x3xf32, #tpu.memory_space<vmem>>, %arg12: memref<1x4096x3xf32, #tpu.memory_space<vmem>>, %arg13: memref<1x4096x3xf32, #tpu.memory_space<vmem>>, %arg14: memref<1x128x6xf32, #tpu.memory_space<vmem>>, %arg15: memref<1x128x4xf32, #tpu.memory_space<vmem>>) attributes {dimension_semantics = [#tpu.dimension_semantics<arbitrary>], iteration_bounds = array<i64: 4>, scalar_prefetch = 0 : i64, scratch_operands = 0 : i64, tpu.core_type = #tpu.core_type<tc>, window_params = [{pipeline_mode = #tpu.pipeline_mode<synchronous>, transform_indices = @transform_0, window_bounds = array<i64: 128, 1>}, {transform_indices = @transform_1, window_bounds = array<i64: 1, 3, 4096>}, {pipeline_mode = #tpu.pipeline_mode<synchronous>, transform_indices = @transform_2, window_bounds = array<i64: 3, 128>}, {pipeline_mode = #tpu.pipeline_mode<synchronous>, transform_indices = @transform_3, window_bounds = array<i64: 1, 128>}, {pipeline_mode = #tpu.pipeline_mode<synchronous>, transform_indices = @transform_4, window_bounds = array<i64: 128, 128>}, {pipeline_mode = #tpu.pipeline_mode<synchronous>, transform_indices = @transform_5, window_bounds = array<i64: 1, 128>}, {pipeline_mode = #tpu.pipeline_mode<synchronous>, transform_indices = @transform_6, window_bounds = array<i64: 3, 128>}, {pipeline_mode = #tpu.pipeline_mode<synchronous>, transform_indices = @transform_7, window_bounds = array<i64: 128, 128>}, {pipeline_mode = #tpu.pipeline_mode<synchronous>, transform_indices = @transform_8, window_bounds = array<i64: 1, 128>}, {pipeline_mode = #tpu.pipeline_mode<synchronous>, transform_indices = @transform_9, window_bounds = array<i64: 128, 3>}, {pipeline_mode = #tpu.pipeline_mode<synchronous>, transform_indices = @transform_10, window_bounds = array<i64: 1, 3>}, {transform_indices = @transform_11, window_bounds = array<i64: 1, 4096, 3>}, {transform_indices = @transform_12, window_bounds = array<i64: 1, 4096, 3>}, {transform_indices = @transform_13, window_bounds = array<i64: 1, 128, 6>}, {transform_indices = @transform_14, window_bounds = array<i64: 1, 128, 4>}]} {
    %get3A = arith.constant 0 : index
    %get3A_0 = arith.constant 0 : index
    %get3A_1 = arith.constant 0 : index
    %get3A_2 = vector.load %arg2[%get3A, %get3A_0, %get3A_1] : memref<1x3x4096xf32, #tpu.memory_space<vmem>>, vector<1x1x4096xf32>
    %get3A_3 = vector.shape_cast %get3A_2 : vector<1x1x4096xf32> to vector<1x4096xf32>
    %get3A_4 = arith.constant 0 : index
    %get3A_5 = arith.constant 1 : index
    %get3A_6 = arith.constant 0 : index
    %get3A_7 = vector.load %arg2[%get3A_4, %get3A_5, %get3A_6] : memref<1x3x4096xf32, #tpu.memory_space<vmem>>, vector<1x1x4096xf32>
    %get3A_8 = vector.shape_cast %get3A_7 : vector<1x1x4096xf32> to vector<1x4096xf32>
    %get3A_9 = arith.constant 0 : index
    %get3A_10 = arith.constant 2 : index
    %get3A_11 = arith.constant 0 : index
    %get3A_12 = vector.load %arg2[%get3A_9, %get3A_10, %get3A_11] : memref<1x3x4096xf32, #tpu.memory_space<vmem>>, vector<1x1x4096xf32>
    %get3A_13 = vector.shape_cast %get3A_12 : vector<1x1x4096xf32> to vector<1x4096xf32>
    %get3A_14 = arith.constant 0 : index
    %get3A_15 = arith.constant 0 : index
    %get3A_16 = vector.load %arg1[%get3A_14, %get3A_15] : memref<128x1xi32, #tpu.memory_space<vmem>>, vector<128x1xi32>
    %iota3A = tpu.iota {dimensions = array<i32: 1>} : vector<128x4096xi32>
    %eq3A = vector.broadcast %get3A_16 : vector<128x1xi32> to vector<128x4096xi32>
    %eq3A_17 = arith.cmpi eq, %iota3A, %eq3A : vector<128x4096xi32>
    %jit3A = arith.constant 0.000000e+00 : f32
    %broadcast_in_dim3A = vector.shape_cast %get3A_3 : vector<1x4096xf32> to vector<1x4096xf32>
    %broadcast_in_dim3A_18 = vector.broadcast %broadcast_in_dim3A : vector<1x4096xf32> to vector<128x4096xf32>
    %broadcast_in_dim3A_19 = vector.broadcast %jit3A : f32 to vector<128x4096xf32>
    %select_n3A = arith.select %eq3A_17, %broadcast_in_dim3A_18, %broadcast_in_dim3A_19 : vector<128x4096xi1>, vector<128x4096xf32>
    %reduce_sum3A = arith.constant dense<0.000000e+00> : vector<128xf32>
    %reduce_sum3A_20 = vector.multi_reduction <add>, %select_n3A, %reduce_sum3A [1] : vector<128x4096xf32> to vector<128xf32>
    %broadcast_in_dim3A_21 = vector.shape_cast %reduce_sum3A_20 : vector<128xf32> to vector<128x1xf32>
    %jit3A_22 = arith.constant 0.000000e+00 : f32
    %broadcast_in_dim3A_23 = vector.shape_cast %get3A_8 : vector<1x4096xf32> to vector<1x4096xf32>
    %broadcast_in_dim3A_24 = vector.broadcast %broadcast_in_dim3A_23 : vector<1x4096xf32> to vector<128x4096xf32>
    %broadcast_in_dim3A_25 = vector.broadcast %jit3A_22 : f32 to vector<128x4096xf32>
    %select_n3A_26 = arith.select %eq3A_17, %broadcast_in_dim3A_24, %broadcast_in_dim3A_25 : vector<128x4096xi1>, vector<128x4096xf32>
    %reduce_sum3A_27 = arith.constant dense<0.000000e+00> : vector<128xf32>
    %reduce_sum3A_28 = vector.multi_reduction <add>, %select_n3A_26, %reduce_sum3A_27 [1] : vector<128x4096xf32> to vector<128xf32>
    %broadcast_in_dim3A_29 = vector.shape_cast %reduce_sum3A_28 : vector<128xf32> to vector<128x1xf32>
    %jit3A_30 = arith.constant 0.000000e+00 : f32
    %broadcast_in_dim3A_31 = vector.shape_cast %get3A_13 : vector<1x4096xf32> to vector<1x4096xf32>
    %broadcast_in_dim3A_32 = vector.broadcast %broadcast_in_dim3A_31 : vector<1x4096xf32> to vector<128x4096xf32>
    %broadcast_in_dim3A_33 = vector.broadcast %jit3A_30 : f32 to vector<128x4096xf32>
    %select_n3A_34 = arith.select %eq3A_17, %broadcast_in_dim3A_32, %broadcast_in_dim3A_33 : vector<128x4096xi1>, vector<128x4096xf32>
    %reduce_sum3A_35 = arith.constant dense<0.000000e+00> : vector<128xf32>
    %reduce_sum3A_36 = vector.multi_reduction <add>, %select_n3A_34, %reduce_sum3A_35 [1] : vector<128x4096xf32> to vector<128xf32>
    %broadcast_in_dim3A_37 = vector.shape_cast %reduce_sum3A_36 : vector<128xf32> to vector<128x1xf32>
    %get3A_38 = arith.constant 0 : index
    %get3A_39 = arith.constant 0 : index
    %get3A_40 = vector.load %arg3[%get3A_38, %get3A_39] : memref<3x128xf32, #tpu.memory_space<vmem>>, vector<1x128xf32>
    %mul3A = vector.broadcast %broadcast_in_dim3A_21 : vector<128x1xf32> to vector<128x128xf32>
    %mul3A_41 = vector.broadcast %get3A_40 : vector<1x128xf32> to vector<128x128xf32>
    %mul3A_42 = arith.mulf %mul3A, %mul3A_41 : vector<128x128xf32>
    %get3A_43 = arith.constant 1 : index
    %get3A_44 = arith.constant 0 : index
    %get3A_45 = vector.load %arg3[%get3A_43, %get3A_44] : memref<3x128xf32, #tpu.memory_space<vmem>>, vector<1x128xf32>
    %mul3A_46 = vector.broadcast %broadcast_in_dim3A_29 : vector<128x1xf32> to vector<128x128xf32>
    %mul3A_47 = vector.broadcast %get3A_45 : vector<1x128xf32> to vector<128x128xf32>
    %mul3A_48 = arith.mulf %mul3A_46, %mul3A_47 : vector<128x128xf32>
    %add3A = arith.addf %mul3A_42, %mul3A_48 : vector<128x128xf32>
    %get3A_49 = arith.constant 2 : index
    %get3A_50 = arith.constant 0 : index
    %get3A_51 = vector.load %arg3[%get3A_49, %get3A_50] : memref<3x128xf32, #tpu.memory_space<vmem>>, vector<1x128xf32>
    %mul3A_52 = vector.broadcast %broadcast_in_dim3A_37 : vector<128x1xf32> to vector<128x128xf32>
    %mul3A_53 = vector.broadcast %get3A_51 : vector<1x128xf32> to vector<128x128xf32>
    %mul3A_54 = arith.mulf %mul3A_52, %mul3A_53 : vector<128x128xf32>
    %add3A_55 = arith.addf %add3A, %mul3A_54 : vector<128x128xf32>
    %get3A_56 = arith.constant 0 : index
    %get3A_57 = arith.constant 0 : index
    %get3A_58 = vector.load %arg4[%get3A_56, %get3A_57] : memref<1x128xf32, #tpu.memory_space<vmem>>, vector<1x128xf32>
    %add3A_59 = vector.broadcast %get3A_58 : vector<1x128xf32> to vector<128x128xf32>
    %add3A_60 = arith.addf %add3A_55, %add3A_59 : vector<128x128xf32>
    %max3A = arith.constant 0.000000e+00 : f32
    %max3A_61 = vector.broadcast %max3A : f32 to vector<128x128xf32>
    %max3A_62 = arith.maximumf %add3A_60, %max3A_61 : vector<128x128xf32>
    %get3A_63 = arith.constant 0 : index
    %get3A_64 = arith.constant 0 : index
    %get3A_65 = vector.load %arg5[%get3A_63, %get3A_64] : memref<128x128xf32, #tpu.memory_space<vmem>>, vector<128x128xf32>
    %dot_general3A = arith.constant dense<0.000000e+00> : vector<128x128xf32>
    %dot_general3A_66 = tpu.matmul %max3A_62, %get3A_65, %dot_general3A {dimension_numbers = #tpu.dot_dimension_numbers<[1], [0], [0], [1], [0, 0, 1, 1], [], []>, transpose_lhs_hint = false} : vector<128x128xf32>, vector<128x128xf32>, vector<128x128xf32> -> vector<128x128xf32>
    %get3A_67 = arith.constant 0 : index
    %get3A_68 = arith.constant 0 : index
    %get3A_69 = vector.load %arg6[%get3A_67, %get3A_68] : memref<1x128xf32, #tpu.memory_space<vmem>>, vector<1x128xf32>
    %add3A_70 = vector.broadcast %get3A_69 : vector<1x128xf32> to vector<128x128xf32>
    %add3A_71 = arith.addf %dot_general3A_66, %add3A_70 : vector<128x128xf32>
    %get3A_72 = arith.constant 0 : index
    %get3A_73 = arith.constant 0 : index
    %get3A_74 = vector.load %arg8[%get3A_72, %get3A_73] : memref<128x128xf32, #tpu.memory_space<vmem>>, vector<128x128xf32>
    %dot_general3A_75 = arith.constant dense<0.000000e+00> : vector<128x128xf32>
    %dot_general3A_76 = tpu.matmul %add3A_71, %get3A_74, %dot_general3A_75 {dimension_numbers = #tpu.dot_dimension_numbers<[1], [0], [0], [1], [0, 0, 1, 1], [], []>, transpose_lhs_hint = false} : vector<128x128xf32>, vector<128x128xf32>, vector<128x128xf32> -> vector<128x128xf32>
    %get3A_77 = arith.constant 0 : index
    %get3A_78 = arith.constant 0 : index
    %get3A_79 = vector.load %arg9[%get3A_77, %get3A_78] : memref<1x128xf32, #tpu.memory_space<vmem>>, vector<1x128xf32>
    %add3A_80 = vector.broadcast %get3A_79 : vector<1x128xf32> to vector<128x128xf32>
    %add3A_81 = arith.addf %dot_general3A_76, %add3A_80 : vector<128x128xf32>
    %sub3A = vector.broadcast %broadcast_in_dim3A_21 : vector<128x1xf32> to vector<128x4096xf32>
    %sub3A_82 = vector.broadcast %get3A_3 : vector<1x4096xf32> to vector<128x4096xf32>
    %sub3A_83 = arith.subf %sub3A, %sub3A_82 : vector<128x4096xf32>
    %integer_pow3A = arith.mulf %sub3A_83, %sub3A_83 : vector<128x4096xf32>
    %sub3A_84 = vector.broadcast %broadcast_in_dim3A_29 : vector<128x1xf32> to vector<128x4096xf32>
    %sub3A_85 = vector.broadcast %get3A_8 : vector<1x4096xf32> to vector<128x4096xf32>
    %sub3A_86 = arith.subf %sub3A_84, %sub3A_85 : vector<128x4096xf32>
    %integer_pow3A_87 = arith.mulf %sub3A_86, %sub3A_86 : vector<128x4096xf32>
    %add3A_88 = arith.addf %integer_pow3A, %integer_pow3A_87 : vector<128x4096xf32>
    %sub3A_89 = vector.broadcast %broadcast_in_dim3A_37 : vector<128x1xf32> to vector<128x4096xf32>
    %sub3A_90 = vector.broadcast %get3A_13 : vector<1x4096xf32> to vector<128x4096xf32>
    %sub3A_91 = arith.subf %sub3A_89, %sub3A_90 : vector<128x4096xf32>
    %integer_pow3A_92 = arith.mulf %sub3A_91, %sub3A_91 : vector<128x4096xf32>
    %add3A_93 = arith.addf %add3A_88, %integer_pow3A_92 : vector<128x4096xf32>
    %reduce_min3A = arith.constant dense<0x7F800000> : vector<128xf32>
    %reduce_min3A_94 = vector.multi_reduction <minimumf>, %add3A_93, %reduce_min3A [1] : vector<128x4096xf32> to vector<128xf32>
    %broadcast_in_dim3A_95 = vector.shape_cast %reduce_min3A_94 : vector<128xf32> to vector<128x1xf32>
    %eq3A_96 = vector.broadcast %broadcast_in_dim3A_95 : vector<128x1xf32> to vector<128x4096xf32>
    %eq3A_97 = arith.cmpf oeq, %add3A_93, %eq3A_96 : vector<128x4096xf32>
    %jit3A_98 = arith.constant 1073741824 : i32
    %broadcast_in_dim3A_99 = vector.broadcast %jit3A_98 : i32 to vector<128x4096xi32>
    %select_n3A_100 = arith.select %eq3A_97, %iota3A, %broadcast_in_dim3A_99 : vector<128x4096xi1>, vector<128x4096xi32>
    %reduce_min3A_101 = arith.constant dense<2147483647> : vector<128xi32>
    %reduce_min3A_102 = vector.multi_reduction <minsi>, %select_n3A_100, %reduce_min3A_101 [1] : vector<128x4096xi32> to vector<128xi32>
    %broadcast_in_dim3A_103 = vector.shape_cast %reduce_min3A_102 : vector<128xi32> to vector<128x1xi32>
    %eq3A_104 = vector.broadcast %broadcast_in_dim3A_103 : vector<128x1xi32> to vector<128x4096xi32>
    %eq3A_105 = arith.cmpi eq, %iota3A, %eq3A_104 : vector<128x4096xi32>
    %jit3A_106 = arith.constant 1.000000e+30 : f32
    %broadcast_in_dim3A_107 = vector.broadcast %jit3A_106 : f32 to vector<128x4096xf32>
    %select_n3A_108 = arith.select %eq3A_105, %broadcast_in_dim3A_107, %add3A_93 : vector<128x4096xi1>, vector<128x4096xf32>
    %jit3A_109 = arith.constant 0.000000e+00 : f32
    %broadcast_in_dim3A_110 = vector.shape_cast %get3A_3 : vector<1x4096xf32> to vector<1x4096xf32>
    %broadcast_in_dim3A_111 = vector.broadcast %broadcast_in_dim3A_110 : vector<1x4096xf32> to vector<128x4096xf32>
    %broadcast_in_dim3A_112 = vector.broadcast %jit3A_109 : f32 to vector<128x4096xf32>
    %select_n3A_113 = arith.select %eq3A_105, %broadcast_in_dim3A_111, %broadcast_in_dim3A_112 : vector<128x4096xi1>, vector<128x4096xf32>
    %reduce_sum3A_114 = arith.constant dense<0.000000e+00> : vector<128xf32>
    %reduce_sum3A_115 = vector.multi_reduction <add>, %select_n3A_113, %reduce_sum3A_114 [1] : vector<128x4096xf32> to vector<128xf32>
    %broadcast_in_dim3A_116 = vector.shape_cast %reduce_sum3A_115 : vector<128xf32> to vector<128x1xf32>
    %jit3A_117 = arith.constant 0.000000e+00 : f32
    %broadcast_in_dim3A_118 = vector.shape_cast %get3A_8 : vector<1x4096xf32> to vector<1x4096xf32>
    %broadcast_in_dim3A_119 = vector.broadcast %broadcast_in_dim3A_118 : vector<1x4096xf32> to vector<128x4096xf32>
    %broadcast_in_dim3A_120 = vector.broadcast %jit3A_117 : f32 to vector<128x4096xf32>
    %select_n3A_121 = arith.select %eq3A_105, %broadcast_in_dim3A_119, %broadcast_in_dim3A_120 : vector<128x4096xi1>, vector<128x4096xf32>
    %reduce_sum3A_122 = arith.constant dense<0.000000e+00> : vector<128xf32>
    %reduce_sum3A_123 = vector.multi_reduction <add>, %select_n3A_121, %reduce_sum3A_122 [1] : vector<128x4096xf32> to vector<128xf32>
    %broadcast_in_dim3A_124 = vector.shape_cast %reduce_sum3A_123 : vector<128xf32> to vector<128x1xf32>
    %jit3A_125 = arith.constant 0.000000e+00 : f32
    %broadcast_in_dim3A_126 = vector.shape_cast %get3A_13 : vector<1x4096xf32> to vector<1x4096xf32>
    %broadcast_in_dim3A_127 = vector.broadcast %broadcast_in_dim3A_126 : vector<1x4096xf32> to vector<128x4096xf32>
    %broadcast_in_dim3A_128 = vector.broadcast %jit3A_125 : f32 to vector<128x4096xf32>
    %select_n3A_129 = arith.select %eq3A_105, %broadcast_in_dim3A_127, %broadcast_in_dim3A_128 : vector<128x4096xi1>, vector<128x4096xf32>
    %reduce_sum3A_130 = arith.constant dense<0.000000e+00> : vector<128xf32>
    %reduce_sum3A_131 = vector.multi_reduction <add>, %select_n3A_129, %reduce_sum3A_130 [1] : vector<128x4096xf32> to vector<128xf32>
    %broadcast_in_dim3A_132 = vector.shape_cast %reduce_sum3A_131 : vector<128xf32> to vector<128x1xf32>
    %concatenate3A = tpu.concatenate %broadcast_in_dim3A_116, %broadcast_in_dim3A_124, %broadcast_in_dim3A_132 in 1 : vector<128x1xf32>, vector<128x1xf32>, vector<128x1xf32> -> vector<128x3xf32>
    %swap3A = arith.constant 0 : index
    %swap3A_133 = arith.constant 0 : index
    %swap3A_134 = arith.constant 0 : index
    %swap3A_135 = vector.load %arg12[%swap3A, %swap3A_133, %swap3A_134] : memref<1x4096x3xf32, #tpu.memory_space<vmem>>, vector<1x128x3xf32>
    %swap3A_136 = vector.shape_cast %swap3A_135 : vector<1x128x3xf32> to vector<128x3xf32>
    %swap3A_137 = vector.shape_cast %concatenate3A : vector<128x3xf32> to vector<1x128x3xf32>
    tpu.vector_store %arg12[%swap3A, %swap3A_133, %swap3A_134], %swap3A_137 {strides = array<i32>} : memref<1x4096x3xf32, #tpu.memory_space<vmem>>, vector<1x128x3xf32>,
    %add3A_138 = arith.constant 0.000000e+00 : f32
    %add3A_139 = vector.broadcast %add3A_138 : f32 to vector<128x1xf32>
    %add3A_140 = arith.addf %add3A_139, %broadcast_in_dim3A_116 : vector<128x1xf32>
    %add3A_141 = arith.constant 0.000000e+00 : f32
    %add3A_142 = vector.broadcast %add3A_141 : f32 to vector<128x1xf32>
    %add3A_143 = arith.addf %add3A_142, %broadcast_in_dim3A_124 : vector<128x1xf32>
    %add3A_144 = arith.constant 0.000000e+00 : f32
    %add3A_145 = vector.broadcast %add3A_144 : f32 to vector<128x1xf32>
    %add3A_146 = arith.addf %add3A_145, %broadcast_in_dim3A_132 : vector<128x1xf32>
    %sub3A_147 = arith.subf %broadcast_in_dim3A_116, %broadcast_in_dim3A_21 : vector<128x1xf32>
    %get3A_148 = arith.constant 0 : index
    %get3A_149 = arith.constant 0 : index
    %get3A_150 = vector.load %arg7[%get3A_148, %get3A_149] : memref<3x128xf32, #tpu.memory_space<vmem>>, vector<1x128xf32>
    %mul3A_151 = vector.broadcast %sub3A_147 : vector<128x1xf32> to vector<128x128xf32>
    %mul3A_152 = vector.broadcast %get3A_150 : vector<1x128xf32> to vector<128x128xf32>
    %mul3A_153 = arith.mulf %mul3A_151, %mul3A_152 : vector<128x128xf32>
    %sub3A_154 = arith.subf %broadcast_in_dim3A_124, %broadcast_in_dim3A_29 : vector<128x1xf32>
    %get3A_155 = arith.constant 1 : index
    %get3A_156 = arith.constant 0 : index
    %get3A_157 = vector.load %arg7[%get3A_155, %get3A_156] : memref<3x128xf32, #tpu.memory_space<vmem>>, vector<1x128xf32>
    %mul3A_158 = vector.broadcast %sub3A_154 : vector<128x1xf32> to vector<128x128xf32>
    %mul3A_159 = vector.broadcast %get3A_157 : vector<1x128xf32> to vector<128x128xf32>
    %mul3A_160 = arith.mulf %mul3A_158, %mul3A_159 : vector<128x128xf32>
    %add3A_161 = arith.addf %mul3A_153, %mul3A_160 : vector<128x128xf32>
    %sub3A_162 = arith.subf %broadcast_in_dim3A_132, %broadcast_in_dim3A_37 : vector<128x1xf32>
    %get3A_163 = arith.constant 2 : index
    %get3A_164 = arith.constant 0 : index
    %get3A_165 = vector.load %arg7[%get3A_163, %get3A_164] : memref<3x128xf32, #tpu.memory_space<vmem>>, vector<1x128xf32>
    %mul3A_166 = vector.broadcast %sub3A_162 : vector<128x1xf32> to vector<128x128xf32>
    %mul3A_167 = vector.broadcast %get3A_165 : vector<1x128xf32> to vector<128x128xf32>
    %mul3A_168 = arith.mulf %mul3A_166, %mul3A_167 : vector<128x128xf32>
    %add3A_169 = arith.addf %add3A_161, %mul3A_168 : vector<128x128xf32>
    %add3A_170 = arith.addf %add3A_169, %add3A_81 : vector<128x128xf32>
    %max3A_171 = arith.constant 0.000000e+00 : f32
    %max3A_172 = vector.broadcast %max3A_171 : f32 to vector<128x128xf32>
    %max3A_173 = arith.maximumf %add3A_170, %max3A_172 : vector<128x128xf32>
    %get3A_174 = arith.constant 0 : index
    %get3A_175 = arith.constant 0 : index
    %get3A_176 = vector.load %arg10[%get3A_174, %get3A_175] : memref<128x3xf32, #tpu.memory_space<vmem>>, vector<128x3xf32>
    %dot_general3A_177 = arith.constant dense<0.000000e+00> : vector<128x3xf32>
    %dot_general3A_178 = tpu.matmul %max3A_173, %get3A_176, %dot_general3A_177 {dimension_numbers = #tpu.dot_dimension_numbers<[1], [0], [0], [1], [0, 0, 1, 1], [], []>, transpose_lhs_hint = false} : vector<128x128xf32>, vector<128x3xf32>, vector<128x3xf32> -> vector<128x3xf32>
    %get3A_179 = arith.constant 0 : index
    %get3A_180 = arith.constant 0 : index
    %get3A_181 = vector.load %arg11[%get3A_179, %get3A_180] : memref<1x3xf32, #tpu.memory_space<vmem>>, vector<1x3xf32>
    %add3A_182 = vector.broadcast %get3A_181 : vector<1x3xf32> to vector<128x3xf32>
    %add3A_183 = arith.addf %dot_general3A_178, %add3A_182 : vector<128x3xf32>
    %swap3A_184 = arith.constant 0 : index
    %swap3A_185 = arith.constant 0 : index
    %swap3A_186 = arith.constant 0 : index
    %swap3A_187 = vector.load %arg13[%swap3A_184, %swap3A_185, %swap3A_186] : memref<1x4096x3xf32, #tpu.memory_space<vmem>>, vector<1x128x3xf32>
    %swap3A_188 = vector.shape_cast %swap3A_187 : vector<1x128x3xf32> to vector<128x3xf32>
    %swap3A_189 = vector.shape_cast %add3A_183 : vector<128x3xf32> to vector<1x128x3xf32>
    tpu.vector_store %arg13[%swap3A_184, %swap3A_185, %swap3A_186], %swap3A_189 {strides = array<i32>} : memref<1x4096x3xf32, #tpu.memory_space<vmem>>, vector<1x128x3xf32>,
    %reduce_min3A_190 = arith.constant dense<0x7F800000> : vector<128xf32>
    %reduce_min3A_191 = vector.multi_reduction <minimumf>, %select_n3A_108, %reduce_min3A_190 [1] : vector<128x4096xf32> to vector<128xf32>
    %broadcast_in_dim3A_192 = vector.shape_cast %reduce_min3A_191 : vector<128xf32> to vector<128x1xf32>
    %eq3A_193 = vector.broadcast %broadcast_in_dim3A_192 : vector<128x1xf32> to vector<128x4096xf32>
    %eq3A_194 = arith.cmpf oeq, %select_n3A_108, %eq3A_193 : vector<128x4096xf32>
    %jit3A_195 = arith.constant 1073741824 : i32
    %broadcast_in_dim3A_196 = vector.broadcast %jit3A_195 : i32 to vector<128x4096xi32>
    %select_n3A_197 = arith.select %eq3A_194, %iota3A, %broadcast_in_dim3A_196 : vector<128x4096xi1>, vector<128x4096xi32>
    %reduce_min3A_198 = arith.constant dense<2147483647> : vector<128xi32>
    %reduce_min3A_199 = vector.multi_reduction <minsi>, %select_n3A_197, %reduce_min3A_198 [1] : vector<128x4096xi32> to vector<128xi32>
    %broadcast_in_dim3A_200 = vector.shape_cast %reduce_min3A_199 : vector<128xi32> to vector<128x1xi32>
    %eq3A_201 = vector.broadcast %broadcast_in_dim3A_200 : vector<128x1xi32> to vector<128x4096xi32>
    %eq3A_202 = arith.cmpi eq, %iota3A, %eq3A_201 : vector<128x4096xi32>
    %jit3A_203 = arith.constant 1.000000e+30 : f32
    %broadcast_in_dim3A_204 = vector.broadcast %jit3A_203 : f32 to vector<128x4096xf32>
    %select_n3A_205 = arith.select %eq3A_202, %broadcast_in_dim3A_204, %select_n3A_108 : vector<128x4096xi1>, vector<128x4096xf32>
    %jit3A_206 = arith.constant 0.000000e+00 : f32
    %broadcast_in_dim3A_207 = vector.shape_cast %get3A_3 : vector<1x4096xf32> to vector<1x4096xf32>
    %broadcast_in_dim3A_208 = vector.broadcast %broadcast_in_dim3A_207 : vector<1x4096xf32> to vector<128x4096xf32>
    %broadcast_in_dim3A_209 = vector.broadcast %jit3A_206 : f32 to vector<128x4096xf32>
    %select_n3A_210 = arith.select %eq3A_202, %broadcast_in_dim3A_208, %broadcast_in_dim3A_209 : vector<128x4096xi1>, vector<128x4096xf32>
    %reduce_sum3A_211 = arith.constant dense<0.000000e+00> : vector<128xf32>
    %reduce_sum3A_212 = vector.multi_reduction <add>, %select_n3A_210, %reduce_sum3A_211 [1] : vector<128x4096xf32> to vector<128xf32>
    %broadcast_in_dim3A_213 = vector.shape_cast %reduce_sum3A_212 : vector<128xf32> to vector<128x1xf32>
    %jit3A_214 = arith.constant 0.000000e+00 : f32
    %broadcast_in_dim3A_215 = vector.shape_cast %get3A_8 : vector<1x4096xf32> to vector<1x4096xf32>
    %broadcast_in_dim3A_216 = vector.broadcast %broadcast_in_dim3A_215 : vector<1x4096xf32> to vector<128x4096xf32>
    %broadcast_in_dim3A_217 = vector.broadcast %jit3A_214 : f32 to vector<128x4096xf32>
    %select_n3A_218 = arith.select %eq3A_202, %broadcast_in_dim3A_216, %broadcast_in_dim3A_217 : vector<128x4096xi1>, vector<128x4096xf32>
    %reduce_sum3A_219 = arith.constant dense<0.000000e+00> : vector<128xf32>
    %reduce_sum3A_220 = vector.multi_reduction <add>, %select_n3A_218, %reduce_sum3A_219 [1] : vector<128x4096xf32> to vector<128xf32>
    %broadcast_in_dim3A_221 = vector.shape_cast %reduce_sum3A_220 : vector<128xf32> to vector<128x1xf32>
    %jit3A_222 = arith.constant 0.000000e+00 : f32
    %broadcast_in_dim3A_223 = vector.shape_cast %get3A_13 : vector<1x4096xf32> to vector<1x4096xf32>
    %broadcast_in_dim3A_224 = vector.broadcast %broadcast_in_dim3A_223 : vector<1x4096xf32> to vector<128x4096xf32>
    %broadcast_in_dim3A_225 = vector.broadcast %jit3A_222 : f32 to vector<128x4096xf32>
    %select_n3A_226 = arith.select %eq3A_202, %broadcast_in_dim3A_224, %broadcast_in_dim3A_225 : vector<128x4096xi1>, vector<128x4096xf32>
    %reduce_sum3A_227 = arith.constant dense<0.000000e+00> : vector<128xf32>
    %reduce_sum3A_228 = vector.multi_reduction <add>, %select_n3A_226, %reduce_sum3A_227 [1] : vector<128x4096xf32> to vector<128xf32>
    %broadcast_in_dim3A_229 = vector.shape_cast %reduce_sum3A_228 : vector<128xf32> to vector<128x1xf32>
    %concatenate3A_230 = tpu.concatenate %broadcast_in_dim3A_213, %broadcast_in_dim3A_221, %broadcast_in_dim3A_229 in 1 : vector<128x1xf32>, vector<128x1xf32>, vector<128x1xf32> -> vector<128x3xf32>
    %swap3A_231 = arith.constant 0 : index
    %swap3A_232 = arith.constant 128 : index
    %swap3A_233 = arith.constant 0 : index
    %swap3A_234 = vector.load %arg12[%swap3A_231, %swap3A_232, %swap3A_233] : memref<1x4096x3xf32, #tpu.memory_space<vmem>>, vector<1x128x3xf32>
    %swap3A_235 = vector.shape_cast %swap3A_234 : vector<1x128x3xf32> to vector<128x3xf32>
    %swap3A_236 = vector.shape_cast %concatenate3A_230 : vector<128x3xf32> to vector<1x128x3xf32>
    tpu.vector_store %arg12[%swap3A_231, %swap3A_232, %swap3A_233], %swap3A_236 {strides = array<i32>} : memref<1x4096x3xf32, #tpu.memory_space<vmem>>, vector<1x128x3xf32>,
    %add3A_237 = arith.addf %add3A_140, %broadcast_in_dim3A_213 : vector<128x1xf32>
    %add3A_238 = arith.addf %add3A_143, %broadcast_in_dim3A_221 : vector<128x1xf32>
    %add3A_239 = arith.addf %add3A_146, %broadcast_in_dim3A_229 : vector<128x1xf32>
    %sub3A_240 = arith.subf %broadcast_in_dim3A_213, %broadcast_in_dim3A_21 : vector<128x1xf32>
    %get3A_241 = arith.constant 0 : index
    %get3A_242 = arith.constant 0 : index
    %get3A_243 = vector.load %arg7[%get3A_241, %get3A_242] : memref<3x128xf32, #tpu.memory_space<vmem>>, vector<1x128xf32>
    %mul3A_244 = vector.broadcast %sub3A_240 : vector<128x1xf32> to vector<128x128xf32>
    %mul3A_245 = vector.broadcast %get3A_243 : vector<1x128xf32> to vector<128x128xf32>
    %mul3A_246 = arith.mulf %mul3A_244, %mul3A_245 : vector<128x128xf32>
    %sub3A_247 = arith.subf %broadcast_in_dim3A_221, %broadcast_in_dim3A_29 : vector<128x1xf32>
    %get3A_248 = arith.constant 1 : index
    %get3A_249 = arith.constant 0 : index
    %get3A_250 = vector.load %arg7[%get3A_248, %get3A_249] : memref<3x128xf32, #tpu.memory_space<vmem>>, vector<1x128xf32>
    %mul3A_251 = vector.broadcast %sub3A_247 : vector<128x1xf32> to vector<128x128xf32>
    %mul3A_252 = vector.broadcast %get3A_250 : vector<1x128xf32> to vector<128x128xf32>
    %mul3A_253 = arith.mulf %mul3A_251, %mul3A_252 : vector<128x128xf32>
    %add3A_254 = arith.addf %mul3A_246, %mul3A_253 : vector<128x128xf32>
    %sub3A_255 = arith.subf %broadcast_in_dim3A_229, %broadcast_in_dim3A_37 : vector<128x1xf32>
    %get3A_256 = arith.constant 2 : index
    %get3A_257 = arith.constant 0 : index
    %get3A_258 = vector.load %arg7[%get3A_256, %get3A_257] : memref<3x128xf32, #tpu.memory_space<vmem>>, vector<1x128xf32>
    %mul3A_259 = vector.broadcast %sub3A_255 : vector<128x1xf32> to vector<128x128xf32>
    %mul3A_260 = vector.broadcast %get3A_258 : vector<1x128xf32> to vector<128x128xf32>
    %mul3A_261 = arith.mulf %mul3A_259, %mul3A_260 : vector<128x128xf32>
    %add3A_262 = arith.addf %add3A_254, %mul3A_261 : vector<128x128xf32>
    %add3A_263 = arith.addf %add3A_262, %add3A_81 : vector<128x128xf32>
    %max3A_264 = arith.constant 0.000000e+00 : f32
    %max3A_265 = vector.broadcast %max3A_264 : f32 to vector<128x128xf32>
    %max3A_266 = arith.maximumf %add3A_263, %max3A_265 : vector<128x128xf32>
    %get3A_267 = arith.constant 0 : index
    %get3A_268 = arith.constant 0 : index
    %get3A_269 = vector.load %arg10[%get3A_267, %get3A_268] : memref<128x3xf32, #tpu.memory_space<vmem>>, vector<128x3xf32>
    %dot_general3A_270 = arith.constant dense<0.000000e+00> : vector<128x3xf32>
    %dot_general3A_271 = tpu.matmul %max3A_266, %get3A_269, %dot_general3A_270 {dimension_numbers = #tpu.dot_dimension_numbers<[1], [0], [0], [1], [0, 0, 1, 1], [], []>, transpose_lhs_hint = false} : vector<128x128xf32>, vector<128x3xf32>, vector<128x3xf32> -> vector<128x3xf32>
    %get3A_272 = arith.constant 0 : index
    %get3A_273 = arith.constant 0 : index
    %get3A_274 = vector.load %arg11[%get3A_272, %get3A_273] : memref<1x3xf32, #tpu.memory_space<vmem>>, vector<1x3xf32>
    %add3A_275 = vector.broadcast %get3A_274 : vector<1x3xf32> to vector<128x3xf32>
    %add3A_276 = arith.addf %dot_general3A_271, %add3A_275 : vector<128x3xf32>
    %swap3A_277 = arith.constant 0 : index
    %swap3A_278 = arith.constant 128 : index
    %swap3A_279 = arith.constant 0 : index
    %swap3A_280 = vector.load %arg13[%swap3A_277, %swap3A_278, %swap3A_279] : memref<1x4096x3xf32, #tpu.memory_space<vmem>>, vector<1x128x3xf32>
    %swap3A_281 = vector.shape_cast %swap3A_280 : vector<1x128x3xf32> to vector<128x3xf32>
    %swap3A_282 = vector.shape_cast %add3A_276 : vector<128x3xf32> to vector<1x128x3xf32>
    tpu.vector_store %arg13[%swap3A_277, %swap3A_278, %swap3A_279], %swap3A_282 {strides = array<i32>} : memref<1x4096x3xf32, #tpu.memory_space<vmem>>, vector<1x128x3xf32>,
    %reduce_min3A_283 = arith.constant dense<0x7F800000> : vector<128xf32>
    %reduce_min3A_284 = vector.multi_reduction <minimumf>, %select_n3A_205, %reduce_min3A_283 [1] : vector<128x4096xf32> to vector<128xf32>
    %broadcast_in_dim3A_285 = vector.shape_cast %reduce_min3A_284 : vector<128xf32> to vector<128x1xf32>
    %eq3A_286 = vector.broadcast %broadcast_in_dim3A_285 : vector<128x1xf32> to vector<128x4096xf32>
    %eq3A_287 = arith.cmpf oeq, %select_n3A_205, %eq3A_286 : vector<128x4096xf32>
    %jit3A_288 = arith.constant 1073741824 : i32
    %broadcast_in_dim3A_289 = vector.broadcast %jit3A_288 : i32 to vector<128x4096xi32>
    %select_n3A_290 = arith.select %eq3A_287, %iota3A, %broadcast_in_dim3A_289 : vector<128x4096xi1>, vector<128x4096xi32>
    %reduce_min3A_291 = arith.constant dense<2147483647> : vector<128xi32>
    %reduce_min3A_292 = vector.multi_reduction <minsi>, %select_n3A_290, %reduce_min3A_291 [1] : vector<128x4096xi32> to vector<128xi32>
    %broadcast_in_dim3A_293 = vector.shape_cast %reduce_min3A_292 : vector<128xi32> to vector<128x1xi32>
    %eq3A_294 = vector.broadcast %broadcast_in_dim3A_293 : vector<128x1xi32> to vector<128x4096xi32>
    %eq3A_295 = arith.cmpi eq, %iota3A, %eq3A_294 : vector<128x4096xi32>
    %jit3A_296 = arith.constant 1.000000e+30 : f32
    %broadcast_in_dim3A_297 = vector.broadcast %jit3A_296 : f32 to vector<128x4096xf32>
    %select_n3A_298 = arith.select %eq3A_295, %broadcast_in_dim3A_297, %select_n3A_205 : vector<128x4096xi1>, vector<128x4096xf32>
    %jit3A_299 = arith.constant 0.000000e+00 : f32
    %broadcast_in_dim3A_300 = vector.shape_cast %get3A_3 : vector<1x4096xf32> to vector<1x4096xf32>
    %broadcast_in_dim3A_301 = vector.broadcast %broadcast_in_dim3A_300 : vector<1x4096xf32> to vector<128x4096xf32>
    %broadcast_in_dim3A_302 = vector.broadcast %jit3A_299 : f32 to vector<128x4096xf32>
    %select_n3A_303 = arith.select %eq3A_295, %broadcast_in_dim3A_301, %broadcast_in_dim3A_302 : vector<128x4096xi1>, vector<128x4096xf32>
    %reduce_sum3A_304 = arith.constant dense<0.000000e+00> : vector<128xf32>
    %reduce_sum3A_305 = vector.multi_reduction <add>, %select_n3A_303, %reduce_sum3A_304 [1] : vector<128x4096xf32> to vector<128xf32>
    %broadcast_in_dim3A_306 = vector.shape_cast %reduce_sum3A_305 : vector<128xf32> to vector<128x1xf32>
    %jit3A_307 = arith.constant 0.000000e+00 : f32
    %broadcast_in_dim3A_308 = vector.shape_cast %get3A_8 : vector<1x4096xf32> to vector<1x4096xf32>
    %broadcast_in_dim3A_309 = vector.broadcast %broadcast_in_dim3A_308 : vector<1x4096xf32> to vector<128x4096xf32>
    %broadcast_in_dim3A_310 = vector.broadcast %jit3A_307 : f32 to vector<128x4096xf32>
    %select_n3A_311 = arith.select %eq3A_295, %broadcast_in_dim3A_309, %broadcast_in_dim3A_310 : vector<128x4096xi1>, vector<128x4096xf32>
    %reduce_sum3A_312 = arith.constant dense<0.000000e+00> : vector<128xf32>
    %reduce_sum3A_313 = vector.multi_reduction <add>, %select_n3A_311, %reduce_sum3A_312 [1] : vector<128x4096xf32> to vector<128xf32>
    %broadcast_in_dim3A_314 = vector.shape_cast %reduce_sum3A_313 : vector<128xf32> to vector<128x1xf32>
    %jit3A_315 = arith.constant 0.000000e+00 : f32
    %broadcast_in_dim3A_316 = vector.shape_cast %get3A_13 : vector<1x4096xf32> to vector<1x4096xf32>
    %broadcast_in_dim3A_317 = vector.broadcast %broadcast_in_dim3A_316 : vector<1x4096xf32> to vector<128x4096xf32>
    %broadcast_in_dim3A_318 = vector.broadcast %jit3A_315 : f32 to vector<128x4096xf32>
    %select_n3A_319 = arith.select %eq3A_295, %broadcast_in_dim3A_317, %broadcast_in_dim3A_318 : vector<128x4096xi1>, vector<128x4096xf32>
    %reduce_sum3A_320 = arith.constant dense<0.000000e+00> : vector<128xf32>
    %reduce_sum3A_321 = vector.multi_reduction <add>, %select_n3A_319, %reduce_sum3A_320 [1] : vector<128x4096xf32> to vector<128xf32>
    %broadcast_in_dim3A_322 = vector.shape_cast %reduce_sum3A_321 : vector<128xf32> to vector<128x1xf32>
    %concatenate3A_323 = tpu.concatenate %broadcast_in_dim3A_306, %broadcast_in_dim3A_314, %broadcast_in_dim3A_322 in 1 : vector<128x1xf32>, vector<128x1xf32>, vector<128x1xf32> -> vector<128x3xf32>
    %swap3A_324 = arith.constant 0 : index
    %swap3A_325 = arith.constant 256 : index
    %swap3A_326 = arith.constant 0 : index
    %swap3A_327 = vector.load %arg12[%swap3A_324, %swap3A_325, %swap3A_326] : memref<1x4096x3xf32, #tpu.memory_space<vmem>>, vector<1x128x3xf32>
    %swap3A_328 = vector.shape_cast %swap3A_327 : vector<1x128x3xf32> to vector<128x3xf32>
    %swap3A_329 = vector.shape_cast %concatenate3A_323 : vector<128x3xf32> to vector<1x128x3xf32>
    tpu.vector_store %arg12[%swap3A_324, %swap3A_325, %swap3A_326], %swap3A_329 {strides = array<i32>} : memref<1x4096x3xf32, #tpu.memory_space<vmem>>, vector<1x128x3xf32>,
    %add3A_330 = arith.addf %add3A_237, %broadcast_in_dim3A_306 : vector<128x1xf32>
    %add3A_331 = arith.addf %add3A_238, %broadcast_in_dim3A_314 : vector<128x1xf32>
    %add3A_332 = arith.addf %add3A_239, %broadcast_in_dim3A_322 : vector<128x1xf32>
    %sub3A_333 = arith.subf %broadcast_in_dim3A_306, %broadcast_in_dim3A_21 : vector<128x1xf32>
    %get3A_334 = arith.constant 0 : index
    %get3A_335 = arith.constant 0 : index
    %get3A_336 = vector.load %arg7[%get3A_334, %get3A_335] : memref<3x128xf32, #tpu.memory_space<vmem>>, vector<1x128xf32>
    %mul3A_337 = vector.broadcast %sub3A_333 : vector<128x1xf32> to vector<128x128xf32>
    %mul3A_338 = vector.broadcast %get3A_336 : vector<1x128xf32> to vector<128x128xf32>
    %mul3A_339 = arith.mulf %mul3A_337, %mul3A_338 : vector<128x128xf32>
    %sub3A_340 = arith.subf %broadcast_in_dim3A_314, %broadcast_in_dim3A_29 : vector<128x1xf32>
    %get3A_341 = arith.constant 1 : index
    %get3A_342 = arith.constant 0 : index
    %get3A_343 = vector.load %arg7[%get3A_341, %get3A_342] : memref<3x128xf32, #tpu.memory_space<vmem>>, vector<1x128xf32>
    %mul3A_344 = vector.broadcast %sub3A_340 : vector<128x1xf32> to vector<128x128xf32>
    %mul3A_345 = vector.broadcast %get3A_343 : vector<1x128xf32> to vector<128x128xf32>
    %mul3A_346 = arith.mulf %mul3A_344, %mul3A_345 : vector<128x128xf32>
    %add3A_347 = arith.addf %mul3A_339, %mul3A_346 : vector<128x128xf32>
    %sub3A_348 = arith.subf %broadcast_in_dim3A_322, %broadcast_in_dim3A_37 : vector<128x1xf32>
    %get3A_349 = arith.constant 2 : index
    %get3A_350 = arith.constant 0 : index
    %get3A_351 = vector.load %arg7[%get3A_349, %get3A_350] : memref<3x128xf32, #tpu.memory_space<vmem>>, vector<1x128xf32>
    %mul3A_352 = vector.broadcast %sub3A_348 : vector<128x1xf32> to vector<128x128xf32>
    %mul3A_353 = vector.broadcast %get3A_351 : vector<1x128xf32> to vector<128x128xf32>
    %mul3A_354 = arith.mulf %mul3A_352, %mul3A_353 : vector<128x128xf32>
    %add3A_355 = arith.addf %add3A_347, %mul3A_354 : vector<128x128xf32>
    %add3A_356 = arith.addf %add3A_355, %add3A_81 : vector<128x128xf32>
    %max3A_357 = arith.constant 0.000000e+00 : f32
    %max3A_358 = vector.broadcast %max3A_357 : f32 to vector<128x128xf32>
    %max3A_359 = arith.maximumf %add3A_356, %max3A_358 : vector<128x128xf32>
    %get3A_360 = arith.constant 0 : index
    %get3A_361 = arith.constant 0 : index
    %get3A_362 = vector.load %arg10[%get3A_360, %get3A_361] : memref<128x3xf32, #tpu.memory_space<vmem>>, vector<128x3xf32>
    %dot_general3A_363 = arith.constant dense<0.000000e+00> : vector<128x3xf32>
    %dot_general3A_364 = tpu.matmul %max3A_359, %get3A_362, %dot_general3A_363 {dimension_numbers = #tpu.dot_dimension_numbers<[1], [0], [0], [1], [0, 0, 1, 1], [], []>, transpose_lhs_hint = false} : vector<128x128xf32>, vector<128x3xf32>, vector<128x3xf32> -> vector<128x3xf32>
    %get3A_365 = arith.constant 0 : index
    %get3A_366 = arith.constant 0 : index
    %get3A_367 = vector.load %arg11[%get3A_365, %get3A_366] : memref<1x3xf32, #tpu.memory_space<vmem>>, vector<1x3xf32>
    %add3A_368 = vector.broadcast %get3A_367 : vector<1x3xf32> to vector<128x3xf32>
    %add3A_369 = arith.addf %dot_general3A_364, %add3A_368 : vector<128x3xf32>
    %swap3A_370 = arith.constant 0 : index
    %swap3A_371 = arith.constant 256 : index
    %swap3A_372 = arith.constant 0 : index
    %swap3A_373 = vector.load %arg13[%swap3A_370, %swap3A_371, %swap3A_372] : memref<1x4096x3xf32, #tpu.memory_space<vmem>>, vector<1x128x3xf32>
    %swap3A_374 = vector.shape_cast %swap3A_373 : vector<1x128x3xf32> to vector<128x3xf32>
    %swap3A_375 = vector.shape_cast %add3A_369 : vector<128x3xf32> to vector<1x128x3xf32>
    tpu.vector_store %arg13[%swap3A_370, %swap3A_371, %swap3A_372], %swap3A_375 {strides = array<i32>} : memref<1x4096x3xf32, #tpu.memory_space<vmem>>, vector<1x128x3xf32>,
    %reduce_min3A_376 = arith.constant dense<0x7F800000> : vector<128xf32>
    %reduce_min3A_377 = vector.multi_reduction <minimumf>, %select_n3A_298, %reduce_min3A_376 [1] : vector<128x4096xf32> to vector<128xf32>
    %broadcast_in_dim3A_378 = vector.shape_cast %reduce_min3A_377 : vector<128xf32> to vector<128x1xf32>
    %eq3A_379 = vector.broadcast %broadcast_in_dim3A_378 : vector<128x1xf32> to vector<128x4096xf32>
    %eq3A_380 = arith.cmpf oeq, %select_n3A_298, %eq3A_379 : vector<128x4096xf32>
    %jit3A_381 = arith.constant 1073741824 : i32
    %broadcast_in_dim3A_382 = vector.broadcast %jit3A_381 : i32 to vector<128x4096xi32>
    %select_n3A_383 = arith.select %eq3A_380, %iota3A, %broadcast_in_dim3A_382 : vector<128x4096xi1>, vector<128x4096xi32>
    %reduce_min3A_384 = arith.constant dense<2147483647> : vector<128xi32>
    %reduce_min3A_385 = vector.multi_reduction <minsi>, %select_n3A_383, %reduce_min3A_384 [1] : vector<128x4096xi32> to vector<128xi32>
    %broadcast_in_dim3A_386 = vector.shape_cast %reduce_min3A_385 : vector<128xi32> to vector<128x1xi32>
    %eq3A_387 = vector.broadcast %broadcast_in_dim3A_386 : vector<128x1xi32> to vector<128x4096xi32>
    %eq3A_388 = arith.cmpi eq, %iota3A, %eq3A_387 : vector<128x4096xi32>
    %jit3A_389 = arith.constant 1.000000e+30 : f32
    %broadcast_in_dim3A_390 = vector.broadcast %jit3A_389 : f32 to vector<128x4096xf32>
    %select_n3A_391 = arith.select %eq3A_388, %broadcast_in_dim3A_390, %select_n3A_298 : vector<128x4096xi1>, vector<128x4096xf32>
    %jit3A_392 = arith.constant 0.000000e+00 : f32
    %broadcast_in_dim3A_393 = vector.shape_cast %get3A_3 : vector<1x4096xf32> to vector<1x4096xf32>
    %broadcast_in_dim3A_394 = vector.broadcast %broadcast_in_dim3A_393 : vector<1x4096xf32> to vector<128x4096xf32>
    %broadcast_in_dim3A_395 = vector.broadcast %jit3A_392 : f32 to vector<128x4096xf32>
    %select_n3A_396 = arith.select %eq3A_388, %broadcast_in_dim3A_394, %broadcast_in_dim3A_395 : vector<128x4096xi1>, vector<128x4096xf32>
    %reduce_sum3A_397 = arith.constant dense<0.000000e+00> : vector<128xf32>
    %reduce_sum3A_398 = vector.multi_reduction <add>, %select_n3A_396, %reduce_sum3A_397 [1] : vector<128x4096xf32> to vector<128xf32>
    %broadcast_in_dim3A_399 = vector.shape_cast %reduce_sum3A_398 : vector<128xf32> to vector<128x1xf32>
    %jit3A_400 = arith.constant 0.000000e+00 : f32
    %broadcast_in_dim3A_401 = vector.shape_cast %get3A_8 : vector<1x4096xf32> to vector<1x4096xf32>
    %broadcast_in_dim3A_402 = vector.broadcast %broadcast_in_dim3A_401 : vector<1x4096xf32> to vector<128x4096xf32>
    %broadcast_in_dim3A_403 = vector.broadcast %jit3A_400 : f32 to vector<128x4096xf32>
    %select_n3A_404 = arith.select %eq3A_388, %broadcast_in_dim3A_402, %broadcast_in_dim3A_403 : vector<128x4096xi1>, vector<128x4096xf32>
    %reduce_sum3A_405 = arith.constant dense<0.000000e+00> : vector<128xf32>
    %reduce_sum3A_406 = vector.multi_reduction <add>, %select_n3A_404, %reduce_sum3A_405 [1] : vector<128x4096xf32> to vector<128xf32>
    %broadcast_in_dim3A_407 = vector.shape_cast %reduce_sum3A_406 : vector<128xf32> to vector<128x1xf32>
    %jit3A_408 = arith.constant 0.000000e+00 : f32
    %broadcast_in_dim3A_409 = vector.shape_cast %get3A_13 : vector<1x4096xf32> to vector<1x4096xf32>
    %broadcast_in_dim3A_410 = vector.broadcast %broadcast_in_dim3A_409 : vector<1x4096xf32> to vector<128x4096xf32>
    %broadcast_in_dim3A_411 = vector.broadcast %jit3A_408 : f32 to vector<128x4096xf32>
    %select_n3A_412 = arith.select %eq3A_388, %broadcast_in_dim3A_410, %broadcast_in_dim3A_411 : vector<128x4096xi1>, vector<128x4096xf32>
    %reduce_sum3A_413 = arith.constant dense<0.000000e+00> : vector<128xf32>
    %reduce_sum3A_414 = vector.multi_reduction <add>, %select_n3A_412, %reduce_sum3A_413 [1] : vector<128x4096xf32> to vector<128xf32>
    %broadcast_in_dim3A_415 = vector.shape_cast %reduce_sum3A_414 : vector<128xf32> to vector<128x1xf32>
    %concatenate3A_416 = tpu.concatenate %broadcast_in_dim3A_399, %broadcast_in_dim3A_407, %broadcast_in_dim3A_415 in 1 : vector<128x1xf32>, vector<128x1xf32>, vector<128x1xf32> -> vector<128x3xf32>
    %swap3A_417 = arith.constant 0 : index
    %swap3A_418 = arith.constant 384 : index
    %swap3A_419 = arith.constant 0 : index
    %swap3A_420 = vector.load %arg12[%swap3A_417, %swap3A_418, %swap3A_419] : memref<1x4096x3xf32, #tpu.memory_space<vmem>>, vector<1x128x3xf32>
    %swap3A_421 = vector.shape_cast %swap3A_420 : vector<1x128x3xf32> to vector<128x3xf32>
    %swap3A_422 = vector.shape_cast %concatenate3A_416 : vector<128x3xf32> to vector<1x128x3xf32>
    tpu.vector_store %arg12[%swap3A_417, %swap3A_418, %swap3A_419], %swap3A_422 {strides = array<i32>} : memref<1x4096x3xf32, #tpu.memory_space<vmem>>, vector<1x128x3xf32>,
    %add3A_423 = arith.addf %add3A_330, %broadcast_in_dim3A_399 : vector<128x1xf32>
    %add3A_424 = arith.addf %add3A_331, %broadcast_in_dim3A_407 : vector<128x1xf32>
    %add3A_425 = arith.addf %add3A_332, %broadcast_in_dim3A_415 : vector<128x1xf32>
    %sub3A_426 = arith.subf %broadcast_in_dim3A_399, %broadcast_in_dim3A_21 : vector<128x1xf32>
    %get3A_427 = arith.constant 0 : index
    %get3A_428 = arith.constant 0 : index
    %get3A_429 = vector.load %arg7[%get3A_427, %get3A_428] : memref<3x128xf32, #tpu.memory_space<vmem>>, vector<1x128xf32>
    %mul3A_430 = vector.broadcast %sub3A_426 : vector<128x1xf32> to vector<128x128xf32>
    %mul3A_431 = vector.broadcast %get3A_429 : vector<1x128xf32> to vector<128x128xf32>
    %mul3A_432 = arith.mulf %mul3A_430, %mul3A_431 : vector<128x128xf32>
    %sub3A_433 = arith.subf %broadcast_in_dim3A_407, %broadcast_in_dim3A_29 : vector<128x1xf32>
    %get3A_434 = arith.constant 1 : index
    %get3A_435 = arith.constant 0 : index
    %get3A_436 = vector.load %arg7[%get3A_434, %get3A_435] : memref<3x128xf32, #tpu.memory_space<vmem>>, vector<1x128xf32>
    %mul3A_437 = vector.broadcast %sub3A_433 : vector<128x1xf32> to vector<128x128xf32>
    %mul3A_438 = vector.broadcast %get3A_436 : vector<1x128xf32> to vector<128x128xf32>
    %mul3A_439 = arith.mulf %mul3A_437, %mul3A_438 : vector<128x128xf32>
    %add3A_440 = arith.addf %mul3A_432, %mul3A_439 : vector<128x128xf32>
    %sub3A_441 = arith.subf %broadcast_in_dim3A_415, %broadcast_in_dim3A_37 : vector<128x1xf32>
    %get3A_442 = arith.constant 2 : index
    %get3A_443 = arith.constant 0 : index
    %get3A_444 = vector.load %arg7[%get3A_442, %get3A_443] : memref<3x128xf32, #tpu.memory_space<vmem>>, vector<1x128xf32>
    %mul3A_445 = vector.broadcast %sub3A_441 : vector<128x1xf32> to vector<128x128xf32>
    %mul3A_446 = vector.broadcast %get3A_444 : vector<1x128xf32> to vector<128x128xf32>
    %mul3A_447 = arith.mulf %mul3A_445, %mul3A_446 : vector<128x128xf32>
    %add3A_448 = arith.addf %add3A_440, %mul3A_447 : vector<128x128xf32>
    %add3A_449 = arith.addf %add3A_448, %add3A_81 : vector<128x128xf32>
    %max3A_450 = arith.constant 0.000000e+00 : f32
    %max3A_451 = vector.broadcast %max3A_450 : f32 to vector<128x128xf32>
    %max3A_452 = arith.maximumf %add3A_449, %max3A_451 : vector<128x128xf32>
    %get3A_453 = arith.constant 0 : index
    %get3A_454 = arith.constant 0 : index
    %get3A_455 = vector.load %arg10[%get3A_453, %get3A_454] : memref<128x3xf32, #tpu.memory_space<vmem>>, vector<128x3xf32>
    %dot_general3A_456 = arith.constant dense<0.000000e+00> : vector<128x3xf32>
    %dot_general3A_457 = tpu.matmul %max3A_452, %get3A_455, %dot_general3A_456 {dimension_numbers = #tpu.dot_dimension_numbers<[1], [0], [0], [1], [0, 0, 1, 1], [], []>, transpose_lhs_hint = false} : vector<128x128xf32>, vector<128x3xf32>, vector<128x3xf32> -> vector<128x3xf32>
    %get3A_458 = arith.constant 0 : index
    %get3A_459 = arith.constant 0 : index
    %get3A_460 = vector.load %arg11[%get3A_458, %get3A_459] : memref<1x3xf32, #tpu.memory_space<vmem>>, vector<1x3xf32>
    %add3A_461 = vector.broadcast %get3A_460 : vector<1x3xf32> to vector<128x3xf32>
    %add3A_462 = arith.addf %dot_general3A_457, %add3A_461 : vector<128x3xf32>
    %swap3A_463 = arith.constant 0 : index
    %swap3A_464 = arith.constant 384 : index
    %swap3A_465 = arith.constant 0 : index
    %swap3A_466 = vector.load %arg13[%swap3A_463, %swap3A_464, %swap3A_465] : memref<1x4096x3xf32, #tpu.memory_space<vmem>>, vector<1x128x3xf32>
    %swap3A_467 = vector.shape_cast %swap3A_466 : vector<1x128x3xf32> to vector<128x3xf32>
    %swap3A_468 = vector.shape_cast %add3A_462 : vector<128x3xf32> to vector<1x128x3xf32>
    tpu.vector_store %arg13[%swap3A_463, %swap3A_464, %swap3A_465], %swap3A_468 {strides = array<i32>} : memref<1x4096x3xf32, #tpu.memory_space<vmem>>, vector<1x128x3xf32>,
    %reduce_min3A_469 = arith.constant dense<0x7F800000> : vector<128xf32>
    %reduce_min3A_470 = vector.multi_reduction <minimumf>, %select_n3A_391, %reduce_min3A_469 [1] : vector<128x4096xf32> to vector<128xf32>
    %broadcast_in_dim3A_471 = vector.shape_cast %reduce_min3A_470 : vector<128xf32> to vector<128x1xf32>
    %eq3A_472 = vector.broadcast %broadcast_in_dim3A_471 : vector<128x1xf32> to vector<128x4096xf32>
    %eq3A_473 = arith.cmpf oeq, %select_n3A_391, %eq3A_472 : vector<128x4096xf32>
    %jit3A_474 = arith.constant 1073741824 : i32
    %broadcast_in_dim3A_475 = vector.broadcast %jit3A_474 : i32 to vector<128x4096xi32>
    %select_n3A_476 = arith.select %eq3A_473, %iota3A, %broadcast_in_dim3A_475 : vector<128x4096xi1>, vector<128x4096xi32>
    %reduce_min3A_477 = arith.constant dense<2147483647> : vector<128xi32>
    %reduce_min3A_478 = vector.multi_reduction <minsi>, %select_n3A_476, %reduce_min3A_477 [1] : vector<128x4096xi32> to vector<128xi32>
    %broadcast_in_dim3A_479 = vector.shape_cast %reduce_min3A_478 : vector<128xi32> to vector<128x1xi32>
    %eq3A_480 = vector.broadcast %broadcast_in_dim3A_479 : vector<128x1xi32> to vector<128x4096xi32>
    %eq3A_481 = arith.cmpi eq, %iota3A, %eq3A_480 : vector<128x4096xi32>
    %jit3A_482 = arith.constant 1.000000e+30 : f32
    %broadcast_in_dim3A_483 = vector.broadcast %jit3A_482 : f32 to vector<128x4096xf32>
    %select_n3A_484 = arith.select %eq3A_481, %broadcast_in_dim3A_483, %select_n3A_391 : vector<128x4096xi1>, vector<128x4096xf32>
    %jit3A_485 = arith.constant 0.000000e+00 : f32
    %broadcast_in_dim3A_486 = vector.shape_cast %get3A_3 : vector<1x4096xf32> to vector<1x4096xf32>
    %broadcast_in_dim3A_487 = vector.broadcast %broadcast_in_dim3A_486 : vector<1x4096xf32> to vector<128x4096xf32>
    %broadcast_in_dim3A_488 = vector.broadcast %jit3A_485 : f32 to vector<128x4096xf32>
    %select_n3A_489 = arith.select %eq3A_481, %broadcast_in_dim3A_487, %broadcast_in_dim3A_488 : vector<128x4096xi1>, vector<128x4096xf32>
    %reduce_sum3A_490 = arith.constant dense<0.000000e+00> : vector<128xf32>
    %reduce_sum3A_491 = vector.multi_reduction <add>, %select_n3A_489, %reduce_sum3A_490 [1] : vector<128x4096xf32> to vector<128xf32>
    %broadcast_in_dim3A_492 = vector.shape_cast %reduce_sum3A_491 : vector<128xf32> to vector<128x1xf32>
    %jit3A_493 = arith.constant 0.000000e+00 : f32
    %broadcast_in_dim3A_494 = vector.shape_cast %get3A_8 : vector<1x4096xf32> to vector<1x4096xf32>
    %broadcast_in_dim3A_495 = vector.broadcast %broadcast_in_dim3A_494 : vector<1x4096xf32> to vector<128x4096xf32>
    %broadcast_in_dim3A_496 = vector.broadcast %jit3A_493 : f32 to vector<128x4096xf32>
    %select_n3A_497 = arith.select %eq3A_481, %broadcast_in_dim3A_495, %broadcast_in_dim3A_496 : vector<128x4096xi1>, vector<128x4096xf32>
    %reduce_sum3A_498 = arith.constant dense<0.000000e+00> : vector<128xf32>
    %reduce_sum3A_499 = vector.multi_reduction <add>, %select_n3A_497, %reduce_sum3A_498 [1] : vector<128x4096xf32> to vector<128xf32>
    %broadcast_in_dim3A_500 = vector.shape_cast %reduce_sum3A_499 : vector<128xf32> to vector<128x1xf32>
    %jit3A_501 = arith.constant 0.000000e+00 : f32
    %broadcast_in_dim3A_502 = vector.shape_cast %get3A_13 : vector<1x4096xf32> to vector<1x4096xf32>
    %broadcast_in_dim3A_503 = vector.broadcast %broadcast_in_dim3A_502 : vector<1x4096xf32> to vector<128x4096xf32>
    %broadcast_in_dim3A_504 = vector.broadcast %jit3A_501 : f32 to vector<128x4096xf32>
    %select_n3A_505 = arith.select %eq3A_481, %broadcast_in_dim3A_503, %broadcast_in_dim3A_504 : vector<128x4096xi1>, vector<128x4096xf32>
    %reduce_sum3A_506 = arith.constant dense<0.000000e+00> : vector<128xf32>
    %reduce_sum3A_507 = vector.multi_reduction <add>, %select_n3A_505, %reduce_sum3A_506 [1] : vector<128x4096xf32> to vector<128xf32>
    %broadcast_in_dim3A_508 = vector.shape_cast %reduce_sum3A_507 : vector<128xf32> to vector<128x1xf32>
    %concatenate3A_509 = tpu.concatenate %broadcast_in_dim3A_492, %broadcast_in_dim3A_500, %broadcast_in_dim3A_508 in 1 : vector<128x1xf32>, vector<128x1xf32>, vector<128x1xf32> -> vector<128x3xf32>
    %swap3A_510 = arith.constant 0 : index
    %swap3A_511 = arith.constant 512 : index
    %swap3A_512 = arith.constant 0 : index
    %swap3A_513 = vector.load %arg12[%swap3A_510, %swap3A_511, %swap3A_512] : memref<1x4096x3xf32, #tpu.memory_space<vmem>>, vector<1x128x3xf32>
    %swap3A_514 = vector.shape_cast %swap3A_513 : vector<1x128x3xf32> to vector<128x3xf32>
    %swap3A_515 = vector.shape_cast %concatenate3A_509 : vector<128x3xf32> to vector<1x128x3xf32>
    tpu.vector_store %arg12[%swap3A_510, %swap3A_511, %swap3A_512], %swap3A_515 {strides = array<i32>} : memref<1x4096x3xf32, #tpu.memory_space<vmem>>, vector<1x128x3xf32>,
    %add3A_516 = arith.addf %add3A_423, %broadcast_in_dim3A_492 : vector<128x1xf32>
    %add3A_517 = arith.addf %add3A_424, %broadcast_in_dim3A_500 : vector<128x1xf32>
    %add3A_518 = arith.addf %add3A_425, %broadcast_in_dim3A_508 : vector<128x1xf32>
    %sub3A_519 = arith.subf %broadcast_in_dim3A_492, %broadcast_in_dim3A_21 : vector<128x1xf32>
    %get3A_520 = arith.constant 0 : index
    %get3A_521 = arith.constant 0 : index
    %get3A_522 = vector.load %arg7[%get3A_520, %get3A_521] : memref<3x128xf32, #tpu.memory_space<vmem>>, vector<1x128xf32>
    %mul3A_523 = vector.broadcast %sub3A_519 : vector<128x1xf32> to vector<128x128xf32>
    %mul3A_524 = vector.broadcast %get3A_522 : vector<1x128xf32> to vector<128x128xf32>
    %mul3A_525 = arith.mulf %mul3A_523, %mul3A_524 : vector<128x128xf32>
    %sub3A_526 = arith.subf %broadcast_in_dim3A_500, %broadcast_in_dim3A_29 : vector<128x1xf32>
    %get3A_527 = arith.constant 1 : index
    %get3A_528 = arith.constant 0 : index
    %get3A_529 = vector.load %arg7[%get3A_527, %get3A_528] : memref<3x128xf32, #tpu.memory_space<vmem>>, vector<1x128xf32>
    %mul3A_530 = vector.broadcast %sub3A_526 : vector<128x1xf32> to vector<128x128xf32>
    %mul3A_531 = vector.broadcast %get3A_529 : vector<1x128xf32> to vector<128x128xf32>
    %mul3A_532 = arith.mulf %mul3A_530, %mul3A_531 : vector<128x128xf32>
    %add3A_533 = arith.addf %mul3A_525, %mul3A_532 : vector<128x128xf32>
    %sub3A_534 = arith.subf %broadcast_in_dim3A_508, %broadcast_in_dim3A_37 : vector<128x1xf32>
    %get3A_535 = arith.constant 2 : index
    %get3A_536 = arith.constant 0 : index
    %get3A_537 = vector.load %arg7[%get3A_535, %get3A_536] : memref<3x128xf32, #tpu.memory_space<vmem>>, vector<1x128xf32>
    %mul3A_538 = vector.broadcast %sub3A_534 : vector<128x1xf32> to vector<128x128xf32>
    %mul3A_539 = vector.broadcast %get3A_537 : vector<1x128xf32> to vector<128x128xf32>
    %mul3A_540 = arith.mulf %mul3A_538, %mul3A_539 : vector<128x128xf32>
    %add3A_541 = arith.addf %add3A_533, %mul3A_540 : vector<128x128xf32>
    %add3A_542 = arith.addf %add3A_541, %add3A_81 : vector<128x128xf32>
    %max3A_543 = arith.constant 0.000000e+00 : f32
    %max3A_544 = vector.broadcast %max3A_543 : f32 to vector<128x128xf32>
    %max3A_545 = arith.maximumf %add3A_542, %max3A_544 : vector<128x128xf32>
    %get3A_546 = arith.constant 0 : index
    %get3A_547 = arith.constant 0 : index
    %get3A_548 = vector.load %arg10[%get3A_546, %get3A_547] : memref<128x3xf32, #tpu.memory_space<vmem>>, vector<128x3xf32>
    %dot_general3A_549 = arith.constant dense<0.000000e+00> : vector<128x3xf32>
    %dot_general3A_550 = tpu.matmul %max3A_545, %get3A_548, %dot_general3A_549 {dimension_numbers = #tpu.dot_dimension_numbers<[1], [0], [0], [1], [0, 0, 1, 1], [], []>, transpose_lhs_hint = false} : vector<128x128xf32>, vector<128x3xf32>, vector<128x3xf32> -> vector<128x3xf32>
    %get3A_551 = arith.constant 0 : index
    %get3A_552 = arith.constant 0 : index
    %get3A_553 = vector.load %arg11[%get3A_551, %get3A_552] : memref<1x3xf32, #tpu.memory_space<vmem>>, vector<1x3xf32>
    %add3A_554 = vector.broadcast %get3A_553 : vector<1x3xf32> to vector<128x3xf32>
    %add3A_555 = arith.addf %dot_general3A_550, %add3A_554 : vector<128x3xf32>
    %swap3A_556 = arith.constant 0 : index
    %swap3A_557 = arith.constant 512 : index
    %swap3A_558 = arith.constant 0 : index
    %swap3A_559 = vector.load %arg13[%swap3A_556, %swap3A_557, %swap3A_558] : memref<1x4096x3xf32, #tpu.memory_space<vmem>>, vector<1x128x3xf32>
    %swap3A_560 = vector.shape_cast %swap3A_559 : vector<1x128x3xf32> to vector<128x3xf32>
    %swap3A_561 = vector.shape_cast %add3A_555 : vector<128x3xf32> to vector<1x128x3xf32>
    tpu.vector_store %arg13[%swap3A_556, %swap3A_557, %swap3A_558], %swap3A_561 {strides = array<i32>} : memref<1x4096x3xf32, #tpu.memory_space<vmem>>, vector<1x128x3xf32>,
    %reduce_min3A_562 = arith.constant dense<0x7F800000> : vector<128xf32>
    %reduce_min3A_563 = vector.multi_reduction <minimumf>, %select_n3A_484, %reduce_min3A_562 [1] : vector<128x4096xf32> to vector<128xf32>
    %broadcast_in_dim3A_564 = vector.shape_cast %reduce_min3A_563 : vector<128xf32> to vector<128x1xf32>
    %eq3A_565 = vector.broadcast %broadcast_in_dim3A_564 : vector<128x1xf32> to vector<128x4096xf32>
    %eq3A_566 = arith.cmpf oeq, %select_n3A_484, %eq3A_565 : vector<128x4096xf32>
    %jit3A_567 = arith.constant 1073741824 : i32
    %broadcast_in_dim3A_568 = vector.broadcast %jit3A_567 : i32 to vector<128x4096xi32>
    %select_n3A_569 = arith.select %eq3A_566, %iota3A, %broadcast_in_dim3A_568 : vector<128x4096xi1>, vector<128x4096xi32>
    %reduce_min3A_570 = arith.constant dense<2147483647> : vector<128xi32>
    %reduce_min3A_571 = vector.multi_reduction <minsi>, %select_n3A_569, %reduce_min3A_570 [1] : vector<128x4096xi32> to vector<128xi32>
    %broadcast_in_dim3A_572 = vector.shape_cast %reduce_min3A_571 : vector<128xi32> to vector<128x1xi32>
    %eq3A_573 = vector.broadcast %broadcast_in_dim3A_572 : vector<128x1xi32> to vector<128x4096xi32>
    %eq3A_574 = arith.cmpi eq, %iota3A, %eq3A_573 : vector<128x4096xi32>
    %jit3A_575 = arith.constant 1.000000e+30 : f32
    %broadcast_in_dim3A_576 = vector.broadcast %jit3A_575 : f32 to vector<128x4096xf32>
    %select_n3A_577 = arith.select %eq3A_574, %broadcast_in_dim3A_576, %select_n3A_484 : vector<128x4096xi1>, vector<128x4096xf32>
    %jit3A_578 = arith.constant 0.000000e+00 : f32
    %broadcast_in_dim3A_579 = vector.shape_cast %get3A_3 : vector<1x4096xf32> to vector<1x4096xf32>
    %broadcast_in_dim3A_580 = vector.broadcast %broadcast_in_dim3A_579 : vector<1x4096xf32> to vector<128x4096xf32>
    %broadcast_in_dim3A_581 = vector.broadcast %jit3A_578 : f32 to vector<128x4096xf32>
    %select_n3A_582 = arith.select %eq3A_574, %broadcast_in_dim3A_580, %broadcast_in_dim3A_581 : vector<128x4096xi1>, vector<128x4096xf32>
    %reduce_sum3A_583 = arith.constant dense<0.000000e+00> : vector<128xf32>
    %reduce_sum3A_584 = vector.multi_reduction <add>, %select_n3A_582, %reduce_sum3A_583 [1] : vector<128x4096xf32> to vector<128xf32>
    %broadcast_in_dim3A_585 = vector.shape_cast %reduce_sum3A_584 : vector<128xf32> to vector<128x1xf32>
    %jit3A_586 = arith.constant 0.000000e+00 : f32
    %broadcast_in_dim3A_587 = vector.shape_cast %get3A_8 : vector<1x4096xf32> to vector<1x4096xf32>
    %broadcast_in_dim3A_588 = vector.broadcast %broadcast_in_dim3A_587 : vector<1x4096xf32> to vector<128x4096xf32>
    %broadcast_in_dim3A_589 = vector.broadcast %jit3A_586 : f32 to vector<128x4096xf32>
    %select_n3A_590 = arith.select %eq3A_574, %broadcast_in_dim3A_588, %broadcast_in_dim3A_589 : vector<128x4096xi1>, vector<128x4096xf32>
    %reduce_sum3A_591 = arith.constant dense<0.000000e+00> : vector<128xf32>
    %reduce_sum3A_592 = vector.multi_reduction <add>, %select_n3A_590, %reduce_sum3A_591 [1] : vector<128x4096xf32> to vector<128xf32>
    %broadcast_in_dim3A_593 = vector.shape_cast %reduce_sum3A_592 : vector<128xf32> to vector<128x1xf32>
    %jit3A_594 = arith.constant 0.000000e+00 : f32
    %broadcast_in_dim3A_595 = vector.shape_cast %get3A_13 : vector<1x4096xf32> to vector<1x4096xf32>
    %broadcast_in_dim3A_596 = vector.broadcast %broadcast_in_dim3A_595 : vector<1x4096xf32> to vector<128x4096xf32>
    %broadcast_in_dim3A_597 = vector.broadcast %jit3A_594 : f32 to vector<128x4096xf32>
    %select_n3A_598 = arith.select %eq3A_574, %broadcast_in_dim3A_596, %broadcast_in_dim3A_597 : vector<128x4096xi1>, vector<128x4096xf32>
    %reduce_sum3A_599 = arith.constant dense<0.000000e+00> : vector<128xf32>
    %reduce_sum3A_600 = vector.multi_reduction <add>, %select_n3A_598, %reduce_sum3A_599 [1] : vector<128x4096xf32> to vector<128xf32>
    %broadcast_in_dim3A_601 = vector.shape_cast %reduce_sum3A_600 : vector<128xf32> to vector<128x1xf32>
    %concatenate3A_602 = tpu.concatenate %broadcast_in_dim3A_585, %broadcast_in_dim3A_593, %broadcast_in_dim3A_601 in 1 : vector<128x1xf32>, vector<128x1xf32>, vector<128x1xf32> -> vector<128x3xf32>
    %swap3A_603 = arith.constant 0 : index
    %swap3A_604 = arith.constant 640 : index
    %swap3A_605 = arith.constant 0 : index
    %swap3A_606 = vector.load %arg12[%swap3A_603, %swap3A_604, %swap3A_605] : memref<1x4096x3xf32, #tpu.memory_space<vmem>>, vector<1x128x3xf32>
    %swap3A_607 = vector.shape_cast %swap3A_606 : vector<1x128x3xf32> to vector<128x3xf32>
    %swap3A_608 = vector.shape_cast %concatenate3A_602 : vector<128x3xf32> to vector<1x128x3xf32>
    tpu.vector_store %arg12[%swap3A_603, %swap3A_604, %swap3A_605], %swap3A_608 {strides = array<i32>} : memref<1x4096x3xf32, #tpu.memory_space<vmem>>, vector<1x128x3xf32>,
    %add3A_609 = arith.addf %add3A_516, %broadcast_in_dim3A_585 : vector<128x1xf32>
    %add3A_610 = arith.addf %add3A_517, %broadcast_in_dim3A_593 : vector<128x1xf32>
    %add3A_611 = arith.addf %add3A_518, %broadcast_in_dim3A_601 : vector<128x1xf32>
    %sub3A_612 = arith.subf %broadcast_in_dim3A_585, %broadcast_in_dim3A_21 : vector<128x1xf32>
    %get3A_613 = arith.constant 0 : index
    %get3A_614 = arith.constant 0 : index
    %get3A_615 = vector.load %arg7[%get3A_613, %get3A_614] : memref<3x128xf32, #tpu.memory_space<vmem>>, vector<1x128xf32>
    %mul3A_616 = vector.broadcast %sub3A_612 : vector<128x1xf32> to vector<128x128xf32>
    %mul3A_617 = vector.broadcast %get3A_615 : vector<1x128xf32> to vector<128x128xf32>
    %mul3A_618 = arith.mulf %mul3A_616, %mul3A_617 : vector<128x128xf32>
    %sub3A_619 = arith.subf %broadcast_in_dim3A_593, %broadcast_in_dim3A_29 : vector<128x1xf32>
    %get3A_620 = arith.constant 1 : index
    %get3A_621 = arith.constant 0 : index
    %get3A_622 = vector.load %arg7[%get3A_620, %get3A_621] : memref<3x128xf32, #tpu.memory_space<vmem>>, vector<1x128xf32>
    %mul3A_623 = vector.broadcast %sub3A_619 : vector<128x1xf32> to vector<128x128xf32>
    %mul3A_624 = vector.broadcast %get3A_622 : vector<1x128xf32> to vector<128x128xf32>
    %mul3A_625 = arith.mulf %mul3A_623, %mul3A_624 : vector<128x128xf32>
    %add3A_626 = arith.addf %mul3A_618, %mul3A_625 : vector<128x128xf32>
    %sub3A_627 = arith.subf %broadcast_in_dim3A_601, %broadcast_in_dim3A_37 : vector<128x1xf32>
    %get3A_628 = arith.constant 2 : index
    %get3A_629 = arith.constant 0 : index
    %get3A_630 = vector.load %arg7[%get3A_628, %get3A_629] : memref<3x128xf32, #tpu.memory_space<vmem>>, vector<1x128xf32>
    %mul3A_631 = vector.broadcast %sub3A_627 : vector<128x1xf32> to vector<128x128xf32>
    %mul3A_632 = vector.broadcast %get3A_630 : vector<1x128xf32> to vector<128x128xf32>
    %mul3A_633 = arith.mulf %mul3A_631, %mul3A_632 : vector<128x128xf32>
    %add3A_634 = arith.addf %add3A_626, %mul3A_633 : vector<128x128xf32>
    %add3A_635 = arith.addf %add3A_634, %add3A_81 : vector<128x128xf32>
    %max3A_636 = arith.constant 0.000000e+00 : f32
    %max3A_637 = vector.broadcast %max3A_636 : f32 to vector<128x128xf32>
    %max3A_638 = arith.maximumf %add3A_635, %max3A_637 : vector<128x128xf32>
    %get3A_639 = arith.constant 0 : index
    %get3A_640 = arith.constant 0 : index
    %get3A_641 = vector.load %arg10[%get3A_639, %get3A_640] : memref<128x3xf32, #tpu.memory_space<vmem>>, vector<128x3xf32>
    %dot_general3A_642 = arith.constant dense<0.000000e+00> : vector<128x3xf32>
    %dot_general3A_643 = tpu.matmul %max3A_638, %get3A_641, %dot_general3A_642 {dimension_numbers = #tpu.dot_dimension_numbers<[1], [0], [0], [1], [0, 0, 1, 1], [], []>, transpose_lhs_hint = false} : vector<128x128xf32>, vector<128x3xf32>, vector<128x3xf32> -> vector<128x3xf32>
    %get3A_644 = arith.constant 0 : index
    %get3A_645 = arith.constant 0 : index
    %get3A_646 = vector.load %arg11[%get3A_644, %get3A_645] : memref<1x3xf32, #tpu.memory_space<vmem>>, vector<1x3xf32>
    %add3A_647 = vector.broadcast %get3A_646 : vector<1x3xf32> to vector<128x3xf32>
    %add3A_648 = arith.addf %dot_general3A_643, %add3A_647 : vector<128x3xf32>
    %swap3A_649 = arith.constant 0 : index
    %swap3A_650 = arith.constant 640 : index
    %swap3A_651 = arith.constant 0 : index
    %swap3A_652 = vector.load %arg13[%swap3A_649, %swap3A_650, %swap3A_651] : memref<1x4096x3xf32, #tpu.memory_space<vmem>>, vector<1x128x3xf32>
    %swap3A_653 = vector.shape_cast %swap3A_652 : vector<1x128x3xf32> to vector<128x3xf32>
    %swap3A_654 = vector.shape_cast %add3A_648 : vector<128x3xf32> to vector<1x128x3xf32>
    tpu.vector_store %arg13[%swap3A_649, %swap3A_650, %swap3A_651], %swap3A_654 {strides = array<i32>} : memref<1x4096x3xf32, #tpu.memory_space<vmem>>, vector<1x128x3xf32>,
    %reduce_min3A_655 = arith.constant dense<0x7F800000> : vector<128xf32>
    %reduce_min3A_656 = vector.multi_reduction <minimumf>, %select_n3A_577, %reduce_min3A_655 [1] : vector<128x4096xf32> to vector<128xf32>
    %broadcast_in_dim3A_657 = vector.shape_cast %reduce_min3A_656 : vector<128xf32> to vector<128x1xf32>
    %eq3A_658 = vector.broadcast %broadcast_in_dim3A_657 : vector<128x1xf32> to vector<128x4096xf32>
    %eq3A_659 = arith.cmpf oeq, %select_n3A_577, %eq3A_658 : vector<128x4096xf32>
    %jit3A_660 = arith.constant 1073741824 : i32
    %broadcast_in_dim3A_661 = vector.broadcast %jit3A_660 : i32 to vector<128x4096xi32>
    %select_n3A_662 = arith.select %eq3A_659, %iota3A, %broadcast_in_dim3A_661 : vector<128x4096xi1>, vector<128x4096xi32>
    %reduce_min3A_663 = arith.constant dense<2147483647> : vector<128xi32>
    %reduce_min3A_664 = vector.multi_reduction <minsi>, %select_n3A_662, %reduce_min3A_663 [1] : vector<128x4096xi32> to vector<128xi32>
    %broadcast_in_dim3A_665 = vector.shape_cast %reduce_min3A_664 : vector<128xi32> to vector<128x1xi32>
    %eq3A_666 = vector.broadcast %broadcast_in_dim3A_665 : vector<128x1xi32> to vector<128x4096xi32>
    %eq3A_667 = arith.cmpi eq, %iota3A, %eq3A_666 : vector<128x4096xi32>
    %jit3A_668 = arith.constant 1.000000e+30 : f32
    %broadcast_in_dim3A_669 = vector.broadcast %jit3A_668 : f32 to vector<128x4096xf32>
    %select_n3A_670 = arith.select %eq3A_667, %broadcast_in_dim3A_669, %select_n3A_577 : vector<128x4096xi1>, vector<128x4096xf32>
    %jit3A_671 = arith.constant 0.000000e+00 : f32
    %broadcast_in_dim3A_672 = vector.shape_cast %get3A_3 : vector<1x4096xf32> to vector<1x4096xf32>
    %broadcast_in_dim3A_673 = vector.broadcast %broadcast_in_dim3A_672 : vector<1x4096xf32> to vector<128x4096xf32>
    %broadcast_in_dim3A_674 = vector.broadcast %jit3A_671 : f32 to vector<128x4096xf32>
    %select_n3A_675 = arith.select %eq3A_667, %broadcast_in_dim3A_673, %broadcast_in_dim3A_674 : vector<128x4096xi1>, vector<128x4096xf32>
    %reduce_sum3A_676 = arith.constant dense<0.000000e+00> : vector<128xf32>
    %reduce_sum3A_677 = vector.multi_reduction <add>, %select_n3A_675, %reduce_sum3A_676 [1] : vector<128x4096xf32> to vector<128xf32>
    %broadcast_in_dim3A_678 = vector.shape_cast %reduce_sum3A_677 : vector<128xf32> to vector<128x1xf32>
    %jit3A_679 = arith.constant 0.000000e+00 : f32
    %broadcast_in_dim3A_680 = vector.shape_cast %get3A_8 : vector<1x4096xf32> to vector<1x4096xf32>
    %broadcast_in_dim3A_681 = vector.broadcast %broadcast_in_dim3A_680 : vector<1x4096xf32> to vector<128x4096xf32>
    %broadcast_in_dim3A_682 = vector.broadcast %jit3A_679 : f32 to vector<128x4096xf32>
    %select_n3A_683 = arith.select %eq3A_667, %broadcast_in_dim3A_681, %broadcast_in_dim3A_682 : vector<128x4096xi1>, vector<128x4096xf32>
    %reduce_sum3A_684 = arith.constant dense<0.000000e+00> : vector<128xf32>
    %reduce_sum3A_685 = vector.multi_reduction <add>, %select_n3A_683, %reduce_sum3A_684 [1] : vector<128x4096xf32> to vector<128xf32>
    %broadcast_in_dim3A_686 = vector.shape_cast %reduce_sum3A_685 : vector<128xf32> to vector<128x1xf32>
    %jit3A_687 = arith.constant 0.000000e+00 : f32
    %broadcast_in_dim3A_688 = vector.shape_cast %get3A_13 : vector<1x4096xf32> to vector<1x4096xf32>
    %broadcast_in_dim3A_689 = vector.broadcast %broadcast_in_dim3A_688 : vector<1x4096xf32> to vector<128x4096xf32>
    %broadcast_in_dim3A_690 = vector.broadcast %jit3A_687 : f32 to vector<128x4096xf32>
    %select_n3A_691 = arith.select %eq3A_667, %broadcast_in_dim3A_689, %broadcast_in_dim3A_690 : vector<128x4096xi1>, vector<128x4096xf32>
    %reduce_sum3A_692 = arith.constant dense<0.000000e+00> : vector<128xf32>
    %reduce_sum3A_693 = vector.multi_reduction <add>, %select_n3A_691, %reduce_sum3A_692 [1] : vector<128x4096xf32> to vector<128xf32>
    %broadcast_in_dim3A_694 = vector.shape_cast %reduce_sum3A_693 : vector<128xf32> to vector<128x1xf32>
    %concatenate3A_695 = tpu.concatenate %broadcast_in_dim3A_678, %broadcast_in_dim3A_686, %broadcast_in_dim3A_694 in 1 : vector<128x1xf32>, vector<128x1xf32>, vector<128x1xf32> -> vector<128x3xf32>
    %swap3A_696 = arith.constant 0 : index
    %swap3A_697 = arith.constant 768 : index
    %swap3A_698 = arith.constant 0 : index
    %swap3A_699 = vector.load %arg12[%swap3A_696, %swap3A_697, %swap3A_698] : memref<1x4096x3xf32, #tpu.memory_space<vmem>>, vector<1x128x3xf32>
    %swap3A_700 = vector.shape_cast %swap3A_699 : vector<1x128x3xf32> to vector<128x3xf32>
    %swap3A_701 = vector.shape_cast %concatenate3A_695 : vector<128x3xf32> to vector<1x128x3xf32>
    tpu.vector_store %arg12[%swap3A_696, %swap3A_697, %swap3A_698], %swap3A_701 {strides = array<i32>} : memref<1x4096x3xf32, #tpu.memory_space<vmem>>, vector<1x128x3xf32>,
    %add3A_702 = arith.addf %add3A_609, %broadcast_in_dim3A_678 : vector<128x1xf32>
    %add3A_703 = arith.addf %add3A_610, %broadcast_in_dim3A_686 : vector<128x1xf32>
    %add3A_704 = arith.addf %add3A_611, %broadcast_in_dim3A_694 : vector<128x1xf32>
    %sub3A_705 = arith.subf %broadcast_in_dim3A_678, %broadcast_in_dim3A_21 : vector<128x1xf32>
    %get3A_706 = arith.constant 0 : index
    %get3A_707 = arith.constant 0 : index
    %get3A_708 = vector.load %arg7[%get3A_706, %get3A_707] : memref<3x128xf32, #tpu.memory_space<vmem>>, vector<1x128xf32>
    %mul3A_709 = vector.broadcast %sub3A_705 : vector<128x1xf32> to vector<128x128xf32>
    %mul3A_710 = vector.broadcast %get3A_708 : vector<1x128xf32> to vector<128x128xf32>
    %mul3A_711 = arith.mulf %mul3A_709, %mul3A_710 : vector<128x128xf32>
    %sub3A_712 = arith.subf %broadcast_in_dim3A_686, %broadcast_in_dim3A_29 : vector<128x1xf32>
    %get3A_713 = arith.constant 1 : index
    %get3A_714 = arith.constant 0 : index
    %get3A_715 = vector.load %arg7[%get3A_713, %get3A_714] : memref<3x128xf32, #tpu.memory_space<vmem>>, vector<1x128xf32>
    %mul3A_716 = vector.broadcast %sub3A_712 : vector<128x1xf32> to vector<128x128xf32>
    %mul3A_717 = vector.broadcast %get3A_715 : vector<1x128xf32> to vector<128x128xf32>
    %mul3A_718 = arith.mulf %mul3A_716, %mul3A_717 : vector<128x128xf32>
    %add3A_719 = arith.addf %mul3A_711, %mul3A_718 : vector<128x128xf32>
    %sub3A_720 = arith.subf %broadcast_in_dim3A_694, %broadcast_in_dim3A_37 : vector<128x1xf32>
    %get3A_721 = arith.constant 2 : index
    %get3A_722 = arith.constant 0 : index
    %get3A_723 = vector.load %arg7[%get3A_721, %get3A_722] : memref<3x128xf32, #tpu.memory_space<vmem>>, vector<1x128xf32>
    %mul3A_724 = vector.broadcast %sub3A_720 : vector<128x1xf32> to vector<128x128xf32>
    %mul3A_725 = vector.broadcast %get3A_723 : vector<1x128xf32> to vector<128x128xf32>
    %mul3A_726 = arith.mulf %mul3A_724, %mul3A_725 : vector<128x128xf32>
    %add3A_727 = arith.addf %add3A_719, %mul3A_726 : vector<128x128xf32>
    %add3A_728 = arith.addf %add3A_727, %add3A_81 : vector<128x128xf32>
    %max3A_729 = arith.constant 0.000000e+00 : f32
    %max3A_730 = vector.broadcast %max3A_729 : f32 to vector<128x128xf32>
    %max3A_731 = arith.maximumf %add3A_728, %max3A_730 : vector<128x128xf32>
    %get3A_732 = arith.constant 0 : index
    %get3A_733 = arith.constant 0 : index
    %get3A_734 = vector.load %arg10[%get3A_732, %get3A_733] : memref<128x3xf32, #tpu.memory_space<vmem>>, vector<128x3xf32>
    %dot_general3A_735 = arith.constant dense<0.000000e+00> : vector<128x3xf32>
    %dot_general3A_736 = tpu.matmul %max3A_731, %get3A_734, %dot_general3A_735 {dimension_numbers = #tpu.dot_dimension_numbers<[1], [0], [0], [1], [0, 0, 1, 1], [], []>, transpose_lhs_hint = false} : vector<128x128xf32>, vector<128x3xf32>, vector<128x3xf32> -> vector<128x3xf32>
    %get3A_737 = arith.constant 0 : index
    %get3A_738 = arith.constant 0 : index
    %get3A_739 = vector.load %arg11[%get3A_737, %get3A_738] : memref<1x3xf32, #tpu.memory_space<vmem>>, vector<1x3xf32>
    %add3A_740 = vector.broadcast %get3A_739 : vector<1x3xf32> to vector<128x3xf32>
    %add3A_741 = arith.addf %dot_general3A_736, %add3A_740 : vector<128x3xf32>
    %swap3A_742 = arith.constant 0 : index
    %swap3A_743 = arith.constant 768 : index
    %swap3A_744 = arith.constant 0 : index
    %swap3A_745 = vector.load %arg13[%swap3A_742, %swap3A_743, %swap3A_744] : memref<1x4096x3xf32, #tpu.memory_space<vmem>>, vector<1x128x3xf32>
    %swap3A_746 = vector.shape_cast %swap3A_745 : vector<1x128x3xf32> to vector<128x3xf32>
    %swap3A_747 = vector.shape_cast %add3A_741 : vector<128x3xf32> to vector<1x128x3xf32>
    tpu.vector_store %arg13[%swap3A_742, %swap3A_743, %swap3A_744], %swap3A_747 {strides = array<i32>} : memref<1x4096x3xf32, #tpu.memory_space<vmem>>, vector<1x128x3xf32>,
    %reduce_min3A_748 = arith.constant dense<0x7F800000> : vector<128xf32>
    %reduce_min3A_749 = vector.multi_reduction <minimumf>, %select_n3A_670, %reduce_min3A_748 [1] : vector<128x4096xf32> to vector<128xf32>
    %broadcast_in_dim3A_750 = vector.shape_cast %reduce_min3A_749 : vector<128xf32> to vector<128x1xf32>
    %eq3A_751 = vector.broadcast %broadcast_in_dim3A_750 : vector<128x1xf32> to vector<128x4096xf32>
    %eq3A_752 = arith.cmpf oeq, %select_n3A_670, %eq3A_751 : vector<128x4096xf32>
    %jit3A_753 = arith.constant 1073741824 : i32
    %broadcast_in_dim3A_754 = vector.broadcast %jit3A_753 : i32 to vector<128x4096xi32>
    %select_n3A_755 = arith.select %eq3A_752, %iota3A, %broadcast_in_dim3A_754 : vector<128x4096xi1>, vector<128x4096xi32>
    %reduce_min3A_756 = arith.constant dense<2147483647> : vector<128xi32>
    %reduce_min3A_757 = vector.multi_reduction <minsi>, %select_n3A_755, %reduce_min3A_756 [1] : vector<128x4096xi32> to vector<128xi32>
    %broadcast_in_dim3A_758 = vector.shape_cast %reduce_min3A_757 : vector<128xi32> to vector<128x1xi32>
    %eq3A_759 = vector.broadcast %broadcast_in_dim3A_758 : vector<128x1xi32> to vector<128x4096xi32>
    %eq3A_760 = arith.cmpi eq, %iota3A, %eq3A_759 : vector<128x4096xi32>
    %jit3A_761 = arith.constant 1.000000e+30 : f32
    %broadcast_in_dim3A_762 = vector.broadcast %jit3A_761 : f32 to vector<128x4096xf32>
    %select_n3A_763 = arith.select %eq3A_760, %broadcast_in_dim3A_762, %select_n3A_670 : vector<128x4096xi1>, vector<128x4096xf32>
    %jit3A_764 = arith.constant 0.000000e+00 : f32
    %broadcast_in_dim3A_765 = vector.shape_cast %get3A_3 : vector<1x4096xf32> to vector<1x4096xf32>
    %broadcast_in_dim3A_766 = vector.broadcast %broadcast_in_dim3A_765 : vector<1x4096xf32> to vector<128x4096xf32>
    %broadcast_in_dim3A_767 = vector.broadcast %jit3A_764 : f32 to vector<128x4096xf32>
    %select_n3A_768 = arith.select %eq3A_760, %broadcast_in_dim3A_766, %broadcast_in_dim3A_767 : vector<128x4096xi1>, vector<128x4096xf32>
    %reduce_sum3A_769 = arith.constant dense<0.000000e+00> : vector<128xf32>
    %reduce_sum3A_770 = vector.multi_reduction <add>, %select_n3A_768, %reduce_sum3A_769 [1] : vector<128x4096xf32> to vector<128xf32>
    %broadcast_in_dim3A_771 = vector.shape_cast %reduce_sum3A_770 : vector<128xf32> to vector<128x1xf32>
    %jit3A_772 = arith.constant 0.000000e+00 : f32
    %broadcast_in_dim3A_773 = vector.shape_cast %get3A_8 : vector<1x4096xf32> to vector<1x4096xf32>
    %broadcast_in_dim3A_774 = vector.broadcast %broadcast_in_dim3A_773 : vector<1x4096xf32> to vector<128x4096xf32>
    %broadcast_in_dim3A_775 = vector.broadcast %jit3A_772 : f32 to vector<128x4096xf32>
    %select_n3A_776 = arith.select %eq3A_760, %broadcast_in_dim3A_774, %broadcast_in_dim3A_775 : vector<128x4096xi1>, vector<128x4096xf32>
    %reduce_sum3A_777 = arith.constant dense<0.000000e+00> : vector<128xf32>
    %reduce_sum3A_778 = vector.multi_reduction <add>, %select_n3A_776, %reduce_sum3A_777 [1] : vector<128x4096xf32> to vector<128xf32>
    %broadcast_in_dim3A_779 = vector.shape_cast %reduce_sum3A_778 : vector<128xf32> to vector<128x1xf32>
    %jit3A_780 = arith.constant 0.000000e+00 : f32
    %broadcast_in_dim3A_781 = vector.shape_cast %get3A_13 : vector<1x4096xf32> to vector<1x4096xf32>
    %broadcast_in_dim3A_782 = vector.broadcast %broadcast_in_dim3A_781 : vector<1x4096xf32> to vector<128x4096xf32>
    %broadcast_in_dim3A_783 = vector.broadcast %jit3A_780 : f32 to vector<128x4096xf32>
    %select_n3A_784 = arith.select %eq3A_760, %broadcast_in_dim3A_782, %broadcast_in_dim3A_783 : vector<128x4096xi1>, vector<128x4096xf32>
    %reduce_sum3A_785 = arith.constant dense<0.000000e+00> : vector<128xf32>
    %reduce_sum3A_786 = vector.multi_reduction <add>, %select_n3A_784, %reduce_sum3A_785 [1] : vector<128x4096xf32> to vector<128xf32>
    %broadcast_in_dim3A_787 = vector.shape_cast %reduce_sum3A_786 : vector<128xf32> to vector<128x1xf32>
    %concatenate3A_788 = tpu.concatenate %broadcast_in_dim3A_771, %broadcast_in_dim3A_779, %broadcast_in_dim3A_787 in 1 : vector<128x1xf32>, vector<128x1xf32>, vector<128x1xf32> -> vector<128x3xf32>
    %swap3A_789 = arith.constant 0 : index
    %swap3A_790 = arith.constant 896 : index
    %swap3A_791 = arith.constant 0 : index
    %swap3A_792 = vector.load %arg12[%swap3A_789, %swap3A_790, %swap3A_791] : memref<1x4096x3xf32, #tpu.memory_space<vmem>>, vector<1x128x3xf32>
    %swap3A_793 = vector.shape_cast %swap3A_792 : vector<1x128x3xf32> to vector<128x3xf32>
    %swap3A_794 = vector.shape_cast %concatenate3A_788 : vector<128x3xf32> to vector<1x128x3xf32>
    tpu.vector_store %arg12[%swap3A_789, %swap3A_790, %swap3A_791], %swap3A_794 {strides = array<i32>} : memref<1x4096x3xf32, #tpu.memory_space<vmem>>, vector<1x128x3xf32>,
    %add3A_795 = arith.addf %add3A_702, %broadcast_in_dim3A_771 : vector<128x1xf32>
    %add3A_796 = arith.addf %add3A_703, %broadcast_in_dim3A_779 : vector<128x1xf32>
    %add3A_797 = arith.addf %add3A_704, %broadcast_in_dim3A_787 : vector<128x1xf32>
    %sub3A_798 = arith.subf %broadcast_in_dim3A_771, %broadcast_in_dim3A_21 : vector<128x1xf32>
    %get3A_799 = arith.constant 0 : index
    %get3A_800 = arith.constant 0 : index
    %get3A_801 = vector.load %arg7[%get3A_799, %get3A_800] : memref<3x128xf32, #tpu.memory_space<vmem>>, vector<1x128xf32>
    %mul3A_802 = vector.broadcast %sub3A_798 : vector<128x1xf32> to vector<128x128xf32>
    %mul3A_803 = vector.broadcast %get3A_801 : vector<1x128xf32> to vector<128x128xf32>
    %mul3A_804 = arith.mulf %mul3A_802, %mul3A_803 : vector<128x128xf32>
    %sub3A_805 = arith.subf %broadcast_in_dim3A_779, %broadcast_in_dim3A_29 : vector<128x1xf32>
    %get3A_806 = arith.constant 1 : index
    %get3A_807 = arith.constant 0 : index
    %get3A_808 = vector.load %arg7[%get3A_806, %get3A_807] : memref<3x128xf32, #tpu.memory_space<vmem>>, vector<1x128xf32>
    %mul3A_809 = vector.broadcast %sub3A_805 : vector<128x1xf32> to vector<128x128xf32>
    %mul3A_810 = vector.broadcast %get3A_808 : vector<1x128xf32> to vector<128x128xf32>
    %mul3A_811 = arith.mulf %mul3A_809, %mul3A_810 : vector<128x128xf32>
    %add3A_812 = arith.addf %mul3A_804, %mul3A_811 : vector<128x128xf32>
    %sub3A_813 = arith.subf %broadcast_in_dim3A_787, %broadcast_in_dim3A_37 : vector<128x1xf32>
    %get3A_814 = arith.constant 2 : index
    %get3A_815 = arith.constant 0 : index
    %get3A_816 = vector.load %arg7[%get3A_814, %get3A_815] : memref<3x128xf32, #tpu.memory_space<vmem>>, vector<1x128xf32>
    %mul3A_817 = vector.broadcast %sub3A_813 : vector<128x1xf32> to vector<128x128xf32>
    %mul3A_818 = vector.broadcast %get3A_816 : vector<1x128xf32> to vector<128x128xf32>
    %mul3A_819 = arith.mulf %mul3A_817, %mul3A_818 : vector<128x128xf32>
    %add3A_820 = arith.addf %add3A_812, %mul3A_819 : vector<128x128xf32>
    %add3A_821 = arith.addf %add3A_820, %add3A_81 : vector<128x128xf32>
    %max3A_822 = arith.constant 0.000000e+00 : f32
    %max3A_823 = vector.broadcast %max3A_822 : f32 to vector<128x128xf32>
    %max3A_824 = arith.maximumf %add3A_821, %max3A_823 : vector<128x128xf32>
    %get3A_825 = arith.constant 0 : index
    %get3A_826 = arith.constant 0 : index
    %get3A_827 = vector.load %arg10[%get3A_825, %get3A_826] : memref<128x3xf32, #tpu.memory_space<vmem>>, vector<128x3xf32>
    %dot_general3A_828 = arith.constant dense<0.000000e+00> : vector<128x3xf32>
    %dot_general3A_829 = tpu.matmul %max3A_824, %get3A_827, %dot_general3A_828 {dimension_numbers = #tpu.dot_dimension_numbers<[1], [0], [0], [1], [0, 0, 1, 1], [], []>, transpose_lhs_hint = false} : vector<128x128xf32>, vector<128x3xf32>, vector<128x3xf32> -> vector<128x3xf32>
    %get3A_830 = arith.constant 0 : index
    %get3A_831 = arith.constant 0 : index
    %get3A_832 = vector.load %arg11[%get3A_830, %get3A_831] : memref<1x3xf32, #tpu.memory_space<vmem>>, vector<1x3xf32>
    %add3A_833 = vector.broadcast %get3A_832 : vector<1x3xf32> to vector<128x3xf32>
    %add3A_834 = arith.addf %dot_general3A_829, %add3A_833 : vector<128x3xf32>
    %swap3A_835 = arith.constant 0 : index
    %swap3A_836 = arith.constant 896 : index
    %swap3A_837 = arith.constant 0 : index
    %swap3A_838 = vector.load %arg13[%swap3A_835, %swap3A_836, %swap3A_837] : memref<1x4096x3xf32, #tpu.memory_space<vmem>>, vector<1x128x3xf32>
    %swap3A_839 = vector.shape_cast %swap3A_838 : vector<1x128x3xf32> to vector<128x3xf32>
    %swap3A_840 = vector.shape_cast %add3A_834 : vector<128x3xf32> to vector<1x128x3xf32>
    tpu.vector_store %arg13[%swap3A_835, %swap3A_836, %swap3A_837], %swap3A_840 {strides = array<i32>} : memref<1x4096x3xf32, #tpu.memory_space<vmem>>, vector<1x128x3xf32>,
    %reduce_min3A_841 = arith.constant dense<0x7F800000> : vector<128xf32>
    %reduce_min3A_842 = vector.multi_reduction <minimumf>, %select_n3A_763, %reduce_min3A_841 [1] : vector<128x4096xf32> to vector<128xf32>
    %broadcast_in_dim3A_843 = vector.shape_cast %reduce_min3A_842 : vector<128xf32> to vector<128x1xf32>
    %eq3A_844 = vector.broadcast %broadcast_in_dim3A_843 : vector<128x1xf32> to vector<128x4096xf32>
    %eq3A_845 = arith.cmpf oeq, %select_n3A_763, %eq3A_844 : vector<128x4096xf32>
    %jit3A_846 = arith.constant 1073741824 : i32
    %broadcast_in_dim3A_847 = vector.broadcast %jit3A_846 : i32 to vector<128x4096xi32>
    %select_n3A_848 = arith.select %eq3A_845, %iota3A, %broadcast_in_dim3A_847 : vector<128x4096xi1>, vector<128x4096xi32>
    %reduce_min3A_849 = arith.constant dense<2147483647> : vector<128xi32>
    %reduce_min3A_850 = vector.multi_reduction <minsi>, %select_n3A_848, %reduce_min3A_849 [1] : vector<128x4096xi32> to vector<128xi32>
    %broadcast_in_dim3A_851 = vector.shape_cast %reduce_min3A_850 : vector<128xi32> to vector<128x1xi32>
    %eq3A_852 = vector.broadcast %broadcast_in_dim3A_851 : vector<128x1xi32> to vector<128x4096xi32>
    %eq3A_853 = arith.cmpi eq, %iota3A, %eq3A_852 : vector<128x4096xi32>
    %jit3A_854 = arith.constant 1.000000e+30 : f32
    %broadcast_in_dim3A_855 = vector.broadcast %jit3A_854 : f32 to vector<128x4096xf32>
    %select_n3A_856 = arith.select %eq3A_853, %broadcast_in_dim3A_855, %select_n3A_763 : vector<128x4096xi1>, vector<128x4096xf32>
    %jit3A_857 = arith.constant 0.000000e+00 : f32
    %broadcast_in_dim3A_858 = vector.shape_cast %get3A_3 : vector<1x4096xf32> to vector<1x4096xf32>
    %broadcast_in_dim3A_859 = vector.broadcast %broadcast_in_dim3A_858 : vector<1x4096xf32> to vector<128x4096xf32>
    %broadcast_in_dim3A_860 = vector.broadcast %jit3A_857 : f32 to vector<128x4096xf32>
    %select_n3A_861 = arith.select %eq3A_853, %broadcast_in_dim3A_859, %broadcast_in_dim3A_860 : vector<128x4096xi1>, vector<128x4096xf32>
    %reduce_sum3A_862 = arith.constant dense<0.000000e+00> : vector<128xf32>
    %reduce_sum3A_863 = vector.multi_reduction <add>, %select_n3A_861, %reduce_sum3A_862 [1] : vector<128x4096xf32> to vector<128xf32>
    %broadcast_in_dim3A_864 = vector.shape_cast %reduce_sum3A_863 : vector<128xf32> to vector<128x1xf32>
    %jit3A_865 = arith.constant 0.000000e+00 : f32
    %broadcast_in_dim3A_866 = vector.shape_cast %get3A_8 : vector<1x4096xf32> to vector<1x4096xf32>
    %broadcast_in_dim3A_867 = vector.broadcast %broadcast_in_dim3A_866 : vector<1x4096xf32> to vector<128x4096xf32>
    %broadcast_in_dim3A_868 = vector.broadcast %jit3A_865 : f32 to vector<128x4096xf32>
    %select_n3A_869 = arith.select %eq3A_853, %broadcast_in_dim3A_867, %broadcast_in_dim3A_868 : vector<128x4096xi1>, vector<128x4096xf32>
    %reduce_sum3A_870 = arith.constant dense<0.000000e+00> : vector<128xf32>
    %reduce_sum3A_871 = vector.multi_reduction <add>, %select_n3A_869, %reduce_sum3A_870 [1] : vector<128x4096xf32> to vector<128xf32>
    %broadcast_in_dim3A_872 = vector.shape_cast %reduce_sum3A_871 : vector<128xf32> to vector<128x1xf32>
    %jit3A_873 = arith.constant 0.000000e+00 : f32
    %broadcast_in_dim3A_874 = vector.shape_cast %get3A_13 : vector<1x4096xf32> to vector<1x4096xf32>
    %broadcast_in_dim3A_875 = vector.broadcast %broadcast_in_dim3A_874 : vector<1x4096xf32> to vector<128x4096xf32>
    %broadcast_in_dim3A_876 = vector.broadcast %jit3A_873 : f32 to vector<128x4096xf32>
    %select_n3A_877 = arith.select %eq3A_853, %broadcast_in_dim3A_875, %broadcast_in_dim3A_876 : vector<128x4096xi1>, vector<128x4096xf32>
    %reduce_sum3A_878 = arith.constant dense<0.000000e+00> : vector<128xf32>
    %reduce_sum3A_879 = vector.multi_reduction <add>, %select_n3A_877, %reduce_sum3A_878 [1] : vector<128x4096xf32> to vector<128xf32>
    %broadcast_in_dim3A_880 = vector.shape_cast %reduce_sum3A_879 : vector<128xf32> to vector<128x1xf32>
    %concatenate3A_881 = tpu.concatenate %broadcast_in_dim3A_864, %broadcast_in_dim3A_872, %broadcast_in_dim3A_880 in 1 : vector<128x1xf32>, vector<128x1xf32>, vector<128x1xf32> -> vector<128x3xf32>
    %swap3A_882 = arith.constant 0 : index
    %swap3A_883 = arith.constant 1024 : index
    %swap3A_884 = arith.constant 0 : index
    %swap3A_885 = vector.load %arg12[%swap3A_882, %swap3A_883, %swap3A_884] : memref<1x4096x3xf32, #tpu.memory_space<vmem>>, vector<1x128x3xf32>
    %swap3A_886 = vector.shape_cast %swap3A_885 : vector<1x128x3xf32> to vector<128x3xf32>
    %swap3A_887 = vector.shape_cast %concatenate3A_881 : vector<128x3xf32> to vector<1x128x3xf32>
    tpu.vector_store %arg12[%swap3A_882, %swap3A_883, %swap3A_884], %swap3A_887 {strides = array<i32>} : memref<1x4096x3xf32, #tpu.memory_space<vmem>>, vector<1x128x3xf32>,
    %add3A_888 = arith.addf %add3A_795, %broadcast_in_dim3A_864 : vector<128x1xf32>
    %add3A_889 = arith.addf %add3A_796, %broadcast_in_dim3A_872 : vector<128x1xf32>
    %add3A_890 = arith.addf %add3A_797, %broadcast_in_dim3A_880 : vector<128x1xf32>
    %sub3A_891 = arith.subf %broadcast_in_dim3A_864, %broadcast_in_dim3A_21 : vector<128x1xf32>
    %get3A_892 = arith.constant 0 : index
    %get3A_893 = arith.constant 0 : index
    %get3A_894 = vector.load %arg7[%get3A_892, %get3A_893] : memref<3x128xf32, #tpu.memory_space<vmem>>, vector<1x128xf32>
    %mul3A_895 = vector.broadcast %sub3A_891 : vector<128x1xf32> to vector<128x128xf32>
    %mul3A_896 = vector.broadcast %get3A_894 : vector<1x128xf32> to vector<128x128xf32>
    %mul3A_897 = arith.mulf %mul3A_895, %mul3A_896 : vector<128x128xf32>
    %sub3A_898 = arith.subf %broadcast_in_dim3A_872, %broadcast_in_dim3A_29 : vector<128x1xf32>
    %get3A_899 = arith.constant 1 : index
    %get3A_900 = arith.constant 0 : index
    %get3A_901 = vector.load %arg7[%get3A_899, %get3A_900] : memref<3x128xf32, #tpu.memory_space<vmem>>, vector<1x128xf32>
    %mul3A_902 = vector.broadcast %sub3A_898 : vector<128x1xf32> to vector<128x128xf32>
    %mul3A_903 = vector.broadcast %get3A_901 : vector<1x128xf32> to vector<128x128xf32>
    %mul3A_904 = arith.mulf %mul3A_902, %mul3A_903 : vector<128x128xf32>
    %add3A_905 = arith.addf %mul3A_897, %mul3A_904 : vector<128x128xf32>
    %sub3A_906 = arith.subf %broadcast_in_dim3A_880, %broadcast_in_dim3A_37 : vector<128x1xf32>
    %get3A_907 = arith.constant 2 : index
    %get3A_908 = arith.constant 0 : index
    %get3A_909 = vector.load %arg7[%get3A_907, %get3A_908] : memref<3x128xf32, #tpu.memory_space<vmem>>, vector<1x128xf32>
    %mul3A_910 = vector.broadcast %sub3A_906 : vector<128x1xf32> to vector<128x128xf32>
    %mul3A_911 = vector.broadcast %get3A_909 : vector<1x128xf32> to vector<128x128xf32>
    %mul3A_912 = arith.mulf %mul3A_910, %mul3A_911 : vector<128x128xf32>
    %add3A_913 = arith.addf %add3A_905, %mul3A_912 : vector<128x128xf32>
    %add3A_914 = arith.addf %add3A_913, %add3A_81 : vector<128x128xf32>
    %max3A_915 = arith.constant 0.000000e+00 : f32
    %max3A_916 = vector.broadcast %max3A_915 : f32 to vector<128x128xf32>
    %max3A_917 = arith.maximumf %add3A_914, %max3A_916 : vector<128x128xf32>
    %get3A_918 = arith.constant 0 : index
    %get3A_919 = arith.constant 0 : index
    %get3A_920 = vector.load %arg10[%get3A_918, %get3A_919] : memref<128x3xf32, #tpu.memory_space<vmem>>, vector<128x3xf32>
    %dot_general3A_921 = arith.constant dense<0.000000e+00> : vector<128x3xf32>
    %dot_general3A_922 = tpu.matmul %max3A_917, %get3A_920, %dot_general3A_921 {dimension_numbers = #tpu.dot_dimension_numbers<[1], [0], [0], [1], [0, 0, 1, 1], [], []>, transpose_lhs_hint = false} : vector<128x128xf32>, vector<128x3xf32>, vector<128x3xf32> -> vector<128x3xf32>
    %get3A_923 = arith.constant 0 : index
    %get3A_924 = arith.constant 0 : index
    %get3A_925 = vector.load %arg11[%get3A_923, %get3A_924] : memref<1x3xf32, #tpu.memory_space<vmem>>, vector<1x3xf32>
    %add3A_926 = vector.broadcast %get3A_925 : vector<1x3xf32> to vector<128x3xf32>
    %add3A_927 = arith.addf %dot_general3A_922, %add3A_926 : vector<128x3xf32>
    %swap3A_928 = arith.constant 0 : index
    %swap3A_929 = arith.constant 1024 : index
    %swap3A_930 = arith.constant 0 : index
    %swap3A_931 = vector.load %arg13[%swap3A_928, %swap3A_929, %swap3A_930] : memref<1x4096x3xf32, #tpu.memory_space<vmem>>, vector<1x128x3xf32>
    %swap3A_932 = vector.shape_cast %swap3A_931 : vector<1x128x3xf32> to vector<128x3xf32>
    %swap3A_933 = vector.shape_cast %add3A_927 : vector<128x3xf32> to vector<1x128x3xf32>
    tpu.vector_store %arg13[%swap3A_928, %swap3A_929, %swap3A_930], %swap3A_933 {strides = array<i32>} : memref<1x4096x3xf32, #tpu.memory_space<vmem>>, vector<1x128x3xf32>,
    %reduce_min3A_934 = arith.constant dense<0x7F800000> : vector<128xf32>
    %reduce_min3A_935 = vector.multi_reduction <minimumf>, %select_n3A_856, %reduce_min3A_934 [1] : vector<128x4096xf32> to vector<128xf32>
    %broadcast_in_dim3A_936 = vector.shape_cast %reduce_min3A_935 : vector<128xf32> to vector<128x1xf32>
    %eq3A_937 = vector.broadcast %broadcast_in_dim3A_936 : vector<128x1xf32> to vector<128x4096xf32>
    %eq3A_938 = arith.cmpf oeq, %select_n3A_856, %eq3A_937 : vector<128x4096xf32>
    %jit3A_939 = arith.constant 1073741824 : i32
    %broadcast_in_dim3A_940 = vector.broadcast %jit3A_939 : i32 to vector<128x4096xi32>
    %select_n3A_941 = arith.select %eq3A_938, %iota3A, %broadcast_in_dim3A_940 : vector<128x4096xi1>, vector<128x4096xi32>
    %reduce_min3A_942 = arith.constant dense<2147483647> : vector<128xi32>
    %reduce_min3A_943 = vector.multi_reduction <minsi>, %select_n3A_941, %reduce_min3A_942 [1] : vector<128x4096xi32> to vector<128xi32>
    %broadcast_in_dim3A_944 = vector.shape_cast %reduce_min3A_943 : vector<128xi32> to vector<128x1xi32>
    %eq3A_945 = vector.broadcast %broadcast_in_dim3A_944 : vector<128x1xi32> to vector<128x4096xi32>
    %eq3A_946 = arith.cmpi eq, %iota3A, %eq3A_945 : vector<128x4096xi32>
    %jit3A_947 = arith.constant 1.000000e+30 : f32
    %broadcast_in_dim3A_948 = vector.broadcast %jit3A_947 : f32 to vector<128x4096xf32>
    %select_n3A_949 = arith.select %eq3A_946, %broadcast_in_dim3A_948, %select_n3A_856 : vector<128x4096xi1>, vector<128x4096xf32>
    %jit3A_950 = arith.constant 0.000000e+00 : f32
    %broadcast_in_dim3A_951 = vector.shape_cast %get3A_3 : vector<1x4096xf32> to vector<1x4096xf32>
    %broadcast_in_dim3A_952 = vector.broadcast %broadcast_in_dim3A_951 : vector<1x4096xf32> to vector<128x4096xf32>
    %broadcast_in_dim3A_953 = vector.broadcast %jit3A_950 : f32 to vector<128x4096xf32>
    %select_n3A_954 = arith.select %eq3A_946, %broadcast_in_dim3A_952, %broadcast_in_dim3A_953 : vector<128x4096xi1>, vector<128x4096xf32>
    %reduce_sum3A_955 = arith.constant dense<0.000000e+00> : vector<128xf32>
    %reduce_sum3A_956 = vector.multi_reduction <add>, %select_n3A_954, %reduce_sum3A_955 [1] : vector<128x4096xf32> to vector<128xf32>
    %broadcast_in_dim3A_957 = vector.shape_cast %reduce_sum3A_956 : vector<128xf32> to vector<128x1xf32>
    %jit3A_958 = arith.constant 0.000000e+00 : f32
    %broadcast_in_dim3A_959 = vector.shape_cast %get3A_8 : vector<1x4096xf32> to vector<1x4096xf32>
    %broadcast_in_dim3A_960 = vector.broadcast %broadcast_in_dim3A_959 : vector<1x4096xf32> to vector<128x4096xf32>
    %broadcast_in_dim3A_961 = vector.broadcast %jit3A_958 : f32 to vector<128x4096xf32>
    %select_n3A_962 = arith.select %eq3A_946, %broadcast_in_dim3A_960, %broadcast_in_dim3A_961 : vector<128x4096xi1>, vector<128x4096xf32>
    %reduce_sum3A_963 = arith.constant dense<0.000000e+00> : vector<128xf32>
    %reduce_sum3A_964 = vector.multi_reduction <add>, %select_n3A_962, %reduce_sum3A_963 [1] : vector<128x4096xf32> to vector<128xf32>
    %broadcast_in_dim3A_965 = vector.shape_cast %reduce_sum3A_964 : vector<128xf32> to vector<128x1xf32>
    %jit3A_966 = arith.constant 0.000000e+00 : f32
    %broadcast_in_dim3A_967 = vector.shape_cast %get3A_13 : vector<1x4096xf32> to vector<1x4096xf32>
    %broadcast_in_dim3A_968 = vector.broadcast %broadcast_in_dim3A_967 : vector<1x4096xf32> to vector<128x4096xf32>
    %broadcast_in_dim3A_969 = vector.broadcast %jit3A_966 : f32 to vector<128x4096xf32>
    %select_n3A_970 = arith.select %eq3A_946, %broadcast_in_dim3A_968, %broadcast_in_dim3A_969 : vector<128x4096xi1>, vector<128x4096xf32>
    %reduce_sum3A_971 = arith.constant dense<0.000000e+00> : vector<128xf32>
    %reduce_sum3A_972 = vector.multi_reduction <add>, %select_n3A_970, %reduce_sum3A_971 [1] : vector<128x4096xf32> to vector<128xf32>
    %broadcast_in_dim3A_973 = vector.shape_cast %reduce_sum3A_972 : vector<128xf32> to vector<128x1xf32>
    %concatenate3A_974 = tpu.concatenate %broadcast_in_dim3A_957, %broadcast_in_dim3A_965, %broadcast_in_dim3A_973 in 1 : vector<128x1xf32>, vector<128x1xf32>, vector<128x1xf32> -> vector<128x3xf32>
    %swap3A_975 = arith.constant 0 : index
    %swap3A_976 = arith.constant 1152 : index
    %swap3A_977 = arith.constant 0 : index
    %swap3A_978 = vector.load %arg12[%swap3A_975, %swap3A_976, %swap3A_977] : memref<1x4096x3xf32, #tpu.memory_space<vmem>>, vector<1x128x3xf32>
    %swap3A_979 = vector.shape_cast %swap3A_978 : vector<1x128x3xf32> to vector<128x3xf32>
    %swap3A_980 = vector.shape_cast %concatenate3A_974 : vector<128x3xf32> to vector<1x128x3xf32>
    tpu.vector_store %arg12[%swap3A_975, %swap3A_976, %swap3A_977], %swap3A_980 {strides = array<i32>} : memref<1x4096x3xf32, #tpu.memory_space<vmem>>, vector<1x128x3xf32>,
    %add3A_981 = arith.addf %add3A_888, %broadcast_in_dim3A_957 : vector<128x1xf32>
    %add3A_982 = arith.addf %add3A_889, %broadcast_in_dim3A_965 : vector<128x1xf32>
    %add3A_983 = arith.addf %add3A_890, %broadcast_in_dim3A_973 : vector<128x1xf32>
    %sub3A_984 = arith.subf %broadcast_in_dim3A_957, %broadcast_in_dim3A_21 : vector<128x1xf32>
    %get3A_985 = arith.constant 0 : index
    %get3A_986 = arith.constant 0 : index
    %get3A_987 = vector.load %arg7[%get3A_985, %get3A_986] : memref<3x128xf32, #tpu.memory_space<vmem>>, vector<1x128xf32>
    %mul3A_988 = vector.broadcast %sub3A_984 : vector<128x1xf32> to vector<128x128xf32>
    %mul3A_989 = vector.broadcast %get3A_987 : vector<1x128xf32> to vector<128x128xf32>
    %mul3A_990 = arith.mulf %mul3A_988, %mul3A_989 : vector<128x128xf32>
    %sub3A_991 = arith.subf %broadcast_in_dim3A_965, %broadcast_in_dim3A_29 : vector<128x1xf32>
    %get3A_992 = arith.constant 1 : index
    %get3A_993 = arith.constant 0 : index
    %get3A_994 = vector.load %arg7[%get3A_992, %get3A_993] : memref<3x128xf32, #tpu.memory_space<vmem>>, vector<1x128xf32>
    %mul3A_995 = vector.broadcast %sub3A_991 : vector<128x1xf32> to vector<128x128xf32>
    %mul3A_996 = vector.broadcast %get3A_994 : vector<1x128xf32> to vector<128x128xf32>
    %mul3A_997 = arith.mulf %mul3A_995, %mul3A_996 : vector<128x128xf32>
    %add3A_998 = arith.addf %mul3A_990, %mul3A_997 : vector<128x128xf32>
    %sub3A_999 = arith.subf %broadcast_in_dim3A_973, %broadcast_in_dim3A_37 : vector<128x1xf32>
    %get3A_1000 = arith.constant 2 : index
    %get3A_1001 = arith.constant 0 : index
    %get3A_1002 = vector.load %arg7[%get3A_1000, %get3A_1001] : memref<3x128xf32, #tpu.memory_space<vmem>>, vector<1x128xf32>
    %mul3A_1003 = vector.broadcast %sub3A_999 : vector<128x1xf32> to vector<128x128xf32>
    %mul3A_1004 = vector.broadcast %get3A_1002 : vector<1x128xf32> to vector<128x128xf32>
    %mul3A_1005 = arith.mulf %mul3A_1003, %mul3A_1004 : vector<128x128xf32>
    %add3A_1006 = arith.addf %add3A_998, %mul3A_1005 : vector<128x128xf32>
    %add3A_1007 = arith.addf %add3A_1006, %add3A_81 : vector<128x128xf32>
    %max3A_1008 = arith.constant 0.000000e+00 : f32
    %max3A_1009 = vector.broadcast %max3A_1008 : f32 to vector<128x128xf32>
    %max3A_1010 = arith.maximumf %add3A_1007, %max3A_1009 : vector<128x128xf32>
    %get3A_1011 = arith.constant 0 : index
    %get3A_1012 = arith.constant 0 : index
    %get3A_1013 = vector.load %arg10[%get3A_1011, %get3A_1012] : memref<128x3xf32, #tpu.memory_space<vmem>>, vector<128x3xf32>
    %dot_general3A_1014 = arith.constant dense<0.000000e+00> : vector<128x3xf32>
    %dot_general3A_1015 = tpu.matmul %max3A_1010, %get3A_1013, %dot_general3A_1014 {dimension_numbers = #tpu.dot_dimension_numbers<[1], [0], [0], [1], [0, 0, 1, 1], [], []>, transpose_lhs_hint = false} : vector<128x128xf32>, vector<128x3xf32>, vector<128x3xf32> -> vector<128x3xf32>
    %get3A_1016 = arith.constant 0 : index
    %get3A_1017 = arith.constant 0 : index
    %get3A_1018 = vector.load %arg11[%get3A_1016, %get3A_1017] : memref<1x3xf32, #tpu.memory_space<vmem>>, vector<1x3xf32>
    %add3A_1019 = vector.broadcast %get3A_1018 : vector<1x3xf32> to vector<128x3xf32>
    %add3A_1020 = arith.addf %dot_general3A_1015, %add3A_1019 : vector<128x3xf32>
    %swap3A_1021 = arith.constant 0 : index
    %swap3A_1022 = arith.constant 1152 : index
    %swap3A_1023 = arith.constant 0 : index
    %swap3A_1024 = vector.load %arg13[%swap3A_1021, %swap3A_1022, %swap3A_1023] : memref<1x4096x3xf32, #tpu.memory_space<vmem>>, vector<1x128x3xf32>
    %swap3A_1025 = vector.shape_cast %swap3A_1024 : vector<1x128x3xf32> to vector<128x3xf32>
    %swap3A_1026 = vector.shape_cast %add3A_1020 : vector<128x3xf32> to vector<1x128x3xf32>
    tpu.vector_store %arg13[%swap3A_1021, %swap3A_1022, %swap3A_1023], %swap3A_1026 {strides = array<i32>} : memref<1x4096x3xf32, #tpu.memory_space<vmem>>, vector<1x128x3xf32>,
    %reduce_min3A_1027 = arith.constant dense<0x7F800000> : vector<128xf32>
    %reduce_min3A_1028 = vector.multi_reduction <minimumf>, %select_n3A_949, %reduce_min3A_1027 [1] : vector<128x4096xf32> to vector<128xf32>
    %broadcast_in_dim3A_1029 = vector.shape_cast %reduce_min3A_1028 : vector<128xf32> to vector<128x1xf32>
    %eq3A_1030 = vector.broadcast %broadcast_in_dim3A_1029 : vector<128x1xf32> to vector<128x4096xf32>
    %eq3A_1031 = arith.cmpf oeq, %select_n3A_949, %eq3A_1030 : vector<128x4096xf32>
    %jit3A_1032 = arith.constant 1073741824 : i32
    %broadcast_in_dim3A_1033 = vector.broadcast %jit3A_1032 : i32 to vector<128x4096xi32>
    %select_n3A_1034 = arith.select %eq3A_1031, %iota3A, %broadcast_in_dim3A_1033 : vector<128x4096xi1>, vector<128x4096xi32>
    %reduce_min3A_1035 = arith.constant dense<2147483647> : vector<128xi32>
    %reduce_min3A_1036 = vector.multi_reduction <minsi>, %select_n3A_1034, %reduce_min3A_1035 [1] : vector<128x4096xi32> to vector<128xi32>
    %broadcast_in_dim3A_1037 = vector.shape_cast %reduce_min3A_1036 : vector<128xi32> to vector<128x1xi32>
    %eq3A_1038 = vector.broadcast %broadcast_in_dim3A_1037 : vector<128x1xi32> to vector<128x4096xi32>
    %eq3A_1039 = arith.cmpi eq, %iota3A, %eq3A_1038 : vector<128x4096xi32>
    %jit3A_1040 = arith.constant 1.000000e+30 : f32
    %broadcast_in_dim3A_1041 = vector.broadcast %jit3A_1040 : f32 to vector<128x4096xf32>
    %select_n3A_1042 = arith.select %eq3A_1039, %broadcast_in_dim3A_1041, %select_n3A_949 : vector<128x4096xi1>, vector<128x4096xf32>
    %jit3A_1043 = arith.constant 0.000000e+00 : f32
    %broadcast_in_dim3A_1044 = vector.shape_cast %get3A_3 : vector<1x4096xf32> to vector<1x4096xf32>
    %broadcast_in_dim3A_1045 = vector.broadcast %broadcast_in_dim3A_1044 : vector<1x4096xf32> to vector<128x4096xf32>
    %broadcast_in_dim3A_1046 = vector.broadcast %jit3A_1043 : f32 to vector<128x4096xf32>
    %select_n3A_1047 = arith.select %eq3A_1039, %broadcast_in_dim3A_1045, %broadcast_in_dim3A_1046 : vector<128x4096xi1>, vector<128x4096xf32>
    %reduce_sum3A_1048 = arith.constant dense<0.000000e+00> : vector<128xf32>
    %reduce_sum3A_1049 = vector.multi_reduction <add>, %select_n3A_1047, %reduce_sum3A_1048 [1] : vector<128x4096xf32> to vector<128xf32>
    %broadcast_in_dim3A_1050 = vector.shape_cast %reduce_sum3A_1049 : vector<128xf32> to vector<128x1xf32>
    %jit3A_1051 = arith.constant 0.000000e+00 : f32
    %broadcast_in_dim3A_1052 = vector.shape_cast %get3A_8 : vector<1x4096xf32> to vector<1x4096xf32>
    %broadcast_in_dim3A_1053 = vector.broadcast %broadcast_in_dim3A_1052 : vector<1x4096xf32> to vector<128x4096xf32>
    %broadcast_in_dim3A_1054 = vector.broadcast %jit3A_1051 : f32 to vector<128x4096xf32>
    %select_n3A_1055 = arith.select %eq3A_1039, %broadcast_in_dim3A_1053, %broadcast_in_dim3A_1054 : vector<128x4096xi1>, vector<128x4096xf32>
    %reduce_sum3A_1056 = arith.constant dense<0.000000e+00> : vector<128xf32>
    %reduce_sum3A_1057 = vector.multi_reduction <add>, %select_n3A_1055, %reduce_sum3A_1056 [1] : vector<128x4096xf32> to vector<128xf32>
    %broadcast_in_dim3A_1058 = vector.shape_cast %reduce_sum3A_1057 : vector<128xf32> to vector<128x1xf32>
    %jit3A_1059 = arith.constant 0.000000e+00 : f32
    %broadcast_in_dim3A_1060 = vector.shape_cast %get3A_13 : vector<1x4096xf32> to vector<1x4096xf32>
    %broadcast_in_dim3A_1061 = vector.broadcast %broadcast_in_dim3A_1060 : vector<1x4096xf32> to vector<128x4096xf32>
    %broadcast_in_dim3A_1062 = vector.broadcast %jit3A_1059 : f32 to vector<128x4096xf32>
    %select_n3A_1063 = arith.select %eq3A_1039, %broadcast_in_dim3A_1061, %broadcast_in_dim3A_1062 : vector<128x4096xi1>, vector<128x4096xf32>
    %reduce_sum3A_1064 = arith.constant dense<0.000000e+00> : vector<128xf32>
    %reduce_sum3A_1065 = vector.multi_reduction <add>, %select_n3A_1063, %reduce_sum3A_1064 [1] : vector<128x4096xf32> to vector<128xf32>
    %broadcast_in_dim3A_1066 = vector.shape_cast %reduce_sum3A_1065 : vector<128xf32> to vector<128x1xf32>
    %concatenate3A_1067 = tpu.concatenate %broadcast_in_dim3A_1050, %broadcast_in_dim3A_1058, %broadcast_in_dim3A_1066 in 1 : vector<128x1xf32>, vector<128x1xf32>, vector<128x1xf32> -> vector<128x3xf32>
    %swap3A_1068 = arith.constant 0 : index
    %swap3A_1069 = arith.constant 1280 : index
    %swap3A_1070 = arith.constant 0 : index
    %swap3A_1071 = vector.load %arg12[%swap3A_1068, %swap3A_1069, %swap3A_1070] : memref<1x4096x3xf32, #tpu.memory_space<vmem>>, vector<1x128x3xf32>
    %swap3A_1072 = vector.shape_cast %swap3A_1071 : vector<1x128x3xf32> to vector<128x3xf32>
    %swap3A_1073 = vector.shape_cast %concatenate3A_1067 : vector<128x3xf32> to vector<1x128x3xf32>
    tpu.vector_store %arg12[%swap3A_1068, %swap3A_1069, %swap3A_1070], %swap3A_1073 {strides = array<i32>} : memref<1x4096x3xf32, #tpu.memory_space<vmem>>, vector<1x128x3xf32>,
    %add3A_1074 = arith.addf %add3A_981, %broadcast_in_dim3A_1050 : vector<128x1xf32>
    %add3A_1075 = arith.addf %add3A_982, %broadcast_in_dim3A_1058 : vector<128x1xf32>
    %add3A_1076 = arith.addf %add3A_983, %broadcast_in_dim3A_1066 : vector<128x1xf32>
    %sub3A_1077 = arith.subf %broadcast_in_dim3A_1050, %broadcast_in_dim3A_21 : vector<128x1xf32>
    %get3A_1078 = arith.constant 0 : index
    %get3A_1079 = arith.constant 0 : index
    %get3A_1080 = vector.load %arg7[%get3A_1078, %get3A_1079] : memref<3x128xf32, #tpu.memory_space<vmem>>, vector<1x128xf32>
    %mul3A_1081 = vector.broadcast %sub3A_1077 : vector<128x1xf32> to vector<128x128xf32>
    %mul3A_1082 = vector.broadcast %get3A_1080 : vector<1x128xf32> to vector<128x128xf32>
    %mul3A_1083 = arith.mulf %mul3A_1081, %mul3A_1082 : vector<128x128xf32>
    %sub3A_1084 = arith.subf %broadcast_in_dim3A_1058, %broadcast_in_dim3A_29 : vector<128x1xf32>
    %get3A_1085 = arith.constant 1 : index
    %get3A_1086 = arith.constant 0 : index
    %get3A_1087 = vector.load %arg7[%get3A_1085, %get3A_1086] : memref<3x128xf32, #tpu.memory_space<vmem>>, vector<1x128xf32>
    %mul3A_1088 = vector.broadcast %sub3A_1084 : vector<128x1xf32> to vector<128x128xf32>
    %mul3A_1089 = vector.broadcast %get3A_1087 : vector<1x128xf32> to vector<128x128xf32>
    %mul3A_1090 = arith.mulf %mul3A_1088, %mul3A_1089 : vector<128x128xf32>
    %add3A_1091 = arith.addf %mul3A_1083, %mul3A_1090 : vector<128x128xf32>
    %sub3A_1092 = arith.subf %broadcast_in_dim3A_1066, %broadcast_in_dim3A_37 : vector<128x1xf32>
    %get3A_1093 = arith.constant 2 : index
    %get3A_1094 = arith.constant 0 : index
    %get3A_1095 = vector.load %arg7[%get3A_1093, %get3A_1094] : memref<3x128xf32, #tpu.memory_space<vmem>>, vector<1x128xf32>
    %mul3A_1096 = vector.broadcast %sub3A_1092 : vector<128x1xf32> to vector<128x128xf32>
    %mul3A_1097 = vector.broadcast %get3A_1095 : vector<1x128xf32> to vector<128x128xf32>
    %mul3A_1098 = arith.mulf %mul3A_1096, %mul3A_1097 : vector<128x128xf32>
    %add3A_1099 = arith.addf %add3A_1091, %mul3A_1098 : vector<128x128xf32>
    %add3A_1100 = arith.addf %add3A_1099, %add3A_81 : vector<128x128xf32>
    %max3A_1101 = arith.constant 0.000000e+00 : f32
    %max3A_1102 = vector.broadcast %max3A_1101 : f32 to vector<128x128xf32>
    %max3A_1103 = arith.maximumf %add3A_1100, %max3A_1102 : vector<128x128xf32>
    %get3A_1104 = arith.constant 0 : index
    %get3A_1105 = arith.constant 0 : index
    %get3A_1106 = vector.load %arg10[%get3A_1104, %get3A_1105] : memref<128x3xf32, #tpu.memory_space<vmem>>, vector<128x3xf32>
    %dot_general3A_1107 = arith.constant dense<0.000000e+00> : vector<128x3xf32>
    %dot_general3A_1108 = tpu.matmul %max3A_1103, %get3A_1106, %dot_general3A_1107 {dimension_numbers = #tpu.dot_dimension_numbers<[1], [0], [0], [1], [0, 0, 1, 1], [], []>, transpose_lhs_hint = false} : vector<128x128xf32>, vector<128x3xf32>, vector<128x3xf32> -> vector<128x3xf32>
    %get3A_1109 = arith.constant 0 : index
    %get3A_1110 = arith.constant 0 : index
    %get3A_1111 = vector.load %arg11[%get3A_1109, %get3A_1110] : memref<1x3xf32, #tpu.memory_space<vmem>>, vector<1x3xf32>
    %add3A_1112 = vector.broadcast %get3A_1111 : vector<1x3xf32> to vector<128x3xf32>
    %add3A_1113 = arith.addf %dot_general3A_1108, %add3A_1112 : vector<128x3xf32>
    %swap3A_1114 = arith.constant 0 : index
    %swap3A_1115 = arith.constant 1280 : index
    %swap3A_1116 = arith.constant 0 : index
    %swap3A_1117 = vector.load %arg13[%swap3A_1114, %swap3A_1115, %swap3A_1116] : memref<1x4096x3xf32, #tpu.memory_space<vmem>>, vector<1x128x3xf32>
    %swap3A_1118 = vector.shape_cast %swap3A_1117 : vector<1x128x3xf32> to vector<128x3xf32>
    %swap3A_1119 = vector.shape_cast %add3A_1113 : vector<128x3xf32> to vector<1x128x3xf32>
    tpu.vector_store %arg13[%swap3A_1114, %swap3A_1115, %swap3A_1116], %swap3A_1119 {strides = array<i32>} : memref<1x4096x3xf32, #tpu.memory_space<vmem>>, vector<1x128x3xf32>,
    %reduce_min3A_1120 = arith.constant dense<0x7F800000> : vector<128xf32>
    %reduce_min3A_1121 = vector.multi_reduction <minimumf>, %select_n3A_1042, %reduce_min3A_1120 [1] : vector<128x4096xf32> to vector<128xf32>
    %broadcast_in_dim3A_1122 = vector.shape_cast %reduce_min3A_1121 : vector<128xf32> to vector<128x1xf32>
    %eq3A_1123 = vector.broadcast %broadcast_in_dim3A_1122 : vector<128x1xf32> to vector<128x4096xf32>
    %eq3A_1124 = arith.cmpf oeq, %select_n3A_1042, %eq3A_1123 : vector<128x4096xf32>
    %jit3A_1125 = arith.constant 1073741824 : i32
    %broadcast_in_dim3A_1126 = vector.broadcast %jit3A_1125 : i32 to vector<128x4096xi32>
    %select_n3A_1127 = arith.select %eq3A_1124, %iota3A, %broadcast_in_dim3A_1126 : vector<128x4096xi1>, vector<128x4096xi32>
    %reduce_min3A_1128 = arith.constant dense<2147483647> : vector<128xi32>
    %reduce_min3A_1129 = vector.multi_reduction <minsi>, %select_n3A_1127, %reduce_min3A_1128 [1] : vector<128x4096xi32> to vector<128xi32>
    %broadcast_in_dim3A_1130 = vector.shape_cast %reduce_min3A_1129 : vector<128xi32> to vector<128x1xi32>
    %eq3A_1131 = vector.broadcast %broadcast_in_dim3A_1130 : vector<128x1xi32> to vector<128x4096xi32>
    %eq3A_1132 = arith.cmpi eq, %iota3A, %eq3A_1131 : vector<128x4096xi32>
    %jit3A_1133 = arith.constant 1.000000e+30 : f32
    %broadcast_in_dim3A_1134 = vector.broadcast %jit3A_1133 : f32 to vector<128x4096xf32>
    %select_n3A_1135 = arith.select %eq3A_1132, %broadcast_in_dim3A_1134, %select_n3A_1042 : vector<128x4096xi1>, vector<128x4096xf32>
    %jit3A_1136 = arith.constant 0.000000e+00 : f32
    %broadcast_in_dim3A_1137 = vector.shape_cast %get3A_3 : vector<1x4096xf32> to vector<1x4096xf32>
    %broadcast_in_dim3A_1138 = vector.broadcast %broadcast_in_dim3A_1137 : vector<1x4096xf32> to vector<128x4096xf32>
    %broadcast_in_dim3A_1139 = vector.broadcast %jit3A_1136 : f32 to vector<128x4096xf32>
    %select_n3A_1140 = arith.select %eq3A_1132, %broadcast_in_dim3A_1138, %broadcast_in_dim3A_1139 : vector<128x4096xi1>, vector<128x4096xf32>
    %reduce_sum3A_1141 = arith.constant dense<0.000000e+00> : vector<128xf32>
    %reduce_sum3A_1142 = vector.multi_reduction <add>, %select_n3A_1140, %reduce_sum3A_1141 [1] : vector<128x4096xf32> to vector<128xf32>
    %broadcast_in_dim3A_1143 = vector.shape_cast %reduce_sum3A_1142 : vector<128xf32> to vector<128x1xf32>
    %jit3A_1144 = arith.constant 0.000000e+00 : f32
    %broadcast_in_dim3A_1145 = vector.shape_cast %get3A_8 : vector<1x4096xf32> to vector<1x4096xf32>
    %broadcast_in_dim3A_1146 = vector.broadcast %broadcast_in_dim3A_1145 : vector<1x4096xf32> to vector<128x4096xf32>
    %broadcast_in_dim3A_1147 = vector.broadcast %jit3A_1144 : f32 to vector<128x4096xf32>
    %select_n3A_1148 = arith.select %eq3A_1132, %broadcast_in_dim3A_1146, %broadcast_in_dim3A_1147 : vector<128x4096xi1>, vector<128x4096xf32>
    %reduce_sum3A_1149 = arith.constant dense<0.000000e+00> : vector<128xf32>
    %reduce_sum3A_1150 = vector.multi_reduction <add>, %select_n3A_1148, %reduce_sum3A_1149 [1] : vector<128x4096xf32> to vector<128xf32>
    %broadcast_in_dim3A_1151 = vector.shape_cast %reduce_sum3A_1150 : vector<128xf32> to vector<128x1xf32>
    %jit3A_1152 = arith.constant 0.000000e+00 : f32
    %broadcast_in_dim3A_1153 = vector.shape_cast %get3A_13 : vector<1x4096xf32> to vector<1x4096xf32>
    %broadcast_in_dim3A_1154 = vector.broadcast %broadcast_in_dim3A_1153 : vector<1x4096xf32> to vector<128x4096xf32>
    %broadcast_in_dim3A_1155 = vector.broadcast %jit3A_1152 : f32 to vector<128x4096xf32>
    %select_n3A_1156 = arith.select %eq3A_1132, %broadcast_in_dim3A_1154, %broadcast_in_dim3A_1155 : vector<128x4096xi1>, vector<128x4096xf32>
    %reduce_sum3A_1157 = arith.constant dense<0.000000e+00> : vector<128xf32>
    %reduce_sum3A_1158 = vector.multi_reduction <add>, %select_n3A_1156, %reduce_sum3A_1157 [1] : vector<128x4096xf32> to vector<128xf32>
    %broadcast_in_dim3A_1159 = vector.shape_cast %reduce_sum3A_1158 : vector<128xf32> to vector<128x1xf32>
    %concatenate3A_1160 = tpu.concatenate %broadcast_in_dim3A_1143, %broadcast_in_dim3A_1151, %broadcast_in_dim3A_1159 in 1 : vector<128x1xf32>, vector<128x1xf32>, vector<128x1xf32> -> vector<128x3xf32>
    %swap3A_1161 = arith.constant 0 : index
    %swap3A_1162 = arith.constant 1408 : index
    %swap3A_1163 = arith.constant 0 : index
    %swap3A_1164 = vector.load %arg12[%swap3A_1161, %swap3A_1162, %swap3A_1163] : memref<1x4096x3xf32, #tpu.memory_space<vmem>>, vector<1x128x3xf32>
    %swap3A_1165 = vector.shape_cast %swap3A_1164 : vector<1x128x3xf32> to vector<128x3xf32>
    %swap3A_1166 = vector.shape_cast %concatenate3A_1160 : vector<128x3xf32> to vector<1x128x3xf32>
    tpu.vector_store %arg12[%swap3A_1161, %swap3A_1162, %swap3A_1163], %swap3A_1166 {strides = array<i32>} : memref<1x4096x3xf32, #tpu.memory_space<vmem>>, vector<1x128x3xf32>,
    %add3A_1167 = arith.addf %add3A_1074, %broadcast_in_dim3A_1143 : vector<128x1xf32>
    %add3A_1168 = arith.addf %add3A_1075, %broadcast_in_dim3A_1151 : vector<128x1xf32>
    %add3A_1169 = arith.addf %add3A_1076, %broadcast_in_dim3A_1159 : vector<128x1xf32>
    %sub3A_1170 = arith.subf %broadcast_in_dim3A_1143, %broadcast_in_dim3A_21 : vector<128x1xf32>
    %get3A_1171 = arith.constant 0 : index
    %get3A_1172 = arith.constant 0 : index
    %get3A_1173 = vector.load %arg7[%get3A_1171, %get3A_1172] : memref<3x128xf32, #tpu.memory_space<vmem>>, vector<1x128xf32>
    %mul3A_1174 = vector.broadcast %sub3A_1170 : vector<128x1xf32> to vector<128x128xf32>
    %mul3A_1175 = vector.broadcast %get3A_1173 : vector<1x128xf32> to vector<128x128xf32>
    %mul3A_1176 = arith.mulf %mul3A_1174, %mul3A_1175 : vector<128x128xf32>
    %sub3A_1177 = arith.subf %broadcast_in_dim3A_1151, %broadcast_in_dim3A_29 : vector<128x1xf32>
    %get3A_1178 = arith.constant 1 : index
    %get3A_1179 = arith.constant 0 : index
    %get3A_1180 = vector.load %arg7[%get3A_1178, %get3A_1179] : memref<3x128xf32, #tpu.memory_space<vmem>>, vector<1x128xf32>
    %mul3A_1181 = vector.broadcast %sub3A_1177 : vector<128x1xf32> to vector<128x128xf32>
    %mul3A_1182 = vector.broadcast %get3A_1180 : vector<1x128xf32> to vector<128x128xf32>
    %mul3A_1183 = arith.mulf %mul3A_1181, %mul3A_1182 : vector<128x128xf32>
    %add3A_1184 = arith.addf %mul3A_1176, %mul3A_1183 : vector<128x128xf32>
    %sub3A_1185 = arith.subf %broadcast_in_dim3A_1159, %broadcast_in_dim3A_37 : vector<128x1xf32>
    %get3A_1186 = arith.constant 2 : index
    %get3A_1187 = arith.constant 0 : index
    %get3A_1188 = vector.load %arg7[%get3A_1186, %get3A_1187] : memref<3x128xf32, #tpu.memory_space<vmem>>, vector<1x128xf32>
    %mul3A_1189 = vector.broadcast %sub3A_1185 : vector<128x1xf32> to vector<128x128xf32>
    %mul3A_1190 = vector.broadcast %get3A_1188 : vector<1x128xf32> to vector<128x128xf32>
    %mul3A_1191 = arith.mulf %mul3A_1189, %mul3A_1190 : vector<128x128xf32>
    %add3A_1192 = arith.addf %add3A_1184, %mul3A_1191 : vector<128x128xf32>
    %add3A_1193 = arith.addf %add3A_1192, %add3A_81 : vector<128x128xf32>
    %max3A_1194 = arith.constant 0.000000e+00 : f32
    %max3A_1195 = vector.broadcast %max3A_1194 : f32 to vector<128x128xf32>
    %max3A_1196 = arith.maximumf %add3A_1193, %max3A_1195 : vector<128x128xf32>
    %get3A_1197 = arith.constant 0 : index
    %get3A_1198 = arith.constant 0 : index
    %get3A_1199 = vector.load %arg10[%get3A_1197, %get3A_1198] : memref<128x3xf32, #tpu.memory_space<vmem>>, vector<128x3xf32>
    %dot_general3A_1200 = arith.constant dense<0.000000e+00> : vector<128x3xf32>
    %dot_general3A_1201 = tpu.matmul %max3A_1196, %get3A_1199, %dot_general3A_1200 {dimension_numbers = #tpu.dot_dimension_numbers<[1], [0], [0], [1], [0, 0, 1, 1], [], []>, transpose_lhs_hint = false} : vector<128x128xf32>, vector<128x3xf32>, vector<128x3xf32> -> vector<128x3xf32>
    %get3A_1202 = arith.constant 0 : index
    %get3A_1203 = arith.constant 0 : index
    %get3A_1204 = vector.load %arg11[%get3A_1202, %get3A_1203] : memref<1x3xf32, #tpu.memory_space<vmem>>, vector<1x3xf32>
    %add3A_1205 = vector.broadcast %get3A_1204 : vector<1x3xf32> to vector<128x3xf32>
    %add3A_1206 = arith.addf %dot_general3A_1201, %add3A_1205 : vector<128x3xf32>
    %swap3A_1207 = arith.constant 0 : index
    %swap3A_1208 = arith.constant 1408 : index
    %swap3A_1209 = arith.constant 0 : index
    %swap3A_1210 = vector.load %arg13[%swap3A_1207, %swap3A_1208, %swap3A_1209] : memref<1x4096x3xf32, #tpu.memory_space<vmem>>, vector<1x128x3xf32>
    %swap3A_1211 = vector.shape_cast %swap3A_1210 : vector<1x128x3xf32> to vector<128x3xf32>
    %swap3A_1212 = vector.shape_cast %add3A_1206 : vector<128x3xf32> to vector<1x128x3xf32>
    tpu.vector_store %arg13[%swap3A_1207, %swap3A_1208, %swap3A_1209], %swap3A_1212 {strides = array<i32>} : memref<1x4096x3xf32, #tpu.memory_space<vmem>>, vector<1x128x3xf32>,
    %reduce_min3A_1213 = arith.constant dense<0x7F800000> : vector<128xf32>
    %reduce_min3A_1214 = vector.multi_reduction <minimumf>, %select_n3A_1135, %reduce_min3A_1213 [1] : vector<128x4096xf32> to vector<128xf32>
    %broadcast_in_dim3A_1215 = vector.shape_cast %reduce_min3A_1214 : vector<128xf32> to vector<128x1xf32>
    %eq3A_1216 = vector.broadcast %broadcast_in_dim3A_1215 : vector<128x1xf32> to vector<128x4096xf32>
    %eq3A_1217 = arith.cmpf oeq, %select_n3A_1135, %eq3A_1216 : vector<128x4096xf32>
    %jit3A_1218 = arith.constant 1073741824 : i32
    %broadcast_in_dim3A_1219 = vector.broadcast %jit3A_1218 : i32 to vector<128x4096xi32>
    %select_n3A_1220 = arith.select %eq3A_1217, %iota3A, %broadcast_in_dim3A_1219 : vector<128x4096xi1>, vector<128x4096xi32>
    %reduce_min3A_1221 = arith.constant dense<2147483647> : vector<128xi32>
    %reduce_min3A_1222 = vector.multi_reduction <minsi>, %select_n3A_1220, %reduce_min3A_1221 [1] : vector<128x4096xi32> to vector<128xi32>
    %broadcast_in_dim3A_1223 = vector.shape_cast %reduce_min3A_1222 : vector<128xi32> to vector<128x1xi32>
    %eq3A_1224 = vector.broadcast %broadcast_in_dim3A_1223 : vector<128x1xi32> to vector<128x4096xi32>
    %eq3A_1225 = arith.cmpi eq, %iota3A, %eq3A_1224 : vector<128x4096xi32>
    %jit3A_1226 = arith.constant 1.000000e+30 : f32
    %broadcast_in_dim3A_1227 = vector.broadcast %jit3A_1226 : f32 to vector<128x4096xf32>
    %select_n3A_1228 = arith.select %eq3A_1225, %broadcast_in_dim3A_1227, %select_n3A_1135 : vector<128x4096xi1>, vector<128x4096xf32>
    %jit3A_1229 = arith.constant 0.000000e+00 : f32
    %broadcast_in_dim3A_1230 = vector.shape_cast %get3A_3 : vector<1x4096xf32> to vector<1x4096xf32>
    %broadcast_in_dim3A_1231 = vector.broadcast %broadcast_in_dim3A_1230 : vector<1x4096xf32> to vector<128x4096xf32>
    %broadcast_in_dim3A_1232 = vector.broadcast %jit3A_1229 : f32 to vector<128x4096xf32>
    %select_n3A_1233 = arith.select %eq3A_1225, %broadcast_in_dim3A_1231, %broadcast_in_dim3A_1232 : vector<128x4096xi1>, vector<128x4096xf32>
    %reduce_sum3A_1234 = arith.constant dense<0.000000e+00> : vector<128xf32>
    %reduce_sum3A_1235 = vector.multi_reduction <add>, %select_n3A_1233, %reduce_sum3A_1234 [1] : vector<128x4096xf32> to vector<128xf32>
    %broadcast_in_dim3A_1236 = vector.shape_cast %reduce_sum3A_1235 : vector<128xf32> to vector<128x1xf32>
    %jit3A_1237 = arith.constant 0.000000e+00 : f32
    %broadcast_in_dim3A_1238 = vector.shape_cast %get3A_8 : vector<1x4096xf32> to vector<1x4096xf32>
    %broadcast_in_dim3A_1239 = vector.broadcast %broadcast_in_dim3A_1238 : vector<1x4096xf32> to vector<128x4096xf32>
    %broadcast_in_dim3A_1240 = vector.broadcast %jit3A_1237 : f32 to vector<128x4096xf32>
    %select_n3A_1241 = arith.select %eq3A_1225, %broadcast_in_dim3A_1239, %broadcast_in_dim3A_1240 : vector<128x4096xi1>, vector<128x4096xf32>
    %reduce_sum3A_1242 = arith.constant dense<0.000000e+00> : vector<128xf32>
    %reduce_sum3A_1243 = vector.multi_reduction <add>, %select_n3A_1241, %reduce_sum3A_1242 [1] : vector<128x4096xf32> to vector<128xf32>
    %broadcast_in_dim3A_1244 = vector.shape_cast %reduce_sum3A_1243 : vector<128xf32> to vector<128x1xf32>
    %jit3A_1245 = arith.constant 0.000000e+00 : f32
    %broadcast_in_dim3A_1246 = vector.shape_cast %get3A_13 : vector<1x4096xf32> to vector<1x4096xf32>
    %broadcast_in_dim3A_1247 = vector.broadcast %broadcast_in_dim3A_1246 : vector<1x4096xf32> to vector<128x4096xf32>
    %broadcast_in_dim3A_1248 = vector.broadcast %jit3A_1245 : f32 to vector<128x4096xf32>
    %select_n3A_1249 = arith.select %eq3A_1225, %broadcast_in_dim3A_1247, %broadcast_in_dim3A_1248 : vector<128x4096xi1>, vector<128x4096xf32>
    %reduce_sum3A_1250 = arith.constant dense<0.000000e+00> : vector<128xf32>
    %reduce_sum3A_1251 = vector.multi_reduction <add>, %select_n3A_1249, %reduce_sum3A_1250 [1] : vector<128x4096xf32> to vector<128xf32>
    %broadcast_in_dim3A_1252 = vector.shape_cast %reduce_sum3A_1251 : vector<128xf32> to vector<128x1xf32>
    %concatenate3A_1253 = tpu.concatenate %broadcast_in_dim3A_1236, %broadcast_in_dim3A_1244, %broadcast_in_dim3A_1252 in 1 : vector<128x1xf32>, vector<128x1xf32>, vector<128x1xf32> -> vector<128x3xf32>
    %swap3A_1254 = arith.constant 0 : index
    %swap3A_1255 = arith.constant 1536 : index
    %swap3A_1256 = arith.constant 0 : index
    %swap3A_1257 = vector.load %arg12[%swap3A_1254, %swap3A_1255, %swap3A_1256] : memref<1x4096x3xf32, #tpu.memory_space<vmem>>, vector<1x128x3xf32>
    %swap3A_1258 = vector.shape_cast %swap3A_1257 : vector<1x128x3xf32> to vector<128x3xf32>
    %swap3A_1259 = vector.shape_cast %concatenate3A_1253 : vector<128x3xf32> to vector<1x128x3xf32>
    tpu.vector_store %arg12[%swap3A_1254, %swap3A_1255, %swap3A_1256], %swap3A_1259 {strides = array<i32>} : memref<1x4096x3xf32, #tpu.memory_space<vmem>>, vector<1x128x3xf32>,
    %add3A_1260 = arith.addf %add3A_1167, %broadcast_in_dim3A_1236 : vector<128x1xf32>
    %add3A_1261 = arith.addf %add3A_1168, %broadcast_in_dim3A_1244 : vector<128x1xf32>
    %add3A_1262 = arith.addf %add3A_1169, %broadcast_in_dim3A_1252 : vector<128x1xf32>
    %sub3A_1263 = arith.subf %broadcast_in_dim3A_1236, %broadcast_in_dim3A_21 : vector<128x1xf32>
    %get3A_1264 = arith.constant 0 : index
    %get3A_1265 = arith.constant 0 : index
    %get3A_1266 = vector.load %arg7[%get3A_1264, %get3A_1265] : memref<3x128xf32, #tpu.memory_space<vmem>>, vector<1x128xf32>
    %mul3A_1267 = vector.broadcast %sub3A_1263 : vector<128x1xf32> to vector<128x128xf32>
    %mul3A_1268 = vector.broadcast %get3A_1266 : vector<1x128xf32> to vector<128x128xf32>
    %mul3A_1269 = arith.mulf %mul3A_1267, %mul3A_1268 : vector<128x128xf32>
    %sub3A_1270 = arith.subf %broadcast_in_dim3A_1244, %broadcast_in_dim3A_29 : vector<128x1xf32>
    %get3A_1271 = arith.constant 1 : index
    %get3A_1272 = arith.constant 0 : index
    %get3A_1273 = vector.load %arg7[%get3A_1271, %get3A_1272] : memref<3x128xf32, #tpu.memory_space<vmem>>, vector<1x128xf32>
    %mul3A_1274 = vector.broadcast %sub3A_1270 : vector<128x1xf32> to vector<128x128xf32>
    %mul3A_1275 = vector.broadcast %get3A_1273 : vector<1x128xf32> to vector<128x128xf32>
    %mul3A_1276 = arith.mulf %mul3A_1274, %mul3A_1275 : vector<128x128xf32>
    %add3A_1277 = arith.addf %mul3A_1269, %mul3A_1276 : vector<128x128xf32>
    %sub3A_1278 = arith.subf %broadcast_in_dim3A_1252, %broadcast_in_dim3A_37 : vector<128x1xf32>
    %get3A_1279 = arith.constant 2 : index
    %get3A_1280 = arith.constant 0 : index
    %get3A_1281 = vector.load %arg7[%get3A_1279, %get3A_1280] : memref<3x128xf32, #tpu.memory_space<vmem>>, vector<1x128xf32>
    %mul3A_1282 = vector.broadcast %sub3A_1278 : vector<128x1xf32> to vector<128x128xf32>
    %mul3A_1283 = vector.broadcast %get3A_1281 : vector<1x128xf32> to vector<128x128xf32>
    %mul3A_1284 = arith.mulf %mul3A_1282, %mul3A_1283 : vector<128x128xf32>
    %add3A_1285 = arith.addf %add3A_1277, %mul3A_1284 : vector<128x128xf32>
    %add3A_1286 = arith.addf %add3A_1285, %add3A_81 : vector<128x128xf32>
    %max3A_1287 = arith.constant 0.000000e+00 : f32
    %max3A_1288 = vector.broadcast %max3A_1287 : f32 to vector<128x128xf32>
    %max3A_1289 = arith.maximumf %add3A_1286, %max3A_1288 : vector<128x128xf32>
    %get3A_1290 = arith.constant 0 : index
    %get3A_1291 = arith.constant 0 : index
    %get3A_1292 = vector.load %arg10[%get3A_1290, %get3A_1291] : memref<128x3xf32, #tpu.memory_space<vmem>>, vector<128x3xf32>
    %dot_general3A_1293 = arith.constant dense<0.000000e+00> : vector<128x3xf32>
    %dot_general3A_1294 = tpu.matmul %max3A_1289, %get3A_1292, %dot_general3A_1293 {dimension_numbers = #tpu.dot_dimension_numbers<[1], [0], [0], [1], [0, 0, 1, 1], [], []>, transpose_lhs_hint = false} : vector<128x128xf32>, vector<128x3xf32>, vector<128x3xf32> -> vector<128x3xf32>
    %get3A_1295 = arith.constant 0 : index
    %get3A_1296 = arith.constant 0 : index
    %get3A_1297 = vector.load %arg11[%get3A_1295, %get3A_1296] : memref<1x3xf32, #tpu.memory_space<vmem>>, vector<1x3xf32>
    %add3A_1298 = vector.broadcast %get3A_1297 : vector<1x3xf32> to vector<128x3xf32>
    %add3A_1299 = arith.addf %dot_general3A_1294, %add3A_1298 : vector<128x3xf32>
    %swap3A_1300 = arith.constant 0 : index
    %swap3A_1301 = arith.constant 1536 : index
    %swap3A_1302 = arith.constant 0 : index
    %swap3A_1303 = vector.load %arg13[%swap3A_1300, %swap3A_1301, %swap3A_1302] : memref<1x4096x3xf32, #tpu.memory_space<vmem>>, vector<1x128x3xf32>
    %swap3A_1304 = vector.shape_cast %swap3A_1303 : vector<1x128x3xf32> to vector<128x3xf32>
    %swap3A_1305 = vector.shape_cast %add3A_1299 : vector<128x3xf32> to vector<1x128x3xf32>
    tpu.vector_store %arg13[%swap3A_1300, %swap3A_1301, %swap3A_1302], %swap3A_1305 {strides = array<i32>} : memref<1x4096x3xf32, #tpu.memory_space<vmem>>, vector<1x128x3xf32>,
    %reduce_min3A_1306 = arith.constant dense<0x7F800000> : vector<128xf32>
    %reduce_min3A_1307 = vector.multi_reduction <minimumf>, %select_n3A_1228, %reduce_min3A_1306 [1] : vector<128x4096xf32> to vector<128xf32>
    %broadcast_in_dim3A_1308 = vector.shape_cast %reduce_min3A_1307 : vector<128xf32> to vector<128x1xf32>
    %eq3A_1309 = vector.broadcast %broadcast_in_dim3A_1308 : vector<128x1xf32> to vector<128x4096xf32>
    %eq3A_1310 = arith.cmpf oeq, %select_n3A_1228, %eq3A_1309 : vector<128x4096xf32>
    %jit3A_1311 = arith.constant 1073741824 : i32
    %broadcast_in_dim3A_1312 = vector.broadcast %jit3A_1311 : i32 to vector<128x4096xi32>
    %select_n3A_1313 = arith.select %eq3A_1310, %iota3A, %broadcast_in_dim3A_1312 : vector<128x4096xi1>, vector<128x4096xi32>
    %reduce_min3A_1314 = arith.constant dense<2147483647> : vector<128xi32>
    %reduce_min3A_1315 = vector.multi_reduction <minsi>, %select_n3A_1313, %reduce_min3A_1314 [1] : vector<128x4096xi32> to vector<128xi32>
    %broadcast_in_dim3A_1316 = vector.shape_cast %reduce_min3A_1315 : vector<128xi32> to vector<128x1xi32>
    %eq3A_1317 = vector.broadcast %broadcast_in_dim3A_1316 : vector<128x1xi32> to vector<128x4096xi32>
    %eq3A_1318 = arith.cmpi eq, %iota3A, %eq3A_1317 : vector<128x4096xi32>
    %jit3A_1319 = arith.constant 1.000000e+30 : f32
    %broadcast_in_dim3A_1320 = vector.broadcast %jit3A_1319 : f32 to vector<128x4096xf32>
    %select_n3A_1321 = arith.select %eq3A_1318, %broadcast_in_dim3A_1320, %select_n3A_1228 : vector<128x4096xi1>, vector<128x4096xf32>
    %jit3A_1322 = arith.constant 0.000000e+00 : f32
    %broadcast_in_dim3A_1323 = vector.shape_cast %get3A_3 : vector<1x4096xf32> to vector<1x4096xf32>
    %broadcast_in_dim3A_1324 = vector.broadcast %broadcast_in_dim3A_1323 : vector<1x4096xf32> to vector<128x4096xf32>
    %broadcast_in_dim3A_1325 = vector.broadcast %jit3A_1322 : f32 to vector<128x4096xf32>
    %select_n3A_1326 = arith.select %eq3A_1318, %broadcast_in_dim3A_1324, %broadcast_in_dim3A_1325 : vector<128x4096xi1>, vector<128x4096xf32>
    %reduce_sum3A_1327 = arith.constant dense<0.000000e+00> : vector<128xf32>
    %reduce_sum3A_1328 = vector.multi_reduction <add>, %select_n3A_1326, %reduce_sum3A_1327 [1] : vector<128x4096xf32> to vector<128xf32>
    %broadcast_in_dim3A_1329 = vector.shape_cast %reduce_sum3A_1328 : vector<128xf32> to vector<128x1xf32>
    %jit3A_1330 = arith.constant 0.000000e+00 : f32
    %broadcast_in_dim3A_1331 = vector.shape_cast %get3A_8 : vector<1x4096xf32> to vector<1x4096xf32>
    %broadcast_in_dim3A_1332 = vector.broadcast %broadcast_in_dim3A_1331 : vector<1x4096xf32> to vector<128x4096xf32>
    %broadcast_in_dim3A_1333 = vector.broadcast %jit3A_1330 : f32 to vector<128x4096xf32>
    %select_n3A_1334 = arith.select %eq3A_1318, %broadcast_in_dim3A_1332, %broadcast_in_dim3A_1333 : vector<128x4096xi1>, vector<128x4096xf32>
    %reduce_sum3A_1335 = arith.constant dense<0.000000e+00> : vector<128xf32>
    %reduce_sum3A_1336 = vector.multi_reduction <add>, %select_n3A_1334, %reduce_sum3A_1335 [1] : vector<128x4096xf32> to vector<128xf32>
    %broadcast_in_dim3A_1337 = vector.shape_cast %reduce_sum3A_1336 : vector<128xf32> to vector<128x1xf32>
    %jit3A_1338 = arith.constant 0.000000e+00 : f32
    %broadcast_in_dim3A_1339 = vector.shape_cast %get3A_13 : vector<1x4096xf32> to vector<1x4096xf32>
    %broadcast_in_dim3A_1340 = vector.broadcast %broadcast_in_dim3A_1339 : vector<1x4096xf32> to vector<128x4096xf32>
    %broadcast_in_dim3A_1341 = vector.broadcast %jit3A_1338 : f32 to vector<128x4096xf32>
    %select_n3A_1342 = arith.select %eq3A_1318, %broadcast_in_dim3A_1340, %broadcast_in_dim3A_1341 : vector<128x4096xi1>, vector<128x4096xf32>
    %reduce_sum3A_1343 = arith.constant dense<0.000000e+00> : vector<128xf32>
    %reduce_sum3A_1344 = vector.multi_reduction <add>, %select_n3A_1342, %reduce_sum3A_1343 [1] : vector<128x4096xf32> to vector<128xf32>
    %broadcast_in_dim3A_1345 = vector.shape_cast %reduce_sum3A_1344 : vector<128xf32> to vector<128x1xf32>
    %concatenate3A_1346 = tpu.concatenate %broadcast_in_dim3A_1329, %broadcast_in_dim3A_1337, %broadcast_in_dim3A_1345 in 1 : vector<128x1xf32>, vector<128x1xf32>, vector<128x1xf32> -> vector<128x3xf32>
    %swap3A_1347 = arith.constant 0 : index
    %swap3A_1348 = arith.constant 1664 : index
    %swap3A_1349 = arith.constant 0 : index
    %swap3A_1350 = vector.load %arg12[%swap3A_1347, %swap3A_1348, %swap3A_1349] : memref<1x4096x3xf32, #tpu.memory_space<vmem>>, vector<1x128x3xf32>
    %swap3A_1351 = vector.shape_cast %swap3A_1350 : vector<1x128x3xf32> to vector<128x3xf32>
    %swap3A_1352 = vector.shape_cast %concatenate3A_1346 : vector<128x3xf32> to vector<1x128x3xf32>
    tpu.vector_store %arg12[%swap3A_1347, %swap3A_1348, %swap3A_1349], %swap3A_1352 {strides = array<i32>} : memref<1x4096x3xf32, #tpu.memory_space<vmem>>, vector<1x128x3xf32>,
    %add3A_1353 = arith.addf %add3A_1260, %broadcast_in_dim3A_1329 : vector<128x1xf32>
    %add3A_1354 = arith.addf %add3A_1261, %broadcast_in_dim3A_1337 : vector<128x1xf32>
    %add3A_1355 = arith.addf %add3A_1262, %broadcast_in_dim3A_1345 : vector<128x1xf32>
    %sub3A_1356 = arith.subf %broadcast_in_dim3A_1329, %broadcast_in_dim3A_21 : vector<128x1xf32>
    %get3A_1357 = arith.constant 0 : index
    %get3A_1358 = arith.constant 0 : index
    %get3A_1359 = vector.load %arg7[%get3A_1357, %get3A_1358] : memref<3x128xf32, #tpu.memory_space<vmem>>, vector<1x128xf32>
    %mul3A_1360 = vector.broadcast %sub3A_1356 : vector<128x1xf32> to vector<128x128xf32>
    %mul3A_1361 = vector.broadcast %get3A_1359 : vector<1x128xf32> to vector<128x128xf32>
    %mul3A_1362 = arith.mulf %mul3A_1360, %mul3A_1361 : vector<128x128xf32>
    %sub3A_1363 = arith.subf %broadcast_in_dim3A_1337, %broadcast_in_dim3A_29 : vector<128x1xf32>
    %get3A_1364 = arith.constant 1 : index
    %get3A_1365 = arith.constant 0 : index
    %get3A_1366 = vector.load %arg7[%get3A_1364, %get3A_1365] : memref<3x128xf32, #tpu.memory_space<vmem>>, vector<1x128xf32>
    %mul3A_1367 = vector.broadcast %sub3A_1363 : vector<128x1xf32> to vector<128x128xf32>
    %mul3A_1368 = vector.broadcast %get3A_1366 : vector<1x128xf32> to vector<128x128xf32>
    %mul3A_1369 = arith.mulf %mul3A_1367, %mul3A_1368 : vector<128x128xf32>
    %add3A_1370 = arith.addf %mul3A_1362, %mul3A_1369 : vector<128x128xf32>
    %sub3A_1371 = arith.subf %broadcast_in_dim3A_1345, %broadcast_in_dim3A_37 : vector<128x1xf32>
    %get3A_1372 = arith.constant 2 : index
    %get3A_1373 = arith.constant 0 : index
    %get3A_1374 = vector.load %arg7[%get3A_1372, %get3A_1373] : memref<3x128xf32, #tpu.memory_space<vmem>>, vector<1x128xf32>
    %mul3A_1375 = vector.broadcast %sub3A_1371 : vector<128x1xf32> to vector<128x128xf32>
    %mul3A_1376 = vector.broadcast %get3A_1374 : vector<1x128xf32> to vector<128x128xf32>
    %mul3A_1377 = arith.mulf %mul3A_1375, %mul3A_1376 : vector<128x128xf32>
    %add3A_1378 = arith.addf %add3A_1370, %mul3A_1377 : vector<128x128xf32>
    %add3A_1379 = arith.addf %add3A_1378, %add3A_81 : vector<128x128xf32>
    %max3A_1380 = arith.constant 0.000000e+00 : f32
    %max3A_1381 = vector.broadcast %max3A_1380 : f32 to vector<128x128xf32>
    %max3A_1382 = arith.maximumf %add3A_1379, %max3A_1381 : vector<128x128xf32>
    %get3A_1383 = arith.constant 0 : index
    %get3A_1384 = arith.constant 0 : index
    %get3A_1385 = vector.load %arg10[%get3A_1383, %get3A_1384] : memref<128x3xf32, #tpu.memory_space<vmem>>, vector<128x3xf32>
    %dot_general3A_1386 = arith.constant dense<0.000000e+00> : vector<128x3xf32>
    %dot_general3A_1387 = tpu.matmul %max3A_1382, %get3A_1385, %dot_general3A_1386 {dimension_numbers = #tpu.dot_dimension_numbers<[1], [0], [0], [1], [0, 0, 1, 1], [], []>, transpose_lhs_hint = false} : vector<128x128xf32>, vector<128x3xf32>, vector<128x3xf32> -> vector<128x3xf32>
    %get3A_1388 = arith.constant 0 : index
    %get3A_1389 = arith.constant 0 : index
    %get3A_1390 = vector.load %arg11[%get3A_1388, %get3A_1389] : memref<1x3xf32, #tpu.memory_space<vmem>>, vector<1x3xf32>
    %add3A_1391 = vector.broadcast %get3A_1390 : vector<1x3xf32> to vector<128x3xf32>
    %add3A_1392 = arith.addf %dot_general3A_1387, %add3A_1391 : vector<128x3xf32>
    %swap3A_1393 = arith.constant 0 : index
    %swap3A_1394 = arith.constant 1664 : index
    %swap3A_1395 = arith.constant 0 : index
    %swap3A_1396 = vector.load %arg13[%swap3A_1393, %swap3A_1394, %swap3A_1395] : memref<1x4096x3xf32, #tpu.memory_space<vmem>>, vector<1x128x3xf32>
    %swap3A_1397 = vector.shape_cast %swap3A_1396 : vector<1x128x3xf32> to vector<128x3xf32>
    %swap3A_1398 = vector.shape_cast %add3A_1392 : vector<128x3xf32> to vector<1x128x3xf32>
    tpu.vector_store %arg13[%swap3A_1393, %swap3A_1394, %swap3A_1395], %swap3A_1398 {strides = array<i32>} : memref<1x4096x3xf32, #tpu.memory_space<vmem>>, vector<1x128x3xf32>,
    %reduce_min3A_1399 = arith.constant dense<0x7F800000> : vector<128xf32>
    %reduce_min3A_1400 = vector.multi_reduction <minimumf>, %select_n3A_1321, %reduce_min3A_1399 [1] : vector<128x4096xf32> to vector<128xf32>
    %broadcast_in_dim3A_1401 = vector.shape_cast %reduce_min3A_1400 : vector<128xf32> to vector<128x1xf32>
    %eq3A_1402 = vector.broadcast %broadcast_in_dim3A_1401 : vector<128x1xf32> to vector<128x4096xf32>
    %eq3A_1403 = arith.cmpf oeq, %select_n3A_1321, %eq3A_1402 : vector<128x4096xf32>
    %jit3A_1404 = arith.constant 1073741824 : i32
    %broadcast_in_dim3A_1405 = vector.broadcast %jit3A_1404 : i32 to vector<128x4096xi32>
    %select_n3A_1406 = arith.select %eq3A_1403, %iota3A, %broadcast_in_dim3A_1405 : vector<128x4096xi1>, vector<128x4096xi32>
    %reduce_min3A_1407 = arith.constant dense<2147483647> : vector<128xi32>
    %reduce_min3A_1408 = vector.multi_reduction <minsi>, %select_n3A_1406, %reduce_min3A_1407 [1] : vector<128x4096xi32> to vector<128xi32>
    %broadcast_in_dim3A_1409 = vector.shape_cast %reduce_min3A_1408 : vector<128xi32> to vector<128x1xi32>
    %eq3A_1410 = vector.broadcast %broadcast_in_dim3A_1409 : vector<128x1xi32> to vector<128x4096xi32>
    %eq3A_1411 = arith.cmpi eq, %iota3A, %eq3A_1410 : vector<128x4096xi32>
    %jit3A_1412 = arith.constant 1.000000e+30 : f32
    %broadcast_in_dim3A_1413 = vector.broadcast %jit3A_1412 : f32 to vector<128x4096xf32>
    %select_n3A_1414 = arith.select %eq3A_1411, %broadcast_in_dim3A_1413, %select_n3A_1321 : vector<128x4096xi1>, vector<128x4096xf32>
    %jit3A_1415 = arith.constant 0.000000e+00 : f32
    %broadcast_in_dim3A_1416 = vector.shape_cast %get3A_3 : vector<1x4096xf32> to vector<1x4096xf32>
    %broadcast_in_dim3A_1417 = vector.broadcast %broadcast_in_dim3A_1416 : vector<1x4096xf32> to vector<128x4096xf32>
    %broadcast_in_dim3A_1418 = vector.broadcast %jit3A_1415 : f32 to vector<128x4096xf32>
    %select_n3A_1419 = arith.select %eq3A_1411, %broadcast_in_dim3A_1417, %broadcast_in_dim3A_1418 : vector<128x4096xi1>, vector<128x4096xf32>
    %reduce_sum3A_1420 = arith.constant dense<0.000000e+00> : vector<128xf32>
    %reduce_sum3A_1421 = vector.multi_reduction <add>, %select_n3A_1419, %reduce_sum3A_1420 [1] : vector<128x4096xf32> to vector<128xf32>
    %broadcast_in_dim3A_1422 = vector.shape_cast %reduce_sum3A_1421 : vector<128xf32> to vector<128x1xf32>
    %jit3A_1423 = arith.constant 0.000000e+00 : f32
    %broadcast_in_dim3A_1424 = vector.shape_cast %get3A_8 : vector<1x4096xf32> to vector<1x4096xf32>
    %broadcast_in_dim3A_1425 = vector.broadcast %broadcast_in_dim3A_1424 : vector<1x4096xf32> to vector<128x4096xf32>
    %broadcast_in_dim3A_1426 = vector.broadcast %jit3A_1423 : f32 to vector<128x4096xf32>
    %select_n3A_1427 = arith.select %eq3A_1411, %broadcast_in_dim3A_1425, %broadcast_in_dim3A_1426 : vector<128x4096xi1>, vector<128x4096xf32>
    %reduce_sum3A_1428 = arith.constant dense<0.000000e+00> : vector<128xf32>
    %reduce_sum3A_1429 = vector.multi_reduction <add>, %select_n3A_1427, %reduce_sum3A_1428 [1] : vector<128x4096xf32> to vector<128xf32>
    %broadcast_in_dim3A_1430 = vector.shape_cast %reduce_sum3A_1429 : vector<128xf32> to vector<128x1xf32>
    %jit3A_1431 = arith.constant 0.000000e+00 : f32
    %broadcast_in_dim3A_1432 = vector.shape_cast %get3A_13 : vector<1x4096xf32> to vector<1x4096xf32>
    %broadcast_in_dim3A_1433 = vector.broadcast %broadcast_in_dim3A_1432 : vector<1x4096xf32> to vector<128x4096xf32>
    %broadcast_in_dim3A_1434 = vector.broadcast %jit3A_1431 : f32 to vector<128x4096xf32>
    %select_n3A_1435 = arith.select %eq3A_1411, %broadcast_in_dim3A_1433, %broadcast_in_dim3A_1434 : vector<128x4096xi1>, vector<128x4096xf32>
    %reduce_sum3A_1436 = arith.constant dense<0.000000e+00> : vector<128xf32>
    %reduce_sum3A_1437 = vector.multi_reduction <add>, %select_n3A_1435, %reduce_sum3A_1436 [1] : vector<128x4096xf32> to vector<128xf32>
    %broadcast_in_dim3A_1438 = vector.shape_cast %reduce_sum3A_1437 : vector<128xf32> to vector<128x1xf32>
    %concatenate3A_1439 = tpu.concatenate %broadcast_in_dim3A_1422, %broadcast_in_dim3A_1430, %broadcast_in_dim3A_1438 in 1 : vector<128x1xf32>, vector<128x1xf32>, vector<128x1xf32> -> vector<128x3xf32>
    %swap3A_1440 = arith.constant 0 : index
    %swap3A_1441 = arith.constant 1792 : index
    %swap3A_1442 = arith.constant 0 : index
    %swap3A_1443 = vector.load %arg12[%swap3A_1440, %swap3A_1441, %swap3A_1442] : memref<1x4096x3xf32, #tpu.memory_space<vmem>>, vector<1x128x3xf32>
    %swap3A_1444 = vector.shape_cast %swap3A_1443 : vector<1x128x3xf32> to vector<128x3xf32>
    %swap3A_1445 = vector.shape_cast %concatenate3A_1439 : vector<128x3xf32> to vector<1x128x3xf32>
    tpu.vector_store %arg12[%swap3A_1440, %swap3A_1441, %swap3A_1442], %swap3A_1445 {strides = array<i32>} : memref<1x4096x3xf32, #tpu.memory_space<vmem>>, vector<1x128x3xf32>,
    %add3A_1446 = arith.addf %add3A_1353, %broadcast_in_dim3A_1422 : vector<128x1xf32>
    %add3A_1447 = arith.addf %add3A_1354, %broadcast_in_dim3A_1430 : vector<128x1xf32>
    %add3A_1448 = arith.addf %add3A_1355, %broadcast_in_dim3A_1438 : vector<128x1xf32>
    %sub3A_1449 = arith.subf %broadcast_in_dim3A_1422, %broadcast_in_dim3A_21 : vector<128x1xf32>
    %get3A_1450 = arith.constant 0 : index
    %get3A_1451 = arith.constant 0 : index
    %get3A_1452 = vector.load %arg7[%get3A_1450, %get3A_1451] : memref<3x128xf32, #tpu.memory_space<vmem>>, vector<1x128xf32>
    %mul3A_1453 = vector.broadcast %sub3A_1449 : vector<128x1xf32> to vector<128x128xf32>
    %mul3A_1454 = vector.broadcast %get3A_1452 : vector<1x128xf32> to vector<128x128xf32>
    %mul3A_1455 = arith.mulf %mul3A_1453, %mul3A_1454 : vector<128x128xf32>
    %sub3A_1456 = arith.subf %broadcast_in_dim3A_1430, %broadcast_in_dim3A_29 : vector<128x1xf32>
    %get3A_1457 = arith.constant 1 : index
    %get3A_1458 = arith.constant 0 : index
    %get3A_1459 = vector.load %arg7[%get3A_1457, %get3A_1458] : memref<3x128xf32, #tpu.memory_space<vmem>>, vector<1x128xf32>
    %mul3A_1460 = vector.broadcast %sub3A_1456 : vector<128x1xf32> to vector<128x128xf32>
    %mul3A_1461 = vector.broadcast %get3A_1459 : vector<1x128xf32> to vector<128x128xf32>
    %mul3A_1462 = arith.mulf %mul3A_1460, %mul3A_1461 : vector<128x128xf32>
    %add3A_1463 = arith.addf %mul3A_1455, %mul3A_1462 : vector<128x128xf32>
    %sub3A_1464 = arith.subf %broadcast_in_dim3A_1438, %broadcast_in_dim3A_37 : vector<128x1xf32>
    %get3A_1465 = arith.constant 2 : index
    %get3A_1466 = arith.constant 0 : index
    %get3A_1467 = vector.load %arg7[%get3A_1465, %get3A_1466] : memref<3x128xf32, #tpu.memory_space<vmem>>, vector<1x128xf32>
    %mul3A_1468 = vector.broadcast %sub3A_1464 : vector<128x1xf32> to vector<128x128xf32>
    %mul3A_1469 = vector.broadcast %get3A_1467 : vector<1x128xf32> to vector<128x128xf32>
    %mul3A_1470 = arith.mulf %mul3A_1468, %mul3A_1469 : vector<128x128xf32>
    %add3A_1471 = arith.addf %add3A_1463, %mul3A_1470 : vector<128x128xf32>
    %add3A_1472 = arith.addf %add3A_1471, %add3A_81 : vector<128x128xf32>
    %max3A_1473 = arith.constant 0.000000e+00 : f32
    %max3A_1474 = vector.broadcast %max3A_1473 : f32 to vector<128x128xf32>
    %max3A_1475 = arith.maximumf %add3A_1472, %max3A_1474 : vector<128x128xf32>
    %get3A_1476 = arith.constant 0 : index
    %get3A_1477 = arith.constant 0 : index
    %get3A_1478 = vector.load %arg10[%get3A_1476, %get3A_1477] : memref<128x3xf32, #tpu.memory_space<vmem>>, vector<128x3xf32>
    %dot_general3A_1479 = arith.constant dense<0.000000e+00> : vector<128x3xf32>
    %dot_general3A_1480 = tpu.matmul %max3A_1475, %get3A_1478, %dot_general3A_1479 {dimension_numbers = #tpu.dot_dimension_numbers<[1], [0], [0], [1], [0, 0, 1, 1], [], []>, transpose_lhs_hint = false} : vector<128x128xf32>, vector<128x3xf32>, vector<128x3xf32> -> vector<128x3xf32>
    %get3A_1481 = arith.constant 0 : index
    %get3A_1482 = arith.constant 0 : index
    %get3A_1483 = vector.load %arg11[%get3A_1481, %get3A_1482] : memref<1x3xf32, #tpu.memory_space<vmem>>, vector<1x3xf32>
    %add3A_1484 = vector.broadcast %get3A_1483 : vector<1x3xf32> to vector<128x3xf32>
    %add3A_1485 = arith.addf %dot_general3A_1480, %add3A_1484 : vector<128x3xf32>
    %swap3A_1486 = arith.constant 0 : index
    %swap3A_1487 = arith.constant 1792 : index
    %swap3A_1488 = arith.constant 0 : index
    %swap3A_1489 = vector.load %arg13[%swap3A_1486, %swap3A_1487, %swap3A_1488] : memref<1x4096x3xf32, #tpu.memory_space<vmem>>, vector<1x128x3xf32>
    %swap3A_1490 = vector.shape_cast %swap3A_1489 : vector<1x128x3xf32> to vector<128x3xf32>
    %swap3A_1491 = vector.shape_cast %add3A_1485 : vector<128x3xf32> to vector<1x128x3xf32>
    tpu.vector_store %arg13[%swap3A_1486, %swap3A_1487, %swap3A_1488], %swap3A_1491 {strides = array<i32>} : memref<1x4096x3xf32, #tpu.memory_space<vmem>>, vector<1x128x3xf32>,
    %reduce_min3A_1492 = arith.constant dense<0x7F800000> : vector<128xf32>
    %reduce_min3A_1493 = vector.multi_reduction <minimumf>, %select_n3A_1414, %reduce_min3A_1492 [1] : vector<128x4096xf32> to vector<128xf32>
    %broadcast_in_dim3A_1494 = vector.shape_cast %reduce_min3A_1493 : vector<128xf32> to vector<128x1xf32>
    %eq3A_1495 = vector.broadcast %broadcast_in_dim3A_1494 : vector<128x1xf32> to vector<128x4096xf32>
    %eq3A_1496 = arith.cmpf oeq, %select_n3A_1414, %eq3A_1495 : vector<128x4096xf32>
    %jit3A_1497 = arith.constant 1073741824 : i32
    %broadcast_in_dim3A_1498 = vector.broadcast %jit3A_1497 : i32 to vector<128x4096xi32>
    %select_n3A_1499 = arith.select %eq3A_1496, %iota3A, %broadcast_in_dim3A_1498 : vector<128x4096xi1>, vector<128x4096xi32>
    %reduce_min3A_1500 = arith.constant dense<2147483647> : vector<128xi32>
    %reduce_min3A_1501 = vector.multi_reduction <minsi>, %select_n3A_1499, %reduce_min3A_1500 [1] : vector<128x4096xi32> to vector<128xi32>
    %broadcast_in_dim3A_1502 = vector.shape_cast %reduce_min3A_1501 : vector<128xi32> to vector<128x1xi32>
    %eq3A_1503 = vector.broadcast %broadcast_in_dim3A_1502 : vector<128x1xi32> to vector<128x4096xi32>
    %eq3A_1504 = arith.cmpi eq, %iota3A, %eq3A_1503 : vector<128x4096xi32>
    %jit3A_1505 = arith.constant 1.000000e+30 : f32
    %broadcast_in_dim3A_1506 = vector.broadcast %jit3A_1505 : f32 to vector<128x4096xf32>
    %select_n3A_1507 = arith.select %eq3A_1504, %broadcast_in_dim3A_1506, %select_n3A_1414 : vector<128x4096xi1>, vector<128x4096xf32>
    %jit3A_1508 = arith.constant 0.000000e+00 : f32
    %broadcast_in_dim3A_1509 = vector.shape_cast %get3A_3 : vector<1x4096xf32> to vector<1x4096xf32>
    %broadcast_in_dim3A_1510 = vector.broadcast %broadcast_in_dim3A_1509 : vector<1x4096xf32> to vector<128x4096xf32>
    %broadcast_in_dim3A_1511 = vector.broadcast %jit3A_1508 : f32 to vector<128x4096xf32>
    %select_n3A_1512 = arith.select %eq3A_1504, %broadcast_in_dim3A_1510, %broadcast_in_dim3A_1511 : vector<128x4096xi1>, vector<128x4096xf32>
    %reduce_sum3A_1513 = arith.constant dense<0.000000e+00> : vector<128xf32>
    %reduce_sum3A_1514 = vector.multi_reduction <add>, %select_n3A_1512, %reduce_sum3A_1513 [1] : vector<128x4096xf32> to vector<128xf32>
    %broadcast_in_dim3A_1515 = vector.shape_cast %reduce_sum3A_1514 : vector<128xf32> to vector<128x1xf32>
    %jit3A_1516 = arith.constant 0.000000e+00 : f32
    %broadcast_in_dim3A_1517 = vector.shape_cast %get3A_8 : vector<1x4096xf32> to vector<1x4096xf32>
    %broadcast_in_dim3A_1518 = vector.broadcast %broadcast_in_dim3A_1517 : vector<1x4096xf32> to vector<128x4096xf32>
    %broadcast_in_dim3A_1519 = vector.broadcast %jit3A_1516 : f32 to vector<128x4096xf32>
    %select_n3A_1520 = arith.select %eq3A_1504, %broadcast_in_dim3A_1518, %broadcast_in_dim3A_1519 : vector<128x4096xi1>, vector<128x4096xf32>
    %reduce_sum3A_1521 = arith.constant dense<0.000000e+00> : vector<128xf32>
    %reduce_sum3A_1522 = vector.multi_reduction <add>, %select_n3A_1520, %reduce_sum3A_1521 [1] : vector<128x4096xf32> to vector<128xf32>
    %broadcast_in_dim3A_1523 = vector.shape_cast %reduce_sum3A_1522 : vector<128xf32> to vector<128x1xf32>
    %jit3A_1524 = arith.constant 0.000000e+00 : f32
    %broadcast_in_dim3A_1525 = vector.shape_cast %get3A_13 : vector<1x4096xf32> to vector<1x4096xf32>
    %broadcast_in_dim3A_1526 = vector.broadcast %broadcast_in_dim3A_1525 : vector<1x4096xf32> to vector<128x4096xf32>
    %broadcast_in_dim3A_1527 = vector.broadcast %jit3A_1524 : f32 to vector<128x4096xf32>
    %select_n3A_1528 = arith.select %eq3A_1504, %broadcast_in_dim3A_1526, %broadcast_in_dim3A_1527 : vector<128x4096xi1>, vector<128x4096xf32>
    %reduce_sum3A_1529 = arith.constant dense<0.000000e+00> : vector<128xf32>
    %reduce_sum3A_1530 = vector.multi_reduction <add>, %select_n3A_1528, %reduce_sum3A_1529 [1] : vector<128x4096xf32> to vector<128xf32>
    %broadcast_in_dim3A_1531 = vector.shape_cast %reduce_sum3A_1530 : vector<128xf32> to vector<128x1xf32>
    %concatenate3A_1532 = tpu.concatenate %broadcast_in_dim3A_1515, %broadcast_in_dim3A_1523, %broadcast_in_dim3A_1531 in 1 : vector<128x1xf32>, vector<128x1xf32>, vector<128x1xf32> -> vector<128x3xf32>
    %swap3A_1533 = arith.constant 0 : index
    %swap3A_1534 = arith.constant 1920 : index
    %swap3A_1535 = arith.constant 0 : index
    %swap3A_1536 = vector.load %arg12[%swap3A_1533, %swap3A_1534, %swap3A_1535] : memref<1x4096x3xf32, #tpu.memory_space<vmem>>, vector<1x128x3xf32>
    %swap3A_1537 = vector.shape_cast %swap3A_1536 : vector<1x128x3xf32> to vector<128x3xf32>
    %swap3A_1538 = vector.shape_cast %concatenate3A_1532 : vector<128x3xf32> to vector<1x128x3xf32>
    tpu.vector_store %arg12[%swap3A_1533, %swap3A_1534, %swap3A_1535], %swap3A_1538 {strides = array<i32>} : memref<1x4096x3xf32, #tpu.memory_space<vmem>>, vector<1x128x3xf32>,
    %add3A_1539 = arith.addf %add3A_1446, %broadcast_in_dim3A_1515 : vector<128x1xf32>
    %add3A_1540 = arith.addf %add3A_1447, %broadcast_in_dim3A_1523 : vector<128x1xf32>
    %add3A_1541 = arith.addf %add3A_1448, %broadcast_in_dim3A_1531 : vector<128x1xf32>
    %sub3A_1542 = arith.subf %broadcast_in_dim3A_1515, %broadcast_in_dim3A_21 : vector<128x1xf32>
    %get3A_1543 = arith.constant 0 : index
    %get3A_1544 = arith.constant 0 : index
    %get3A_1545 = vector.load %arg7[%get3A_1543, %get3A_1544] : memref<3x128xf32, #tpu.memory_space<vmem>>, vector<1x128xf32>
    %mul3A_1546 = vector.broadcast %sub3A_1542 : vector<128x1xf32> to vector<128x128xf32>
    %mul3A_1547 = vector.broadcast %get3A_1545 : vector<1x128xf32> to vector<128x128xf32>
    %mul3A_1548 = arith.mulf %mul3A_1546, %mul3A_1547 : vector<128x128xf32>
    %sub3A_1549 = arith.subf %broadcast_in_dim3A_1523, %broadcast_in_dim3A_29 : vector<128x1xf32>
    %get3A_1550 = arith.constant 1 : index
    %get3A_1551 = arith.constant 0 : index
    %get3A_1552 = vector.load %arg7[%get3A_1550, %get3A_1551] : memref<3x128xf32, #tpu.memory_space<vmem>>, vector<1x128xf32>
    %mul3A_1553 = vector.broadcast %sub3A_1549 : vector<128x1xf32> to vector<128x128xf32>
    %mul3A_1554 = vector.broadcast %get3A_1552 : vector<1x128xf32> to vector<128x128xf32>
    %mul3A_1555 = arith.mulf %mul3A_1553, %mul3A_1554 : vector<128x128xf32>
    %add3A_1556 = arith.addf %mul3A_1548, %mul3A_1555 : vector<128x128xf32>
    %sub3A_1557 = arith.subf %broadcast_in_dim3A_1531, %broadcast_in_dim3A_37 : vector<128x1xf32>
    %get3A_1558 = arith.constant 2 : index
    %get3A_1559 = arith.constant 0 : index
    %get3A_1560 = vector.load %arg7[%get3A_1558, %get3A_1559] : memref<3x128xf32, #tpu.memory_space<vmem>>, vector<1x128xf32>
    %mul3A_1561 = vector.broadcast %sub3A_1557 : vector<128x1xf32> to vector<128x128xf32>
    %mul3A_1562 = vector.broadcast %get3A_1560 : vector<1x128xf32> to vector<128x128xf32>
    %mul3A_1563 = arith.mulf %mul3A_1561, %mul3A_1562 : vector<128x128xf32>
    %add3A_1564 = arith.addf %add3A_1556, %mul3A_1563 : vector<128x128xf32>
    %add3A_1565 = arith.addf %add3A_1564, %add3A_81 : vector<128x128xf32>
    %max3A_1566 = arith.constant 0.000000e+00 : f32
    %max3A_1567 = vector.broadcast %max3A_1566 : f32 to vector<128x128xf32>
    %max3A_1568 = arith.maximumf %add3A_1565, %max3A_1567 : vector<128x128xf32>
    %get3A_1569 = arith.constant 0 : index
    %get3A_1570 = arith.constant 0 : index
    %get3A_1571 = vector.load %arg10[%get3A_1569, %get3A_1570] : memref<128x3xf32, #tpu.memory_space<vmem>>, vector<128x3xf32>
    %dot_general3A_1572 = arith.constant dense<0.000000e+00> : vector<128x3xf32>
    %dot_general3A_1573 = tpu.matmul %max3A_1568, %get3A_1571, %dot_general3A_1572 {dimension_numbers = #tpu.dot_dimension_numbers<[1], [0], [0], [1], [0, 0, 1, 1], [], []>, transpose_lhs_hint = false} : vector<128x128xf32>, vector<128x3xf32>, vector<128x3xf32> -> vector<128x3xf32>
    %get3A_1574 = arith.constant 0 : index
    %get3A_1575 = arith.constant 0 : index
    %get3A_1576 = vector.load %arg11[%get3A_1574, %get3A_1575] : memref<1x3xf32, #tpu.memory_space<vmem>>, vector<1x3xf32>
    %add3A_1577 = vector.broadcast %get3A_1576 : vector<1x3xf32> to vector<128x3xf32>
    %add3A_1578 = arith.addf %dot_general3A_1573, %add3A_1577 : vector<128x3xf32>
    %swap3A_1579 = arith.constant 0 : index
    %swap3A_1580 = arith.constant 1920 : index
    %swap3A_1581 = arith.constant 0 : index
    %swap3A_1582 = vector.load %arg13[%swap3A_1579, %swap3A_1580, %swap3A_1581] : memref<1x4096x3xf32, #tpu.memory_space<vmem>>, vector<1x128x3xf32>
    %swap3A_1583 = vector.shape_cast %swap3A_1582 : vector<1x128x3xf32> to vector<128x3xf32>
    %swap3A_1584 = vector.shape_cast %add3A_1578 : vector<128x3xf32> to vector<1x128x3xf32>
    tpu.vector_store %arg13[%swap3A_1579, %swap3A_1580, %swap3A_1581], %swap3A_1584 {strides = array<i32>} : memref<1x4096x3xf32, #tpu.memory_space<vmem>>, vector<1x128x3xf32>,
    %reduce_min3A_1585 = arith.constant dense<0x7F800000> : vector<128xf32>
    %reduce_min3A_1586 = vector.multi_reduction <minimumf>, %select_n3A_1507, %reduce_min3A_1585 [1] : vector<128x4096xf32> to vector<128xf32>
    %broadcast_in_dim3A_1587 = vector.shape_cast %reduce_min3A_1586 : vector<128xf32> to vector<128x1xf32>
    %eq3A_1588 = vector.broadcast %broadcast_in_dim3A_1587 : vector<128x1xf32> to vector<128x4096xf32>
    %eq3A_1589 = arith.cmpf oeq, %select_n3A_1507, %eq3A_1588 : vector<128x4096xf32>
    %jit3A_1590 = arith.constant 1073741824 : i32
    %broadcast_in_dim3A_1591 = vector.broadcast %jit3A_1590 : i32 to vector<128x4096xi32>
    %select_n3A_1592 = arith.select %eq3A_1589, %iota3A, %broadcast_in_dim3A_1591 : vector<128x4096xi1>, vector<128x4096xi32>
    %reduce_min3A_1593 = arith.constant dense<2147483647> : vector<128xi32>
    %reduce_min3A_1594 = vector.multi_reduction <minsi>, %select_n3A_1592, %reduce_min3A_1593 [1] : vector<128x4096xi32> to vector<128xi32>
    %broadcast_in_dim3A_1595 = vector.shape_cast %reduce_min3A_1594 : vector<128xi32> to vector<128x1xi32>
    %eq3A_1596 = vector.broadcast %broadcast_in_dim3A_1595 : vector<128x1xi32> to vector<128x4096xi32>
    %eq3A_1597 = arith.cmpi eq, %iota3A, %eq3A_1596 : vector<128x4096xi32>
    %jit3A_1598 = arith.constant 1.000000e+30 : f32
    %broadcast_in_dim3A_1599 = vector.broadcast %jit3A_1598 : f32 to vector<128x4096xf32>
    %select_n3A_1600 = arith.select %eq3A_1597, %broadcast_in_dim3A_1599, %select_n3A_1507 : vector<128x4096xi1>, vector<128x4096xf32>
    %jit3A_1601 = arith.constant 0.000000e+00 : f32
    %broadcast_in_dim3A_1602 = vector.shape_cast %get3A_3 : vector<1x4096xf32> to vector<1x4096xf32>
    %broadcast_in_dim3A_1603 = vector.broadcast %broadcast_in_dim3A_1602 : vector<1x4096xf32> to vector<128x4096xf32>
    %broadcast_in_dim3A_1604 = vector.broadcast %jit3A_1601 : f32 to vector<128x4096xf32>
    %select_n3A_1605 = arith.select %eq3A_1597, %broadcast_in_dim3A_1603, %broadcast_in_dim3A_1604 : vector<128x4096xi1>, vector<128x4096xf32>
    %reduce_sum3A_1606 = arith.constant dense<0.000000e+00> : vector<128xf32>
    %reduce_sum3A_1607 = vector.multi_reduction <add>, %select_n3A_1605, %reduce_sum3A_1606 [1] : vector<128x4096xf32> to vector<128xf32>
    %broadcast_in_dim3A_1608 = vector.shape_cast %reduce_sum3A_1607 : vector<128xf32> to vector<128x1xf32>
    %jit3A_1609 = arith.constant 0.000000e+00 : f32
    %broadcast_in_dim3A_1610 = vector.shape_cast %get3A_8 : vector<1x4096xf32> to vector<1x4096xf32>
    %broadcast_in_dim3A_1611 = vector.broadcast %broadcast_in_dim3A_1610 : vector<1x4096xf32> to vector<128x4096xf32>
    %broadcast_in_dim3A_1612 = vector.broadcast %jit3A_1609 : f32 to vector<128x4096xf32>
    %select_n3A_1613 = arith.select %eq3A_1597, %broadcast_in_dim3A_1611, %broadcast_in_dim3A_1612 : vector<128x4096xi1>, vector<128x4096xf32>
    %reduce_sum3A_1614 = arith.constant dense<0.000000e+00> : vector<128xf32>
    %reduce_sum3A_1615 = vector.multi_reduction <add>, %select_n3A_1613, %reduce_sum3A_1614 [1] : vector<128x4096xf32> to vector<128xf32>
    %broadcast_in_dim3A_1616 = vector.shape_cast %reduce_sum3A_1615 : vector<128xf32> to vector<128x1xf32>
    %jit3A_1617 = arith.constant 0.000000e+00 : f32
    %broadcast_in_dim3A_1618 = vector.shape_cast %get3A_13 : vector<1x4096xf32> to vector<1x4096xf32>
    %broadcast_in_dim3A_1619 = vector.broadcast %broadcast_in_dim3A_1618 : vector<1x4096xf32> to vector<128x4096xf32>
    %broadcast_in_dim3A_1620 = vector.broadcast %jit3A_1617 : f32 to vector<128x4096xf32>
    %select_n3A_1621 = arith.select %eq3A_1597, %broadcast_in_dim3A_1619, %broadcast_in_dim3A_1620 : vector<128x4096xi1>, vector<128x4096xf32>
    %reduce_sum3A_1622 = arith.constant dense<0.000000e+00> : vector<128xf32>
    %reduce_sum3A_1623 = vector.multi_reduction <add>, %select_n3A_1621, %reduce_sum3A_1622 [1] : vector<128x4096xf32> to vector<128xf32>
    %broadcast_in_dim3A_1624 = vector.shape_cast %reduce_sum3A_1623 : vector<128xf32> to vector<128x1xf32>
    %concatenate3A_1625 = tpu.concatenate %broadcast_in_dim3A_1608, %broadcast_in_dim3A_1616, %broadcast_in_dim3A_1624 in 1 : vector<128x1xf32>, vector<128x1xf32>, vector<128x1xf32> -> vector<128x3xf32>
    %swap3A_1626 = arith.constant 0 : index
    %swap3A_1627 = arith.constant 2048 : index
    %swap3A_1628 = arith.constant 0 : index
    %swap3A_1629 = vector.load %arg12[%swap3A_1626, %swap3A_1627, %swap3A_1628] : memref<1x4096x3xf32, #tpu.memory_space<vmem>>, vector<1x128x3xf32>
    %swap3A_1630 = vector.shape_cast %swap3A_1629 : vector<1x128x3xf32> to vector<128x3xf32>
    %swap3A_1631 = vector.shape_cast %concatenate3A_1625 : vector<128x3xf32> to vector<1x128x3xf32>
    tpu.vector_store %arg12[%swap3A_1626, %swap3A_1627, %swap3A_1628], %swap3A_1631 {strides = array<i32>} : memref<1x4096x3xf32, #tpu.memory_space<vmem>>, vector<1x128x3xf32>,
    %add3A_1632 = arith.constant 0.000000e+00 : f32
    %add3A_1633 = vector.broadcast %add3A_1632 : f32 to vector<128x1xf32>
    %add3A_1634 = arith.addf %add3A_1633, %broadcast_in_dim3A_1608 : vector<128x1xf32>
    %add3A_1635 = arith.constant 0.000000e+00 : f32
    %add3A_1636 = vector.broadcast %add3A_1635 : f32 to vector<128x1xf32>
    %add3A_1637 = arith.addf %add3A_1636, %broadcast_in_dim3A_1616 : vector<128x1xf32>
    %add3A_1638 = arith.constant 0.000000e+00 : f32
    %add3A_1639 = vector.broadcast %add3A_1638 : f32 to vector<128x1xf32>
    %add3A_1640 = arith.addf %add3A_1639, %broadcast_in_dim3A_1624 : vector<128x1xf32>
    %sub3A_1641 = arith.subf %broadcast_in_dim3A_1608, %broadcast_in_dim3A_21 : vector<128x1xf32>
    %get3A_1642 = arith.constant 0 : index
    %get3A_1643 = arith.constant 0 : index
    %get3A_1644 = vector.load %arg7[%get3A_1642, %get3A_1643] : memref<3x128xf32, #tpu.memory_space<vmem>>, vector<1x128xf32>
    %mul3A_1645 = vector.broadcast %sub3A_1641 : vector<128x1xf32> to vector<128x128xf32>
    %mul3A_1646 = vector.broadcast %get3A_1644 : vector<1x128xf32> to vector<128x128xf32>
    %mul3A_1647 = arith.mulf %mul3A_1645, %mul3A_1646 : vector<128x128xf32>
    %sub3A_1648 = arith.subf %broadcast_in_dim3A_1616, %broadcast_in_dim3A_29 : vector<128x1xf32>
    %get3A_1649 = arith.constant 1 : index
    %get3A_1650 = arith.constant 0 : index
    %get3A_1651 = vector.load %arg7[%get3A_1649, %get3A_1650] : memref<3x128xf32, #tpu.memory_space<vmem>>, vector<1x128xf32>
    %mul3A_1652 = vector.broadcast %sub3A_1648 : vector<128x1xf32> to vector<128x128xf32>
    %mul3A_1653 = vector.broadcast %get3A_1651 : vector<1x128xf32> to vector<128x128xf32>
    %mul3A_1654 = arith.mulf %mul3A_1652, %mul3A_1653 : vector<128x128xf32>
    %add3A_1655 = arith.addf %mul3A_1647, %mul3A_1654 : vector<128x128xf32>
    %sub3A_1656 = arith.subf %broadcast_in_dim3A_1624, %broadcast_in_dim3A_37 : vector<128x1xf32>
    %get3A_1657 = arith.constant 2 : index
    %get3A_1658 = arith.constant 0 : index
    %get3A_1659 = vector.load %arg7[%get3A_1657, %get3A_1658] : memref<3x128xf32, #tpu.memory_space<vmem>>, vector<1x128xf32>
    %mul3A_1660 = vector.broadcast %sub3A_1656 : vector<128x1xf32> to vector<128x128xf32>
    %mul3A_1661 = vector.broadcast %get3A_1659 : vector<1x128xf32> to vector<128x128xf32>
    %mul3A_1662 = arith.mulf %mul3A_1660, %mul3A_1661 : vector<128x128xf32>
    %add3A_1663 = arith.addf %add3A_1655, %mul3A_1662 : vector<128x128xf32>
    %add3A_1664 = arith.addf %add3A_1663, %add3A_81 : vector<128x128xf32>
    %max3A_1665 = arith.constant 0.000000e+00 : f32
    %max3A_1666 = vector.broadcast %max3A_1665 : f32 to vector<128x128xf32>
    %max3A_1667 = arith.maximumf %add3A_1664, %max3A_1666 : vector<128x128xf32>
    %get3A_1668 = arith.constant 0 : index
    %get3A_1669 = arith.constant 0 : index
    %get3A_1670 = vector.load %arg10[%get3A_1668, %get3A_1669] : memref<128x3xf32, #tpu.memory_space<vmem>>, vector<128x3xf32>
    %dot_general3A_1671 = arith.constant dense<0.000000e+00> : vector<128x3xf32>
    %dot_general3A_1672 = tpu.matmul %max3A_1667, %get3A_1670, %dot_general3A_1671 {dimension_numbers = #tpu.dot_dimension_numbers<[1], [0], [0], [1], [0, 0, 1, 1], [], []>, transpose_lhs_hint = false} : vector<128x128xf32>, vector<128x3xf32>, vector<128x3xf32> -> vector<128x3xf32>
    %get3A_1673 = arith.constant 0 : index
    %get3A_1674 = arith.constant 0 : index
    %get3A_1675 = vector.load %arg11[%get3A_1673, %get3A_1674] : memref<1x3xf32, #tpu.memory_space<vmem>>, vector<1x3xf32>
    %add3A_1676 = vector.broadcast %get3A_1675 : vector<1x3xf32> to vector<128x3xf32>
    %add3A_1677 = arith.addf %dot_general3A_1672, %add3A_1676 : vector<128x3xf32>
    %swap3A_1678 = arith.constant 0 : index
    %swap3A_1679 = arith.constant 2048 : index
    %swap3A_1680 = arith.constant 0 : index
    %swap3A_1681 = vector.load %arg13[%swap3A_1678, %swap3A_1679, %swap3A_1680] : memref<1x4096x3xf32, #tpu.memory_space<vmem>>, vector<1x128x3xf32>
    %swap3A_1682 = vector.shape_cast %swap3A_1681 : vector<1x128x3xf32> to vector<128x3xf32>
    %swap3A_1683 = vector.shape_cast %add3A_1677 : vector<128x3xf32> to vector<1x128x3xf32>
    tpu.vector_store %arg13[%swap3A_1678, %swap3A_1679, %swap3A_1680], %swap3A_1683 {strides = array<i32>} : memref<1x4096x3xf32, #tpu.memory_space<vmem>>, vector<1x128x3xf32>,
    %reduce_min3A_1684 = arith.constant dense<0x7F800000> : vector<128xf32>
    %reduce_min3A_1685 = vector.multi_reduction <minimumf>, %select_n3A_1600, %reduce_min3A_1684 [1] : vector<128x4096xf32> to vector<128xf32>
    %broadcast_in_dim3A_1686 = vector.shape_cast %reduce_min3A_1685 : vector<128xf32> to vector<128x1xf32>
    %eq3A_1687 = vector.broadcast %broadcast_in_dim3A_1686 : vector<128x1xf32> to vector<128x4096xf32>
    %eq3A_1688 = arith.cmpf oeq, %select_n3A_1600, %eq3A_1687 : vector<128x4096xf32>
    %jit3A_1689 = arith.constant 1073741824 : i32
    %broadcast_in_dim3A_1690 = vector.broadcast %jit3A_1689 : i32 to vector<128x4096xi32>
    %select_n3A_1691 = arith.select %eq3A_1688, %iota3A, %broadcast_in_dim3A_1690 : vector<128x4096xi1>, vector<128x4096xi32>
    %reduce_min3A_1692 = arith.constant dense<2147483647> : vector<128xi32>
    %reduce_min3A_1693 = vector.multi_reduction <minsi>, %select_n3A_1691, %reduce_min3A_1692 [1] : vector<128x4096xi32> to vector<128xi32>
    %broadcast_in_dim3A_1694 = vector.shape_cast %reduce_min3A_1693 : vector<128xi32> to vector<128x1xi32>
    %eq3A_1695 = vector.broadcast %broadcast_in_dim3A_1694 : vector<128x1xi32> to vector<128x4096xi32>
    %eq3A_1696 = arith.cmpi eq, %iota3A, %eq3A_1695 : vector<128x4096xi32>
    %jit3A_1697 = arith.constant 1.000000e+30 : f32
    %broadcast_in_dim3A_1698 = vector.broadcast %jit3A_1697 : f32 to vector<128x4096xf32>
    %select_n3A_1699 = arith.select %eq3A_1696, %broadcast_in_dim3A_1698, %select_n3A_1600 : vector<128x4096xi1>, vector<128x4096xf32>
    %jit3A_1700 = arith.constant 0.000000e+00 : f32
    %broadcast_in_dim3A_1701 = vector.shape_cast %get3A_3 : vector<1x4096xf32> to vector<1x4096xf32>
    %broadcast_in_dim3A_1702 = vector.broadcast %broadcast_in_dim3A_1701 : vector<1x4096xf32> to vector<128x4096xf32>
    %broadcast_in_dim3A_1703 = vector.broadcast %jit3A_1700 : f32 to vector<128x4096xf32>
    %select_n3A_1704 = arith.select %eq3A_1696, %broadcast_in_dim3A_1702, %broadcast_in_dim3A_1703 : vector<128x4096xi1>, vector<128x4096xf32>
    %reduce_sum3A_1705 = arith.constant dense<0.000000e+00> : vector<128xf32>
    %reduce_sum3A_1706 = vector.multi_reduction <add>, %select_n3A_1704, %reduce_sum3A_1705 [1] : vector<128x4096xf32> to vector<128xf32>
    %broadcast_in_dim3A_1707 = vector.shape_cast %reduce_sum3A_1706 : vector<128xf32> to vector<128x1xf32>
    %jit3A_1708 = arith.constant 0.000000e+00 : f32
    %broadcast_in_dim3A_1709 = vector.shape_cast %get3A_8 : vector<1x4096xf32> to vector<1x4096xf32>
    %broadcast_in_dim3A_1710 = vector.broadcast %broadcast_in_dim3A_1709 : vector<1x4096xf32> to vector<128x4096xf32>
    %broadcast_in_dim3A_1711 = vector.broadcast %jit3A_1708 : f32 to vector<128x4096xf32>
    %select_n3A_1712 = arith.select %eq3A_1696, %broadcast_in_dim3A_1710, %broadcast_in_dim3A_1711 : vector<128x4096xi1>, vector<128x4096xf32>
    %reduce_sum3A_1713 = arith.constant dense<0.000000e+00> : vector<128xf32>
    %reduce_sum3A_1714 = vector.multi_reduction <add>, %select_n3A_1712, %reduce_sum3A_1713 [1] : vector<128x4096xf32> to vector<128xf32>
    %broadcast_in_dim3A_1715 = vector.shape_cast %reduce_sum3A_1714 : vector<128xf32> to vector<128x1xf32>
    %jit3A_1716 = arith.constant 0.000000e+00 : f32
    %broadcast_in_dim3A_1717 = vector.shape_cast %get3A_13 : vector<1x4096xf32> to vector<1x4096xf32>
    %broadcast_in_dim3A_1718 = vector.broadcast %broadcast_in_dim3A_1717 : vector<1x4096xf32> to vector<128x4096xf32>
    %broadcast_in_dim3A_1719 = vector.broadcast %jit3A_1716 : f32 to vector<128x4096xf32>
    %select_n3A_1720 = arith.select %eq3A_1696, %broadcast_in_dim3A_1718, %broadcast_in_dim3A_1719 : vector<128x4096xi1>, vector<128x4096xf32>
    %reduce_sum3A_1721 = arith.constant dense<0.000000e+00> : vector<128xf32>
    %reduce_sum3A_1722 = vector.multi_reduction <add>, %select_n3A_1720, %reduce_sum3A_1721 [1] : vector<128x4096xf32> to vector<128xf32>
    %broadcast_in_dim3A_1723 = vector.shape_cast %reduce_sum3A_1722 : vector<128xf32> to vector<128x1xf32>
    %concatenate3A_1724 = tpu.concatenate %broadcast_in_dim3A_1707, %broadcast_in_dim3A_1715, %broadcast_in_dim3A_1723 in 1 : vector<128x1xf32>, vector<128x1xf32>, vector<128x1xf32> -> vector<128x3xf32>
    %swap3A_1725 = arith.constant 0 : index
    %swap3A_1726 = arith.constant 2176 : index
    %swap3A_1727 = arith.constant 0 : index
    %swap3A_1728 = vector.load %arg12[%swap3A_1725, %swap3A_1726, %swap3A_1727] : memref<1x4096x3xf32, #tpu.memory_space<vmem>>, vector<1x128x3xf32>
    %swap3A_1729 = vector.shape_cast %swap3A_1728 : vector<1x128x3xf32> to vector<128x3xf32>
    %swap3A_1730 = vector.shape_cast %concatenate3A_1724 : vector<128x3xf32> to vector<1x128x3xf32>
    tpu.vector_store %arg12[%swap3A_1725, %swap3A_1726, %swap3A_1727], %swap3A_1730 {strides = array<i32>} : memref<1x4096x3xf32, #tpu.memory_space<vmem>>, vector<1x128x3xf32>,
    %add3A_1731 = arith.addf %add3A_1634, %broadcast_in_dim3A_1707 : vector<128x1xf32>
    %add3A_1732 = arith.addf %add3A_1637, %broadcast_in_dim3A_1715 : vector<128x1xf32>
    %add3A_1733 = arith.addf %add3A_1640, %broadcast_in_dim3A_1723 : vector<128x1xf32>
    %sub3A_1734 = arith.subf %broadcast_in_dim3A_1707, %broadcast_in_dim3A_21 : vector<128x1xf32>
    %get3A_1735 = arith.constant 0 : index
    %get3A_1736 = arith.constant 0 : index
    %get3A_1737 = vector.load %arg7[%get3A_1735, %get3A_1736] : memref<3x128xf32, #tpu.memory_space<vmem>>, vector<1x128xf32>
    %mul3A_1738 = vector.broadcast %sub3A_1734 : vector<128x1xf32> to vector<128x128xf32>
    %mul3A_1739 = vector.broadcast %get3A_1737 : vector<1x128xf32> to vector<128x128xf32>
    %mul3A_1740 = arith.mulf %mul3A_1738, %mul3A_1739 : vector<128x128xf32>
    %sub3A_1741 = arith.subf %broadcast_in_dim3A_1715, %broadcast_in_dim3A_29 : vector<128x1xf32>
    %get3A_1742 = arith.constant 1 : index
    %get3A_1743 = arith.constant 0 : index
    %get3A_1744 = vector.load %arg7[%get3A_1742, %get3A_1743] : memref<3x128xf32, #tpu.memory_space<vmem>>, vector<1x128xf32>
    %mul3A_1745 = vector.broadcast %sub3A_1741 : vector<128x1xf32> to vector<128x128xf32>
    %mul3A_1746 = vector.broadcast %get3A_1744 : vector<1x128xf32> to vector<128x128xf32>
    %mul3A_1747 = arith.mulf %mul3A_1745, %mul3A_1746 : vector<128x128xf32>
    %add3A_1748 = arith.addf %mul3A_1740, %mul3A_1747 : vector<128x128xf32>
    %sub3A_1749 = arith.subf %broadcast_in_dim3A_1723, %broadcast_in_dim3A_37 : vector<128x1xf32>
    %get3A_1750 = arith.constant 2 : index
    %get3A_1751 = arith.constant 0 : index
    %get3A_1752 = vector.load %arg7[%get3A_1750, %get3A_1751] : memref<3x128xf32, #tpu.memory_space<vmem>>, vector<1x128xf32>
    %mul3A_1753 = vector.broadcast %sub3A_1749 : vector<128x1xf32> to vector<128x128xf32>
    %mul3A_1754 = vector.broadcast %get3A_1752 : vector<1x128xf32> to vector<128x128xf32>
    %mul3A_1755 = arith.mulf %mul3A_1753, %mul3A_1754 : vector<128x128xf32>
    %add3A_1756 = arith.addf %add3A_1748, %mul3A_1755 : vector<128x128xf32>
    %add3A_1757 = arith.addf %add3A_1756, %add3A_81 : vector<128x128xf32>
    %max3A_1758 = arith.constant 0.000000e+00 : f32
    %max3A_1759 = vector.broadcast %max3A_1758 : f32 to vector<128x128xf32>
    %max3A_1760 = arith.maximumf %add3A_1757, %max3A_1759 : vector<128x128xf32>
    %get3A_1761 = arith.constant 0 : index
    %get3A_1762 = arith.constant 0 : index
    %get3A_1763 = vector.load %arg10[%get3A_1761, %get3A_1762] : memref<128x3xf32, #tpu.memory_space<vmem>>, vector<128x3xf32>
    %dot_general3A_1764 = arith.constant dense<0.000000e+00> : vector<128x3xf32>
    %dot_general3A_1765 = tpu.matmul %max3A_1760, %get3A_1763, %dot_general3A_1764 {dimension_numbers = #tpu.dot_dimension_numbers<[1], [0], [0], [1], [0, 0, 1, 1], [], []>, transpose_lhs_hint = false} : vector<128x128xf32>, vector<128x3xf32>, vector<128x3xf32> -> vector<128x3xf32>
    %get3A_1766 = arith.constant 0 : index
    %get3A_1767 = arith.constant 0 : index
    %get3A_1768 = vector.load %arg11[%get3A_1766, %get3A_1767] : memref<1x3xf32, #tpu.memory_space<vmem>>, vector<1x3xf32>
    %add3A_1769 = vector.broadcast %get3A_1768 : vector<1x3xf32> to vector<128x3xf32>
    %add3A_1770 = arith.addf %dot_general3A_1765, %add3A_1769 : vector<128x3xf32>
    %swap3A_1771 = arith.constant 0 : index
    %swap3A_1772 = arith.constant 2176 : index
    %swap3A_1773 = arith.constant 0 : index
    %swap3A_1774 = vector.load %arg13[%swap3A_1771, %swap3A_1772, %swap3A_1773] : memref<1x4096x3xf32, #tpu.memory_space<vmem>>, vector<1x128x3xf32>
    %swap3A_1775 = vector.shape_cast %swap3A_1774 : vector<1x128x3xf32> to vector<128x3xf32>
    %swap3A_1776 = vector.shape_cast %add3A_1770 : vector<128x3xf32> to vector<1x128x3xf32>
    tpu.vector_store %arg13[%swap3A_1771, %swap3A_1772, %swap3A_1773], %swap3A_1776 {strides = array<i32>} : memref<1x4096x3xf32, #tpu.memory_space<vmem>>, vector<1x128x3xf32>,
    %reduce_min3A_1777 = arith.constant dense<0x7F800000> : vector<128xf32>
    %reduce_min3A_1778 = vector.multi_reduction <minimumf>, %select_n3A_1699, %reduce_min3A_1777 [1] : vector<128x4096xf32> to vector<128xf32>
    %broadcast_in_dim3A_1779 = vector.shape_cast %reduce_min3A_1778 : vector<128xf32> to vector<128x1xf32>
    %eq3A_1780 = vector.broadcast %broadcast_in_dim3A_1779 : vector<128x1xf32> to vector<128x4096xf32>
    %eq3A_1781 = arith.cmpf oeq, %select_n3A_1699, %eq3A_1780 : vector<128x4096xf32>
    %jit3A_1782 = arith.constant 1073741824 : i32
    %broadcast_in_dim3A_1783 = vector.broadcast %jit3A_1782 : i32 to vector<128x4096xi32>
    %select_n3A_1784 = arith.select %eq3A_1781, %iota3A, %broadcast_in_dim3A_1783 : vector<128x4096xi1>, vector<128x4096xi32>
    %reduce_min3A_1785 = arith.constant dense<2147483647> : vector<128xi32>
    %reduce_min3A_1786 = vector.multi_reduction <minsi>, %select_n3A_1784, %reduce_min3A_1785 [1] : vector<128x4096xi32> to vector<128xi32>
    %broadcast_in_dim3A_1787 = vector.shape_cast %reduce_min3A_1786 : vector<128xi32> to vector<128x1xi32>
    %eq3A_1788 = vector.broadcast %broadcast_in_dim3A_1787 : vector<128x1xi32> to vector<128x4096xi32>
    %eq3A_1789 = arith.cmpi eq, %iota3A, %eq3A_1788 : vector<128x4096xi32>
    %jit3A_1790 = arith.constant 1.000000e+30 : f32
    %broadcast_in_dim3A_1791 = vector.broadcast %jit3A_1790 : f32 to vector<128x4096xf32>
    %select_n3A_1792 = arith.select %eq3A_1789, %broadcast_in_dim3A_1791, %select_n3A_1699 : vector<128x4096xi1>, vector<128x4096xf32>
    %jit3A_1793 = arith.constant 0.000000e+00 : f32
    %broadcast_in_dim3A_1794 = vector.shape_cast %get3A_3 : vector<1x4096xf32> to vector<1x4096xf32>
    %broadcast_in_dim3A_1795 = vector.broadcast %broadcast_in_dim3A_1794 : vector<1x4096xf32> to vector<128x4096xf32>
    %broadcast_in_dim3A_1796 = vector.broadcast %jit3A_1793 : f32 to vector<128x4096xf32>
    %select_n3A_1797 = arith.select %eq3A_1789, %broadcast_in_dim3A_1795, %broadcast_in_dim3A_1796 : vector<128x4096xi1>, vector<128x4096xf32>
    %reduce_sum3A_1798 = arith.constant dense<0.000000e+00> : vector<128xf32>
    %reduce_sum3A_1799 = vector.multi_reduction <add>, %select_n3A_1797, %reduce_sum3A_1798 [1] : vector<128x4096xf32> to vector<128xf32>
    %broadcast_in_dim3A_1800 = vector.shape_cast %reduce_sum3A_1799 : vector<128xf32> to vector<128x1xf32>
    %jit3A_1801 = arith.constant 0.000000e+00 : f32
    %broadcast_in_dim3A_1802 = vector.shape_cast %get3A_8 : vector<1x4096xf32> to vector<1x4096xf32>
    %broadcast_in_dim3A_1803 = vector.broadcast %broadcast_in_dim3A_1802 : vector<1x4096xf32> to vector<128x4096xf32>
    %broadcast_in_dim3A_1804 = vector.broadcast %jit3A_1801 : f32 to vector<128x4096xf32>
    %select_n3A_1805 = arith.select %eq3A_1789, %broadcast_in_dim3A_1803, %broadcast_in_dim3A_1804 : vector<128x4096xi1>, vector<128x4096xf32>
    %reduce_sum3A_1806 = arith.constant dense<0.000000e+00> : vector<128xf32>
    %reduce_sum3A_1807 = vector.multi_reduction <add>, %select_n3A_1805, %reduce_sum3A_1806 [1] : vector<128x4096xf32> to vector<128xf32>
    %broadcast_in_dim3A_1808 = vector.shape_cast %reduce_sum3A_1807 : vector<128xf32> to vector<128x1xf32>
    %jit3A_1809 = arith.constant 0.000000e+00 : f32
    %broadcast_in_dim3A_1810 = vector.shape_cast %get3A_13 : vector<1x4096xf32> to vector<1x4096xf32>
    %broadcast_in_dim3A_1811 = vector.broadcast %broadcast_in_dim3A_1810 : vector<1x4096xf32> to vector<128x4096xf32>
    %broadcast_in_dim3A_1812 = vector.broadcast %jit3A_1809 : f32 to vector<128x4096xf32>
    %select_n3A_1813 = arith.select %eq3A_1789, %broadcast_in_dim3A_1811, %broadcast_in_dim3A_1812 : vector<128x4096xi1>, vector<128x4096xf32>
    %reduce_sum3A_1814 = arith.constant dense<0.000000e+00> : vector<128xf32>
    %reduce_sum3A_1815 = vector.multi_reduction <add>, %select_n3A_1813, %reduce_sum3A_1814 [1] : vector<128x4096xf32> to vector<128xf32>
    %broadcast_in_dim3A_1816 = vector.shape_cast %reduce_sum3A_1815 : vector<128xf32> to vector<128x1xf32>
    %concatenate3A_1817 = tpu.concatenate %broadcast_in_dim3A_1800, %broadcast_in_dim3A_1808, %broadcast_in_dim3A_1816 in 1 : vector<128x1xf32>, vector<128x1xf32>, vector<128x1xf32> -> vector<128x3xf32>
    %swap3A_1818 = arith.constant 0 : index
    %swap3A_1819 = arith.constant 2304 : index
    %swap3A_1820 = arith.constant 0 : index
    %swap3A_1821 = vector.load %arg12[%swap3A_1818, %swap3A_1819, %swap3A_1820] : memref<1x4096x3xf32, #tpu.memory_space<vmem>>, vector<1x128x3xf32>
    %swap3A_1822 = vector.shape_cast %swap3A_1821 : vector<1x128x3xf32> to vector<128x3xf32>
    %swap3A_1823 = vector.shape_cast %concatenate3A_1817 : vector<128x3xf32> to vector<1x128x3xf32>
    tpu.vector_store %arg12[%swap3A_1818, %swap3A_1819, %swap3A_1820], %swap3A_1823 {strides = array<i32>} : memref<1x4096x3xf32, #tpu.memory_space<vmem>>, vector<1x128x3xf32>,
    %add3A_1824 = arith.addf %add3A_1731, %broadcast_in_dim3A_1800 : vector<128x1xf32>
    %add3A_1825 = arith.addf %add3A_1732, %broadcast_in_dim3A_1808 : vector<128x1xf32>
    %add3A_1826 = arith.addf %add3A_1733, %broadcast_in_dim3A_1816 : vector<128x1xf32>
    %sub3A_1827 = arith.subf %broadcast_in_dim3A_1800, %broadcast_in_dim3A_21 : vector<128x1xf32>
    %get3A_1828 = arith.constant 0 : index
    %get3A_1829 = arith.constant 0 : index
    %get3A_1830 = vector.load %arg7[%get3A_1828, %get3A_1829] : memref<3x128xf32, #tpu.memory_space<vmem>>, vector<1x128xf32>
    %mul3A_1831 = vector.broadcast %sub3A_1827 : vector<128x1xf32> to vector<128x128xf32>
    %mul3A_1832 = vector.broadcast %get3A_1830 : vector<1x128xf32> to vector<128x128xf32>
    %mul3A_1833 = arith.mulf %mul3A_1831, %mul3A_1832 : vector<128x128xf32>
    %sub3A_1834 = arith.subf %broadcast_in_dim3A_1808, %broadcast_in_dim3A_29 : vector<128x1xf32>
    %get3A_1835 = arith.constant 1 : index
    %get3A_1836 = arith.constant 0 : index
    %get3A_1837 = vector.load %arg7[%get3A_1835, %get3A_1836] : memref<3x128xf32, #tpu.memory_space<vmem>>, vector<1x128xf32>
    %mul3A_1838 = vector.broadcast %sub3A_1834 : vector<128x1xf32> to vector<128x128xf32>
    %mul3A_1839 = vector.broadcast %get3A_1837 : vector<1x128xf32> to vector<128x128xf32>
    %mul3A_1840 = arith.mulf %mul3A_1838, %mul3A_1839 : vector<128x128xf32>
    %add3A_1841 = arith.addf %mul3A_1833, %mul3A_1840 : vector<128x128xf32>
    %sub3A_1842 = arith.subf %broadcast_in_dim3A_1816, %broadcast_in_dim3A_37 : vector<128x1xf32>
    %get3A_1843 = arith.constant 2 : index
    %get3A_1844 = arith.constant 0 : index
    %get3A_1845 = vector.load %arg7[%get3A_1843, %get3A_1844] : memref<3x128xf32, #tpu.memory_space<vmem>>, vector<1x128xf32>
    %mul3A_1846 = vector.broadcast %sub3A_1842 : vector<128x1xf32> to vector<128x128xf32>
    %mul3A_1847 = vector.broadcast %get3A_1845 : vector<1x128xf32> to vector<128x128xf32>
    %mul3A_1848 = arith.mulf %mul3A_1846, %mul3A_1847 : vector<128x128xf32>
    %add3A_1849 = arith.addf %add3A_1841, %mul3A_1848 : vector<128x128xf32>
    %add3A_1850 = arith.addf %add3A_1849, %add3A_81 : vector<128x128xf32>
    %max3A_1851 = arith.constant 0.000000e+00 : f32
    %max3A_1852 = vector.broadcast %max3A_1851 : f32 to vector<128x128xf32>
    %max3A_1853 = arith.maximumf %add3A_1850, %max3A_1852 : vector<128x128xf32>
    %get3A_1854 = arith.constant 0 : index
    %get3A_1855 = arith.constant 0 : index
    %get3A_1856 = vector.load %arg10[%get3A_1854, %get3A_1855] : memref<128x3xf32, #tpu.memory_space<vmem>>, vector<128x3xf32>
    %dot_general3A_1857 = arith.constant dense<0.000000e+00> : vector<128x3xf32>
    %dot_general3A_1858 = tpu.matmul %max3A_1853, %get3A_1856, %dot_general3A_1857 {dimension_numbers = #tpu.dot_dimension_numbers<[1], [0], [0], [1], [0, 0, 1, 1], [], []>, transpose_lhs_hint = false} : vector<128x128xf32>, vector<128x3xf32>, vector<128x3xf32> -> vector<128x3xf32>
    %get3A_1859 = arith.constant 0 : index
    %get3A_1860 = arith.constant 0 : index
    %get3A_1861 = vector.load %arg11[%get3A_1859, %get3A_1860] : memref<1x3xf32, #tpu.memory_space<vmem>>, vector<1x3xf32>
    %add3A_1862 = vector.broadcast %get3A_1861 : vector<1x3xf32> to vector<128x3xf32>
    %add3A_1863 = arith.addf %dot_general3A_1858, %add3A_1862 : vector<128x3xf32>
    %swap3A_1864 = arith.constant 0 : index
    %swap3A_1865 = arith.constant 2304 : index
    %swap3A_1866 = arith.constant 0 : index
    %swap3A_1867 = vector.load %arg13[%swap3A_1864, %swap3A_1865, %swap3A_1866] : memref<1x4096x3xf32, #tpu.memory_space<vmem>>, vector<1x128x3xf32>
    %swap3A_1868 = vector.shape_cast %swap3A_1867 : vector<1x128x3xf32> to vector<128x3xf32>
    %swap3A_1869 = vector.shape_cast %add3A_1863 : vector<128x3xf32> to vector<1x128x3xf32>
    tpu.vector_store %arg13[%swap3A_1864, %swap3A_1865, %swap3A_1866], %swap3A_1869 {strides = array<i32>} : memref<1x4096x3xf32, #tpu.memory_space<vmem>>, vector<1x128x3xf32>,
    %reduce_min3A_1870 = arith.constant dense<0x7F800000> : vector<128xf32>
    %reduce_min3A_1871 = vector.multi_reduction <minimumf>, %select_n3A_1792, %reduce_min3A_1870 [1] : vector<128x4096xf32> to vector<128xf32>
    %broadcast_in_dim3A_1872 = vector.shape_cast %reduce_min3A_1871 : vector<128xf32> to vector<128x1xf32>
    %eq3A_1873 = vector.broadcast %broadcast_in_dim3A_1872 : vector<128x1xf32> to vector<128x4096xf32>
    %eq3A_1874 = arith.cmpf oeq, %select_n3A_1792, %eq3A_1873 : vector<128x4096xf32>
    %jit3A_1875 = arith.constant 1073741824 : i32
    %broadcast_in_dim3A_1876 = vector.broadcast %jit3A_1875 : i32 to vector<128x4096xi32>
    %select_n3A_1877 = arith.select %eq3A_1874, %iota3A, %broadcast_in_dim3A_1876 : vector<128x4096xi1>, vector<128x4096xi32>
    %reduce_min3A_1878 = arith.constant dense<2147483647> : vector<128xi32>
    %reduce_min3A_1879 = vector.multi_reduction <minsi>, %select_n3A_1877, %reduce_min3A_1878 [1] : vector<128x4096xi32> to vector<128xi32>
    %broadcast_in_dim3A_1880 = vector.shape_cast %reduce_min3A_1879 : vector<128xi32> to vector<128x1xi32>
    %eq3A_1881 = vector.broadcast %broadcast_in_dim3A_1880 : vector<128x1xi32> to vector<128x4096xi32>
    %eq3A_1882 = arith.cmpi eq, %iota3A, %eq3A_1881 : vector<128x4096xi32>
    %jit3A_1883 = arith.constant 1.000000e+30 : f32
    %broadcast_in_dim3A_1884 = vector.broadcast %jit3A_1883 : f32 to vector<128x4096xf32>
    %select_n3A_1885 = arith.select %eq3A_1882, %broadcast_in_dim3A_1884, %select_n3A_1792 : vector<128x4096xi1>, vector<128x4096xf32>
    %jit3A_1886 = arith.constant 0.000000e+00 : f32
    %broadcast_in_dim3A_1887 = vector.shape_cast %get3A_3 : vector<1x4096xf32> to vector<1x4096xf32>
    %broadcast_in_dim3A_1888 = vector.broadcast %broadcast_in_dim3A_1887 : vector<1x4096xf32> to vector<128x4096xf32>
    %broadcast_in_dim3A_1889 = vector.broadcast %jit3A_1886 : f32 to vector<128x4096xf32>
    %select_n3A_1890 = arith.select %eq3A_1882, %broadcast_in_dim3A_1888, %broadcast_in_dim3A_1889 : vector<128x4096xi1>, vector<128x4096xf32>
    %reduce_sum3A_1891 = arith.constant dense<0.000000e+00> : vector<128xf32>
    %reduce_sum3A_1892 = vector.multi_reduction <add>, %select_n3A_1890, %reduce_sum3A_1891 [1] : vector<128x4096xf32> to vector<128xf32>
    %broadcast_in_dim3A_1893 = vector.shape_cast %reduce_sum3A_1892 : vector<128xf32> to vector<128x1xf32>
    %jit3A_1894 = arith.constant 0.000000e+00 : f32
    %broadcast_in_dim3A_1895 = vector.shape_cast %get3A_8 : vector<1x4096xf32> to vector<1x4096xf32>
    %broadcast_in_dim3A_1896 = vector.broadcast %broadcast_in_dim3A_1895 : vector<1x4096xf32> to vector<128x4096xf32>
    %broadcast_in_dim3A_1897 = vector.broadcast %jit3A_1894 : f32 to vector<128x4096xf32>
    %select_n3A_1898 = arith.select %eq3A_1882, %broadcast_in_dim3A_1896, %broadcast_in_dim3A_1897 : vector<128x4096xi1>, vector<128x4096xf32>
    %reduce_sum3A_1899 = arith.constant dense<0.000000e+00> : vector<128xf32>
    %reduce_sum3A_1900 = vector.multi_reduction <add>, %select_n3A_1898, %reduce_sum3A_1899 [1] : vector<128x4096xf32> to vector<128xf32>
    %broadcast_in_dim3A_1901 = vector.shape_cast %reduce_sum3A_1900 : vector<128xf32> to vector<128x1xf32>
    %jit3A_1902 = arith.constant 0.000000e+00 : f32
    %broadcast_in_dim3A_1903 = vector.shape_cast %get3A_13 : vector<1x4096xf32> to vector<1x4096xf32>
    %broadcast_in_dim3A_1904 = vector.broadcast %broadcast_in_dim3A_1903 : vector<1x4096xf32> to vector<128x4096xf32>
    %broadcast_in_dim3A_1905 = vector.broadcast %jit3A_1902 : f32 to vector<128x4096xf32>
    %select_n3A_1906 = arith.select %eq3A_1882, %broadcast_in_dim3A_1904, %broadcast_in_dim3A_1905 : vector<128x4096xi1>, vector<128x4096xf32>
    %reduce_sum3A_1907 = arith.constant dense<0.000000e+00> : vector<128xf32>
    %reduce_sum3A_1908 = vector.multi_reduction <add>, %select_n3A_1906, %reduce_sum3A_1907 [1] : vector<128x4096xf32> to vector<128xf32>
    %broadcast_in_dim3A_1909 = vector.shape_cast %reduce_sum3A_1908 : vector<128xf32> to vector<128x1xf32>
    %concatenate3A_1910 = tpu.concatenate %broadcast_in_dim3A_1893, %broadcast_in_dim3A_1901, %broadcast_in_dim3A_1909 in 1 : vector<128x1xf32>, vector<128x1xf32>, vector<128x1xf32> -> vector<128x3xf32>
    %swap3A_1911 = arith.constant 0 : index
    %swap3A_1912 = arith.constant 2432 : index
    %swap3A_1913 = arith.constant 0 : index
    %swap3A_1914 = vector.load %arg12[%swap3A_1911, %swap3A_1912, %swap3A_1913] : memref<1x4096x3xf32, #tpu.memory_space<vmem>>, vector<1x128x3xf32>
    %swap3A_1915 = vector.shape_cast %swap3A_1914 : vector<1x128x3xf32> to vector<128x3xf32>
    %swap3A_1916 = vector.shape_cast %concatenate3A_1910 : vector<128x3xf32> to vector<1x128x3xf32>
    tpu.vector_store %arg12[%swap3A_1911, %swap3A_1912, %swap3A_1913], %swap3A_1916 {strides = array<i32>} : memref<1x4096x3xf32, #tpu.memory_space<vmem>>, vector<1x128x3xf32>,
    %add3A_1917 = arith.addf %add3A_1824, %broadcast_in_dim3A_1893 : vector<128x1xf32>
    %add3A_1918 = arith.addf %add3A_1825, %broadcast_in_dim3A_1901 : vector<128x1xf32>
    %add3A_1919 = arith.addf %add3A_1826, %broadcast_in_dim3A_1909 : vector<128x1xf32>
    %sub3A_1920 = arith.subf %broadcast_in_dim3A_1893, %broadcast_in_dim3A_21 : vector<128x1xf32>
    %get3A_1921 = arith.constant 0 : index
    %get3A_1922 = arith.constant 0 : index
    %get3A_1923 = vector.load %arg7[%get3A_1921, %get3A_1922] : memref<3x128xf32, #tpu.memory_space<vmem>>, vector<1x128xf32>
    %mul3A_1924 = vector.broadcast %sub3A_1920 : vector<128x1xf32> to vector<128x128xf32>
    %mul3A_1925 = vector.broadcast %get3A_1923 : vector<1x128xf32> to vector<128x128xf32>
    %mul3A_1926 = arith.mulf %mul3A_1924, %mul3A_1925 : vector<128x128xf32>
    %sub3A_1927 = arith.subf %broadcast_in_dim3A_1901, %broadcast_in_dim3A_29 : vector<128x1xf32>
    %get3A_1928 = arith.constant 1 : index
    %get3A_1929 = arith.constant 0 : index
    %get3A_1930 = vector.load %arg7[%get3A_1928, %get3A_1929] : memref<3x128xf32, #tpu.memory_space<vmem>>, vector<1x128xf32>
    %mul3A_1931 = vector.broadcast %sub3A_1927 : vector<128x1xf32> to vector<128x128xf32>
    %mul3A_1932 = vector.broadcast %get3A_1930 : vector<1x128xf32> to vector<128x128xf32>
    %mul3A_1933 = arith.mulf %mul3A_1931, %mul3A_1932 : vector<128x128xf32>
    %add3A_1934 = arith.addf %mul3A_1926, %mul3A_1933 : vector<128x128xf32>
    %sub3A_1935 = arith.subf %broadcast_in_dim3A_1909, %broadcast_in_dim3A_37 : vector<128x1xf32>
    %get3A_1936 = arith.constant 2 : index
    %get3A_1937 = arith.constant 0 : index
    %get3A_1938 = vector.load %arg7[%get3A_1936, %get3A_1937] : memref<3x128xf32, #tpu.memory_space<vmem>>, vector<1x128xf32>
    %mul3A_1939 = vector.broadcast %sub3A_1935 : vector<128x1xf32> to vector<128x128xf32>
    %mul3A_1940 = vector.broadcast %get3A_1938 : vector<1x128xf32> to vector<128x128xf32>
    %mul3A_1941 = arith.mulf %mul3A_1939, %mul3A_1940 : vector<128x128xf32>
    %add3A_1942 = arith.addf %add3A_1934, %mul3A_1941 : vector<128x128xf32>
    %add3A_1943 = arith.addf %add3A_1942, %add3A_81 : vector<128x128xf32>
    %max3A_1944 = arith.constant 0.000000e+00 : f32
    %max3A_1945 = vector.broadcast %max3A_1944 : f32 to vector<128x128xf32>
    %max3A_1946 = arith.maximumf %add3A_1943, %max3A_1945 : vector<128x128xf32>
    %get3A_1947 = arith.constant 0 : index
    %get3A_1948 = arith.constant 0 : index
    %get3A_1949 = vector.load %arg10[%get3A_1947, %get3A_1948] : memref<128x3xf32, #tpu.memory_space<vmem>>, vector<128x3xf32>
    %dot_general3A_1950 = arith.constant dense<0.000000e+00> : vector<128x3xf32>
    %dot_general3A_1951 = tpu.matmul %max3A_1946, %get3A_1949, %dot_general3A_1950 {dimension_numbers = #tpu.dot_dimension_numbers<[1], [0], [0], [1], [0, 0, 1, 1], [], []>, transpose_lhs_hint = false} : vector<128x128xf32>, vector<128x3xf32>, vector<128x3xf32> -> vector<128x3xf32>
    %get3A_1952 = arith.constant 0 : index
    %get3A_1953 = arith.constant 0 : index
    %get3A_1954 = vector.load %arg11[%get3A_1952, %get3A_1953] : memref<1x3xf32, #tpu.memory_space<vmem>>, vector<1x3xf32>
    %add3A_1955 = vector.broadcast %get3A_1954 : vector<1x3xf32> to vector<128x3xf32>
    %add3A_1956 = arith.addf %dot_general3A_1951, %add3A_1955 : vector<128x3xf32>
    %swap3A_1957 = arith.constant 0 : index
    %swap3A_1958 = arith.constant 2432 : index
    %swap3A_1959 = arith.constant 0 : index
    %swap3A_1960 = vector.load %arg13[%swap3A_1957, %swap3A_1958, %swap3A_1959] : memref<1x4096x3xf32, #tpu.memory_space<vmem>>, vector<1x128x3xf32>
    %swap3A_1961 = vector.shape_cast %swap3A_1960 : vector<1x128x3xf32> to vector<128x3xf32>
    %swap3A_1962 = vector.shape_cast %add3A_1956 : vector<128x3xf32> to vector<1x128x3xf32>
    tpu.vector_store %arg13[%swap3A_1957, %swap3A_1958, %swap3A_1959], %swap3A_1962 {strides = array<i32>} : memref<1x4096x3xf32, #tpu.memory_space<vmem>>, vector<1x128x3xf32>,
    %reduce_min3A_1963 = arith.constant dense<0x7F800000> : vector<128xf32>
    %reduce_min3A_1964 = vector.multi_reduction <minimumf>, %select_n3A_1885, %reduce_min3A_1963 [1] : vector<128x4096xf32> to vector<128xf32>
    %broadcast_in_dim3A_1965 = vector.shape_cast %reduce_min3A_1964 : vector<128xf32> to vector<128x1xf32>
    %eq3A_1966 = vector.broadcast %broadcast_in_dim3A_1965 : vector<128x1xf32> to vector<128x4096xf32>
    %eq3A_1967 = arith.cmpf oeq, %select_n3A_1885, %eq3A_1966 : vector<128x4096xf32>
    %jit3A_1968 = arith.constant 1073741824 : i32
    %broadcast_in_dim3A_1969 = vector.broadcast %jit3A_1968 : i32 to vector<128x4096xi32>
    %select_n3A_1970 = arith.select %eq3A_1967, %iota3A, %broadcast_in_dim3A_1969 : vector<128x4096xi1>, vector<128x4096xi32>
    %reduce_min3A_1971 = arith.constant dense<2147483647> : vector<128xi32>
    %reduce_min3A_1972 = vector.multi_reduction <minsi>, %select_n3A_1970, %reduce_min3A_1971 [1] : vector<128x4096xi32> to vector<128xi32>
    %broadcast_in_dim3A_1973 = vector.shape_cast %reduce_min3A_1972 : vector<128xi32> to vector<128x1xi32>
    %eq3A_1974 = vector.broadcast %broadcast_in_dim3A_1973 : vector<128x1xi32> to vector<128x4096xi32>
    %eq3A_1975 = arith.cmpi eq, %iota3A, %eq3A_1974 : vector<128x4096xi32>
    %jit3A_1976 = arith.constant 1.000000e+30 : f32
    %broadcast_in_dim3A_1977 = vector.broadcast %jit3A_1976 : f32 to vector<128x4096xf32>
    %select_n3A_1978 = arith.select %eq3A_1975, %broadcast_in_dim3A_1977, %select_n3A_1885 : vector<128x4096xi1>, vector<128x4096xf32>
    %jit3A_1979 = arith.constant 0.000000e+00 : f32
    %broadcast_in_dim3A_1980 = vector.shape_cast %get3A_3 : vector<1x4096xf32> to vector<1x4096xf32>
    %broadcast_in_dim3A_1981 = vector.broadcast %broadcast_in_dim3A_1980 : vector<1x4096xf32> to vector<128x4096xf32>
    %broadcast_in_dim3A_1982 = vector.broadcast %jit3A_1979 : f32 to vector<128x4096xf32>
    %select_n3A_1983 = arith.select %eq3A_1975, %broadcast_in_dim3A_1981, %broadcast_in_dim3A_1982 : vector<128x4096xi1>, vector<128x4096xf32>
    %reduce_sum3A_1984 = arith.constant dense<0.000000e+00> : vector<128xf32>
    %reduce_sum3A_1985 = vector.multi_reduction <add>, %select_n3A_1983, %reduce_sum3A_1984 [1] : vector<128x4096xf32> to vector<128xf32>
    %broadcast_in_dim3A_1986 = vector.shape_cast %reduce_sum3A_1985 : vector<128xf32> to vector<128x1xf32>
    %jit3A_1987 = arith.constant 0.000000e+00 : f32
    %broadcast_in_dim3A_1988 = vector.shape_cast %get3A_8 : vector<1x4096xf32> to vector<1x4096xf32>
    %broadcast_in_dim3A_1989 = vector.broadcast %broadcast_in_dim3A_1988 : vector<1x4096xf32> to vector<128x4096xf32>
    %broadcast_in_dim3A_1990 = vector.broadcast %jit3A_1987 : f32 to vector<128x4096xf32>
    %select_n3A_1991 = arith.select %eq3A_1975, %broadcast_in_dim3A_1989, %broadcast_in_dim3A_1990 : vector<128x4096xi1>, vector<128x4096xf32>
    %reduce_sum3A_1992 = arith.constant dense<0.000000e+00> : vector<128xf32>
    %reduce_sum3A_1993 = vector.multi_reduction <add>, %select_n3A_1991, %reduce_sum3A_1992 [1] : vector<128x4096xf32> to vector<128xf32>
    %broadcast_in_dim3A_1994 = vector.shape_cast %reduce_sum3A_1993 : vector<128xf32> to vector<128x1xf32>
    %jit3A_1995 = arith.constant 0.000000e+00 : f32
    %broadcast_in_dim3A_1996 = vector.shape_cast %get3A_13 : vector<1x4096xf32> to vector<1x4096xf32>
    %broadcast_in_dim3A_1997 = vector.broadcast %broadcast_in_dim3A_1996 : vector<1x4096xf32> to vector<128x4096xf32>
    %broadcast_in_dim3A_1998 = vector.broadcast %jit3A_1995 : f32 to vector<128x4096xf32>
    %select_n3A_1999 = arith.select %eq3A_1975, %broadcast_in_dim3A_1997, %broadcast_in_dim3A_1998 : vector<128x4096xi1>, vector<128x4096xf32>
    %reduce_sum3A_2000 = arith.constant dense<0.000000e+00> : vector<128xf32>
    %reduce_sum3A_2001 = vector.multi_reduction <add>, %select_n3A_1999, %reduce_sum3A_2000 [1] : vector<128x4096xf32> to vector<128xf32>
    %broadcast_in_dim3A_2002 = vector.shape_cast %reduce_sum3A_2001 : vector<128xf32> to vector<128x1xf32>
    %concatenate3A_2003 = tpu.concatenate %broadcast_in_dim3A_1986, %broadcast_in_dim3A_1994, %broadcast_in_dim3A_2002 in 1 : vector<128x1xf32>, vector<128x1xf32>, vector<128x1xf32> -> vector<128x3xf32>
    %swap3A_2004 = arith.constant 0 : index
    %swap3A_2005 = arith.constant 2560 : index
    %swap3A_2006 = arith.constant 0 : index
    %swap3A_2007 = vector.load %arg12[%swap3A_2004, %swap3A_2005, %swap3A_2006] : memref<1x4096x3xf32, #tpu.memory_space<vmem>>, vector<1x128x3xf32>
    %swap3A_2008 = vector.shape_cast %swap3A_2007 : vector<1x128x3xf32> to vector<128x3xf32>
    %swap3A_2009 = vector.shape_cast %concatenate3A_2003 : vector<128x3xf32> to vector<1x128x3xf32>
    tpu.vector_store %arg12[%swap3A_2004, %swap3A_2005, %swap3A_2006], %swap3A_2009 {strides = array<i32>} : memref<1x4096x3xf32, #tpu.memory_space<vmem>>, vector<1x128x3xf32>,
    %add3A_2010 = arith.addf %add3A_1917, %broadcast_in_dim3A_1986 : vector<128x1xf32>
    %add3A_2011 = arith.addf %add3A_1918, %broadcast_in_dim3A_1994 : vector<128x1xf32>
    %add3A_2012 = arith.addf %add3A_1919, %broadcast_in_dim3A_2002 : vector<128x1xf32>
    %sub3A_2013 = arith.subf %broadcast_in_dim3A_1986, %broadcast_in_dim3A_21 : vector<128x1xf32>
    %get3A_2014 = arith.constant 0 : index
    %get3A_2015 = arith.constant 0 : index
    %get3A_2016 = vector.load %arg7[%get3A_2014, %get3A_2015] : memref<3x128xf32, #tpu.memory_space<vmem>>, vector<1x128xf32>
    %mul3A_2017 = vector.broadcast %sub3A_2013 : vector<128x1xf32> to vector<128x128xf32>
    %mul3A_2018 = vector.broadcast %get3A_2016 : vector<1x128xf32> to vector<128x128xf32>
    %mul3A_2019 = arith.mulf %mul3A_2017, %mul3A_2018 : vector<128x128xf32>
    %sub3A_2020 = arith.subf %broadcast_in_dim3A_1994, %broadcast_in_dim3A_29 : vector<128x1xf32>
    %get3A_2021 = arith.constant 1 : index
    %get3A_2022 = arith.constant 0 : index
    %get3A_2023 = vector.load %arg7[%get3A_2021, %get3A_2022] : memref<3x128xf32, #tpu.memory_space<vmem>>, vector<1x128xf32>
    %mul3A_2024 = vector.broadcast %sub3A_2020 : vector<128x1xf32> to vector<128x128xf32>
    %mul3A_2025 = vector.broadcast %get3A_2023 : vector<1x128xf32> to vector<128x128xf32>
    %mul3A_2026 = arith.mulf %mul3A_2024, %mul3A_2025 : vector<128x128xf32>
    %add3A_2027 = arith.addf %mul3A_2019, %mul3A_2026 : vector<128x128xf32>
    %sub3A_2028 = arith.subf %broadcast_in_dim3A_2002, %broadcast_in_dim3A_37 : vector<128x1xf32>
    %get3A_2029 = arith.constant 2 : index
    %get3A_2030 = arith.constant 0 : index
    %get3A_2031 = vector.load %arg7[%get3A_2029, %get3A_2030] : memref<3x128xf32, #tpu.memory_space<vmem>>, vector<1x128xf32>
    %mul3A_2032 = vector.broadcast %sub3A_2028 : vector<128x1xf32> to vector<128x128xf32>
    %mul3A_2033 = vector.broadcast %get3A_2031 : vector<1x128xf32> to vector<128x128xf32>
    %mul3A_2034 = arith.mulf %mul3A_2032, %mul3A_2033 : vector<128x128xf32>
    %add3A_2035 = arith.addf %add3A_2027, %mul3A_2034 : vector<128x128xf32>
    %add3A_2036 = arith.addf %add3A_2035, %add3A_81 : vector<128x128xf32>
    %max3A_2037 = arith.constant 0.000000e+00 : f32
    %max3A_2038 = vector.broadcast %max3A_2037 : f32 to vector<128x128xf32>
    %max3A_2039 = arith.maximumf %add3A_2036, %max3A_2038 : vector<128x128xf32>
    %get3A_2040 = arith.constant 0 : index
    %get3A_2041 = arith.constant 0 : index
    %get3A_2042 = vector.load %arg10[%get3A_2040, %get3A_2041] : memref<128x3xf32, #tpu.memory_space<vmem>>, vector<128x3xf32>
    %dot_general3A_2043 = arith.constant dense<0.000000e+00> : vector<128x3xf32>
    %dot_general3A_2044 = tpu.matmul %max3A_2039, %get3A_2042, %dot_general3A_2043 {dimension_numbers = #tpu.dot_dimension_numbers<[1], [0], [0], [1], [0, 0, 1, 1], [], []>, transpose_lhs_hint = false} : vector<128x128xf32>, vector<128x3xf32>, vector<128x3xf32> -> vector<128x3xf32>
    %get3A_2045 = arith.constant 0 : index
    %get3A_2046 = arith.constant 0 : index
    %get3A_2047 = vector.load %arg11[%get3A_2045, %get3A_2046] : memref<1x3xf32, #tpu.memory_space<vmem>>, vector<1x3xf32>
    %add3A_2048 = vector.broadcast %get3A_2047 : vector<1x3xf32> to vector<128x3xf32>
    %add3A_2049 = arith.addf %dot_general3A_2044, %add3A_2048 : vector<128x3xf32>
    %swap3A_2050 = arith.constant 0 : index
    %swap3A_2051 = arith.constant 2560 : index
    %swap3A_2052 = arith.constant 0 : index
    %swap3A_2053 = vector.load %arg13[%swap3A_2050, %swap3A_2051, %swap3A_2052] : memref<1x4096x3xf32, #tpu.memory_space<vmem>>, vector<1x128x3xf32>
    %swap3A_2054 = vector.shape_cast %swap3A_2053 : vector<1x128x3xf32> to vector<128x3xf32>
    %swap3A_2055 = vector.shape_cast %add3A_2049 : vector<128x3xf32> to vector<1x128x3xf32>
    tpu.vector_store %arg13[%swap3A_2050, %swap3A_2051, %swap3A_2052], %swap3A_2055 {strides = array<i32>} : memref<1x4096x3xf32, #tpu.memory_space<vmem>>, vector<1x128x3xf32>,
    %reduce_min3A_2056 = arith.constant dense<0x7F800000> : vector<128xf32>
    %reduce_min3A_2057 = vector.multi_reduction <minimumf>, %select_n3A_1978, %reduce_min3A_2056 [1] : vector<128x4096xf32> to vector<128xf32>
    %broadcast_in_dim3A_2058 = vector.shape_cast %reduce_min3A_2057 : vector<128xf32> to vector<128x1xf32>
    %eq3A_2059 = vector.broadcast %broadcast_in_dim3A_2058 : vector<128x1xf32> to vector<128x4096xf32>
    %eq3A_2060 = arith.cmpf oeq, %select_n3A_1978, %eq3A_2059 : vector<128x4096xf32>
    %jit3A_2061 = arith.constant 1073741824 : i32
    %broadcast_in_dim3A_2062 = vector.broadcast %jit3A_2061 : i32 to vector<128x4096xi32>
    %select_n3A_2063 = arith.select %eq3A_2060, %iota3A, %broadcast_in_dim3A_2062 : vector<128x4096xi1>, vector<128x4096xi32>
    %reduce_min3A_2064 = arith.constant dense<2147483647> : vector<128xi32>
    %reduce_min3A_2065 = vector.multi_reduction <minsi>, %select_n3A_2063, %reduce_min3A_2064 [1] : vector<128x4096xi32> to vector<128xi32>
    %broadcast_in_dim3A_2066 = vector.shape_cast %reduce_min3A_2065 : vector<128xi32> to vector<128x1xi32>
    %eq3A_2067 = vector.broadcast %broadcast_in_dim3A_2066 : vector<128x1xi32> to vector<128x4096xi32>
    %eq3A_2068 = arith.cmpi eq, %iota3A, %eq3A_2067 : vector<128x4096xi32>
    %jit3A_2069 = arith.constant 1.000000e+30 : f32
    %broadcast_in_dim3A_2070 = vector.broadcast %jit3A_2069 : f32 to vector<128x4096xf32>
    %select_n3A_2071 = arith.select %eq3A_2068, %broadcast_in_dim3A_2070, %select_n3A_1978 : vector<128x4096xi1>, vector<128x4096xf32>
    %jit3A_2072 = arith.constant 0.000000e+00 : f32
    %broadcast_in_dim3A_2073 = vector.shape_cast %get3A_3 : vector<1x4096xf32> to vector<1x4096xf32>
    %broadcast_in_dim3A_2074 = vector.broadcast %broadcast_in_dim3A_2073 : vector<1x4096xf32> to vector<128x4096xf32>
    %broadcast_in_dim3A_2075 = vector.broadcast %jit3A_2072 : f32 to vector<128x4096xf32>
    %select_n3A_2076 = arith.select %eq3A_2068, %broadcast_in_dim3A_2074, %broadcast_in_dim3A_2075 : vector<128x4096xi1>, vector<128x4096xf32>
    %reduce_sum3A_2077 = arith.constant dense<0.000000e+00> : vector<128xf32>
    %reduce_sum3A_2078 = vector.multi_reduction <add>, %select_n3A_2076, %reduce_sum3A_2077 [1] : vector<128x4096xf32> to vector<128xf32>
    %broadcast_in_dim3A_2079 = vector.shape_cast %reduce_sum3A_2078 : vector<128xf32> to vector<128x1xf32>
    %jit3A_2080 = arith.constant 0.000000e+00 : f32
    %broadcast_in_dim3A_2081 = vector.shape_cast %get3A_8 : vector<1x4096xf32> to vector<1x4096xf32>
    %broadcast_in_dim3A_2082 = vector.broadcast %broadcast_in_dim3A_2081 : vector<1x4096xf32> to vector<128x4096xf32>
    %broadcast_in_dim3A_2083 = vector.broadcast %jit3A_2080 : f32 to vector<128x4096xf32>
    %select_n3A_2084 = arith.select %eq3A_2068, %broadcast_in_dim3A_2082, %broadcast_in_dim3A_2083 : vector<128x4096xi1>, vector<128x4096xf32>
    %reduce_sum3A_2085 = arith.constant dense<0.000000e+00> : vector<128xf32>
    %reduce_sum3A_2086 = vector.multi_reduction <add>, %select_n3A_2084, %reduce_sum3A_2085 [1] : vector<128x4096xf32> to vector<128xf32>
    %broadcast_in_dim3A_2087 = vector.shape_cast %reduce_sum3A_2086 : vector<128xf32> to vector<128x1xf32>
    %jit3A_2088 = arith.constant 0.000000e+00 : f32
    %broadcast_in_dim3A_2089 = vector.shape_cast %get3A_13 : vector<1x4096xf32> to vector<1x4096xf32>
    %broadcast_in_dim3A_2090 = vector.broadcast %broadcast_in_dim3A_2089 : vector<1x4096xf32> to vector<128x4096xf32>
    %broadcast_in_dim3A_2091 = vector.broadcast %jit3A_2088 : f32 to vector<128x4096xf32>
    %select_n3A_2092 = arith.select %eq3A_2068, %broadcast_in_dim3A_2090, %broadcast_in_dim3A_2091 : vector<128x4096xi1>, vector<128x4096xf32>
    %reduce_sum3A_2093 = arith.constant dense<0.000000e+00> : vector<128xf32>
    %reduce_sum3A_2094 = vector.multi_reduction <add>, %select_n3A_2092, %reduce_sum3A_2093 [1] : vector<128x4096xf32> to vector<128xf32>
    %broadcast_in_dim3A_2095 = vector.shape_cast %reduce_sum3A_2094 : vector<128xf32> to vector<128x1xf32>
    %concatenate3A_2096 = tpu.concatenate %broadcast_in_dim3A_2079, %broadcast_in_dim3A_2087, %broadcast_in_dim3A_2095 in 1 : vector<128x1xf32>, vector<128x1xf32>, vector<128x1xf32> -> vector<128x3xf32>
    %swap3A_2097 = arith.constant 0 : index
    %swap3A_2098 = arith.constant 2688 : index
    %swap3A_2099 = arith.constant 0 : index
    %swap3A_2100 = vector.load %arg12[%swap3A_2097, %swap3A_2098, %swap3A_2099] : memref<1x4096x3xf32, #tpu.memory_space<vmem>>, vector<1x128x3xf32>
    %swap3A_2101 = vector.shape_cast %swap3A_2100 : vector<1x128x3xf32> to vector<128x3xf32>
    %swap3A_2102 = vector.shape_cast %concatenate3A_2096 : vector<128x3xf32> to vector<1x128x3xf32>
    tpu.vector_store %arg12[%swap3A_2097, %swap3A_2098, %swap3A_2099], %swap3A_2102 {strides = array<i32>} : memref<1x4096x3xf32, #tpu.memory_space<vmem>>, vector<1x128x3xf32>,
    %add3A_2103 = arith.addf %add3A_2010, %broadcast_in_dim3A_2079 : vector<128x1xf32>
    %add3A_2104 = arith.addf %add3A_2011, %broadcast_in_dim3A_2087 : vector<128x1xf32>
    %add3A_2105 = arith.addf %add3A_2012, %broadcast_in_dim3A_2095 : vector<128x1xf32>
    %sub3A_2106 = arith.subf %broadcast_in_dim3A_2079, %broadcast_in_dim3A_21 : vector<128x1xf32>
    %get3A_2107 = arith.constant 0 : index
    %get3A_2108 = arith.constant 0 : index
    %get3A_2109 = vector.load %arg7[%get3A_2107, %get3A_2108] : memref<3x128xf32, #tpu.memory_space<vmem>>, vector<1x128xf32>
    %mul3A_2110 = vector.broadcast %sub3A_2106 : vector<128x1xf32> to vector<128x128xf32>
    %mul3A_2111 = vector.broadcast %get3A_2109 : vector<1x128xf32> to vector<128x128xf32>
    %mul3A_2112 = arith.mulf %mul3A_2110, %mul3A_2111 : vector<128x128xf32>
    %sub3A_2113 = arith.subf %broadcast_in_dim3A_2087, %broadcast_in_dim3A_29 : vector<128x1xf32>
    %get3A_2114 = arith.constant 1 : index
    %get3A_2115 = arith.constant 0 : index
    %get3A_2116 = vector.load %arg7[%get3A_2114, %get3A_2115] : memref<3x128xf32, #tpu.memory_space<vmem>>, vector<1x128xf32>
    %mul3A_2117 = vector.broadcast %sub3A_2113 : vector<128x1xf32> to vector<128x128xf32>
    %mul3A_2118 = vector.broadcast %get3A_2116 : vector<1x128xf32> to vector<128x128xf32>
    %mul3A_2119 = arith.mulf %mul3A_2117, %mul3A_2118 : vector<128x128xf32>
    %add3A_2120 = arith.addf %mul3A_2112, %mul3A_2119 : vector<128x128xf32>
    %sub3A_2121 = arith.subf %broadcast_in_dim3A_2095, %broadcast_in_dim3A_37 : vector<128x1xf32>
    %get3A_2122 = arith.constant 2 : index
    %get3A_2123 = arith.constant 0 : index
    %get3A_2124 = vector.load %arg7[%get3A_2122, %get3A_2123] : memref<3x128xf32, #tpu.memory_space<vmem>>, vector<1x128xf32>
    %mul3A_2125 = vector.broadcast %sub3A_2121 : vector<128x1xf32> to vector<128x128xf32>
    %mul3A_2126 = vector.broadcast %get3A_2124 : vector<1x128xf32> to vector<128x128xf32>
    %mul3A_2127 = arith.mulf %mul3A_2125, %mul3A_2126 : vector<128x128xf32>
    %add3A_2128 = arith.addf %add3A_2120, %mul3A_2127 : vector<128x128xf32>
    %add3A_2129 = arith.addf %add3A_2128, %add3A_81 : vector<128x128xf32>
    %max3A_2130 = arith.constant 0.000000e+00 : f32
    %max3A_2131 = vector.broadcast %max3A_2130 : f32 to vector<128x128xf32>
    %max3A_2132 = arith.maximumf %add3A_2129, %max3A_2131 : vector<128x128xf32>
    %get3A_2133 = arith.constant 0 : index
    %get3A_2134 = arith.constant 0 : index
    %get3A_2135 = vector.load %arg10[%get3A_2133, %get3A_2134] : memref<128x3xf32, #tpu.memory_space<vmem>>, vector<128x3xf32>
    %dot_general3A_2136 = arith.constant dense<0.000000e+00> : vector<128x3xf32>
    %dot_general3A_2137 = tpu.matmul %max3A_2132, %get3A_2135, %dot_general3A_2136 {dimension_numbers = #tpu.dot_dimension_numbers<[1], [0], [0], [1], [0, 0, 1, 1], [], []>, transpose_lhs_hint = false} : vector<128x128xf32>, vector<128x3xf32>, vector<128x3xf32> -> vector<128x3xf32>
    %get3A_2138 = arith.constant 0 : index
    %get3A_2139 = arith.constant 0 : index
    %get3A_2140 = vector.load %arg11[%get3A_2138, %get3A_2139] : memref<1x3xf32, #tpu.memory_space<vmem>>, vector<1x3xf32>
    %add3A_2141 = vector.broadcast %get3A_2140 : vector<1x3xf32> to vector<128x3xf32>
    %add3A_2142 = arith.addf %dot_general3A_2137, %add3A_2141 : vector<128x3xf32>
    %swap3A_2143 = arith.constant 0 : index
    %swap3A_2144 = arith.constant 2688 : index
    %swap3A_2145 = arith.constant 0 : index
    %swap3A_2146 = vector.load %arg13[%swap3A_2143, %swap3A_2144, %swap3A_2145] : memref<1x4096x3xf32, #tpu.memory_space<vmem>>, vector<1x128x3xf32>
    %swap3A_2147 = vector.shape_cast %swap3A_2146 : vector<1x128x3xf32> to vector<128x3xf32>
    %swap3A_2148 = vector.shape_cast %add3A_2142 : vector<128x3xf32> to vector<1x128x3xf32>
    tpu.vector_store %arg13[%swap3A_2143, %swap3A_2144, %swap3A_2145], %swap3A_2148 {strides = array<i32>} : memref<1x4096x3xf32, #tpu.memory_space<vmem>>, vector<1x128x3xf32>,
    %reduce_min3A_2149 = arith.constant dense<0x7F800000> : vector<128xf32>
    %reduce_min3A_2150 = vector.multi_reduction <minimumf>, %select_n3A_2071, %reduce_min3A_2149 [1] : vector<128x4096xf32> to vector<128xf32>
    %broadcast_in_dim3A_2151 = vector.shape_cast %reduce_min3A_2150 : vector<128xf32> to vector<128x1xf32>
    %eq3A_2152 = vector.broadcast %broadcast_in_dim3A_2151 : vector<128x1xf32> to vector<128x4096xf32>
    %eq3A_2153 = arith.cmpf oeq, %select_n3A_2071, %eq3A_2152 : vector<128x4096xf32>
    %jit3A_2154 = arith.constant 1073741824 : i32
    %broadcast_in_dim3A_2155 = vector.broadcast %jit3A_2154 : i32 to vector<128x4096xi32>
    %select_n3A_2156 = arith.select %eq3A_2153, %iota3A, %broadcast_in_dim3A_2155 : vector<128x4096xi1>, vector<128x4096xi32>
    %reduce_min3A_2157 = arith.constant dense<2147483647> : vector<128xi32>
    %reduce_min3A_2158 = vector.multi_reduction <minsi>, %select_n3A_2156, %reduce_min3A_2157 [1] : vector<128x4096xi32> to vector<128xi32>
    %broadcast_in_dim3A_2159 = vector.shape_cast %reduce_min3A_2158 : vector<128xi32> to vector<128x1xi32>
    %eq3A_2160 = vector.broadcast %broadcast_in_dim3A_2159 : vector<128x1xi32> to vector<128x4096xi32>
    %eq3A_2161 = arith.cmpi eq, %iota3A, %eq3A_2160 : vector<128x4096xi32>
    %jit3A_2162 = arith.constant 1.000000e+30 : f32
    %broadcast_in_dim3A_2163 = vector.broadcast %jit3A_2162 : f32 to vector<128x4096xf32>
    %select_n3A_2164 = arith.select %eq3A_2161, %broadcast_in_dim3A_2163, %select_n3A_2071 : vector<128x4096xi1>, vector<128x4096xf32>
    %jit3A_2165 = arith.constant 0.000000e+00 : f32
    %broadcast_in_dim3A_2166 = vector.shape_cast %get3A_3 : vector<1x4096xf32> to vector<1x4096xf32>
    %broadcast_in_dim3A_2167 = vector.broadcast %broadcast_in_dim3A_2166 : vector<1x4096xf32> to vector<128x4096xf32>
    %broadcast_in_dim3A_2168 = vector.broadcast %jit3A_2165 : f32 to vector<128x4096xf32>
    %select_n3A_2169 = arith.select %eq3A_2161, %broadcast_in_dim3A_2167, %broadcast_in_dim3A_2168 : vector<128x4096xi1>, vector<128x4096xf32>
    %reduce_sum3A_2170 = arith.constant dense<0.000000e+00> : vector<128xf32>
    %reduce_sum3A_2171 = vector.multi_reduction <add>, %select_n3A_2169, %reduce_sum3A_2170 [1] : vector<128x4096xf32> to vector<128xf32>
    %broadcast_in_dim3A_2172 = vector.shape_cast %reduce_sum3A_2171 : vector<128xf32> to vector<128x1xf32>
    %jit3A_2173 = arith.constant 0.000000e+00 : f32
    %broadcast_in_dim3A_2174 = vector.shape_cast %get3A_8 : vector<1x4096xf32> to vector<1x4096xf32>
    %broadcast_in_dim3A_2175 = vector.broadcast %broadcast_in_dim3A_2174 : vector<1x4096xf32> to vector<128x4096xf32>
    %broadcast_in_dim3A_2176 = vector.broadcast %jit3A_2173 : f32 to vector<128x4096xf32>
    %select_n3A_2177 = arith.select %eq3A_2161, %broadcast_in_dim3A_2175, %broadcast_in_dim3A_2176 : vector<128x4096xi1>, vector<128x4096xf32>
    %reduce_sum3A_2178 = arith.constant dense<0.000000e+00> : vector<128xf32>
    %reduce_sum3A_2179 = vector.multi_reduction <add>, %select_n3A_2177, %reduce_sum3A_2178 [1] : vector<128x4096xf32> to vector<128xf32>
    %broadcast_in_dim3A_2180 = vector.shape_cast %reduce_sum3A_2179 : vector<128xf32> to vector<128x1xf32>
    %jit3A_2181 = arith.constant 0.000000e+00 : f32
    %broadcast_in_dim3A_2182 = vector.shape_cast %get3A_13 : vector<1x4096xf32> to vector<1x4096xf32>
    %broadcast_in_dim3A_2183 = vector.broadcast %broadcast_in_dim3A_2182 : vector<1x4096xf32> to vector<128x4096xf32>
    %broadcast_in_dim3A_2184 = vector.broadcast %jit3A_2181 : f32 to vector<128x4096xf32>
    %select_n3A_2185 = arith.select %eq3A_2161, %broadcast_in_dim3A_2183, %broadcast_in_dim3A_2184 : vector<128x4096xi1>, vector<128x4096xf32>
    %reduce_sum3A_2186 = arith.constant dense<0.000000e+00> : vector<128xf32>
    %reduce_sum3A_2187 = vector.multi_reduction <add>, %select_n3A_2185, %reduce_sum3A_2186 [1] : vector<128x4096xf32> to vector<128xf32>
    %broadcast_in_dim3A_2188 = vector.shape_cast %reduce_sum3A_2187 : vector<128xf32> to vector<128x1xf32>
    %concatenate3A_2189 = tpu.concatenate %broadcast_in_dim3A_2172, %broadcast_in_dim3A_2180, %broadcast_in_dim3A_2188 in 1 : vector<128x1xf32>, vector<128x1xf32>, vector<128x1xf32> -> vector<128x3xf32>
    %swap3A_2190 = arith.constant 0 : index
    %swap3A_2191 = arith.constant 2816 : index
    %swap3A_2192 = arith.constant 0 : index
    %swap3A_2193 = vector.load %arg12[%swap3A_2190, %swap3A_2191, %swap3A_2192] : memref<1x4096x3xf32, #tpu.memory_space<vmem>>, vector<1x128x3xf32>
    %swap3A_2194 = vector.shape_cast %swap3A_2193 : vector<1x128x3xf32> to vector<128x3xf32>
    %swap3A_2195 = vector.shape_cast %concatenate3A_2189 : vector<128x3xf32> to vector<1x128x3xf32>
    tpu.vector_store %arg12[%swap3A_2190, %swap3A_2191, %swap3A_2192], %swap3A_2195 {strides = array<i32>} : memref<1x4096x3xf32, #tpu.memory_space<vmem>>, vector<1x128x3xf32>,
    %add3A_2196 = arith.addf %add3A_2103, %broadcast_in_dim3A_2172 : vector<128x1xf32>
    %add3A_2197 = arith.addf %add3A_2104, %broadcast_in_dim3A_2180 : vector<128x1xf32>
    %add3A_2198 = arith.addf %add3A_2105, %broadcast_in_dim3A_2188 : vector<128x1xf32>
    %sub3A_2199 = arith.subf %broadcast_in_dim3A_2172, %broadcast_in_dim3A_21 : vector<128x1xf32>
    %get3A_2200 = arith.constant 0 : index
    %get3A_2201 = arith.constant 0 : index
    %get3A_2202 = vector.load %arg7[%get3A_2200, %get3A_2201] : memref<3x128xf32, #tpu.memory_space<vmem>>, vector<1x128xf32>
    %mul3A_2203 = vector.broadcast %sub3A_2199 : vector<128x1xf32> to vector<128x128xf32>
    %mul3A_2204 = vector.broadcast %get3A_2202 : vector<1x128xf32> to vector<128x128xf32>
    %mul3A_2205 = arith.mulf %mul3A_2203, %mul3A_2204 : vector<128x128xf32>
    %sub3A_2206 = arith.subf %broadcast_in_dim3A_2180, %broadcast_in_dim3A_29 : vector<128x1xf32>
    %get3A_2207 = arith.constant 1 : index
    %get3A_2208 = arith.constant 0 : index
    %get3A_2209 = vector.load %arg7[%get3A_2207, %get3A_2208] : memref<3x128xf32, #tpu.memory_space<vmem>>, vector<1x128xf32>
    %mul3A_2210 = vector.broadcast %sub3A_2206 : vector<128x1xf32> to vector<128x128xf32>
    %mul3A_2211 = vector.broadcast %get3A_2209 : vector<1x128xf32> to vector<128x128xf32>
    %mul3A_2212 = arith.mulf %mul3A_2210, %mul3A_2211 : vector<128x128xf32>
    %add3A_2213 = arith.addf %mul3A_2205, %mul3A_2212 : vector<128x128xf32>
    %sub3A_2214 = arith.subf %broadcast_in_dim3A_2188, %broadcast_in_dim3A_37 : vector<128x1xf32>
    %get3A_2215 = arith.constant 2 : index
    %get3A_2216 = arith.constant 0 : index
    %get3A_2217 = vector.load %arg7[%get3A_2215, %get3A_2216] : memref<3x128xf32, #tpu.memory_space<vmem>>, vector<1x128xf32>
    %mul3A_2218 = vector.broadcast %sub3A_2214 : vector<128x1xf32> to vector<128x128xf32>
    %mul3A_2219 = vector.broadcast %get3A_2217 : vector<1x128xf32> to vector<128x128xf32>
    %mul3A_2220 = arith.mulf %mul3A_2218, %mul3A_2219 : vector<128x128xf32>
    %add3A_2221 = arith.addf %add3A_2213, %mul3A_2220 : vector<128x128xf32>
    %add3A_2222 = arith.addf %add3A_2221, %add3A_81 : vector<128x128xf32>
    %max3A_2223 = arith.constant 0.000000e+00 : f32
    %max3A_2224 = vector.broadcast %max3A_2223 : f32 to vector<128x128xf32>
    %max3A_2225 = arith.maximumf %add3A_2222, %max3A_2224 : vector<128x128xf32>
    %get3A_2226 = arith.constant 0 : index
    %get3A_2227 = arith.constant 0 : index
    %get3A_2228 = vector.load %arg10[%get3A_2226, %get3A_2227] : memref<128x3xf32, #tpu.memory_space<vmem>>, vector<128x3xf32>
    %dot_general3A_2229 = arith.constant dense<0.000000e+00> : vector<128x3xf32>
    %dot_general3A_2230 = tpu.matmul %max3A_2225, %get3A_2228, %dot_general3A_2229 {dimension_numbers = #tpu.dot_dimension_numbers<[1], [0], [0], [1], [0, 0, 1, 1], [], []>, transpose_lhs_hint = false} : vector<128x128xf32>, vector<128x3xf32>, vector<128x3xf32> -> vector<128x3xf32>
    %get3A_2231 = arith.constant 0 : index
    %get3A_2232 = arith.constant 0 : index
    %get3A_2233 = vector.load %arg11[%get3A_2231, %get3A_2232] : memref<1x3xf32, #tpu.memory_space<vmem>>, vector<1x3xf32>
    %add3A_2234 = vector.broadcast %get3A_2233 : vector<1x3xf32> to vector<128x3xf32>
    %add3A_2235 = arith.addf %dot_general3A_2230, %add3A_2234 : vector<128x3xf32>
    %swap3A_2236 = arith.constant 0 : index
    %swap3A_2237 = arith.constant 2816 : index
    %swap3A_2238 = arith.constant 0 : index
    %swap3A_2239 = vector.load %arg13[%swap3A_2236, %swap3A_2237, %swap3A_2238] : memref<1x4096x3xf32, #tpu.memory_space<vmem>>, vector<1x128x3xf32>
    %swap3A_2240 = vector.shape_cast %swap3A_2239 : vector<1x128x3xf32> to vector<128x3xf32>
    %swap3A_2241 = vector.shape_cast %add3A_2235 : vector<128x3xf32> to vector<1x128x3xf32>
    tpu.vector_store %arg13[%swap3A_2236, %swap3A_2237, %swap3A_2238], %swap3A_2241 {strides = array<i32>} : memref<1x4096x3xf32, #tpu.memory_space<vmem>>, vector<1x128x3xf32>,
    %reduce_min3A_2242 = arith.constant dense<0x7F800000> : vector<128xf32>
    %reduce_min3A_2243 = vector.multi_reduction <minimumf>, %select_n3A_2164, %reduce_min3A_2242 [1] : vector<128x4096xf32> to vector<128xf32>
    %broadcast_in_dim3A_2244 = vector.shape_cast %reduce_min3A_2243 : vector<128xf32> to vector<128x1xf32>
    %eq3A_2245 = vector.broadcast %broadcast_in_dim3A_2244 : vector<128x1xf32> to vector<128x4096xf32>
    %eq3A_2246 = arith.cmpf oeq, %select_n3A_2164, %eq3A_2245 : vector<128x4096xf32>
    %jit3A_2247 = arith.constant 1073741824 : i32
    %broadcast_in_dim3A_2248 = vector.broadcast %jit3A_2247 : i32 to vector<128x4096xi32>
    %select_n3A_2249 = arith.select %eq3A_2246, %iota3A, %broadcast_in_dim3A_2248 : vector<128x4096xi1>, vector<128x4096xi32>
    %reduce_min3A_2250 = arith.constant dense<2147483647> : vector<128xi32>
    %reduce_min3A_2251 = vector.multi_reduction <minsi>, %select_n3A_2249, %reduce_min3A_2250 [1] : vector<128x4096xi32> to vector<128xi32>
    %broadcast_in_dim3A_2252 = vector.shape_cast %reduce_min3A_2251 : vector<128xi32> to vector<128x1xi32>
    %eq3A_2253 = vector.broadcast %broadcast_in_dim3A_2252 : vector<128x1xi32> to vector<128x4096xi32>
    %eq3A_2254 = arith.cmpi eq, %iota3A, %eq3A_2253 : vector<128x4096xi32>
    %jit3A_2255 = arith.constant 1.000000e+30 : f32
    %broadcast_in_dim3A_2256 = vector.broadcast %jit3A_2255 : f32 to vector<128x4096xf32>
    %select_n3A_2257 = arith.select %eq3A_2254, %broadcast_in_dim3A_2256, %select_n3A_2164 : vector<128x4096xi1>, vector<128x4096xf32>
    %jit3A_2258 = arith.constant 0.000000e+00 : f32
    %broadcast_in_dim3A_2259 = vector.shape_cast %get3A_3 : vector<1x4096xf32> to vector<1x4096xf32>
    %broadcast_in_dim3A_2260 = vector.broadcast %broadcast_in_dim3A_2259 : vector<1x4096xf32> to vector<128x4096xf32>
    %broadcast_in_dim3A_2261 = vector.broadcast %jit3A_2258 : f32 to vector<128x4096xf32>
    %select_n3A_2262 = arith.select %eq3A_2254, %broadcast_in_dim3A_2260, %broadcast_in_dim3A_2261 : vector<128x4096xi1>, vector<128x4096xf32>
    %reduce_sum3A_2263 = arith.constant dense<0.000000e+00> : vector<128xf32>
    %reduce_sum3A_2264 = vector.multi_reduction <add>, %select_n3A_2262, %reduce_sum3A_2263 [1] : vector<128x4096xf32> to vector<128xf32>
    %broadcast_in_dim3A_2265 = vector.shape_cast %reduce_sum3A_2264 : vector<128xf32> to vector<128x1xf32>
    %jit3A_2266 = arith.constant 0.000000e+00 : f32
    %broadcast_in_dim3A_2267 = vector.shape_cast %get3A_8 : vector<1x4096xf32> to vector<1x4096xf32>
    %broadcast_in_dim3A_2268 = vector.broadcast %broadcast_in_dim3A_2267 : vector<1x4096xf32> to vector<128x4096xf32>
    %broadcast_in_dim3A_2269 = vector.broadcast %jit3A_2266 : f32 to vector<128x4096xf32>
    %select_n3A_2270 = arith.select %eq3A_2254, %broadcast_in_dim3A_2268, %broadcast_in_dim3A_2269 : vector<128x4096xi1>, vector<128x4096xf32>
    %reduce_sum3A_2271 = arith.constant dense<0.000000e+00> : vector<128xf32>
    %reduce_sum3A_2272 = vector.multi_reduction <add>, %select_n3A_2270, %reduce_sum3A_2271 [1] : vector<128x4096xf32> to vector<128xf32>
    %broadcast_in_dim3A_2273 = vector.shape_cast %reduce_sum3A_2272 : vector<128xf32> to vector<128x1xf32>
    %jit3A_2274 = arith.constant 0.000000e+00 : f32
    %broadcast_in_dim3A_2275 = vector.shape_cast %get3A_13 : vector<1x4096xf32> to vector<1x4096xf32>
    %broadcast_in_dim3A_2276 = vector.broadcast %broadcast_in_dim3A_2275 : vector<1x4096xf32> to vector<128x4096xf32>
    %broadcast_in_dim3A_2277 = vector.broadcast %jit3A_2274 : f32 to vector<128x4096xf32>
    %select_n3A_2278 = arith.select %eq3A_2254, %broadcast_in_dim3A_2276, %broadcast_in_dim3A_2277 : vector<128x4096xi1>, vector<128x4096xf32>
    %reduce_sum3A_2279 = arith.constant dense<0.000000e+00> : vector<128xf32>
    %reduce_sum3A_2280 = vector.multi_reduction <add>, %select_n3A_2278, %reduce_sum3A_2279 [1] : vector<128x4096xf32> to vector<128xf32>
    %broadcast_in_dim3A_2281 = vector.shape_cast %reduce_sum3A_2280 : vector<128xf32> to vector<128x1xf32>
    %concatenate3A_2282 = tpu.concatenate %broadcast_in_dim3A_2265, %broadcast_in_dim3A_2273, %broadcast_in_dim3A_2281 in 1 : vector<128x1xf32>, vector<128x1xf32>, vector<128x1xf32> -> vector<128x3xf32>
    %swap3A_2283 = arith.constant 0 : index
    %swap3A_2284 = arith.constant 2944 : index
    %swap3A_2285 = arith.constant 0 : index
    %swap3A_2286 = vector.load %arg12[%swap3A_2283, %swap3A_2284, %swap3A_2285] : memref<1x4096x3xf32, #tpu.memory_space<vmem>>, vector<1x128x3xf32>
    %swap3A_2287 = vector.shape_cast %swap3A_2286 : vector<1x128x3xf32> to vector<128x3xf32>
    %swap3A_2288 = vector.shape_cast %concatenate3A_2282 : vector<128x3xf32> to vector<1x128x3xf32>
    tpu.vector_store %arg12[%swap3A_2283, %swap3A_2284, %swap3A_2285], %swap3A_2288 {strides = array<i32>} : memref<1x4096x3xf32, #tpu.memory_space<vmem>>, vector<1x128x3xf32>,
    %add3A_2289 = arith.addf %add3A_2196, %broadcast_in_dim3A_2265 : vector<128x1xf32>
    %add3A_2290 = arith.addf %add3A_2197, %broadcast_in_dim3A_2273 : vector<128x1xf32>
    %add3A_2291 = arith.addf %add3A_2198, %broadcast_in_dim3A_2281 : vector<128x1xf32>
    %sub3A_2292 = arith.subf %broadcast_in_dim3A_2265, %broadcast_in_dim3A_21 : vector<128x1xf32>
    %get3A_2293 = arith.constant 0 : index
    %get3A_2294 = arith.constant 0 : index
    %get3A_2295 = vector.load %arg7[%get3A_2293, %get3A_2294] : memref<3x128xf32, #tpu.memory_space<vmem>>, vector<1x128xf32>
    %mul3A_2296 = vector.broadcast %sub3A_2292 : vector<128x1xf32> to vector<128x128xf32>
    %mul3A_2297 = vector.broadcast %get3A_2295 : vector<1x128xf32> to vector<128x128xf32>
    %mul3A_2298 = arith.mulf %mul3A_2296, %mul3A_2297 : vector<128x128xf32>
    %sub3A_2299 = arith.subf %broadcast_in_dim3A_2273, %broadcast_in_dim3A_29 : vector<128x1xf32>
    %get3A_2300 = arith.constant 1 : index
    %get3A_2301 = arith.constant 0 : index
    %get3A_2302 = vector.load %arg7[%get3A_2300, %get3A_2301] : memref<3x128xf32, #tpu.memory_space<vmem>>, vector<1x128xf32>
    %mul3A_2303 = vector.broadcast %sub3A_2299 : vector<128x1xf32> to vector<128x128xf32>
    %mul3A_2304 = vector.broadcast %get3A_2302 : vector<1x128xf32> to vector<128x128xf32>
    %mul3A_2305 = arith.mulf %mul3A_2303, %mul3A_2304 : vector<128x128xf32>
    %add3A_2306 = arith.addf %mul3A_2298, %mul3A_2305 : vector<128x128xf32>
    %sub3A_2307 = arith.subf %broadcast_in_dim3A_2281, %broadcast_in_dim3A_37 : vector<128x1xf32>
    %get3A_2308 = arith.constant 2 : index
    %get3A_2309 = arith.constant 0 : index
    %get3A_2310 = vector.load %arg7[%get3A_2308, %get3A_2309] : memref<3x128xf32, #tpu.memory_space<vmem>>, vector<1x128xf32>
    %mul3A_2311 = vector.broadcast %sub3A_2307 : vector<128x1xf32> to vector<128x128xf32>
    %mul3A_2312 = vector.broadcast %get3A_2310 : vector<1x128xf32> to vector<128x128xf32>
    %mul3A_2313 = arith.mulf %mul3A_2311, %mul3A_2312 : vector<128x128xf32>
    %add3A_2314 = arith.addf %add3A_2306, %mul3A_2313 : vector<128x128xf32>
    %add3A_2315 = arith.addf %add3A_2314, %add3A_81 : vector<128x128xf32>
    %max3A_2316 = arith.constant 0.000000e+00 : f32
    %max3A_2317 = vector.broadcast %max3A_2316 : f32 to vector<128x128xf32>
    %max3A_2318 = arith.maximumf %add3A_2315, %max3A_2317 : vector<128x128xf32>
    %get3A_2319 = arith.constant 0 : index
    %get3A_2320 = arith.constant 0 : index
    %get3A_2321 = vector.load %arg10[%get3A_2319, %get3A_2320] : memref<128x3xf32, #tpu.memory_space<vmem>>, vector<128x3xf32>
    %dot_general3A_2322 = arith.constant dense<0.000000e+00> : vector<128x3xf32>
    %dot_general3A_2323 = tpu.matmul %max3A_2318, %get3A_2321, %dot_general3A_2322 {dimension_numbers = #tpu.dot_dimension_numbers<[1], [0], [0], [1], [0, 0, 1, 1], [], []>, transpose_lhs_hint = false} : vector<128x128xf32>, vector<128x3xf32>, vector<128x3xf32> -> vector<128x3xf32>
    %get3A_2324 = arith.constant 0 : index
    %get3A_2325 = arith.constant 0 : index
    %get3A_2326 = vector.load %arg11[%get3A_2324, %get3A_2325] : memref<1x3xf32, #tpu.memory_space<vmem>>, vector<1x3xf32>
    %add3A_2327 = vector.broadcast %get3A_2326 : vector<1x3xf32> to vector<128x3xf32>
    %add3A_2328 = arith.addf %dot_general3A_2323, %add3A_2327 : vector<128x3xf32>
    %swap3A_2329 = arith.constant 0 : index
    %swap3A_2330 = arith.constant 2944 : index
    %swap3A_2331 = arith.constant 0 : index
    %swap3A_2332 = vector.load %arg13[%swap3A_2329, %swap3A_2330, %swap3A_2331] : memref<1x4096x3xf32, #tpu.memory_space<vmem>>, vector<1x128x3xf32>
    %swap3A_2333 = vector.shape_cast %swap3A_2332 : vector<1x128x3xf32> to vector<128x3xf32>
    %swap3A_2334 = vector.shape_cast %add3A_2328 : vector<128x3xf32> to vector<1x128x3xf32>
    tpu.vector_store %arg13[%swap3A_2329, %swap3A_2330, %swap3A_2331], %swap3A_2334 {strides = array<i32>} : memref<1x4096x3xf32, #tpu.memory_space<vmem>>, vector<1x128x3xf32>,
    %reduce_min3A_2335 = arith.constant dense<0x7F800000> : vector<128xf32>
    %reduce_min3A_2336 = vector.multi_reduction <minimumf>, %select_n3A_2257, %reduce_min3A_2335 [1] : vector<128x4096xf32> to vector<128xf32>
    %broadcast_in_dim3A_2337 = vector.shape_cast %reduce_min3A_2336 : vector<128xf32> to vector<128x1xf32>
    %eq3A_2338 = vector.broadcast %broadcast_in_dim3A_2337 : vector<128x1xf32> to vector<128x4096xf32>
    %eq3A_2339 = arith.cmpf oeq, %select_n3A_2257, %eq3A_2338 : vector<128x4096xf32>
    %jit3A_2340 = arith.constant 1073741824 : i32
    %broadcast_in_dim3A_2341 = vector.broadcast %jit3A_2340 : i32 to vector<128x4096xi32>
    %select_n3A_2342 = arith.select %eq3A_2339, %iota3A, %broadcast_in_dim3A_2341 : vector<128x4096xi1>, vector<128x4096xi32>
    %reduce_min3A_2343 = arith.constant dense<2147483647> : vector<128xi32>
    %reduce_min3A_2344 = vector.multi_reduction <minsi>, %select_n3A_2342, %reduce_min3A_2343 [1] : vector<128x4096xi32> to vector<128xi32>
    %broadcast_in_dim3A_2345 = vector.shape_cast %reduce_min3A_2344 : vector<128xi32> to vector<128x1xi32>
    %eq3A_2346 = vector.broadcast %broadcast_in_dim3A_2345 : vector<128x1xi32> to vector<128x4096xi32>
    %eq3A_2347 = arith.cmpi eq, %iota3A, %eq3A_2346 : vector<128x4096xi32>
    %jit3A_2348 = arith.constant 1.000000e+30 : f32
    %broadcast_in_dim3A_2349 = vector.broadcast %jit3A_2348 : f32 to vector<128x4096xf32>
    %select_n3A_2350 = arith.select %eq3A_2347, %broadcast_in_dim3A_2349, %select_n3A_2257 : vector<128x4096xi1>, vector<128x4096xf32>
    %jit3A_2351 = arith.constant 0.000000e+00 : f32
    %broadcast_in_dim3A_2352 = vector.shape_cast %get3A_3 : vector<1x4096xf32> to vector<1x4096xf32>
    %broadcast_in_dim3A_2353 = vector.broadcast %broadcast_in_dim3A_2352 : vector<1x4096xf32> to vector<128x4096xf32>
    %broadcast_in_dim3A_2354 = vector.broadcast %jit3A_2351 : f32 to vector<128x4096xf32>
    %select_n3A_2355 = arith.select %eq3A_2347, %broadcast_in_dim3A_2353, %broadcast_in_dim3A_2354 : vector<128x4096xi1>, vector<128x4096xf32>
    %reduce_sum3A_2356 = arith.constant dense<0.000000e+00> : vector<128xf32>
    %reduce_sum3A_2357 = vector.multi_reduction <add>, %select_n3A_2355, %reduce_sum3A_2356 [1] : vector<128x4096xf32> to vector<128xf32>
    %broadcast_in_dim3A_2358 = vector.shape_cast %reduce_sum3A_2357 : vector<128xf32> to vector<128x1xf32>
    %jit3A_2359 = arith.constant 0.000000e+00 : f32
    %broadcast_in_dim3A_2360 = vector.shape_cast %get3A_8 : vector<1x4096xf32> to vector<1x4096xf32>
    %broadcast_in_dim3A_2361 = vector.broadcast %broadcast_in_dim3A_2360 : vector<1x4096xf32> to vector<128x4096xf32>
    %broadcast_in_dim3A_2362 = vector.broadcast %jit3A_2359 : f32 to vector<128x4096xf32>
    %select_n3A_2363 = arith.select %eq3A_2347, %broadcast_in_dim3A_2361, %broadcast_in_dim3A_2362 : vector<128x4096xi1>, vector<128x4096xf32>
    %reduce_sum3A_2364 = arith.constant dense<0.000000e+00> : vector<128xf32>
    %reduce_sum3A_2365 = vector.multi_reduction <add>, %select_n3A_2363, %reduce_sum3A_2364 [1] : vector<128x4096xf32> to vector<128xf32>
    %broadcast_in_dim3A_2366 = vector.shape_cast %reduce_sum3A_2365 : vector<128xf32> to vector<128x1xf32>
    %jit3A_2367 = arith.constant 0.000000e+00 : f32
    %broadcast_in_dim3A_2368 = vector.shape_cast %get3A_13 : vector<1x4096xf32> to vector<1x4096xf32>
    %broadcast_in_dim3A_2369 = vector.broadcast %broadcast_in_dim3A_2368 : vector<1x4096xf32> to vector<128x4096xf32>
    %broadcast_in_dim3A_2370 = vector.broadcast %jit3A_2367 : f32 to vector<128x4096xf32>
    %select_n3A_2371 = arith.select %eq3A_2347, %broadcast_in_dim3A_2369, %broadcast_in_dim3A_2370 : vector<128x4096xi1>, vector<128x4096xf32>
    %reduce_sum3A_2372 = arith.constant dense<0.000000e+00> : vector<128xf32>
    %reduce_sum3A_2373 = vector.multi_reduction <add>, %select_n3A_2371, %reduce_sum3A_2372 [1] : vector<128x4096xf32> to vector<128xf32>
    %broadcast_in_dim3A_2374 = vector.shape_cast %reduce_sum3A_2373 : vector<128xf32> to vector<128x1xf32>
    %concatenate3A_2375 = tpu.concatenate %broadcast_in_dim3A_2358, %broadcast_in_dim3A_2366, %broadcast_in_dim3A_2374 in 1 : vector<128x1xf32>, vector<128x1xf32>, vector<128x1xf32> -> vector<128x3xf32>
    %swap3A_2376 = arith.constant 0 : index
    %swap3A_2377 = arith.constant 3072 : index
    %swap3A_2378 = arith.constant 0 : index
    %swap3A_2379 = vector.load %arg12[%swap3A_2376, %swap3A_2377, %swap3A_2378] : memref<1x4096x3xf32, #tpu.memory_space<vmem>>, vector<1x128x3xf32>
    %swap3A_2380 = vector.shape_cast %swap3A_2379 : vector<1x128x3xf32> to vector<128x3xf32>
    %swap3A_2381 = vector.shape_cast %concatenate3A_2375 : vector<128x3xf32> to vector<1x128x3xf32>
    tpu.vector_store %arg12[%swap3A_2376, %swap3A_2377, %swap3A_2378], %swap3A_2381 {strides = array<i32>} : memref<1x4096x3xf32, #tpu.memory_space<vmem>>, vector<1x128x3xf32>,
    %add3A_2382 = arith.addf %add3A_2289, %broadcast_in_dim3A_2358 : vector<128x1xf32>
    %add3A_2383 = arith.addf %add3A_2290, %broadcast_in_dim3A_2366 : vector<128x1xf32>
    %add3A_2384 = arith.addf %add3A_2291, %broadcast_in_dim3A_2374 : vector<128x1xf32>
    %sub3A_2385 = arith.subf %broadcast_in_dim3A_2358, %broadcast_in_dim3A_21 : vector<128x1xf32>
    %get3A_2386 = arith.constant 0 : index
    %get3A_2387 = arith.constant 0 : index
    %get3A_2388 = vector.load %arg7[%get3A_2386, %get3A_2387] : memref<3x128xf32, #tpu.memory_space<vmem>>, vector<1x128xf32>
    %mul3A_2389 = vector.broadcast %sub3A_2385 : vector<128x1xf32> to vector<128x128xf32>
    %mul3A_2390 = vector.broadcast %get3A_2388 : vector<1x128xf32> to vector<128x128xf32>
    %mul3A_2391 = arith.mulf %mul3A_2389, %mul3A_2390 : vector<128x128xf32>
    %sub3A_2392 = arith.subf %broadcast_in_dim3A_2366, %broadcast_in_dim3A_29 : vector<128x1xf32>
    %get3A_2393 = arith.constant 1 : index
    %get3A_2394 = arith.constant 0 : index
    %get3A_2395 = vector.load %arg7[%get3A_2393, %get3A_2394] : memref<3x128xf32, #tpu.memory_space<vmem>>, vector<1x128xf32>
    %mul3A_2396 = vector.broadcast %sub3A_2392 : vector<128x1xf32> to vector<128x128xf32>
    %mul3A_2397 = vector.broadcast %get3A_2395 : vector<1x128xf32> to vector<128x128xf32>
    %mul3A_2398 = arith.mulf %mul3A_2396, %mul3A_2397 : vector<128x128xf32>
    %add3A_2399 = arith.addf %mul3A_2391, %mul3A_2398 : vector<128x128xf32>
    %sub3A_2400 = arith.subf %broadcast_in_dim3A_2374, %broadcast_in_dim3A_37 : vector<128x1xf32>
    %get3A_2401 = arith.constant 2 : index
    %get3A_2402 = arith.constant 0 : index
    %get3A_2403 = vector.load %arg7[%get3A_2401, %get3A_2402] : memref<3x128xf32, #tpu.memory_space<vmem>>, vector<1x128xf32>
    %mul3A_2404 = vector.broadcast %sub3A_2400 : vector<128x1xf32> to vector<128x128xf32>
    %mul3A_2405 = vector.broadcast %get3A_2403 : vector<1x128xf32> to vector<128x128xf32>
    %mul3A_2406 = arith.mulf %mul3A_2404, %mul3A_2405 : vector<128x128xf32>
    %add3A_2407 = arith.addf %add3A_2399, %mul3A_2406 : vector<128x128xf32>
    %add3A_2408 = arith.addf %add3A_2407, %add3A_81 : vector<128x128xf32>
    %max3A_2409 = arith.constant 0.000000e+00 : f32
    %max3A_2410 = vector.broadcast %max3A_2409 : f32 to vector<128x128xf32>
    %max3A_2411 = arith.maximumf %add3A_2408, %max3A_2410 : vector<128x128xf32>
    %get3A_2412 = arith.constant 0 : index
    %get3A_2413 = arith.constant 0 : index
    %get3A_2414 = vector.load %arg10[%get3A_2412, %get3A_2413] : memref<128x3xf32, #tpu.memory_space<vmem>>, vector<128x3xf32>
    %dot_general3A_2415 = arith.constant dense<0.000000e+00> : vector<128x3xf32>
    %dot_general3A_2416 = tpu.matmul %max3A_2411, %get3A_2414, %dot_general3A_2415 {dimension_numbers = #tpu.dot_dimension_numbers<[1], [0], [0], [1], [0, 0, 1, 1], [], []>, transpose_lhs_hint = false} : vector<128x128xf32>, vector<128x3xf32>, vector<128x3xf32> -> vector<128x3xf32>
    %get3A_2417 = arith.constant 0 : index
    %get3A_2418 = arith.constant 0 : index
    %get3A_2419 = vector.load %arg11[%get3A_2417, %get3A_2418] : memref<1x3xf32, #tpu.memory_space<vmem>>, vector<1x3xf32>
    %add3A_2420 = vector.broadcast %get3A_2419 : vector<1x3xf32> to vector<128x3xf32>
    %add3A_2421 = arith.addf %dot_general3A_2416, %add3A_2420 : vector<128x3xf32>
    %swap3A_2422 = arith.constant 0 : index
    %swap3A_2423 = arith.constant 3072 : index
    %swap3A_2424 = arith.constant 0 : index
    %swap3A_2425 = vector.load %arg13[%swap3A_2422, %swap3A_2423, %swap3A_2424] : memref<1x4096x3xf32, #tpu.memory_space<vmem>>, vector<1x128x3xf32>
    %swap3A_2426 = vector.shape_cast %swap3A_2425 : vector<1x128x3xf32> to vector<128x3xf32>
    %swap3A_2427 = vector.shape_cast %add3A_2421 : vector<128x3xf32> to vector<1x128x3xf32>
    tpu.vector_store %arg13[%swap3A_2422, %swap3A_2423, %swap3A_2424], %swap3A_2427 {strides = array<i32>} : memref<1x4096x3xf32, #tpu.memory_space<vmem>>, vector<1x128x3xf32>,
    %reduce_min3A_2428 = arith.constant dense<0x7F800000> : vector<128xf32>
    %reduce_min3A_2429 = vector.multi_reduction <minimumf>, %select_n3A_2350, %reduce_min3A_2428 [1] : vector<128x4096xf32> to vector<128xf32>
    %broadcast_in_dim3A_2430 = vector.shape_cast %reduce_min3A_2429 : vector<128xf32> to vector<128x1xf32>
    %eq3A_2431 = vector.broadcast %broadcast_in_dim3A_2430 : vector<128x1xf32> to vector<128x4096xf32>
    %eq3A_2432 = arith.cmpf oeq, %select_n3A_2350, %eq3A_2431 : vector<128x4096xf32>
    %jit3A_2433 = arith.constant 1073741824 : i32
    %broadcast_in_dim3A_2434 = vector.broadcast %jit3A_2433 : i32 to vector<128x4096xi32>
    %select_n3A_2435 = arith.select %eq3A_2432, %iota3A, %broadcast_in_dim3A_2434 : vector<128x4096xi1>, vector<128x4096xi32>
    %reduce_min3A_2436 = arith.constant dense<2147483647> : vector<128xi32>
    %reduce_min3A_2437 = vector.multi_reduction <minsi>, %select_n3A_2435, %reduce_min3A_2436 [1] : vector<128x4096xi32> to vector<128xi32>
    %broadcast_in_dim3A_2438 = vector.shape_cast %reduce_min3A_2437 : vector<128xi32> to vector<128x1xi32>
    %eq3A_2439 = vector.broadcast %broadcast_in_dim3A_2438 : vector<128x1xi32> to vector<128x4096xi32>
    %eq3A_2440 = arith.cmpi eq, %iota3A, %eq3A_2439 : vector<128x4096xi32>
    %jit3A_2441 = arith.constant 1.000000e+30 : f32
    %broadcast_in_dim3A_2442 = vector.broadcast %jit3A_2441 : f32 to vector<128x4096xf32>
    %select_n3A_2443 = arith.select %eq3A_2440, %broadcast_in_dim3A_2442, %select_n3A_2350 : vector<128x4096xi1>, vector<128x4096xf32>
    %jit3A_2444 = arith.constant 0.000000e+00 : f32
    %broadcast_in_dim3A_2445 = vector.shape_cast %get3A_3 : vector<1x4096xf32> to vector<1x4096xf32>
    %broadcast_in_dim3A_2446 = vector.broadcast %broadcast_in_dim3A_2445 : vector<1x4096xf32> to vector<128x4096xf32>
    %broadcast_in_dim3A_2447 = vector.broadcast %jit3A_2444 : f32 to vector<128x4096xf32>
    %select_n3A_2448 = arith.select %eq3A_2440, %broadcast_in_dim3A_2446, %broadcast_in_dim3A_2447 : vector<128x4096xi1>, vector<128x4096xf32>
    %reduce_sum3A_2449 = arith.constant dense<0.000000e+00> : vector<128xf32>
    %reduce_sum3A_2450 = vector.multi_reduction <add>, %select_n3A_2448, %reduce_sum3A_2449 [1] : vector<128x4096xf32> to vector<128xf32>
    %broadcast_in_dim3A_2451 = vector.shape_cast %reduce_sum3A_2450 : vector<128xf32> to vector<128x1xf32>
    %jit3A_2452 = arith.constant 0.000000e+00 : f32
    %broadcast_in_dim3A_2453 = vector.shape_cast %get3A_8 : vector<1x4096xf32> to vector<1x4096xf32>
    %broadcast_in_dim3A_2454 = vector.broadcast %broadcast_in_dim3A_2453 : vector<1x4096xf32> to vector<128x4096xf32>
    %broadcast_in_dim3A_2455 = vector.broadcast %jit3A_2452 : f32 to vector<128x4096xf32>
    %select_n3A_2456 = arith.select %eq3A_2440, %broadcast_in_dim3A_2454, %broadcast_in_dim3A_2455 : vector<128x4096xi1>, vector<128x4096xf32>
    %reduce_sum3A_2457 = arith.constant dense<0.000000e+00> : vector<128xf32>
    %reduce_sum3A_2458 = vector.multi_reduction <add>, %select_n3A_2456, %reduce_sum3A_2457 [1] : vector<128x4096xf32> to vector<128xf32>
    %broadcast_in_dim3A_2459 = vector.shape_cast %reduce_sum3A_2458 : vector<128xf32> to vector<128x1xf32>
    %jit3A_2460 = arith.constant 0.000000e+00 : f32
    %broadcast_in_dim3A_2461 = vector.shape_cast %get3A_13 : vector<1x4096xf32> to vector<1x4096xf32>
    %broadcast_in_dim3A_2462 = vector.broadcast %broadcast_in_dim3A_2461 : vector<1x4096xf32> to vector<128x4096xf32>
    %broadcast_in_dim3A_2463 = vector.broadcast %jit3A_2460 : f32 to vector<128x4096xf32>
    %select_n3A_2464 = arith.select %eq3A_2440, %broadcast_in_dim3A_2462, %broadcast_in_dim3A_2463 : vector<128x4096xi1>, vector<128x4096xf32>
    %reduce_sum3A_2465 = arith.constant dense<0.000000e+00> : vector<128xf32>
    %reduce_sum3A_2466 = vector.multi_reduction <add>, %select_n3A_2464, %reduce_sum3A_2465 [1] : vector<128x4096xf32> to vector<128xf32>
    %broadcast_in_dim3A_2467 = vector.shape_cast %reduce_sum3A_2466 : vector<128xf32> to vector<128x1xf32>
    %concatenate3A_2468 = tpu.concatenate %broadcast_in_dim3A_2451, %broadcast_in_dim3A_2459, %broadcast_in_dim3A_2467 in 1 : vector<128x1xf32>, vector<128x1xf32>, vector<128x1xf32> -> vector<128x3xf32>
    %swap3A_2469 = arith.constant 0 : index
    %swap3A_2470 = arith.constant 3200 : index
    %swap3A_2471 = arith.constant 0 : index
    %swap3A_2472 = vector.load %arg12[%swap3A_2469, %swap3A_2470, %swap3A_2471] : memref<1x4096x3xf32, #tpu.memory_space<vmem>>, vector<1x128x3xf32>
    %swap3A_2473 = vector.shape_cast %swap3A_2472 : vector<1x128x3xf32> to vector<128x3xf32>
    %swap3A_2474 = vector.shape_cast %concatenate3A_2468 : vector<128x3xf32> to vector<1x128x3xf32>
    tpu.vector_store %arg12[%swap3A_2469, %swap3A_2470, %swap3A_2471], %swap3A_2474 {strides = array<i32>} : memref<1x4096x3xf32, #tpu.memory_space<vmem>>, vector<1x128x3xf32>,
    %add3A_2475 = arith.addf %add3A_2382, %broadcast_in_dim3A_2451 : vector<128x1xf32>
    %add3A_2476 = arith.addf %add3A_2383, %broadcast_in_dim3A_2459 : vector<128x1xf32>
    %add3A_2477 = arith.addf %add3A_2384, %broadcast_in_dim3A_2467 : vector<128x1xf32>
    %sub3A_2478 = arith.subf %broadcast_in_dim3A_2451, %broadcast_in_dim3A_21 : vector<128x1xf32>
    %get3A_2479 = arith.constant 0 : index
    %get3A_2480 = arith.constant 0 : index
    %get3A_2481 = vector.load %arg7[%get3A_2479, %get3A_2480] : memref<3x128xf32, #tpu.memory_space<vmem>>, vector<1x128xf32>
    %mul3A_2482 = vector.broadcast %sub3A_2478 : vector<128x1xf32> to vector<128x128xf32>
    %mul3A_2483 = vector.broadcast %get3A_2481 : vector<1x128xf32> to vector<128x128xf32>
    %mul3A_2484 = arith.mulf %mul3A_2482, %mul3A_2483 : vector<128x128xf32>
    %sub3A_2485 = arith.subf %broadcast_in_dim3A_2459, %broadcast_in_dim3A_29 : vector<128x1xf32>
    %get3A_2486 = arith.constant 1 : index
    %get3A_2487 = arith.constant 0 : index
    %get3A_2488 = vector.load %arg7[%get3A_2486, %get3A_2487] : memref<3x128xf32, #tpu.memory_space<vmem>>, vector<1x128xf32>
    %mul3A_2489 = vector.broadcast %sub3A_2485 : vector<128x1xf32> to vector<128x128xf32>
    %mul3A_2490 = vector.broadcast %get3A_2488 : vector<1x128xf32> to vector<128x128xf32>
    %mul3A_2491 = arith.mulf %mul3A_2489, %mul3A_2490 : vector<128x128xf32>
    %add3A_2492 = arith.addf %mul3A_2484, %mul3A_2491 : vector<128x128xf32>
    %sub3A_2493 = arith.subf %broadcast_in_dim3A_2467, %broadcast_in_dim3A_37 : vector<128x1xf32>
    %get3A_2494 = arith.constant 2 : index
    %get3A_2495 = arith.constant 0 : index
    %get3A_2496 = vector.load %arg7[%get3A_2494, %get3A_2495] : memref<3x128xf32, #tpu.memory_space<vmem>>, vector<1x128xf32>
    %mul3A_2497 = vector.broadcast %sub3A_2493 : vector<128x1xf32> to vector<128x128xf32>
    %mul3A_2498 = vector.broadcast %get3A_2496 : vector<1x128xf32> to vector<128x128xf32>
    %mul3A_2499 = arith.mulf %mul3A_2497, %mul3A_2498 : vector<128x128xf32>
    %add3A_2500 = arith.addf %add3A_2492, %mul3A_2499 : vector<128x128xf32>
    %add3A_2501 = arith.addf %add3A_2500, %add3A_81 : vector<128x128xf32>
    %max3A_2502 = arith.constant 0.000000e+00 : f32
    %max3A_2503 = vector.broadcast %max3A_2502 : f32 to vector<128x128xf32>
    %max3A_2504 = arith.maximumf %add3A_2501, %max3A_2503 : vector<128x128xf32>
    %get3A_2505 = arith.constant 0 : index
    %get3A_2506 = arith.constant 0 : index
    %get3A_2507 = vector.load %arg10[%get3A_2505, %get3A_2506] : memref<128x3xf32, #tpu.memory_space<vmem>>, vector<128x3xf32>
    %dot_general3A_2508 = arith.constant dense<0.000000e+00> : vector<128x3xf32>
    %dot_general3A_2509 = tpu.matmul %max3A_2504, %get3A_2507, %dot_general3A_2508 {dimension_numbers = #tpu.dot_dimension_numbers<[1], [0], [0], [1], [0, 0, 1, 1], [], []>, transpose_lhs_hint = false} : vector<128x128xf32>, vector<128x3xf32>, vector<128x3xf32> -> vector<128x3xf32>
    %get3A_2510 = arith.constant 0 : index
    %get3A_2511 = arith.constant 0 : index
    %get3A_2512 = vector.load %arg11[%get3A_2510, %get3A_2511] : memref<1x3xf32, #tpu.memory_space<vmem>>, vector<1x3xf32>
    %add3A_2513 = vector.broadcast %get3A_2512 : vector<1x3xf32> to vector<128x3xf32>
    %add3A_2514 = arith.addf %dot_general3A_2509, %add3A_2513 : vector<128x3xf32>
    %swap3A_2515 = arith.constant 0 : index
    %swap3A_2516 = arith.constant 3200 : index
    %swap3A_2517 = arith.constant 0 : index
    %swap3A_2518 = vector.load %arg13[%swap3A_2515, %swap3A_2516, %swap3A_2517] : memref<1x4096x3xf32, #tpu.memory_space<vmem>>, vector<1x128x3xf32>
    %swap3A_2519 = vector.shape_cast %swap3A_2518 : vector<1x128x3xf32> to vector<128x3xf32>
    %swap3A_2520 = vector.shape_cast %add3A_2514 : vector<128x3xf32> to vector<1x128x3xf32>
    tpu.vector_store %arg13[%swap3A_2515, %swap3A_2516, %swap3A_2517], %swap3A_2520 {strides = array<i32>} : memref<1x4096x3xf32, #tpu.memory_space<vmem>>, vector<1x128x3xf32>,
    %reduce_min3A_2521 = arith.constant dense<0x7F800000> : vector<128xf32>
    %reduce_min3A_2522 = vector.multi_reduction <minimumf>, %select_n3A_2443, %reduce_min3A_2521 [1] : vector<128x4096xf32> to vector<128xf32>
    %broadcast_in_dim3A_2523 = vector.shape_cast %reduce_min3A_2522 : vector<128xf32> to vector<128x1xf32>
    %eq3A_2524 = vector.broadcast %broadcast_in_dim3A_2523 : vector<128x1xf32> to vector<128x4096xf32>
    %eq3A_2525 = arith.cmpf oeq, %select_n3A_2443, %eq3A_2524 : vector<128x4096xf32>
    %jit3A_2526 = arith.constant 1073741824 : i32
    %broadcast_in_dim3A_2527 = vector.broadcast %jit3A_2526 : i32 to vector<128x4096xi32>
    %select_n3A_2528 = arith.select %eq3A_2525, %iota3A, %broadcast_in_dim3A_2527 : vector<128x4096xi1>, vector<128x4096xi32>
    %reduce_min3A_2529 = arith.constant dense<2147483647> : vector<128xi32>
    %reduce_min3A_2530 = vector.multi_reduction <minsi>, %select_n3A_2528, %reduce_min3A_2529 [1] : vector<128x4096xi32> to vector<128xi32>
    %broadcast_in_dim3A_2531 = vector.shape_cast %reduce_min3A_2530 : vector<128xi32> to vector<128x1xi32>
    %eq3A_2532 = vector.broadcast %broadcast_in_dim3A_2531 : vector<128x1xi32> to vector<128x4096xi32>
    %eq3A_2533 = arith.cmpi eq, %iota3A, %eq3A_2532 : vector<128x4096xi32>
    %jit3A_2534 = arith.constant 1.000000e+30 : f32
    %broadcast_in_dim3A_2535 = vector.broadcast %jit3A_2534 : f32 to vector<128x4096xf32>
    %select_n3A_2536 = arith.select %eq3A_2533, %broadcast_in_dim3A_2535, %select_n3A_2443 : vector<128x4096xi1>, vector<128x4096xf32>
    %jit3A_2537 = arith.constant 0.000000e+00 : f32
    %broadcast_in_dim3A_2538 = vector.shape_cast %get3A_3 : vector<1x4096xf32> to vector<1x4096xf32>
    %broadcast_in_dim3A_2539 = vector.broadcast %broadcast_in_dim3A_2538 : vector<1x4096xf32> to vector<128x4096xf32>
    %broadcast_in_dim3A_2540 = vector.broadcast %jit3A_2537 : f32 to vector<128x4096xf32>
    %select_n3A_2541 = arith.select %eq3A_2533, %broadcast_in_dim3A_2539, %broadcast_in_dim3A_2540 : vector<128x4096xi1>, vector<128x4096xf32>
    %reduce_sum3A_2542 = arith.constant dense<0.000000e+00> : vector<128xf32>
    %reduce_sum3A_2543 = vector.multi_reduction <add>, %select_n3A_2541, %reduce_sum3A_2542 [1] : vector<128x4096xf32> to vector<128xf32>
    %broadcast_in_dim3A_2544 = vector.shape_cast %reduce_sum3A_2543 : vector<128xf32> to vector<128x1xf32>
    %jit3A_2545 = arith.constant 0.000000e+00 : f32
    %broadcast_in_dim3A_2546 = vector.shape_cast %get3A_8 : vector<1x4096xf32> to vector<1x4096xf32>
    %broadcast_in_dim3A_2547 = vector.broadcast %broadcast_in_dim3A_2546 : vector<1x4096xf32> to vector<128x4096xf32>
    %broadcast_in_dim3A_2548 = vector.broadcast %jit3A_2545 : f32 to vector<128x4096xf32>
    %select_n3A_2549 = arith.select %eq3A_2533, %broadcast_in_dim3A_2547, %broadcast_in_dim3A_2548 : vector<128x4096xi1>, vector<128x4096xf32>
    %reduce_sum3A_2550 = arith.constant dense<0.000000e+00> : vector<128xf32>
    %reduce_sum3A_2551 = vector.multi_reduction <add>, %select_n3A_2549, %reduce_sum3A_2550 [1] : vector<128x4096xf32> to vector<128xf32>
    %broadcast_in_dim3A_2552 = vector.shape_cast %reduce_sum3A_2551 : vector<128xf32> to vector<128x1xf32>
    %jit3A_2553 = arith.constant 0.000000e+00 : f32
    %broadcast_in_dim3A_2554 = vector.shape_cast %get3A_13 : vector<1x4096xf32> to vector<1x4096xf32>
    %broadcast_in_dim3A_2555 = vector.broadcast %broadcast_in_dim3A_2554 : vector<1x4096xf32> to vector<128x4096xf32>
    %broadcast_in_dim3A_2556 = vector.broadcast %jit3A_2553 : f32 to vector<128x4096xf32>
    %select_n3A_2557 = arith.select %eq3A_2533, %broadcast_in_dim3A_2555, %broadcast_in_dim3A_2556 : vector<128x4096xi1>, vector<128x4096xf32>
    %reduce_sum3A_2558 = arith.constant dense<0.000000e+00> : vector<128xf32>
    %reduce_sum3A_2559 = vector.multi_reduction <add>, %select_n3A_2557, %reduce_sum3A_2558 [1] : vector<128x4096xf32> to vector<128xf32>
    %broadcast_in_dim3A_2560 = vector.shape_cast %reduce_sum3A_2559 : vector<128xf32> to vector<128x1xf32>
    %concatenate3A_2561 = tpu.concatenate %broadcast_in_dim3A_2544, %broadcast_in_dim3A_2552, %broadcast_in_dim3A_2560 in 1 : vector<128x1xf32>, vector<128x1xf32>, vector<128x1xf32> -> vector<128x3xf32>
    %swap3A_2562 = arith.constant 0 : index
    %swap3A_2563 = arith.constant 3328 : index
    %swap3A_2564 = arith.constant 0 : index
    %swap3A_2565 = vector.load %arg12[%swap3A_2562, %swap3A_2563, %swap3A_2564] : memref<1x4096x3xf32, #tpu.memory_space<vmem>>, vector<1x128x3xf32>
    %swap3A_2566 = vector.shape_cast %swap3A_2565 : vector<1x128x3xf32> to vector<128x3xf32>
    %swap3A_2567 = vector.shape_cast %concatenate3A_2561 : vector<128x3xf32> to vector<1x128x3xf32>
    tpu.vector_store %arg12[%swap3A_2562, %swap3A_2563, %swap3A_2564], %swap3A_2567 {strides = array<i32>} : memref<1x4096x3xf32, #tpu.memory_space<vmem>>, vector<1x128x3xf32>,
    %add3A_2568 = arith.addf %add3A_2475, %broadcast_in_dim3A_2544 : vector<128x1xf32>
    %add3A_2569 = arith.addf %add3A_2476, %broadcast_in_dim3A_2552 : vector<128x1xf32>
    %add3A_2570 = arith.addf %add3A_2477, %broadcast_in_dim3A_2560 : vector<128x1xf32>
    %sub3A_2571 = arith.subf %broadcast_in_dim3A_2544, %broadcast_in_dim3A_21 : vector<128x1xf32>
    %get3A_2572 = arith.constant 0 : index
    %get3A_2573 = arith.constant 0 : index
    %get3A_2574 = vector.load %arg7[%get3A_2572, %get3A_2573] : memref<3x128xf32, #tpu.memory_space<vmem>>, vector<1x128xf32>
    %mul3A_2575 = vector.broadcast %sub3A_2571 : vector<128x1xf32> to vector<128x128xf32>
    %mul3A_2576 = vector.broadcast %get3A_2574 : vector<1x128xf32> to vector<128x128xf32>
    %mul3A_2577 = arith.mulf %mul3A_2575, %mul3A_2576 : vector<128x128xf32>
    %sub3A_2578 = arith.subf %broadcast_in_dim3A_2552, %broadcast_in_dim3A_29 : vector<128x1xf32>
    %get3A_2579 = arith.constant 1 : index
    %get3A_2580 = arith.constant 0 : index
    %get3A_2581 = vector.load %arg7[%get3A_2579, %get3A_2580] : memref<3x128xf32, #tpu.memory_space<vmem>>, vector<1x128xf32>
    %mul3A_2582 = vector.broadcast %sub3A_2578 : vector<128x1xf32> to vector<128x128xf32>
    %mul3A_2583 = vector.broadcast %get3A_2581 : vector<1x128xf32> to vector<128x128xf32>
    %mul3A_2584 = arith.mulf %mul3A_2582, %mul3A_2583 : vector<128x128xf32>
    %add3A_2585 = arith.addf %mul3A_2577, %mul3A_2584 : vector<128x128xf32>
    %sub3A_2586 = arith.subf %broadcast_in_dim3A_2560, %broadcast_in_dim3A_37 : vector<128x1xf32>
    %get3A_2587 = arith.constant 2 : index
    %get3A_2588 = arith.constant 0 : index
    %get3A_2589 = vector.load %arg7[%get3A_2587, %get3A_2588] : memref<3x128xf32, #tpu.memory_space<vmem>>, vector<1x128xf32>
    %mul3A_2590 = vector.broadcast %sub3A_2586 : vector<128x1xf32> to vector<128x128xf32>
    %mul3A_2591 = vector.broadcast %get3A_2589 : vector<1x128xf32> to vector<128x128xf32>
    %mul3A_2592 = arith.mulf %mul3A_2590, %mul3A_2591 : vector<128x128xf32>
    %add3A_2593 = arith.addf %add3A_2585, %mul3A_2592 : vector<128x128xf32>
    %add3A_2594 = arith.addf %add3A_2593, %add3A_81 : vector<128x128xf32>
    %max3A_2595 = arith.constant 0.000000e+00 : f32
    %max3A_2596 = vector.broadcast %max3A_2595 : f32 to vector<128x128xf32>
    %max3A_2597 = arith.maximumf %add3A_2594, %max3A_2596 : vector<128x128xf32>
    %get3A_2598 = arith.constant 0 : index
    %get3A_2599 = arith.constant 0 : index
    %get3A_2600 = vector.load %arg10[%get3A_2598, %get3A_2599] : memref<128x3xf32, #tpu.memory_space<vmem>>, vector<128x3xf32>
    %dot_general3A_2601 = arith.constant dense<0.000000e+00> : vector<128x3xf32>
    %dot_general3A_2602 = tpu.matmul %max3A_2597, %get3A_2600, %dot_general3A_2601 {dimension_numbers = #tpu.dot_dimension_numbers<[1], [0], [0], [1], [0, 0, 1, 1], [], []>, transpose_lhs_hint = false} : vector<128x128xf32>, vector<128x3xf32>, vector<128x3xf32> -> vector<128x3xf32>
    %get3A_2603 = arith.constant 0 : index
    %get3A_2604 = arith.constant 0 : index
    %get3A_2605 = vector.load %arg11[%get3A_2603, %get3A_2604] : memref<1x3xf32, #tpu.memory_space<vmem>>, vector<1x3xf32>
    %add3A_2606 = vector.broadcast %get3A_2605 : vector<1x3xf32> to vector<128x3xf32>
    %add3A_2607 = arith.addf %dot_general3A_2602, %add3A_2606 : vector<128x3xf32>
    %swap3A_2608 = arith.constant 0 : index
    %swap3A_2609 = arith.constant 3328 : index
    %swap3A_2610 = arith.constant 0 : index
    %swap3A_2611 = vector.load %arg13[%swap3A_2608, %swap3A_2609, %swap3A_2610] : memref<1x4096x3xf32, #tpu.memory_space<vmem>>, vector<1x128x3xf32>
    %swap3A_2612 = vector.shape_cast %swap3A_2611 : vector<1x128x3xf32> to vector<128x3xf32>
    %swap3A_2613 = vector.shape_cast %add3A_2607 : vector<128x3xf32> to vector<1x128x3xf32>
    tpu.vector_store %arg13[%swap3A_2608, %swap3A_2609, %swap3A_2610], %swap3A_2613 {strides = array<i32>} : memref<1x4096x3xf32, #tpu.memory_space<vmem>>, vector<1x128x3xf32>,
    %reduce_min3A_2614 = arith.constant dense<0x7F800000> : vector<128xf32>
    %reduce_min3A_2615 = vector.multi_reduction <minimumf>, %select_n3A_2536, %reduce_min3A_2614 [1] : vector<128x4096xf32> to vector<128xf32>
    %broadcast_in_dim3A_2616 = vector.shape_cast %reduce_min3A_2615 : vector<128xf32> to vector<128x1xf32>
    %eq3A_2617 = vector.broadcast %broadcast_in_dim3A_2616 : vector<128x1xf32> to vector<128x4096xf32>
    %eq3A_2618 = arith.cmpf oeq, %select_n3A_2536, %eq3A_2617 : vector<128x4096xf32>
    %jit3A_2619 = arith.constant 1073741824 : i32
    %broadcast_in_dim3A_2620 = vector.broadcast %jit3A_2619 : i32 to vector<128x4096xi32>
    %select_n3A_2621 = arith.select %eq3A_2618, %iota3A, %broadcast_in_dim3A_2620 : vector<128x4096xi1>, vector<128x4096xi32>
    %reduce_min3A_2622 = arith.constant dense<2147483647> : vector<128xi32>
    %reduce_min3A_2623 = vector.multi_reduction <minsi>, %select_n3A_2621, %reduce_min3A_2622 [1] : vector<128x4096xi32> to vector<128xi32>
    %broadcast_in_dim3A_2624 = vector.shape_cast %reduce_min3A_2623 : vector<128xi32> to vector<128x1xi32>
    %eq3A_2625 = vector.broadcast %broadcast_in_dim3A_2624 : vector<128x1xi32> to vector<128x4096xi32>
    %eq3A_2626 = arith.cmpi eq, %iota3A, %eq3A_2625 : vector<128x4096xi32>
    %jit3A_2627 = arith.constant 1.000000e+30 : f32
    %broadcast_in_dim3A_2628 = vector.broadcast %jit3A_2627 : f32 to vector<128x4096xf32>
    %select_n3A_2629 = arith.select %eq3A_2626, %broadcast_in_dim3A_2628, %select_n3A_2536 : vector<128x4096xi1>, vector<128x4096xf32>
    %jit3A_2630 = arith.constant 0.000000e+00 : f32
    %broadcast_in_dim3A_2631 = vector.shape_cast %get3A_3 : vector<1x4096xf32> to vector<1x4096xf32>
    %broadcast_in_dim3A_2632 = vector.broadcast %broadcast_in_dim3A_2631 : vector<1x4096xf32> to vector<128x4096xf32>
    %broadcast_in_dim3A_2633 = vector.broadcast %jit3A_2630 : f32 to vector<128x4096xf32>
    %select_n3A_2634 = arith.select %eq3A_2626, %broadcast_in_dim3A_2632, %broadcast_in_dim3A_2633 : vector<128x4096xi1>, vector<128x4096xf32>
    %reduce_sum3A_2635 = arith.constant dense<0.000000e+00> : vector<128xf32>
    %reduce_sum3A_2636 = vector.multi_reduction <add>, %select_n3A_2634, %reduce_sum3A_2635 [1] : vector<128x4096xf32> to vector<128xf32>
    %broadcast_in_dim3A_2637 = vector.shape_cast %reduce_sum3A_2636 : vector<128xf32> to vector<128x1xf32>
    %jit3A_2638 = arith.constant 0.000000e+00 : f32
    %broadcast_in_dim3A_2639 = vector.shape_cast %get3A_8 : vector<1x4096xf32> to vector<1x4096xf32>
    %broadcast_in_dim3A_2640 = vector.broadcast %broadcast_in_dim3A_2639 : vector<1x4096xf32> to vector<128x4096xf32>
    %broadcast_in_dim3A_2641 = vector.broadcast %jit3A_2638 : f32 to vector<128x4096xf32>
    %select_n3A_2642 = arith.select %eq3A_2626, %broadcast_in_dim3A_2640, %broadcast_in_dim3A_2641 : vector<128x4096xi1>, vector<128x4096xf32>
    %reduce_sum3A_2643 = arith.constant dense<0.000000e+00> : vector<128xf32>
    %reduce_sum3A_2644 = vector.multi_reduction <add>, %select_n3A_2642, %reduce_sum3A_2643 [1] : vector<128x4096xf32> to vector<128xf32>
    %broadcast_in_dim3A_2645 = vector.shape_cast %reduce_sum3A_2644 : vector<128xf32> to vector<128x1xf32>
    %jit3A_2646 = arith.constant 0.000000e+00 : f32
    %broadcast_in_dim3A_2647 = vector.shape_cast %get3A_13 : vector<1x4096xf32> to vector<1x4096xf32>
    %broadcast_in_dim3A_2648 = vector.broadcast %broadcast_in_dim3A_2647 : vector<1x4096xf32> to vector<128x4096xf32>
    %broadcast_in_dim3A_2649 = vector.broadcast %jit3A_2646 : f32 to vector<128x4096xf32>
    %select_n3A_2650 = arith.select %eq3A_2626, %broadcast_in_dim3A_2648, %broadcast_in_dim3A_2649 : vector<128x4096xi1>, vector<128x4096xf32>
    %reduce_sum3A_2651 = arith.constant dense<0.000000e+00> : vector<128xf32>
    %reduce_sum3A_2652 = vector.multi_reduction <add>, %select_n3A_2650, %reduce_sum3A_2651 [1] : vector<128x4096xf32> to vector<128xf32>
    %broadcast_in_dim3A_2653 = vector.shape_cast %reduce_sum3A_2652 : vector<128xf32> to vector<128x1xf32>
    %concatenate3A_2654 = tpu.concatenate %broadcast_in_dim3A_2637, %broadcast_in_dim3A_2645, %broadcast_in_dim3A_2653 in 1 : vector<128x1xf32>, vector<128x1xf32>, vector<128x1xf32> -> vector<128x3xf32>
    %swap3A_2655 = arith.constant 0 : index
    %swap3A_2656 = arith.constant 3456 : index
    %swap3A_2657 = arith.constant 0 : index
    %swap3A_2658 = vector.load %arg12[%swap3A_2655, %swap3A_2656, %swap3A_2657] : memref<1x4096x3xf32, #tpu.memory_space<vmem>>, vector<1x128x3xf32>
    %swap3A_2659 = vector.shape_cast %swap3A_2658 : vector<1x128x3xf32> to vector<128x3xf32>
    %swap3A_2660 = vector.shape_cast %concatenate3A_2654 : vector<128x3xf32> to vector<1x128x3xf32>
    tpu.vector_store %arg12[%swap3A_2655, %swap3A_2656, %swap3A_2657], %swap3A_2660 {strides = array<i32>} : memref<1x4096x3xf32, #tpu.memory_space<vmem>>, vector<1x128x3xf32>,
    %add3A_2661 = arith.addf %add3A_2568, %broadcast_in_dim3A_2637 : vector<128x1xf32>
    %add3A_2662 = arith.addf %add3A_2569, %broadcast_in_dim3A_2645 : vector<128x1xf32>
    %add3A_2663 = arith.addf %add3A_2570, %broadcast_in_dim3A_2653 : vector<128x1xf32>
    %sub3A_2664 = arith.subf %broadcast_in_dim3A_2637, %broadcast_in_dim3A_21 : vector<128x1xf32>
    %get3A_2665 = arith.constant 0 : index
    %get3A_2666 = arith.constant 0 : index
    %get3A_2667 = vector.load %arg7[%get3A_2665, %get3A_2666] : memref<3x128xf32, #tpu.memory_space<vmem>>, vector<1x128xf32>
    %mul3A_2668 = vector.broadcast %sub3A_2664 : vector<128x1xf32> to vector<128x128xf32>
    %mul3A_2669 = vector.broadcast %get3A_2667 : vector<1x128xf32> to vector<128x128xf32>
    %mul3A_2670 = arith.mulf %mul3A_2668, %mul3A_2669 : vector<128x128xf32>
    %sub3A_2671 = arith.subf %broadcast_in_dim3A_2645, %broadcast_in_dim3A_29 : vector<128x1xf32>
    %get3A_2672 = arith.constant 1 : index
    %get3A_2673 = arith.constant 0 : index
    %get3A_2674 = vector.load %arg7[%get3A_2672, %get3A_2673] : memref<3x128xf32, #tpu.memory_space<vmem>>, vector<1x128xf32>
    %mul3A_2675 = vector.broadcast %sub3A_2671 : vector<128x1xf32> to vector<128x128xf32>
    %mul3A_2676 = vector.broadcast %get3A_2674 : vector<1x128xf32> to vector<128x128xf32>
    %mul3A_2677 = arith.mulf %mul3A_2675, %mul3A_2676 : vector<128x128xf32>
    %add3A_2678 = arith.addf %mul3A_2670, %mul3A_2677 : vector<128x128xf32>
    %sub3A_2679 = arith.subf %broadcast_in_dim3A_2653, %broadcast_in_dim3A_37 : vector<128x1xf32>
    %get3A_2680 = arith.constant 2 : index
    %get3A_2681 = arith.constant 0 : index
    %get3A_2682 = vector.load %arg7[%get3A_2680, %get3A_2681] : memref<3x128xf32, #tpu.memory_space<vmem>>, vector<1x128xf32>
    %mul3A_2683 = vector.broadcast %sub3A_2679 : vector<128x1xf32> to vector<128x128xf32>
    %mul3A_2684 = vector.broadcast %get3A_2682 : vector<1x128xf32> to vector<128x128xf32>
    %mul3A_2685 = arith.mulf %mul3A_2683, %mul3A_2684 : vector<128x128xf32>
    %add3A_2686 = arith.addf %add3A_2678, %mul3A_2685 : vector<128x128xf32>
    %add3A_2687 = arith.addf %add3A_2686, %add3A_81 : vector<128x128xf32>
    %max3A_2688 = arith.constant 0.000000e+00 : f32
    %max3A_2689 = vector.broadcast %max3A_2688 : f32 to vector<128x128xf32>
    %max3A_2690 = arith.maximumf %add3A_2687, %max3A_2689 : vector<128x128xf32>
    %get3A_2691 = arith.constant 0 : index
    %get3A_2692 = arith.constant 0 : index
    %get3A_2693 = vector.load %arg10[%get3A_2691, %get3A_2692] : memref<128x3xf32, #tpu.memory_space<vmem>>, vector<128x3xf32>
    %dot_general3A_2694 = arith.constant dense<0.000000e+00> : vector<128x3xf32>
    %dot_general3A_2695 = tpu.matmul %max3A_2690, %get3A_2693, %dot_general3A_2694 {dimension_numbers = #tpu.dot_dimension_numbers<[1], [0], [0], [1], [0, 0, 1, 1], [], []>, transpose_lhs_hint = false} : vector<128x128xf32>, vector<128x3xf32>, vector<128x3xf32> -> vector<128x3xf32>
    %get3A_2696 = arith.constant 0 : index
    %get3A_2697 = arith.constant 0 : index
    %get3A_2698 = vector.load %arg11[%get3A_2696, %get3A_2697] : memref<1x3xf32, #tpu.memory_space<vmem>>, vector<1x3xf32>
    %add3A_2699 = vector.broadcast %get3A_2698 : vector<1x3xf32> to vector<128x3xf32>
    %add3A_2700 = arith.addf %dot_general3A_2695, %add3A_2699 : vector<128x3xf32>
    %swap3A_2701 = arith.constant 0 : index
    %swap3A_2702 = arith.constant 3456 : index
    %swap3A_2703 = arith.constant 0 : index
    %swap3A_2704 = vector.load %arg13[%swap3A_2701, %swap3A_2702, %swap3A_2703] : memref<1x4096x3xf32, #tpu.memory_space<vmem>>, vector<1x128x3xf32>
    %swap3A_2705 = vector.shape_cast %swap3A_2704 : vector<1x128x3xf32> to vector<128x3xf32>
    %swap3A_2706 = vector.shape_cast %add3A_2700 : vector<128x3xf32> to vector<1x128x3xf32>
    tpu.vector_store %arg13[%swap3A_2701, %swap3A_2702, %swap3A_2703], %swap3A_2706 {strides = array<i32>} : memref<1x4096x3xf32, #tpu.memory_space<vmem>>, vector<1x128x3xf32>,
    %reduce_min3A_2707 = arith.constant dense<0x7F800000> : vector<128xf32>
    %reduce_min3A_2708 = vector.multi_reduction <minimumf>, %select_n3A_2629, %reduce_min3A_2707 [1] : vector<128x4096xf32> to vector<128xf32>
    %broadcast_in_dim3A_2709 = vector.shape_cast %reduce_min3A_2708 : vector<128xf32> to vector<128x1xf32>
    %eq3A_2710 = vector.broadcast %broadcast_in_dim3A_2709 : vector<128x1xf32> to vector<128x4096xf32>
    %eq3A_2711 = arith.cmpf oeq, %select_n3A_2629, %eq3A_2710 : vector<128x4096xf32>
    %jit3A_2712 = arith.constant 1073741824 : i32
    %broadcast_in_dim3A_2713 = vector.broadcast %jit3A_2712 : i32 to vector<128x4096xi32>
    %select_n3A_2714 = arith.select %eq3A_2711, %iota3A, %broadcast_in_dim3A_2713 : vector<128x4096xi1>, vector<128x4096xi32>
    %reduce_min3A_2715 = arith.constant dense<2147483647> : vector<128xi32>
    %reduce_min3A_2716 = vector.multi_reduction <minsi>, %select_n3A_2714, %reduce_min3A_2715 [1] : vector<128x4096xi32> to vector<128xi32>
    %broadcast_in_dim3A_2717 = vector.shape_cast %reduce_min3A_2716 : vector<128xi32> to vector<128x1xi32>
    %eq3A_2718 = vector.broadcast %broadcast_in_dim3A_2717 : vector<128x1xi32> to vector<128x4096xi32>
    %eq3A_2719 = arith.cmpi eq, %iota3A, %eq3A_2718 : vector<128x4096xi32>
    %jit3A_2720 = arith.constant 1.000000e+30 : f32
    %broadcast_in_dim3A_2721 = vector.broadcast %jit3A_2720 : f32 to vector<128x4096xf32>
    %select_n3A_2722 = arith.select %eq3A_2719, %broadcast_in_dim3A_2721, %select_n3A_2629 : vector<128x4096xi1>, vector<128x4096xf32>
    %jit3A_2723 = arith.constant 0.000000e+00 : f32
    %broadcast_in_dim3A_2724 = vector.shape_cast %get3A_3 : vector<1x4096xf32> to vector<1x4096xf32>
    %broadcast_in_dim3A_2725 = vector.broadcast %broadcast_in_dim3A_2724 : vector<1x4096xf32> to vector<128x4096xf32>
    %broadcast_in_dim3A_2726 = vector.broadcast %jit3A_2723 : f32 to vector<128x4096xf32>
    %select_n3A_2727 = arith.select %eq3A_2719, %broadcast_in_dim3A_2725, %broadcast_in_dim3A_2726 : vector<128x4096xi1>, vector<128x4096xf32>
    %reduce_sum3A_2728 = arith.constant dense<0.000000e+00> : vector<128xf32>
    %reduce_sum3A_2729 = vector.multi_reduction <add>, %select_n3A_2727, %reduce_sum3A_2728 [1] : vector<128x4096xf32> to vector<128xf32>
    %broadcast_in_dim3A_2730 = vector.shape_cast %reduce_sum3A_2729 : vector<128xf32> to vector<128x1xf32>
    %jit3A_2731 = arith.constant 0.000000e+00 : f32
    %broadcast_in_dim3A_2732 = vector.shape_cast %get3A_8 : vector<1x4096xf32> to vector<1x4096xf32>
    %broadcast_in_dim3A_2733 = vector.broadcast %broadcast_in_dim3A_2732 : vector<1x4096xf32> to vector<128x4096xf32>
    %broadcast_in_dim3A_2734 = vector.broadcast %jit3A_2731 : f32 to vector<128x4096xf32>
    %select_n3A_2735 = arith.select %eq3A_2719, %broadcast_in_dim3A_2733, %broadcast_in_dim3A_2734 : vector<128x4096xi1>, vector<128x4096xf32>
    %reduce_sum3A_2736 = arith.constant dense<0.000000e+00> : vector<128xf32>
    %reduce_sum3A_2737 = vector.multi_reduction <add>, %select_n3A_2735, %reduce_sum3A_2736 [1] : vector<128x4096xf32> to vector<128xf32>
    %broadcast_in_dim3A_2738 = vector.shape_cast %reduce_sum3A_2737 : vector<128xf32> to vector<128x1xf32>
    %jit3A_2739 = arith.constant 0.000000e+00 : f32
    %broadcast_in_dim3A_2740 = vector.shape_cast %get3A_13 : vector<1x4096xf32> to vector<1x4096xf32>
    %broadcast_in_dim3A_2741 = vector.broadcast %broadcast_in_dim3A_2740 : vector<1x4096xf32> to vector<128x4096xf32>
    %broadcast_in_dim3A_2742 = vector.broadcast %jit3A_2739 : f32 to vector<128x4096xf32>
    %select_n3A_2743 = arith.select %eq3A_2719, %broadcast_in_dim3A_2741, %broadcast_in_dim3A_2742 : vector<128x4096xi1>, vector<128x4096xf32>
    %reduce_sum3A_2744 = arith.constant dense<0.000000e+00> : vector<128xf32>
    %reduce_sum3A_2745 = vector.multi_reduction <add>, %select_n3A_2743, %reduce_sum3A_2744 [1] : vector<128x4096xf32> to vector<128xf32>
    %broadcast_in_dim3A_2746 = vector.shape_cast %reduce_sum3A_2745 : vector<128xf32> to vector<128x1xf32>
    %concatenate3A_2747 = tpu.concatenate %broadcast_in_dim3A_2730, %broadcast_in_dim3A_2738, %broadcast_in_dim3A_2746 in 1 : vector<128x1xf32>, vector<128x1xf32>, vector<128x1xf32> -> vector<128x3xf32>
    %swap3A_2748 = arith.constant 0 : index
    %swap3A_2749 = arith.constant 3584 : index
    %swap3A_2750 = arith.constant 0 : index
    %swap3A_2751 = vector.load %arg12[%swap3A_2748, %swap3A_2749, %swap3A_2750] : memref<1x4096x3xf32, #tpu.memory_space<vmem>>, vector<1x128x3xf32>
    %swap3A_2752 = vector.shape_cast %swap3A_2751 : vector<1x128x3xf32> to vector<128x3xf32>
    %swap3A_2753 = vector.shape_cast %concatenate3A_2747 : vector<128x3xf32> to vector<1x128x3xf32>
    tpu.vector_store %arg12[%swap3A_2748, %swap3A_2749, %swap3A_2750], %swap3A_2753 {strides = array<i32>} : memref<1x4096x3xf32, #tpu.memory_space<vmem>>, vector<1x128x3xf32>,
    %add3A_2754 = arith.addf %add3A_2661, %broadcast_in_dim3A_2730 : vector<128x1xf32>
    %add3A_2755 = arith.addf %add3A_2662, %broadcast_in_dim3A_2738 : vector<128x1xf32>
    %add3A_2756 = arith.addf %add3A_2663, %broadcast_in_dim3A_2746 : vector<128x1xf32>
    %sub3A_2757 = arith.subf %broadcast_in_dim3A_2730, %broadcast_in_dim3A_21 : vector<128x1xf32>
    %get3A_2758 = arith.constant 0 : index
    %get3A_2759 = arith.constant 0 : index
    %get3A_2760 = vector.load %arg7[%get3A_2758, %get3A_2759] : memref<3x128xf32, #tpu.memory_space<vmem>>, vector<1x128xf32>
    %mul3A_2761 = vector.broadcast %sub3A_2757 : vector<128x1xf32> to vector<128x128xf32>
    %mul3A_2762 = vector.broadcast %get3A_2760 : vector<1x128xf32> to vector<128x128xf32>
    %mul3A_2763 = arith.mulf %mul3A_2761, %mul3A_2762 : vector<128x128xf32>
    %sub3A_2764 = arith.subf %broadcast_in_dim3A_2738, %broadcast_in_dim3A_29 : vector<128x1xf32>
    %get3A_2765 = arith.constant 1 : index
    %get3A_2766 = arith.constant 0 : index
    %get3A_2767 = vector.load %arg7[%get3A_2765, %get3A_2766] : memref<3x128xf32, #tpu.memory_space<vmem>>, vector<1x128xf32>
    %mul3A_2768 = vector.broadcast %sub3A_2764 : vector<128x1xf32> to vector<128x128xf32>
    %mul3A_2769 = vector.broadcast %get3A_2767 : vector<1x128xf32> to vector<128x128xf32>
    %mul3A_2770 = arith.mulf %mul3A_2768, %mul3A_2769 : vector<128x128xf32>
    %add3A_2771 = arith.addf %mul3A_2763, %mul3A_2770 : vector<128x128xf32>
    %sub3A_2772 = arith.subf %broadcast_in_dim3A_2746, %broadcast_in_dim3A_37 : vector<128x1xf32>
    %get3A_2773 = arith.constant 2 : index
    %get3A_2774 = arith.constant 0 : index
    %get3A_2775 = vector.load %arg7[%get3A_2773, %get3A_2774] : memref<3x128xf32, #tpu.memory_space<vmem>>, vector<1x128xf32>
    %mul3A_2776 = vector.broadcast %sub3A_2772 : vector<128x1xf32> to vector<128x128xf32>
    %mul3A_2777 = vector.broadcast %get3A_2775 : vector<1x128xf32> to vector<128x128xf32>
    %mul3A_2778 = arith.mulf %mul3A_2776, %mul3A_2777 : vector<128x128xf32>
    %add3A_2779 = arith.addf %add3A_2771, %mul3A_2778 : vector<128x128xf32>
    %add3A_2780 = arith.addf %add3A_2779, %add3A_81 : vector<128x128xf32>
    %max3A_2781 = arith.constant 0.000000e+00 : f32
    %max3A_2782 = vector.broadcast %max3A_2781 : f32 to vector<128x128xf32>
    %max3A_2783 = arith.maximumf %add3A_2780, %max3A_2782 : vector<128x128xf32>
    %get3A_2784 = arith.constant 0 : index
    %get3A_2785 = arith.constant 0 : index
    %get3A_2786 = vector.load %arg10[%get3A_2784, %get3A_2785] : memref<128x3xf32, #tpu.memory_space<vmem>>, vector<128x3xf32>
    %dot_general3A_2787 = arith.constant dense<0.000000e+00> : vector<128x3xf32>
    %dot_general3A_2788 = tpu.matmul %max3A_2783, %get3A_2786, %dot_general3A_2787 {dimension_numbers = #tpu.dot_dimension_numbers<[1], [0], [0], [1], [0, 0, 1, 1], [], []>, transpose_lhs_hint = false} : vector<128x128xf32>, vector<128x3xf32>, vector<128x3xf32> -> vector<128x3xf32>
    %get3A_2789 = arith.constant 0 : index
    %get3A_2790 = arith.constant 0 : index
    %get3A_2791 = vector.load %arg11[%get3A_2789, %get3A_2790] : memref<1x3xf32, #tpu.memory_space<vmem>>, vector<1x3xf32>
    %add3A_2792 = vector.broadcast %get3A_2791 : vector<1x3xf32> to vector<128x3xf32>
    %add3A_2793 = arith.addf %dot_general3A_2788, %add3A_2792 : vector<128x3xf32>
    %swap3A_2794 = arith.constant 0 : index
    %swap3A_2795 = arith.constant 3584 : index
    %swap3A_2796 = arith.constant 0 : index
    %swap3A_2797 = vector.load %arg13[%swap3A_2794, %swap3A_2795, %swap3A_2796] : memref<1x4096x3xf32, #tpu.memory_space<vmem>>, vector<1x128x3xf32>
    %swap3A_2798 = vector.shape_cast %swap3A_2797 : vector<1x128x3xf32> to vector<128x3xf32>
    %swap3A_2799 = vector.shape_cast %add3A_2793 : vector<128x3xf32> to vector<1x128x3xf32>
    tpu.vector_store %arg13[%swap3A_2794, %swap3A_2795, %swap3A_2796], %swap3A_2799 {strides = array<i32>} : memref<1x4096x3xf32, #tpu.memory_space<vmem>>, vector<1x128x3xf32>,
    %reduce_min3A_2800 = arith.constant dense<0x7F800000> : vector<128xf32>
    %reduce_min3A_2801 = vector.multi_reduction <minimumf>, %select_n3A_2722, %reduce_min3A_2800 [1] : vector<128x4096xf32> to vector<128xf32>
    %broadcast_in_dim3A_2802 = vector.shape_cast %reduce_min3A_2801 : vector<128xf32> to vector<128x1xf32>
    %eq3A_2803 = vector.broadcast %broadcast_in_dim3A_2802 : vector<128x1xf32> to vector<128x4096xf32>
    %eq3A_2804 = arith.cmpf oeq, %select_n3A_2722, %eq3A_2803 : vector<128x4096xf32>
    %jit3A_2805 = arith.constant 1073741824 : i32
    %broadcast_in_dim3A_2806 = vector.broadcast %jit3A_2805 : i32 to vector<128x4096xi32>
    %select_n3A_2807 = arith.select %eq3A_2804, %iota3A, %broadcast_in_dim3A_2806 : vector<128x4096xi1>, vector<128x4096xi32>
    %reduce_min3A_2808 = arith.constant dense<2147483647> : vector<128xi32>
    %reduce_min3A_2809 = vector.multi_reduction <minsi>, %select_n3A_2807, %reduce_min3A_2808 [1] : vector<128x4096xi32> to vector<128xi32>
    %broadcast_in_dim3A_2810 = vector.shape_cast %reduce_min3A_2809 : vector<128xi32> to vector<128x1xi32>
    %eq3A_2811 = vector.broadcast %broadcast_in_dim3A_2810 : vector<128x1xi32> to vector<128x4096xi32>
    %eq3A_2812 = arith.cmpi eq, %iota3A, %eq3A_2811 : vector<128x4096xi32>
    %jit3A_2813 = arith.constant 1.000000e+30 : f32
    %broadcast_in_dim3A_2814 = vector.broadcast %jit3A_2813 : f32 to vector<128x4096xf32>
    %select_n3A_2815 = arith.select %eq3A_2812, %broadcast_in_dim3A_2814, %select_n3A_2722 : vector<128x4096xi1>, vector<128x4096xf32>
    %jit3A_2816 = arith.constant 0.000000e+00 : f32
    %broadcast_in_dim3A_2817 = vector.shape_cast %get3A_3 : vector<1x4096xf32> to vector<1x4096xf32>
    %broadcast_in_dim3A_2818 = vector.broadcast %broadcast_in_dim3A_2817 : vector<1x4096xf32> to vector<128x4096xf32>
    %broadcast_in_dim3A_2819 = vector.broadcast %jit3A_2816 : f32 to vector<128x4096xf32>
    %select_n3A_2820 = arith.select %eq3A_2812, %broadcast_in_dim3A_2818, %broadcast_in_dim3A_2819 : vector<128x4096xi1>, vector<128x4096xf32>
    %reduce_sum3A_2821 = arith.constant dense<0.000000e+00> : vector<128xf32>
    %reduce_sum3A_2822 = vector.multi_reduction <add>, %select_n3A_2820, %reduce_sum3A_2821 [1] : vector<128x4096xf32> to vector<128xf32>
    %broadcast_in_dim3A_2823 = vector.shape_cast %reduce_sum3A_2822 : vector<128xf32> to vector<128x1xf32>
    %jit3A_2824 = arith.constant 0.000000e+00 : f32
    %broadcast_in_dim3A_2825 = vector.shape_cast %get3A_8 : vector<1x4096xf32> to vector<1x4096xf32>
    %broadcast_in_dim3A_2826 = vector.broadcast %broadcast_in_dim3A_2825 : vector<1x4096xf32> to vector<128x4096xf32>
    %broadcast_in_dim3A_2827 = vector.broadcast %jit3A_2824 : f32 to vector<128x4096xf32>
    %select_n3A_2828 = arith.select %eq3A_2812, %broadcast_in_dim3A_2826, %broadcast_in_dim3A_2827 : vector<128x4096xi1>, vector<128x4096xf32>
    %reduce_sum3A_2829 = arith.constant dense<0.000000e+00> : vector<128xf32>
    %reduce_sum3A_2830 = vector.multi_reduction <add>, %select_n3A_2828, %reduce_sum3A_2829 [1] : vector<128x4096xf32> to vector<128xf32>
    %broadcast_in_dim3A_2831 = vector.shape_cast %reduce_sum3A_2830 : vector<128xf32> to vector<128x1xf32>
    %jit3A_2832 = arith.constant 0.000000e+00 : f32
    %broadcast_in_dim3A_2833 = vector.shape_cast %get3A_13 : vector<1x4096xf32> to vector<1x4096xf32>
    %broadcast_in_dim3A_2834 = vector.broadcast %broadcast_in_dim3A_2833 : vector<1x4096xf32> to vector<128x4096xf32>
    %broadcast_in_dim3A_2835 = vector.broadcast %jit3A_2832 : f32 to vector<128x4096xf32>
    %select_n3A_2836 = arith.select %eq3A_2812, %broadcast_in_dim3A_2834, %broadcast_in_dim3A_2835 : vector<128x4096xi1>, vector<128x4096xf32>
    %reduce_sum3A_2837 = arith.constant dense<0.000000e+00> : vector<128xf32>
    %reduce_sum3A_2838 = vector.multi_reduction <add>, %select_n3A_2836, %reduce_sum3A_2837 [1] : vector<128x4096xf32> to vector<128xf32>
    %broadcast_in_dim3A_2839 = vector.shape_cast %reduce_sum3A_2838 : vector<128xf32> to vector<128x1xf32>
    %concatenate3A_2840 = tpu.concatenate %broadcast_in_dim3A_2823, %broadcast_in_dim3A_2831, %broadcast_in_dim3A_2839 in 1 : vector<128x1xf32>, vector<128x1xf32>, vector<128x1xf32> -> vector<128x3xf32>
    %swap3A_2841 = arith.constant 0 : index
    %swap3A_2842 = arith.constant 3712 : index
    %swap3A_2843 = arith.constant 0 : index
    %swap3A_2844 = vector.load %arg12[%swap3A_2841, %swap3A_2842, %swap3A_2843] : memref<1x4096x3xf32, #tpu.memory_space<vmem>>, vector<1x128x3xf32>
    %swap3A_2845 = vector.shape_cast %swap3A_2844 : vector<1x128x3xf32> to vector<128x3xf32>
    %swap3A_2846 = vector.shape_cast %concatenate3A_2840 : vector<128x3xf32> to vector<1x128x3xf32>
    tpu.vector_store %arg12[%swap3A_2841, %swap3A_2842, %swap3A_2843], %swap3A_2846 {strides = array<i32>} : memref<1x4096x3xf32, #tpu.memory_space<vmem>>, vector<1x128x3xf32>,
    %add3A_2847 = arith.addf %add3A_2754, %broadcast_in_dim3A_2823 : vector<128x1xf32>
    %add3A_2848 = arith.addf %add3A_2755, %broadcast_in_dim3A_2831 : vector<128x1xf32>
    %add3A_2849 = arith.addf %add3A_2756, %broadcast_in_dim3A_2839 : vector<128x1xf32>
    %sub3A_2850 = arith.subf %broadcast_in_dim3A_2823, %broadcast_in_dim3A_21 : vector<128x1xf32>
    %get3A_2851 = arith.constant 0 : index
    %get3A_2852 = arith.constant 0 : index
    %get3A_2853 = vector.load %arg7[%get3A_2851, %get3A_2852] : memref<3x128xf32, #tpu.memory_space<vmem>>, vector<1x128xf32>
    %mul3A_2854 = vector.broadcast %sub3A_2850 : vector<128x1xf32> to vector<128x128xf32>
    %mul3A_2855 = vector.broadcast %get3A_2853 : vector<1x128xf32> to vector<128x128xf32>
    %mul3A_2856 = arith.mulf %mul3A_2854, %mul3A_2855 : vector<128x128xf32>
    %sub3A_2857 = arith.subf %broadcast_in_dim3A_2831, %broadcast_in_dim3A_29 : vector<128x1xf32>
    %get3A_2858 = arith.constant 1 : index
    %get3A_2859 = arith.constant 0 : index
    %get3A_2860 = vector.load %arg7[%get3A_2858, %get3A_2859] : memref<3x128xf32, #tpu.memory_space<vmem>>, vector<1x128xf32>
    %mul3A_2861 = vector.broadcast %sub3A_2857 : vector<128x1xf32> to vector<128x128xf32>
    %mul3A_2862 = vector.broadcast %get3A_2860 : vector<1x128xf32> to vector<128x128xf32>
    %mul3A_2863 = arith.mulf %mul3A_2861, %mul3A_2862 : vector<128x128xf32>
    %add3A_2864 = arith.addf %mul3A_2856, %mul3A_2863 : vector<128x128xf32>
    %sub3A_2865 = arith.subf %broadcast_in_dim3A_2839, %broadcast_in_dim3A_37 : vector<128x1xf32>
    %get3A_2866 = arith.constant 2 : index
    %get3A_2867 = arith.constant 0 : index
    %get3A_2868 = vector.load %arg7[%get3A_2866, %get3A_2867] : memref<3x128xf32, #tpu.memory_space<vmem>>, vector<1x128xf32>
    %mul3A_2869 = vector.broadcast %sub3A_2865 : vector<128x1xf32> to vector<128x128xf32>
    %mul3A_2870 = vector.broadcast %get3A_2868 : vector<1x128xf32> to vector<128x128xf32>
    %mul3A_2871 = arith.mulf %mul3A_2869, %mul3A_2870 : vector<128x128xf32>
    %add3A_2872 = arith.addf %add3A_2864, %mul3A_2871 : vector<128x128xf32>
    %add3A_2873 = arith.addf %add3A_2872, %add3A_81 : vector<128x128xf32>
    %max3A_2874 = arith.constant 0.000000e+00 : f32
    %max3A_2875 = vector.broadcast %max3A_2874 : f32 to vector<128x128xf32>
    %max3A_2876 = arith.maximumf %add3A_2873, %max3A_2875 : vector<128x128xf32>
    %get3A_2877 = arith.constant 0 : index
    %get3A_2878 = arith.constant 0 : index
    %get3A_2879 = vector.load %arg10[%get3A_2877, %get3A_2878] : memref<128x3xf32, #tpu.memory_space<vmem>>, vector<128x3xf32>
    %dot_general3A_2880 = arith.constant dense<0.000000e+00> : vector<128x3xf32>
    %dot_general3A_2881 = tpu.matmul %max3A_2876, %get3A_2879, %dot_general3A_2880 {dimension_numbers = #tpu.dot_dimension_numbers<[1], [0], [0], [1], [0, 0, 1, 1], [], []>, transpose_lhs_hint = false} : vector<128x128xf32>, vector<128x3xf32>, vector<128x3xf32> -> vector<128x3xf32>
    %get3A_2882 = arith.constant 0 : index
    %get3A_2883 = arith.constant 0 : index
    %get3A_2884 = vector.load %arg11[%get3A_2882, %get3A_2883] : memref<1x3xf32, #tpu.memory_space<vmem>>, vector<1x3xf32>
    %add3A_2885 = vector.broadcast %get3A_2884 : vector<1x3xf32> to vector<128x3xf32>
    %add3A_2886 = arith.addf %dot_general3A_2881, %add3A_2885 : vector<128x3xf32>
    %swap3A_2887 = arith.constant 0 : index
    %swap3A_2888 = arith.constant 3712 : index
    %swap3A_2889 = arith.constant 0 : index
    %swap3A_2890 = vector.load %arg13[%swap3A_2887, %swap3A_2888, %swap3A_2889] : memref<1x4096x3xf32, #tpu.memory_space<vmem>>, vector<1x128x3xf32>
    %swap3A_2891 = vector.shape_cast %swap3A_2890 : vector<1x128x3xf32> to vector<128x3xf32>
    %swap3A_2892 = vector.shape_cast %add3A_2886 : vector<128x3xf32> to vector<1x128x3xf32>
    tpu.vector_store %arg13[%swap3A_2887, %swap3A_2888, %swap3A_2889], %swap3A_2892 {strides = array<i32>} : memref<1x4096x3xf32, #tpu.memory_space<vmem>>, vector<1x128x3xf32>,
    %reduce_min3A_2893 = arith.constant dense<0x7F800000> : vector<128xf32>
    %reduce_min3A_2894 = vector.multi_reduction <minimumf>, %select_n3A_2815, %reduce_min3A_2893 [1] : vector<128x4096xf32> to vector<128xf32>
    %broadcast_in_dim3A_2895 = vector.shape_cast %reduce_min3A_2894 : vector<128xf32> to vector<128x1xf32>
    %eq3A_2896 = vector.broadcast %broadcast_in_dim3A_2895 : vector<128x1xf32> to vector<128x4096xf32>
    %eq3A_2897 = arith.cmpf oeq, %select_n3A_2815, %eq3A_2896 : vector<128x4096xf32>
    %jit3A_2898 = arith.constant 1073741824 : i32
    %broadcast_in_dim3A_2899 = vector.broadcast %jit3A_2898 : i32 to vector<128x4096xi32>
    %select_n3A_2900 = arith.select %eq3A_2897, %iota3A, %broadcast_in_dim3A_2899 : vector<128x4096xi1>, vector<128x4096xi32>
    %reduce_min3A_2901 = arith.constant dense<2147483647> : vector<128xi32>
    %reduce_min3A_2902 = vector.multi_reduction <minsi>, %select_n3A_2900, %reduce_min3A_2901 [1] : vector<128x4096xi32> to vector<128xi32>
    %broadcast_in_dim3A_2903 = vector.shape_cast %reduce_min3A_2902 : vector<128xi32> to vector<128x1xi32>
    %eq3A_2904 = vector.broadcast %broadcast_in_dim3A_2903 : vector<128x1xi32> to vector<128x4096xi32>
    %eq3A_2905 = arith.cmpi eq, %iota3A, %eq3A_2904 : vector<128x4096xi32>
    %jit3A_2906 = arith.constant 1.000000e+30 : f32
    %broadcast_in_dim3A_2907 = vector.broadcast %jit3A_2906 : f32 to vector<128x4096xf32>
    %select_n3A_2908 = arith.select %eq3A_2905, %broadcast_in_dim3A_2907, %select_n3A_2815 : vector<128x4096xi1>, vector<128x4096xf32>
    %jit3A_2909 = arith.constant 0.000000e+00 : f32
    %broadcast_in_dim3A_2910 = vector.shape_cast %get3A_3 : vector<1x4096xf32> to vector<1x4096xf32>
    %broadcast_in_dim3A_2911 = vector.broadcast %broadcast_in_dim3A_2910 : vector<1x4096xf32> to vector<128x4096xf32>
    %broadcast_in_dim3A_2912 = vector.broadcast %jit3A_2909 : f32 to vector<128x4096xf32>
    %select_n3A_2913 = arith.select %eq3A_2905, %broadcast_in_dim3A_2911, %broadcast_in_dim3A_2912 : vector<128x4096xi1>, vector<128x4096xf32>
    %reduce_sum3A_2914 = arith.constant dense<0.000000e+00> : vector<128xf32>
    %reduce_sum3A_2915 = vector.multi_reduction <add>, %select_n3A_2913, %reduce_sum3A_2914 [1] : vector<128x4096xf32> to vector<128xf32>
    %broadcast_in_dim3A_2916 = vector.shape_cast %reduce_sum3A_2915 : vector<128xf32> to vector<128x1xf32>
    %jit3A_2917 = arith.constant 0.000000e+00 : f32
    %broadcast_in_dim3A_2918 = vector.shape_cast %get3A_8 : vector<1x4096xf32> to vector<1x4096xf32>
    %broadcast_in_dim3A_2919 = vector.broadcast %broadcast_in_dim3A_2918 : vector<1x4096xf32> to vector<128x4096xf32>
    %broadcast_in_dim3A_2920 = vector.broadcast %jit3A_2917 : f32 to vector<128x4096xf32>
    %select_n3A_2921 = arith.select %eq3A_2905, %broadcast_in_dim3A_2919, %broadcast_in_dim3A_2920 : vector<128x4096xi1>, vector<128x4096xf32>
    %reduce_sum3A_2922 = arith.constant dense<0.000000e+00> : vector<128xf32>
    %reduce_sum3A_2923 = vector.multi_reduction <add>, %select_n3A_2921, %reduce_sum3A_2922 [1] : vector<128x4096xf32> to vector<128xf32>
    %broadcast_in_dim3A_2924 = vector.shape_cast %reduce_sum3A_2923 : vector<128xf32> to vector<128x1xf32>
    %jit3A_2925 = arith.constant 0.000000e+00 : f32
    %broadcast_in_dim3A_2926 = vector.shape_cast %get3A_13 : vector<1x4096xf32> to vector<1x4096xf32>
    %broadcast_in_dim3A_2927 = vector.broadcast %broadcast_in_dim3A_2926 : vector<1x4096xf32> to vector<128x4096xf32>
    %broadcast_in_dim3A_2928 = vector.broadcast %jit3A_2925 : f32 to vector<128x4096xf32>
    %select_n3A_2929 = arith.select %eq3A_2905, %broadcast_in_dim3A_2927, %broadcast_in_dim3A_2928 : vector<128x4096xi1>, vector<128x4096xf32>
    %reduce_sum3A_2930 = arith.constant dense<0.000000e+00> : vector<128xf32>
    %reduce_sum3A_2931 = vector.multi_reduction <add>, %select_n3A_2929, %reduce_sum3A_2930 [1] : vector<128x4096xf32> to vector<128xf32>
    %broadcast_in_dim3A_2932 = vector.shape_cast %reduce_sum3A_2931 : vector<128xf32> to vector<128x1xf32>
    %concatenate3A_2933 = tpu.concatenate %broadcast_in_dim3A_2916, %broadcast_in_dim3A_2924, %broadcast_in_dim3A_2932 in 1 : vector<128x1xf32>, vector<128x1xf32>, vector<128x1xf32> -> vector<128x3xf32>
    %swap3A_2934 = arith.constant 0 : index
    %swap3A_2935 = arith.constant 3840 : index
    %swap3A_2936 = arith.constant 0 : index
    %swap3A_2937 = vector.load %arg12[%swap3A_2934, %swap3A_2935, %swap3A_2936] : memref<1x4096x3xf32, #tpu.memory_space<vmem>>, vector<1x128x3xf32>
    %swap3A_2938 = vector.shape_cast %swap3A_2937 : vector<1x128x3xf32> to vector<128x3xf32>
    %swap3A_2939 = vector.shape_cast %concatenate3A_2933 : vector<128x3xf32> to vector<1x128x3xf32>
    tpu.vector_store %arg12[%swap3A_2934, %swap3A_2935, %swap3A_2936], %swap3A_2939 {strides = array<i32>} : memref<1x4096x3xf32, #tpu.memory_space<vmem>>, vector<1x128x3xf32>,
    %add3A_2940 = arith.addf %add3A_2847, %broadcast_in_dim3A_2916 : vector<128x1xf32>
    %add3A_2941 = arith.addf %add3A_2848, %broadcast_in_dim3A_2924 : vector<128x1xf32>
    %add3A_2942 = arith.addf %add3A_2849, %broadcast_in_dim3A_2932 : vector<128x1xf32>
    %sub3A_2943 = arith.subf %broadcast_in_dim3A_2916, %broadcast_in_dim3A_21 : vector<128x1xf32>
    %get3A_2944 = arith.constant 0 : index
    %get3A_2945 = arith.constant 0 : index
    %get3A_2946 = vector.load %arg7[%get3A_2944, %get3A_2945] : memref<3x128xf32, #tpu.memory_space<vmem>>, vector<1x128xf32>
    %mul3A_2947 = vector.broadcast %sub3A_2943 : vector<128x1xf32> to vector<128x128xf32>
    %mul3A_2948 = vector.broadcast %get3A_2946 : vector<1x128xf32> to vector<128x128xf32>
    %mul3A_2949 = arith.mulf %mul3A_2947, %mul3A_2948 : vector<128x128xf32>
    %sub3A_2950 = arith.subf %broadcast_in_dim3A_2924, %broadcast_in_dim3A_29 : vector<128x1xf32>
    %get3A_2951 = arith.constant 1 : index
    %get3A_2952 = arith.constant 0 : index
    %get3A_2953 = vector.load %arg7[%get3A_2951, %get3A_2952] : memref<3x128xf32, #tpu.memory_space<vmem>>, vector<1x128xf32>
    %mul3A_2954 = vector.broadcast %sub3A_2950 : vector<128x1xf32> to vector<128x128xf32>
    %mul3A_2955 = vector.broadcast %get3A_2953 : vector<1x128xf32> to vector<128x128xf32>
    %mul3A_2956 = arith.mulf %mul3A_2954, %mul3A_2955 : vector<128x128xf32>
    %add3A_2957 = arith.addf %mul3A_2949, %mul3A_2956 : vector<128x128xf32>
    %sub3A_2958 = arith.subf %broadcast_in_dim3A_2932, %broadcast_in_dim3A_37 : vector<128x1xf32>
    %get3A_2959 = arith.constant 2 : index
    %get3A_2960 = arith.constant 0 : index
    %get3A_2961 = vector.load %arg7[%get3A_2959, %get3A_2960] : memref<3x128xf32, #tpu.memory_space<vmem>>, vector<1x128xf32>
    %mul3A_2962 = vector.broadcast %sub3A_2958 : vector<128x1xf32> to vector<128x128xf32>
    %mul3A_2963 = vector.broadcast %get3A_2961 : vector<1x128xf32> to vector<128x128xf32>
    %mul3A_2964 = arith.mulf %mul3A_2962, %mul3A_2963 : vector<128x128xf32>
    %add3A_2965 = arith.addf %add3A_2957, %mul3A_2964 : vector<128x128xf32>
    %add3A_2966 = arith.addf %add3A_2965, %add3A_81 : vector<128x128xf32>
    %max3A_2967 = arith.constant 0.000000e+00 : f32
    %max3A_2968 = vector.broadcast %max3A_2967 : f32 to vector<128x128xf32>
    %max3A_2969 = arith.maximumf %add3A_2966, %max3A_2968 : vector<128x128xf32>
    %get3A_2970 = arith.constant 0 : index
    %get3A_2971 = arith.constant 0 : index
    %get3A_2972 = vector.load %arg10[%get3A_2970, %get3A_2971] : memref<128x3xf32, #tpu.memory_space<vmem>>, vector<128x3xf32>
    %dot_general3A_2973 = arith.constant dense<0.000000e+00> : vector<128x3xf32>
    %dot_general3A_2974 = tpu.matmul %max3A_2969, %get3A_2972, %dot_general3A_2973 {dimension_numbers = #tpu.dot_dimension_numbers<[1], [0], [0], [1], [0, 0, 1, 1], [], []>, transpose_lhs_hint = false} : vector<128x128xf32>, vector<128x3xf32>, vector<128x3xf32> -> vector<128x3xf32>
    %get3A_2975 = arith.constant 0 : index
    %get3A_2976 = arith.constant 0 : index
    %get3A_2977 = vector.load %arg11[%get3A_2975, %get3A_2976] : memref<1x3xf32, #tpu.memory_space<vmem>>, vector<1x3xf32>
    %add3A_2978 = vector.broadcast %get3A_2977 : vector<1x3xf32> to vector<128x3xf32>
    %add3A_2979 = arith.addf %dot_general3A_2974, %add3A_2978 : vector<128x3xf32>
    %swap3A_2980 = arith.constant 0 : index
    %swap3A_2981 = arith.constant 3840 : index
    %swap3A_2982 = arith.constant 0 : index
    %swap3A_2983 = vector.load %arg13[%swap3A_2980, %swap3A_2981, %swap3A_2982] : memref<1x4096x3xf32, #tpu.memory_space<vmem>>, vector<1x128x3xf32>
    %swap3A_2984 = vector.shape_cast %swap3A_2983 : vector<1x128x3xf32> to vector<128x3xf32>
    %swap3A_2985 = vector.shape_cast %add3A_2979 : vector<128x3xf32> to vector<1x128x3xf32>
    tpu.vector_store %arg13[%swap3A_2980, %swap3A_2981, %swap3A_2982], %swap3A_2985 {strides = array<i32>} : memref<1x4096x3xf32, #tpu.memory_space<vmem>>, vector<1x128x3xf32>,
    %reduce_min3A_2986 = arith.constant dense<0x7F800000> : vector<128xf32>
    %reduce_min3A_2987 = vector.multi_reduction <minimumf>, %select_n3A_2908, %reduce_min3A_2986 [1] : vector<128x4096xf32> to vector<128xf32>
    %broadcast_in_dim3A_2988 = vector.shape_cast %reduce_min3A_2987 : vector<128xf32> to vector<128x1xf32>
    %eq3A_2989 = vector.broadcast %broadcast_in_dim3A_2988 : vector<128x1xf32> to vector<128x4096xf32>
    %eq3A_2990 = arith.cmpf oeq, %select_n3A_2908, %eq3A_2989 : vector<128x4096xf32>
    %jit3A_2991 = arith.constant 1073741824 : i32
    %broadcast_in_dim3A_2992 = vector.broadcast %jit3A_2991 : i32 to vector<128x4096xi32>
    %select_n3A_2993 = arith.select %eq3A_2990, %iota3A, %broadcast_in_dim3A_2992 : vector<128x4096xi1>, vector<128x4096xi32>
    %reduce_min3A_2994 = arith.constant dense<2147483647> : vector<128xi32>
    %reduce_min3A_2995 = vector.multi_reduction <minsi>, %select_n3A_2993, %reduce_min3A_2994 [1] : vector<128x4096xi32> to vector<128xi32>
    %broadcast_in_dim3A_2996 = vector.shape_cast %reduce_min3A_2995 : vector<128xi32> to vector<128x1xi32>
    %eq3A_2997 = vector.broadcast %broadcast_in_dim3A_2996 : vector<128x1xi32> to vector<128x4096xi32>
    %eq3A_2998 = arith.cmpi eq, %iota3A, %eq3A_2997 : vector<128x4096xi32>
    %jit3A_2999 = arith.constant 0.000000e+00 : f32
    %broadcast_in_dim3A_3000 = vector.shape_cast %get3A_3 : vector<1x4096xf32> to vector<1x4096xf32>
    %broadcast_in_dim3A_3001 = vector.broadcast %broadcast_in_dim3A_3000 : vector<1x4096xf32> to vector<128x4096xf32>
    %broadcast_in_dim3A_3002 = vector.broadcast %jit3A_2999 : f32 to vector<128x4096xf32>
    %select_n3A_3003 = arith.select %eq3A_2998, %broadcast_in_dim3A_3001, %broadcast_in_dim3A_3002 : vector<128x4096xi1>, vector<128x4096xf32>
    %reduce_sum3A_3004 = arith.constant dense<0.000000e+00> : vector<128xf32>
    %reduce_sum3A_3005 = vector.multi_reduction <add>, %select_n3A_3003, %reduce_sum3A_3004 [1] : vector<128x4096xf32> to vector<128xf32>
    %broadcast_in_dim3A_3006 = vector.shape_cast %reduce_sum3A_3005 : vector<128xf32> to vector<128x1xf32>
    %jit3A_3007 = arith.constant 0.000000e+00 : f32
    %broadcast_in_dim3A_3008 = vector.shape_cast %get3A_8 : vector<1x4096xf32> to vector<1x4096xf32>
    %broadcast_in_dim3A_3009 = vector.broadcast %broadcast_in_dim3A_3008 : vector<1x4096xf32> to vector<128x4096xf32>
    %broadcast_in_dim3A_3010 = vector.broadcast %jit3A_3007 : f32 to vector<128x4096xf32>
    %select_n3A_3011 = arith.select %eq3A_2998, %broadcast_in_dim3A_3009, %broadcast_in_dim3A_3010 : vector<128x4096xi1>, vector<128x4096xf32>
    %reduce_sum3A_3012 = arith.constant dense<0.000000e+00> : vector<128xf32>
    %reduce_sum3A_3013 = vector.multi_reduction <add>, %select_n3A_3011, %reduce_sum3A_3012 [1] : vector<128x4096xf32> to vector<128xf32>
    %broadcast_in_dim3A_3014 = vector.shape_cast %reduce_sum3A_3013 : vector<128xf32> to vector<128x1xf32>
    %jit3A_3015 = arith.constant 0.000000e+00 : f32
    %broadcast_in_dim3A_3016 = vector.shape_cast %get3A_13 : vector<1x4096xf32> to vector<1x4096xf32>
    %broadcast_in_dim3A_3017 = vector.broadcast %broadcast_in_dim3A_3016 : vector<1x4096xf32> to vector<128x4096xf32>
    %broadcast_in_dim3A_3018 = vector.broadcast %jit3A_3015 : f32 to vector<128x4096xf32>
    %select_n3A_3019 = arith.select %eq3A_2998, %broadcast_in_dim3A_3017, %broadcast_in_dim3A_3018 : vector<128x4096xi1>, vector<128x4096xf32>
    %reduce_sum3A_3020 = arith.constant dense<0.000000e+00> : vector<128xf32>
    %reduce_sum3A_3021 = vector.multi_reduction <add>, %select_n3A_3019, %reduce_sum3A_3020 [1] : vector<128x4096xf32> to vector<128xf32>
    %broadcast_in_dim3A_3022 = vector.shape_cast %reduce_sum3A_3021 : vector<128xf32> to vector<128x1xf32>
    %concatenate3A_3023 = tpu.concatenate %broadcast_in_dim3A_3006, %broadcast_in_dim3A_3014, %broadcast_in_dim3A_3022 in 1 : vector<128x1xf32>, vector<128x1xf32>, vector<128x1xf32> -> vector<128x3xf32>
    %swap3A_3024 = arith.constant 0 : index
    %swap3A_3025 = arith.constant 3968 : index
    %swap3A_3026 = arith.constant 0 : index
    %swap3A_3027 = vector.load %arg12[%swap3A_3024, %swap3A_3025, %swap3A_3026] : memref<1x4096x3xf32, #tpu.memory_space<vmem>>, vector<1x128x3xf32>
    %swap3A_3028 = vector.shape_cast %swap3A_3027 : vector<1x128x3xf32> to vector<128x3xf32>
    %swap3A_3029 = vector.shape_cast %concatenate3A_3023 : vector<128x3xf32> to vector<1x128x3xf32>
    tpu.vector_store %arg12[%swap3A_3024, %swap3A_3025, %swap3A_3026], %swap3A_3029 {strides = array<i32>} : memref<1x4096x3xf32, #tpu.memory_space<vmem>>, vector<1x128x3xf32>,
    %add3A_3030 = arith.addf %add3A_2940, %broadcast_in_dim3A_3006 : vector<128x1xf32>
    %add3A_3031 = arith.addf %add3A_2941, %broadcast_in_dim3A_3014 : vector<128x1xf32>
    %add3A_3032 = arith.addf %add3A_2942, %broadcast_in_dim3A_3022 : vector<128x1xf32>
    %sub3A_3033 = arith.subf %broadcast_in_dim3A_3006, %broadcast_in_dim3A_21 : vector<128x1xf32>
    %get3A_3034 = arith.constant 0 : index
    %get3A_3035 = arith.constant 0 : index
    %get3A_3036 = vector.load %arg7[%get3A_3034, %get3A_3035] : memref<3x128xf32, #tpu.memory_space<vmem>>, vector<1x128xf32>
    %mul3A_3037 = vector.broadcast %sub3A_3033 : vector<128x1xf32> to vector<128x128xf32>
    %mul3A_3038 = vector.broadcast %get3A_3036 : vector<1x128xf32> to vector<128x128xf32>
    %mul3A_3039 = arith.mulf %mul3A_3037, %mul3A_3038 : vector<128x128xf32>
    %sub3A_3040 = arith.subf %broadcast_in_dim3A_3014, %broadcast_in_dim3A_29 : vector<128x1xf32>
    %get3A_3041 = arith.constant 1 : index
    %get3A_3042 = arith.constant 0 : index
    %get3A_3043 = vector.load %arg7[%get3A_3041, %get3A_3042] : memref<3x128xf32, #tpu.memory_space<vmem>>, vector<1x128xf32>
    %mul3A_3044 = vector.broadcast %sub3A_3040 : vector<128x1xf32> to vector<128x128xf32>
    %mul3A_3045 = vector.broadcast %get3A_3043 : vector<1x128xf32> to vector<128x128xf32>
    %mul3A_3046 = arith.mulf %mul3A_3044, %mul3A_3045 : vector<128x128xf32>
    %add3A_3047 = arith.addf %mul3A_3039, %mul3A_3046 : vector<128x128xf32>
    %sub3A_3048 = arith.subf %broadcast_in_dim3A_3022, %broadcast_in_dim3A_37 : vector<128x1xf32>
    %get3A_3049 = arith.constant 2 : index
    %get3A_3050 = arith.constant 0 : index
    %get3A_3051 = vector.load %arg7[%get3A_3049, %get3A_3050] : memref<3x128xf32, #tpu.memory_space<vmem>>, vector<1x128xf32>
    %mul3A_3052 = vector.broadcast %sub3A_3048 : vector<128x1xf32> to vector<128x128xf32>
    %mul3A_3053 = vector.broadcast %get3A_3051 : vector<1x128xf32> to vector<128x128xf32>
    %mul3A_3054 = arith.mulf %mul3A_3052, %mul3A_3053 : vector<128x128xf32>
    %add3A_3055 = arith.addf %add3A_3047, %mul3A_3054 : vector<128x128xf32>
    %add3A_3056 = arith.addf %add3A_3055, %add3A_81 : vector<128x128xf32>
    %max3A_3057 = arith.constant 0.000000e+00 : f32
    %max3A_3058 = vector.broadcast %max3A_3057 : f32 to vector<128x128xf32>
    %max3A_3059 = arith.maximumf %add3A_3056, %max3A_3058 : vector<128x128xf32>
    %get3A_3060 = arith.constant 0 : index
    %get3A_3061 = arith.constant 0 : index
    %get3A_3062 = vector.load %arg10[%get3A_3060, %get3A_3061] : memref<128x3xf32, #tpu.memory_space<vmem>>, vector<128x3xf32>
    %dot_general3A_3063 = arith.constant dense<0.000000e+00> : vector<128x3xf32>
    %dot_general3A_3064 = tpu.matmul %max3A_3059, %get3A_3062, %dot_general3A_3063 {dimension_numbers = #tpu.dot_dimension_numbers<[1], [0], [0], [1], [0, 0, 1, 1], [], []>, transpose_lhs_hint = false} : vector<128x128xf32>, vector<128x3xf32>, vector<128x3xf32> -> vector<128x3xf32>
    %get3A_3065 = arith.constant 0 : index
    %get3A_3066 = arith.constant 0 : index
    %get3A_3067 = vector.load %arg11[%get3A_3065, %get3A_3066] : memref<1x3xf32, #tpu.memory_space<vmem>>, vector<1x3xf32>
    %add3A_3068 = vector.broadcast %get3A_3067 : vector<1x3xf32> to vector<128x3xf32>
    %add3A_3069 = arith.addf %dot_general3A_3064, %add3A_3068 : vector<128x3xf32>
    %swap3A_3070 = arith.constant 0 : index
    %swap3A_3071 = arith.constant 3968 : index
    %swap3A_3072 = arith.constant 0 : index
    %swap3A_3073 = vector.load %arg13[%swap3A_3070, %swap3A_3071, %swap3A_3072] : memref<1x4096x3xf32, #tpu.memory_space<vmem>>, vector<1x128x3xf32>
    %swap3A_3074 = vector.shape_cast %swap3A_3073 : vector<1x128x3xf32> to vector<128x3xf32>
    %swap3A_3075 = vector.shape_cast %add3A_3069 : vector<128x3xf32> to vector<1x128x3xf32>
    tpu.vector_store %arg13[%swap3A_3070, %swap3A_3071, %swap3A_3072], %swap3A_3075 {strides = array<i32>} : memref<1x4096x3xf32, #tpu.memory_space<vmem>>, vector<1x128x3xf32>,
    %mul3A_3076 = arith.constant 6.250000e-02 : f32
    %mul3A_3077 = vector.broadcast %mul3A_3076 : f32 to vector<128x1xf32>
    %mul3A_3078 = arith.mulf %add3A_1539, %mul3A_3077 : vector<128x1xf32>
    %mul3A_3079 = arith.constant 6.250000e-02 : f32
    %mul3A_3080 = vector.broadcast %mul3A_3079 : f32 to vector<128x1xf32>
    %mul3A_3081 = arith.mulf %add3A_1540, %mul3A_3080 : vector<128x1xf32>
    %mul3A_3082 = arith.constant 6.250000e-02 : f32
    %mul3A_3083 = vector.broadcast %mul3A_3082 : f32 to vector<128x1xf32>
    %mul3A_3084 = arith.mulf %add3A_1541, %mul3A_3083 : vector<128x1xf32>
    %concatenate3A_3085 = tpu.concatenate %mul3A_3078, %mul3A_3081, %mul3A_3084 in 1 : vector<128x1xf32>, vector<128x1xf32>, vector<128x1xf32> -> vector<128x3xf32>
    %swap3A_3086 = arith.constant 0 : index
    %swap3A_3087 = arith.constant 0 : index
    %swap3A_3088 = arith.constant 0 : index
    %swap3A_3089 = vector.load %arg14[%swap3A_3086, %swap3A_3087, %swap3A_3088] : memref<1x128x6xf32, #tpu.memory_space<vmem>>, vector<1x128x3xf32>
    %swap3A_3090 = vector.shape_cast %swap3A_3089 : vector<1x128x3xf32> to vector<128x3xf32>
    %swap3A_3091 = vector.shape_cast %concatenate3A_3085 : vector<128x3xf32> to vector<1x128x3xf32>
    tpu.vector_store %arg14[%swap3A_3086, %swap3A_3087, %swap3A_3088], %swap3A_3091 {strides = array<i32>} : memref<1x128x6xf32, #tpu.memory_space<vmem>>, vector<1x128x3xf32>,
    %broadcast_in_dim3A_3092 = arith.constant 0.000000e+00 : f32
    %broadcast_in_dim3A_3093 = vector.broadcast %broadcast_in_dim3A_3092 : f32 to vector<128x1xf32>
    %get3A_3094 = arith.constant 0 : index
    %get3A_3095 = arith.constant 0 : index
    %get3A_3096 = arith.constant 0 : index
    %get3A_3097 = vector.load %arg12[%get3A_3094, %get3A_3095, %get3A_3096] : memref<1x4096x3xf32, #tpu.memory_space<vmem>>, vector<1x128x1xf32>
    %get3A_3098 = vector.shape_cast %get3A_3097 : vector<1x128x1xf32> to vector<128x1xf32>
    %get3A_3099 = arith.constant 0 : index
    %get3A_3100 = arith.constant 0 : index
    %get3A_3101 = arith.constant 1 : index
    %get3A_3102 = vector.load %arg12[%get3A_3099, %get3A_3100, %get3A_3101] : memref<1x4096x3xf32, #tpu.memory_space<vmem>>, vector<1x128x1xf32>
    %get3A_3103 = vector.shape_cast %get3A_3102 : vector<1x128x1xf32> to vector<128x1xf32>
    %get3A_3104 = arith.constant 0 : index
    %get3A_3105 = arith.constant 0 : index
    %get3A_3106 = arith.constant 2 : index
    %get3A_3107 = vector.load %arg12[%get3A_3104, %get3A_3105, %get3A_3106] : memref<1x4096x3xf32, #tpu.memory_space<vmem>>, vector<1x128x1xf32>
    %get3A_3108 = vector.shape_cast %get3A_3107 : vector<1x128x1xf32> to vector<128x1xf32>
    %sub3A_3109 = arith.subf %get3A_3098, %mul3A_3078 : vector<128x1xf32>
    %integer_pow3A_3110 = arith.mulf %sub3A_3109, %sub3A_3109 : vector<128x1xf32>
    %sub3A_3111 = arith.subf %get3A_3103, %mul3A_3081 : vector<128x1xf32>
    %integer_pow3A_3112 = arith.mulf %sub3A_3111, %sub3A_3111 : vector<128x1xf32>
    %add3A_3113 = arith.addf %integer_pow3A_3110, %integer_pow3A_3112 : vector<128x1xf32>
    %sub3A_3114 = arith.subf %get3A_3108, %mul3A_3084 : vector<128x1xf32>
    %integer_pow3A_3115 = arith.mulf %sub3A_3114, %sub3A_3114 : vector<128x1xf32>
    %add3A_3116 = arith.addf %add3A_3113, %integer_pow3A_3115 : vector<128x1xf32>
    %max3A_3117 = arith.maximumf %broadcast_in_dim3A_3093, %add3A_3116 : vector<128x1xf32>
    %get3A_3118 = arith.constant 0 : index
    %get3A_3119 = arith.constant 128 : index
    %get3A_3120 = arith.constant 0 : index
    %get3A_3121 = vector.load %arg12[%get3A_3118, %get3A_3119, %get3A_3120] : memref<1x4096x3xf32, #tpu.memory_space<vmem>>, vector<1x128x1xf32>
    %get3A_3122 = vector.shape_cast %get3A_3121 : vector<1x128x1xf32> to vector<128x1xf32>
    %get3A_3123 = arith.constant 0 : index
    %get3A_3124 = arith.constant 128 : index
    %get3A_3125 = arith.constant 1 : index
    %get3A_3126 = vector.load %arg12[%get3A_3123, %get3A_3124, %get3A_3125] : memref<1x4096x3xf32, #tpu.memory_space<vmem>>, vector<1x128x1xf32>
    %get3A_3127 = vector.shape_cast %get3A_3126 : vector<1x128x1xf32> to vector<128x1xf32>
    %get3A_3128 = arith.constant 0 : index
    %get3A_3129 = arith.constant 128 : index
    %get3A_3130 = arith.constant 2 : index
    %get3A_3131 = vector.load %arg12[%get3A_3128, %get3A_3129, %get3A_3130] : memref<1x4096x3xf32, #tpu.memory_space<vmem>>, vector<1x128x1xf32>
    %get3A_3132 = vector.shape_cast %get3A_3131 : vector<1x128x1xf32> to vector<128x1xf32>
    %sub3A_3133 = arith.subf %get3A_3122, %mul3A_3078 : vector<128x1xf32>
    %integer_pow3A_3134 = arith.mulf %sub3A_3133, %sub3A_3133 : vector<128x1xf32>
    %sub3A_3135 = arith.subf %get3A_3127, %mul3A_3081 : vector<128x1xf32>
    %integer_pow3A_3136 = arith.mulf %sub3A_3135, %sub3A_3135 : vector<128x1xf32>
    %add3A_3137 = arith.addf %integer_pow3A_3134, %integer_pow3A_3136 : vector<128x1xf32>
    %sub3A_3138 = arith.subf %get3A_3132, %mul3A_3084 : vector<128x1xf32>
    %integer_pow3A_3139 = arith.mulf %sub3A_3138, %sub3A_3138 : vector<128x1xf32>
    %add3A_3140 = arith.addf %add3A_3137, %integer_pow3A_3139 : vector<128x1xf32>
    %max3A_3141 = arith.maximumf %max3A_3117, %add3A_3140 : vector<128x1xf32>
    %get3A_3142 = arith.constant 0 : index
    %get3A_3143 = arith.constant 256 : index
    %get3A_3144 = arith.constant 0 : index
    %get3A_3145 = vector.load %arg12[%get3A_3142, %get3A_3143, %get3A_3144] : memref<1x4096x3xf32, #tpu.memory_space<vmem>>, vector<1x128x1xf32>
    %get3A_3146 = vector.shape_cast %get3A_3145 : vector<1x128x1xf32> to vector<128x1xf32>
    %get3A_3147 = arith.constant 0 : index
    %get3A_3148 = arith.constant 256 : index
    %get3A_3149 = arith.constant 1 : index
    %get3A_3150 = vector.load %arg12[%get3A_3147, %get3A_3148, %get3A_3149] : memref<1x4096x3xf32, #tpu.memory_space<vmem>>, vector<1x128x1xf32>
    %get3A_3151 = vector.shape_cast %get3A_3150 : vector<1x128x1xf32> to vector<128x1xf32>
    %get3A_3152 = arith.constant 0 : index
    %get3A_3153 = arith.constant 256 : index
    %get3A_3154 = arith.constant 2 : index
    %get3A_3155 = vector.load %arg12[%get3A_3152, %get3A_3153, %get3A_3154] : memref<1x4096x3xf32, #tpu.memory_space<vmem>>, vector<1x128x1xf32>
    %get3A_3156 = vector.shape_cast %get3A_3155 : vector<1x128x1xf32> to vector<128x1xf32>
    %sub3A_3157 = arith.subf %get3A_3146, %mul3A_3078 : vector<128x1xf32>
    %integer_pow3A_3158 = arith.mulf %sub3A_3157, %sub3A_3157 : vector<128x1xf32>
    %sub3A_3159 = arith.subf %get3A_3151, %mul3A_3081 : vector<128x1xf32>
    %integer_pow3A_3160 = arith.mulf %sub3A_3159, %sub3A_3159 : vector<128x1xf32>
    %add3A_3161 = arith.addf %integer_pow3A_3158, %integer_pow3A_3160 : vector<128x1xf32>
    %sub3A_3162 = arith.subf %get3A_3156, %mul3A_3084 : vector<128x1xf32>
    %integer_pow3A_3163 = arith.mulf %sub3A_3162, %sub3A_3162 : vector<128x1xf32>
    %add3A_3164 = arith.addf %add3A_3161, %integer_pow3A_3163 : vector<128x1xf32>
    %max3A_3165 = arith.maximumf %max3A_3141, %add3A_3164 : vector<128x1xf32>
    %get3A_3166 = arith.constant 0 : index
    %get3A_3167 = arith.constant 384 : index
    %get3A_3168 = arith.constant 0 : index
    %get3A_3169 = vector.load %arg12[%get3A_3166, %get3A_3167, %get3A_3168] : memref<1x4096x3xf32, #tpu.memory_space<vmem>>, vector<1x128x1xf32>
    %get3A_3170 = vector.shape_cast %get3A_3169 : vector<1x128x1xf32> to vector<128x1xf32>
    %get3A_3171 = arith.constant 0 : index
    %get3A_3172 = arith.constant 384 : index
    %get3A_3173 = arith.constant 1 : index
    %get3A_3174 = vector.load %arg12[%get3A_3171, %get3A_3172, %get3A_3173] : memref<1x4096x3xf32, #tpu.memory_space<vmem>>, vector<1x128x1xf32>
    %get3A_3175 = vector.shape_cast %get3A_3174 : vector<1x128x1xf32> to vector<128x1xf32>
    %get3A_3176 = arith.constant 0 : index
    %get3A_3177 = arith.constant 384 : index
    %get3A_3178 = arith.constant 2 : index
    %get3A_3179 = vector.load %arg12[%get3A_3176, %get3A_3177, %get3A_3178] : memref<1x4096x3xf32, #tpu.memory_space<vmem>>, vector<1x128x1xf32>
    %get3A_3180 = vector.shape_cast %get3A_3179 : vector<1x128x1xf32> to vector<128x1xf32>
    %sub3A_3181 = arith.subf %get3A_3170, %mul3A_3078 : vector<128x1xf32>
    %integer_pow3A_3182 = arith.mulf %sub3A_3181, %sub3A_3181 : vector<128x1xf32>
    %sub3A_3183 = arith.subf %get3A_3175, %mul3A_3081 : vector<128x1xf32>
    %integer_pow3A_3184 = arith.mulf %sub3A_3183, %sub3A_3183 : vector<128x1xf32>
    %add3A_3185 = arith.addf %integer_pow3A_3182, %integer_pow3A_3184 : vector<128x1xf32>
    %sub3A_3186 = arith.subf %get3A_3180, %mul3A_3084 : vector<128x1xf32>
    %integer_pow3A_3187 = arith.mulf %sub3A_3186, %sub3A_3186 : vector<128x1xf32>
    %add3A_3188 = arith.addf %add3A_3185, %integer_pow3A_3187 : vector<128x1xf32>
    %max3A_3189 = arith.maximumf %max3A_3165, %add3A_3188 : vector<128x1xf32>
    %get3A_3190 = arith.constant 0 : index
    %get3A_3191 = arith.constant 512 : index
    %get3A_3192 = arith.constant 0 : index
    %get3A_3193 = vector.load %arg12[%get3A_3190, %get3A_3191, %get3A_3192] : memref<1x4096x3xf32, #tpu.memory_space<vmem>>, vector<1x128x1xf32>
    %get3A_3194 = vector.shape_cast %get3A_3193 : vector<1x128x1xf32> to vector<128x1xf32>
    %get3A_3195 = arith.constant 0 : index
    %get3A_3196 = arith.constant 512 : index
    %get3A_3197 = arith.constant 1 : index
    %get3A_3198 = vector.load %arg12[%get3A_3195, %get3A_3196, %get3A_3197] : memref<1x4096x3xf32, #tpu.memory_space<vmem>>, vector<1x128x1xf32>
    %get3A_3199 = vector.shape_cast %get3A_3198 : vector<1x128x1xf32> to vector<128x1xf32>
    %get3A_3200 = arith.constant 0 : index
    %get3A_3201 = arith.constant 512 : index
    %get3A_3202 = arith.constant 2 : index
    %get3A_3203 = vector.load %arg12[%get3A_3200, %get3A_3201, %get3A_3202] : memref<1x4096x3xf32, #tpu.memory_space<vmem>>, vector<1x128x1xf32>
    %get3A_3204 = vector.shape_cast %get3A_3203 : vector<1x128x1xf32> to vector<128x1xf32>
    %sub3A_3205 = arith.subf %get3A_3194, %mul3A_3078 : vector<128x1xf32>
    %integer_pow3A_3206 = arith.mulf %sub3A_3205, %sub3A_3205 : vector<128x1xf32>
    %sub3A_3207 = arith.subf %get3A_3199, %mul3A_3081 : vector<128x1xf32>
    %integer_pow3A_3208 = arith.mulf %sub3A_3207, %sub3A_3207 : vector<128x1xf32>
    %add3A_3209 = arith.addf %integer_pow3A_3206, %integer_pow3A_3208 : vector<128x1xf32>
    %sub3A_3210 = arith.subf %get3A_3204, %mul3A_3084 : vector<128x1xf32>
    %integer_pow3A_3211 = arith.mulf %sub3A_3210, %sub3A_3210 : vector<128x1xf32>
    %add3A_3212 = arith.addf %add3A_3209, %integer_pow3A_3211 : vector<128x1xf32>
    %max3A_3213 = arith.maximumf %max3A_3189, %add3A_3212 : vector<128x1xf32>
    %get3A_3214 = arith.constant 0 : index
    %get3A_3215 = arith.constant 640 : index
    %get3A_3216 = arith.constant 0 : index
    %get3A_3217 = vector.load %arg12[%get3A_3214, %get3A_3215, %get3A_3216] : memref<1x4096x3xf32, #tpu.memory_space<vmem>>, vector<1x128x1xf32>
    %get3A_3218 = vector.shape_cast %get3A_3217 : vector<1x128x1xf32> to vector<128x1xf32>
    %get3A_3219 = arith.constant 0 : index
    %get3A_3220 = arith.constant 640 : index
    %get3A_3221 = arith.constant 1 : index
    %get3A_3222 = vector.load %arg12[%get3A_3219, %get3A_3220, %get3A_3221] : memref<1x4096x3xf32, #tpu.memory_space<vmem>>, vector<1x128x1xf32>
    %get3A_3223 = vector.shape_cast %get3A_3222 : vector<1x128x1xf32> to vector<128x1xf32>
    %get3A_3224 = arith.constant 0 : index
    %get3A_3225 = arith.constant 640 : index
    %get3A_3226 = arith.constant 2 : index
    %get3A_3227 = vector.load %arg12[%get3A_3224, %get3A_3225, %get3A_3226] : memref<1x4096x3xf32, #tpu.memory_space<vmem>>, vector<1x128x1xf32>
    %get3A_3228 = vector.shape_cast %get3A_3227 : vector<1x128x1xf32> to vector<128x1xf32>
    %sub3A_3229 = arith.subf %get3A_3218, %mul3A_3078 : vector<128x1xf32>
    %integer_pow3A_3230 = arith.mulf %sub3A_3229, %sub3A_3229 : vector<128x1xf32>
    %sub3A_3231 = arith.subf %get3A_3223, %mul3A_3081 : vector<128x1xf32>
    %integer_pow3A_3232 = arith.mulf %sub3A_3231, %sub3A_3231 : vector<128x1xf32>
    %add3A_3233 = arith.addf %integer_pow3A_3230, %integer_pow3A_3232 : vector<128x1xf32>
    %sub3A_3234 = arith.subf %get3A_3228, %mul3A_3084 : vector<128x1xf32>
    %integer_pow3A_3235 = arith.mulf %sub3A_3234, %sub3A_3234 : vector<128x1xf32>
    %add3A_3236 = arith.addf %add3A_3233, %integer_pow3A_3235 : vector<128x1xf32>
    %max3A_3237 = arith.maximumf %max3A_3213, %add3A_3236 : vector<128x1xf32>
    %get3A_3238 = arith.constant 0 : index
    %get3A_3239 = arith.constant 768 : index
    %get3A_3240 = arith.constant 0 : index
    %get3A_3241 = vector.load %arg12[%get3A_3238, %get3A_3239, %get3A_3240] : memref<1x4096x3xf32, #tpu.memory_space<vmem>>, vector<1x128x1xf32>
    %get3A_3242 = vector.shape_cast %get3A_3241 : vector<1x128x1xf32> to vector<128x1xf32>
    %get3A_3243 = arith.constant 0 : index
    %get3A_3244 = arith.constant 768 : index
    %get3A_3245 = arith.constant 1 : index
    %get3A_3246 = vector.load %arg12[%get3A_3243, %get3A_3244, %get3A_3245] : memref<1x4096x3xf32, #tpu.memory_space<vmem>>, vector<1x128x1xf32>
    %get3A_3247 = vector.shape_cast %get3A_3246 : vector<1x128x1xf32> to vector<128x1xf32>
    %get3A_3248 = arith.constant 0 : index
    %get3A_3249 = arith.constant 768 : index
    %get3A_3250 = arith.constant 2 : index
    %get3A_3251 = vector.load %arg12[%get3A_3248, %get3A_3249, %get3A_3250] : memref<1x4096x3xf32, #tpu.memory_space<vmem>>, vector<1x128x1xf32>
    %get3A_3252 = vector.shape_cast %get3A_3251 : vector<1x128x1xf32> to vector<128x1xf32>
    %sub3A_3253 = arith.subf %get3A_3242, %mul3A_3078 : vector<128x1xf32>
    %integer_pow3A_3254 = arith.mulf %sub3A_3253, %sub3A_3253 : vector<128x1xf32>
    %sub3A_3255 = arith.subf %get3A_3247, %mul3A_3081 : vector<128x1xf32>
    %integer_pow3A_3256 = arith.mulf %sub3A_3255, %sub3A_3255 : vector<128x1xf32>
    %add3A_3257 = arith.addf %integer_pow3A_3254, %integer_pow3A_3256 : vector<128x1xf32>
    %sub3A_3258 = arith.subf %get3A_3252, %mul3A_3084 : vector<128x1xf32>
    %integer_pow3A_3259 = arith.mulf %sub3A_3258, %sub3A_3258 : vector<128x1xf32>
    %add3A_3260 = arith.addf %add3A_3257, %integer_pow3A_3259 : vector<128x1xf32>
    %max3A_3261 = arith.maximumf %max3A_3237, %add3A_3260 : vector<128x1xf32>
    %get3A_3262 = arith.constant 0 : index
    %get3A_3263 = arith.constant 896 : index
    %get3A_3264 = arith.constant 0 : index
    %get3A_3265 = vector.load %arg12[%get3A_3262, %get3A_3263, %get3A_3264] : memref<1x4096x3xf32, #tpu.memory_space<vmem>>, vector<1x128x1xf32>
    %get3A_3266 = vector.shape_cast %get3A_3265 : vector<1x128x1xf32> to vector<128x1xf32>
    %get3A_3267 = arith.constant 0 : index
    %get3A_3268 = arith.constant 896 : index
    %get3A_3269 = arith.constant 1 : index
    %get3A_3270 = vector.load %arg12[%get3A_3267, %get3A_3268, %get3A_3269] : memref<1x4096x3xf32, #tpu.memory_space<vmem>>, vector<1x128x1xf32>
    %get3A_3271 = vector.shape_cast %get3A_3270 : vector<1x128x1xf32> to vector<128x1xf32>
    %get3A_3272 = arith.constant 0 : index
    %get3A_3273 = arith.constant 896 : index
    %get3A_3274 = arith.constant 2 : index
    %get3A_3275 = vector.load %arg12[%get3A_3272, %get3A_3273, %get3A_3274] : memref<1x4096x3xf32, #tpu.memory_space<vmem>>, vector<1x128x1xf32>
    %get3A_3276 = vector.shape_cast %get3A_3275 : vector<1x128x1xf32> to vector<128x1xf32>
    %sub3A_3277 = arith.subf %get3A_3266, %mul3A_3078 : vector<128x1xf32>
    %integer_pow3A_3278 = arith.mulf %sub3A_3277, %sub3A_3277 : vector<128x1xf32>
    %sub3A_3279 = arith.subf %get3A_3271, %mul3A_3081 : vector<128x1xf32>
    %integer_pow3A_3280 = arith.mulf %sub3A_3279, %sub3A_3279 : vector<128x1xf32>
    %add3A_3281 = arith.addf %integer_pow3A_3278, %integer_pow3A_3280 : vector<128x1xf32>
    %sub3A_3282 = arith.subf %get3A_3276, %mul3A_3084 : vector<128x1xf32>
    %integer_pow3A_3283 = arith.mulf %sub3A_3282, %sub3A_3282 : vector<128x1xf32>
    %add3A_3284 = arith.addf %add3A_3281, %integer_pow3A_3283 : vector<128x1xf32>
    %max3A_3285 = arith.maximumf %max3A_3261, %add3A_3284 : vector<128x1xf32>
    %get3A_3286 = arith.constant 0 : index
    %get3A_3287 = arith.constant 1024 : index
    %get3A_3288 = arith.constant 0 : index
    %get3A_3289 = vector.load %arg12[%get3A_3286, %get3A_3287, %get3A_3288] : memref<1x4096x3xf32, #tpu.memory_space<vmem>>, vector<1x128x1xf32>
    %get3A_3290 = vector.shape_cast %get3A_3289 : vector<1x128x1xf32> to vector<128x1xf32>
    %get3A_3291 = arith.constant 0 : index
    %get3A_3292 = arith.constant 1024 : index
    %get3A_3293 = arith.constant 1 : index
    %get3A_3294 = vector.load %arg12[%get3A_3291, %get3A_3292, %get3A_3293] : memref<1x4096x3xf32, #tpu.memory_space<vmem>>, vector<1x128x1xf32>
    %get3A_3295 = vector.shape_cast %get3A_3294 : vector<1x128x1xf32> to vector<128x1xf32>
    %get3A_3296 = arith.constant 0 : index
    %get3A_3297 = arith.constant 1024 : index
    %get3A_3298 = arith.constant 2 : index
    %get3A_3299 = vector.load %arg12[%get3A_3296, %get3A_3297, %get3A_3298] : memref<1x4096x3xf32, #tpu.memory_space<vmem>>, vector<1x128x1xf32>
    %get3A_3300 = vector.shape_cast %get3A_3299 : vector<1x128x1xf32> to vector<128x1xf32>
    %sub3A_3301 = arith.subf %get3A_3290, %mul3A_3078 : vector<128x1xf32>
    %integer_pow3A_3302 = arith.mulf %sub3A_3301, %sub3A_3301 : vector<128x1xf32>
    %sub3A_3303 = arith.subf %get3A_3295, %mul3A_3081 : vector<128x1xf32>
    %integer_pow3A_3304 = arith.mulf %sub3A_3303, %sub3A_3303 : vector<128x1xf32>
    %add3A_3305 = arith.addf %integer_pow3A_3302, %integer_pow3A_3304 : vector<128x1xf32>
    %sub3A_3306 = arith.subf %get3A_3300, %mul3A_3084 : vector<128x1xf32>
    %integer_pow3A_3307 = arith.mulf %sub3A_3306, %sub3A_3306 : vector<128x1xf32>
    %add3A_3308 = arith.addf %add3A_3305, %integer_pow3A_3307 : vector<128x1xf32>
    %max3A_3309 = arith.maximumf %max3A_3285, %add3A_3308 : vector<128x1xf32>
    %get3A_3310 = arith.constant 0 : index
    %get3A_3311 = arith.constant 1152 : index
    %get3A_3312 = arith.constant 0 : index
    %get3A_3313 = vector.load %arg12[%get3A_3310, %get3A_3311, %get3A_3312] : memref<1x4096x3xf32, #tpu.memory_space<vmem>>, vector<1x128x1xf32>
    %get3A_3314 = vector.shape_cast %get3A_3313 : vector<1x128x1xf32> to vector<128x1xf32>
    %get3A_3315 = arith.constant 0 : index
    %get3A_3316 = arith.constant 1152 : index
    %get3A_3317 = arith.constant 1 : index
    %get3A_3318 = vector.load %arg12[%get3A_3315, %get3A_3316, %get3A_3317] : memref<1x4096x3xf32, #tpu.memory_space<vmem>>, vector<1x128x1xf32>
    %get3A_3319 = vector.shape_cast %get3A_3318 : vector<1x128x1xf32> to vector<128x1xf32>
    %get3A_3320 = arith.constant 0 : index
    %get3A_3321 = arith.constant 1152 : index
    %get3A_3322 = arith.constant 2 : index
    %get3A_3323 = vector.load %arg12[%get3A_3320, %get3A_3321, %get3A_3322] : memref<1x4096x3xf32, #tpu.memory_space<vmem>>, vector<1x128x1xf32>
    %get3A_3324 = vector.shape_cast %get3A_3323 : vector<1x128x1xf32> to vector<128x1xf32>
    %sub3A_3325 = arith.subf %get3A_3314, %mul3A_3078 : vector<128x1xf32>
    %integer_pow3A_3326 = arith.mulf %sub3A_3325, %sub3A_3325 : vector<128x1xf32>
    %sub3A_3327 = arith.subf %get3A_3319, %mul3A_3081 : vector<128x1xf32>
    %integer_pow3A_3328 = arith.mulf %sub3A_3327, %sub3A_3327 : vector<128x1xf32>
    %add3A_3329 = arith.addf %integer_pow3A_3326, %integer_pow3A_3328 : vector<128x1xf32>
    %sub3A_3330 = arith.subf %get3A_3324, %mul3A_3084 : vector<128x1xf32>
    %integer_pow3A_3331 = arith.mulf %sub3A_3330, %sub3A_3330 : vector<128x1xf32>
    %add3A_3332 = arith.addf %add3A_3329, %integer_pow3A_3331 : vector<128x1xf32>
    %max3A_3333 = arith.maximumf %max3A_3309, %add3A_3332 : vector<128x1xf32>
    %get3A_3334 = arith.constant 0 : index
    %get3A_3335 = arith.constant 1280 : index
    %get3A_3336 = arith.constant 0 : index
    %get3A_3337 = vector.load %arg12[%get3A_3334, %get3A_3335, %get3A_3336] : memref<1x4096x3xf32, #tpu.memory_space<vmem>>, vector<1x128x1xf32>
    %get3A_3338 = vector.shape_cast %get3A_3337 : vector<1x128x1xf32> to vector<128x1xf32>
    %get3A_3339 = arith.constant 0 : index
    %get3A_3340 = arith.constant 1280 : index
    %get3A_3341 = arith.constant 1 : index
    %get3A_3342 = vector.load %arg12[%get3A_3339, %get3A_3340, %get3A_3341] : memref<1x4096x3xf32, #tpu.memory_space<vmem>>, vector<1x128x1xf32>
    %get3A_3343 = vector.shape_cast %get3A_3342 : vector<1x128x1xf32> to vector<128x1xf32>
    %get3A_3344 = arith.constant 0 : index
    %get3A_3345 = arith.constant 1280 : index
    %get3A_3346 = arith.constant 2 : index
    %get3A_3347 = vector.load %arg12[%get3A_3344, %get3A_3345, %get3A_3346] : memref<1x4096x3xf32, #tpu.memory_space<vmem>>, vector<1x128x1xf32>
    %get3A_3348 = vector.shape_cast %get3A_3347 : vector<1x128x1xf32> to vector<128x1xf32>
    %sub3A_3349 = arith.subf %get3A_3338, %mul3A_3078 : vector<128x1xf32>
    %integer_pow3A_3350 = arith.mulf %sub3A_3349, %sub3A_3349 : vector<128x1xf32>
    %sub3A_3351 = arith.subf %get3A_3343, %mul3A_3081 : vector<128x1xf32>
    %integer_pow3A_3352 = arith.mulf %sub3A_3351, %sub3A_3351 : vector<128x1xf32>
    %add3A_3353 = arith.addf %integer_pow3A_3350, %integer_pow3A_3352 : vector<128x1xf32>
    %sub3A_3354 = arith.subf %get3A_3348, %mul3A_3084 : vector<128x1xf32>
    %integer_pow3A_3355 = arith.mulf %sub3A_3354, %sub3A_3354 : vector<128x1xf32>
    %add3A_3356 = arith.addf %add3A_3353, %integer_pow3A_3355 : vector<128x1xf32>
    %max3A_3357 = arith.maximumf %max3A_3333, %add3A_3356 : vector<128x1xf32>
    %get3A_3358 = arith.constant 0 : index
    %get3A_3359 = arith.constant 1408 : index
    %get3A_3360 = arith.constant 0 : index
    %get3A_3361 = vector.load %arg12[%get3A_3358, %get3A_3359, %get3A_3360] : memref<1x4096x3xf32, #tpu.memory_space<vmem>>, vector<1x128x1xf32>
    %get3A_3362 = vector.shape_cast %get3A_3361 : vector<1x128x1xf32> to vector<128x1xf32>
    %get3A_3363 = arith.constant 0 : index
    %get3A_3364 = arith.constant 1408 : index
    %get3A_3365 = arith.constant 1 : index
    %get3A_3366 = vector.load %arg12[%get3A_3363, %get3A_3364, %get3A_3365] : memref<1x4096x3xf32, #tpu.memory_space<vmem>>, vector<1x128x1xf32>
    %get3A_3367 = vector.shape_cast %get3A_3366 : vector<1x128x1xf32> to vector<128x1xf32>
    %get3A_3368 = arith.constant 0 : index
    %get3A_3369 = arith.constant 1408 : index
    %get3A_3370 = arith.constant 2 : index
    %get3A_3371 = vector.load %arg12[%get3A_3368, %get3A_3369, %get3A_3370] : memref<1x4096x3xf32, #tpu.memory_space<vmem>>, vector<1x128x1xf32>
    %get3A_3372 = vector.shape_cast %get3A_3371 : vector<1x128x1xf32> to vector<128x1xf32>
    %sub3A_3373 = arith.subf %get3A_3362, %mul3A_3078 : vector<128x1xf32>
    %integer_pow3A_3374 = arith.mulf %sub3A_3373, %sub3A_3373 : vector<128x1xf32>
    %sub3A_3375 = arith.subf %get3A_3367, %mul3A_3081 : vector<128x1xf32>
    %integer_pow3A_3376 = arith.mulf %sub3A_3375, %sub3A_3375 : vector<128x1xf32>
    %add3A_3377 = arith.addf %integer_pow3A_3374, %integer_pow3A_3376 : vector<128x1xf32>
    %sub3A_3378 = arith.subf %get3A_3372, %mul3A_3084 : vector<128x1xf32>
    %integer_pow3A_3379 = arith.mulf %sub3A_3378, %sub3A_3378 : vector<128x1xf32>
    %add3A_3380 = arith.addf %add3A_3377, %integer_pow3A_3379 : vector<128x1xf32>
    %max3A_3381 = arith.maximumf %max3A_3357, %add3A_3380 : vector<128x1xf32>
    %get3A_3382 = arith.constant 0 : index
    %get3A_3383 = arith.constant 1536 : index
    %get3A_3384 = arith.constant 0 : index
    %get3A_3385 = vector.load %arg12[%get3A_3382, %get3A_3383, %get3A_3384] : memref<1x4096x3xf32, #tpu.memory_space<vmem>>, vector<1x128x1xf32>
    %get3A_3386 = vector.shape_cast %get3A_3385 : vector<1x128x1xf32> to vector<128x1xf32>
    %get3A_3387 = arith.constant 0 : index
    %get3A_3388 = arith.constant 1536 : index
    %get3A_3389 = arith.constant 1 : index
    %get3A_3390 = vector.load %arg12[%get3A_3387, %get3A_3388, %get3A_3389] : memref<1x4096x3xf32, #tpu.memory_space<vmem>>, vector<1x128x1xf32>
    %get3A_3391 = vector.shape_cast %get3A_3390 : vector<1x128x1xf32> to vector<128x1xf32>
    %get3A_3392 = arith.constant 0 : index
    %get3A_3393 = arith.constant 1536 : index
    %get3A_3394 = arith.constant 2 : index
    %get3A_3395 = vector.load %arg12[%get3A_3392, %get3A_3393, %get3A_3394] : memref<1x4096x3xf32, #tpu.memory_space<vmem>>, vector<1x128x1xf32>
    %get3A_3396 = vector.shape_cast %get3A_3395 : vector<1x128x1xf32> to vector<128x1xf32>
    %sub3A_3397 = arith.subf %get3A_3386, %mul3A_3078 : vector<128x1xf32>
    %integer_pow3A_3398 = arith.mulf %sub3A_3397, %sub3A_3397 : vector<128x1xf32>
    %sub3A_3399 = arith.subf %get3A_3391, %mul3A_3081 : vector<128x1xf32>
    %integer_pow3A_3400 = arith.mulf %sub3A_3399, %sub3A_3399 : vector<128x1xf32>
    %add3A_3401 = arith.addf %integer_pow3A_3398, %integer_pow3A_3400 : vector<128x1xf32>
    %sub3A_3402 = arith.subf %get3A_3396, %mul3A_3084 : vector<128x1xf32>
    %integer_pow3A_3403 = arith.mulf %sub3A_3402, %sub3A_3402 : vector<128x1xf32>
    %add3A_3404 = arith.addf %add3A_3401, %integer_pow3A_3403 : vector<128x1xf32>
    %max3A_3405 = arith.maximumf %max3A_3381, %add3A_3404 : vector<128x1xf32>
    %get3A_3406 = arith.constant 0 : index
    %get3A_3407 = arith.constant 1664 : index
    %get3A_3408 = arith.constant 0 : index
    %get3A_3409 = vector.load %arg12[%get3A_3406, %get3A_3407, %get3A_3408] : memref<1x4096x3xf32, #tpu.memory_space<vmem>>, vector<1x128x1xf32>
    %get3A_3410 = vector.shape_cast %get3A_3409 : vector<1x128x1xf32> to vector<128x1xf32>
    %get3A_3411 = arith.constant 0 : index
    %get3A_3412 = arith.constant 1664 : index
    %get3A_3413 = arith.constant 1 : index
    %get3A_3414 = vector.load %arg12[%get3A_3411, %get3A_3412, %get3A_3413] : memref<1x4096x3xf32, #tpu.memory_space<vmem>>, vector<1x128x1xf32>
    %get3A_3415 = vector.shape_cast %get3A_3414 : vector<1x128x1xf32> to vector<128x1xf32>
    %get3A_3416 = arith.constant 0 : index
    %get3A_3417 = arith.constant 1664 : index
    %get3A_3418 = arith.constant 2 : index
    %get3A_3419 = vector.load %arg12[%get3A_3416, %get3A_3417, %get3A_3418] : memref<1x4096x3xf32, #tpu.memory_space<vmem>>, vector<1x128x1xf32>
    %get3A_3420 = vector.shape_cast %get3A_3419 : vector<1x128x1xf32> to vector<128x1xf32>
    %sub3A_3421 = arith.subf %get3A_3410, %mul3A_3078 : vector<128x1xf32>
    %integer_pow3A_3422 = arith.mulf %sub3A_3421, %sub3A_3421 : vector<128x1xf32>
    %sub3A_3423 = arith.subf %get3A_3415, %mul3A_3081 : vector<128x1xf32>
    %integer_pow3A_3424 = arith.mulf %sub3A_3423, %sub3A_3423 : vector<128x1xf32>
    %add3A_3425 = arith.addf %integer_pow3A_3422, %integer_pow3A_3424 : vector<128x1xf32>
    %sub3A_3426 = arith.subf %get3A_3420, %mul3A_3084 : vector<128x1xf32>
    %integer_pow3A_3427 = arith.mulf %sub3A_3426, %sub3A_3426 : vector<128x1xf32>
    %add3A_3428 = arith.addf %add3A_3425, %integer_pow3A_3427 : vector<128x1xf32>
    %max3A_3429 = arith.maximumf %max3A_3405, %add3A_3428 : vector<128x1xf32>
    %get3A_3430 = arith.constant 0 : index
    %get3A_3431 = arith.constant 1792 : index
    %get3A_3432 = arith.constant 0 : index
    %get3A_3433 = vector.load %arg12[%get3A_3430, %get3A_3431, %get3A_3432] : memref<1x4096x3xf32, #tpu.memory_space<vmem>>, vector<1x128x1xf32>
    %get3A_3434 = vector.shape_cast %get3A_3433 : vector<1x128x1xf32> to vector<128x1xf32>
    %get3A_3435 = arith.constant 0 : index
    %get3A_3436 = arith.constant 1792 : index
    %get3A_3437 = arith.constant 1 : index
    %get3A_3438 = vector.load %arg12[%get3A_3435, %get3A_3436, %get3A_3437] : memref<1x4096x3xf32, #tpu.memory_space<vmem>>, vector<1x128x1xf32>
    %get3A_3439 = vector.shape_cast %get3A_3438 : vector<1x128x1xf32> to vector<128x1xf32>
    %get3A_3440 = arith.constant 0 : index
    %get3A_3441 = arith.constant 1792 : index
    %get3A_3442 = arith.constant 2 : index
    %get3A_3443 = vector.load %arg12[%get3A_3440, %get3A_3441, %get3A_3442] : memref<1x4096x3xf32, #tpu.memory_space<vmem>>, vector<1x128x1xf32>
    %get3A_3444 = vector.shape_cast %get3A_3443 : vector<1x128x1xf32> to vector<128x1xf32>
    %sub3A_3445 = arith.subf %get3A_3434, %mul3A_3078 : vector<128x1xf32>
    %integer_pow3A_3446 = arith.mulf %sub3A_3445, %sub3A_3445 : vector<128x1xf32>
    %sub3A_3447 = arith.subf %get3A_3439, %mul3A_3081 : vector<128x1xf32>
    %integer_pow3A_3448 = arith.mulf %sub3A_3447, %sub3A_3447 : vector<128x1xf32>
    %add3A_3449 = arith.addf %integer_pow3A_3446, %integer_pow3A_3448 : vector<128x1xf32>
    %sub3A_3450 = arith.subf %get3A_3444, %mul3A_3084 : vector<128x1xf32>
    %integer_pow3A_3451 = arith.mulf %sub3A_3450, %sub3A_3450 : vector<128x1xf32>
    %add3A_3452 = arith.addf %add3A_3449, %integer_pow3A_3451 : vector<128x1xf32>
    %max3A_3453 = arith.maximumf %max3A_3429, %add3A_3452 : vector<128x1xf32>
    %get3A_3454 = arith.constant 0 : index
    %get3A_3455 = arith.constant 1920 : index
    %get3A_3456 = arith.constant 0 : index
    %get3A_3457 = vector.load %arg12[%get3A_3454, %get3A_3455, %get3A_3456] : memref<1x4096x3xf32, #tpu.memory_space<vmem>>, vector<1x128x1xf32>
    %get3A_3458 = vector.shape_cast %get3A_3457 : vector<1x128x1xf32> to vector<128x1xf32>
    %get3A_3459 = arith.constant 0 : index
    %get3A_3460 = arith.constant 1920 : index
    %get3A_3461 = arith.constant 1 : index
    %get3A_3462 = vector.load %arg12[%get3A_3459, %get3A_3460, %get3A_3461] : memref<1x4096x3xf32, #tpu.memory_space<vmem>>, vector<1x128x1xf32>
    %get3A_3463 = vector.shape_cast %get3A_3462 : vector<1x128x1xf32> to vector<128x1xf32>
    %get3A_3464 = arith.constant 0 : index
    %get3A_3465 = arith.constant 1920 : index
    %get3A_3466 = arith.constant 2 : index
    %get3A_3467 = vector.load %arg12[%get3A_3464, %get3A_3465, %get3A_3466] : memref<1x4096x3xf32, #tpu.memory_space<vmem>>, vector<1x128x1xf32>
    %get3A_3468 = vector.shape_cast %get3A_3467 : vector<1x128x1xf32> to vector<128x1xf32>
    %sub3A_3469 = arith.subf %get3A_3458, %mul3A_3078 : vector<128x1xf32>
    %integer_pow3A_3470 = arith.mulf %sub3A_3469, %sub3A_3469 : vector<128x1xf32>
    %sub3A_3471 = arith.subf %get3A_3463, %mul3A_3081 : vector<128x1xf32>
    %integer_pow3A_3472 = arith.mulf %sub3A_3471, %sub3A_3471 : vector<128x1xf32>
    %add3A_3473 = arith.addf %integer_pow3A_3470, %integer_pow3A_3472 : vector<128x1xf32>
    %sub3A_3474 = arith.subf %get3A_3468, %mul3A_3084 : vector<128x1xf32>
    %integer_pow3A_3475 = arith.mulf %sub3A_3474, %sub3A_3474 : vector<128x1xf32>
    %add3A_3476 = arith.addf %add3A_3473, %integer_pow3A_3475 : vector<128x1xf32>
    %max3A_3477 = arith.maximumf %max3A_3453, %add3A_3476 : vector<128x1xf32>
    %mul3A_3478 = arith.constant 1.000200e+00 : f32
    %mul3A_3479 = vector.broadcast %mul3A_3478 : f32 to vector<128x1xf32>
    %mul3A_3480 = arith.mulf %max3A_3477, %mul3A_3479 : vector<128x1xf32>
    %add3A_3481 = arith.constant 9.99999996E-13 : f32
    %add3A_3482 = vector.broadcast %add3A_3481 : f32 to vector<128x1xf32>
    %add3A_3483 = arith.addf %mul3A_3480, %add3A_3482 : vector<128x1xf32>
    %sqrt3A = math.sqrt %add3A_3483 : vector<128x1xf32>
    %mul3A_3484 = arith.constant 1.000100e+00 : f32
    %mul3A_3485 = vector.broadcast %mul3A_3484 : f32 to vector<128x1xf32>
    %mul3A_3486 = arith.mulf %sqrt3A, %mul3A_3485 : vector<128x1xf32>
    %mul3A_3487 = arith.constant 6.250000e-02 : f32
    %mul3A_3488 = vector.broadcast %mul3A_3487 : f32 to vector<128x1xf32>
    %mul3A_3489 = arith.mulf %add3A_3030, %mul3A_3488 : vector<128x1xf32>
    %mul3A_3490 = arith.constant 6.250000e-02 : f32
    %mul3A_3491 = vector.broadcast %mul3A_3490 : f32 to vector<128x1xf32>
    %mul3A_3492 = arith.mulf %add3A_3031, %mul3A_3491 : vector<128x1xf32>
    %mul3A_3493 = arith.constant 6.250000e-02 : f32
    %mul3A_3494 = vector.broadcast %mul3A_3493 : f32 to vector<128x1xf32>
    %mul3A_3495 = arith.mulf %add3A_3032, %mul3A_3494 : vector<128x1xf32>
    %concatenate3A_3496 = tpu.concatenate %mul3A_3489, %mul3A_3492, %mul3A_3495 in 1 : vector<128x1xf32>, vector<128x1xf32>, vector<128x1xf32> -> vector<128x3xf32>
    %swap3A_3497 = arith.constant 0 : index
    %swap3A_3498 = arith.constant 0 : index
    %swap3A_3499 = arith.constant 3 : index
    %swap3A_3500 = vector.load %arg14[%swap3A_3497, %swap3A_3498, %swap3A_3499] : memref<1x128x6xf32, #tpu.memory_space<vmem>>, vector<1x128x3xf32>
    %swap3A_3501 = vector.shape_cast %swap3A_3500 : vector<1x128x3xf32> to vector<128x3xf32>
    %swap3A_3502 = vector.shape_cast %concatenate3A_3496 : vector<128x3xf32> to vector<1x128x3xf32>
    tpu.vector_store %arg14[%swap3A_3497, %swap3A_3498, %swap3A_3499], %swap3A_3502 {strides = array<i32>} : memref<1x128x6xf32, #tpu.memory_space<vmem>>, vector<1x128x3xf32>,
    %broadcast_in_dim3A_3503 = arith.constant 0.000000e+00 : f32
    %broadcast_in_dim3A_3504 = vector.broadcast %broadcast_in_dim3A_3503 : f32 to vector<128x1xf32>
    %get3A_3505 = arith.constant 0 : index
    %get3A_3506 = arith.constant 2048 : index
    %get3A_3507 = arith.constant 0 : index
    %get3A_3508 = vector.load %arg12[%get3A_3505, %get3A_3506, %get3A_3507] : memref<1x4096x3xf32, #tpu.memory_space<vmem>>, vector<1x128x1xf32>
    %get3A_3509 = vector.shape_cast %get3A_3508 : vector<1x128x1xf32> to vector<128x1xf32>
    %get3A_3510 = arith.constant 0 : index
    %get3A_3511 = arith.constant 2048 : index
    %get3A_3512 = arith.constant 1 : index
    %get3A_3513 = vector.load %arg12[%get3A_3510, %get3A_3511, %get3A_3512] : memref<1x4096x3xf32, #tpu.memory_space<vmem>>, vector<1x128x1xf32>
    %get3A_3514 = vector.shape_cast %get3A_3513 : vector<1x128x1xf32> to vector<128x1xf32>
    %get3A_3515 = arith.constant 0 : index
    %get3A_3516 = arith.constant 2048 : index
    %get3A_3517 = arith.constant 2 : index
    %get3A_3518 = vector.load %arg12[%get3A_3515, %get3A_3516, %get3A_3517] : memref<1x4096x3xf32, #tpu.memory_space<vmem>>, vector<1x128x1xf32>
    %get3A_3519 = vector.shape_cast %get3A_3518 : vector<1x128x1xf32> to vector<128x1xf32>
    %sub3A_3520 = arith.subf %get3A_3509, %mul3A_3489 : vector<128x1xf32>
    %integer_pow3A_3521 = arith.mulf %sub3A_3520, %sub3A_3520 : vector<128x1xf32>
    %sub3A_3522 = arith.subf %get3A_3514, %mul3A_3492 : vector<128x1xf32>
    %integer_pow3A_3523 = arith.mulf %sub3A_3522, %sub3A_3522 : vector<128x1xf32>
    %add3A_3524 = arith.addf %integer_pow3A_3521, %integer_pow3A_3523 : vector<128x1xf32>
    %sub3A_3525 = arith.subf %get3A_3519, %mul3A_3495 : vector<128x1xf32>
    %integer_pow3A_3526 = arith.mulf %sub3A_3525, %sub3A_3525 : vector<128x1xf32>
    %add3A_3527 = arith.addf %add3A_3524, %integer_pow3A_3526 : vector<128x1xf32>
    %max3A_3528 = arith.maximumf %broadcast_in_dim3A_3504, %add3A_3527 : vector<128x1xf32>
    %get3A_3529 = arith.constant 0 : index
    %get3A_3530 = arith.constant 2176 : index
    %get3A_3531 = arith.constant 0 : index
    %get3A_3532 = vector.load %arg12[%get3A_3529, %get3A_3530, %get3A_3531] : memref<1x4096x3xf32, #tpu.memory_space<vmem>>, vector<1x128x1xf32>
    %get3A_3533 = vector.shape_cast %get3A_3532 : vector<1x128x1xf32> to vector<128x1xf32>
    %get3A_3534 = arith.constant 0 : index
    %get3A_3535 = arith.constant 2176 : index
    %get3A_3536 = arith.constant 1 : index
    %get3A_3537 = vector.load %arg12[%get3A_3534, %get3A_3535, %get3A_3536] : memref<1x4096x3xf32, #tpu.memory_space<vmem>>, vector<1x128x1xf32>
    %get3A_3538 = vector.shape_cast %get3A_3537 : vector<1x128x1xf32> to vector<128x1xf32>
    %get3A_3539 = arith.constant 0 : index
    %get3A_3540 = arith.constant 2176 : index
    %get3A_3541 = arith.constant 2 : index
    %get3A_3542 = vector.load %arg12[%get3A_3539, %get3A_3540, %get3A_3541] : memref<1x4096x3xf32, #tpu.memory_space<vmem>>, vector<1x128x1xf32>
    %get3A_3543 = vector.shape_cast %get3A_3542 : vector<1x128x1xf32> to vector<128x1xf32>
    %sub3A_3544 = arith.subf %get3A_3533, %mul3A_3489 : vector<128x1xf32>
    %integer_pow3A_3545 = arith.mulf %sub3A_3544, %sub3A_3544 : vector<128x1xf32>
    %sub3A_3546 = arith.subf %get3A_3538, %mul3A_3492 : vector<128x1xf32>
    %integer_pow3A_3547 = arith.mulf %sub3A_3546, %sub3A_3546 : vector<128x1xf32>
    %add3A_3548 = arith.addf %integer_pow3A_3545, %integer_pow3A_3547 : vector<128x1xf32>
    %sub3A_3549 = arith.subf %get3A_3543, %mul3A_3495 : vector<128x1xf32>
    %integer_pow3A_3550 = arith.mulf %sub3A_3549, %sub3A_3549 : vector<128x1xf32>
    %add3A_3551 = arith.addf %add3A_3548, %integer_pow3A_3550 : vector<128x1xf32>
    %max3A_3552 = arith.maximumf %max3A_3528, %add3A_3551 : vector<128x1xf32>
    %get3A_3553 = arith.constant 0 : index
    %get3A_3554 = arith.constant 2304 : index
    %get3A_3555 = arith.constant 0 : index
    %get3A_3556 = vector.load %arg12[%get3A_3553, %get3A_3554, %get3A_3555] : memref<1x4096x3xf32, #tpu.memory_space<vmem>>, vector<1x128x1xf32>
    %get3A_3557 = vector.shape_cast %get3A_3556 : vector<1x128x1xf32> to vector<128x1xf32>
    %get3A_3558 = arith.constant 0 : index
    %get3A_3559 = arith.constant 2304 : index
    %get3A_3560 = arith.constant 1 : index
    %get3A_3561 = vector.load %arg12[%get3A_3558, %get3A_3559, %get3A_3560] : memref<1x4096x3xf32, #tpu.memory_space<vmem>>, vector<1x128x1xf32>
    %get3A_3562 = vector.shape_cast %get3A_3561 : vector<1x128x1xf32> to vector<128x1xf32>
    %get3A_3563 = arith.constant 0 : index
    %get3A_3564 = arith.constant 2304 : index
    %get3A_3565 = arith.constant 2 : index
    %get3A_3566 = vector.load %arg12[%get3A_3563, %get3A_3564, %get3A_3565] : memref<1x4096x3xf32, #tpu.memory_space<vmem>>, vector<1x128x1xf32>
    %get3A_3567 = vector.shape_cast %get3A_3566 : vector<1x128x1xf32> to vector<128x1xf32>
    %sub3A_3568 = arith.subf %get3A_3557, %mul3A_3489 : vector<128x1xf32>
    %integer_pow3A_3569 = arith.mulf %sub3A_3568, %sub3A_3568 : vector<128x1xf32>
    %sub3A_3570 = arith.subf %get3A_3562, %mul3A_3492 : vector<128x1xf32>
    %integer_pow3A_3571 = arith.mulf %sub3A_3570, %sub3A_3570 : vector<128x1xf32>
    %add3A_3572 = arith.addf %integer_pow3A_3569, %integer_pow3A_3571 : vector<128x1xf32>
    %sub3A_3573 = arith.subf %get3A_3567, %mul3A_3495 : vector<128x1xf32>
    %integer_pow3A_3574 = arith.mulf %sub3A_3573, %sub3A_3573 : vector<128x1xf32>
    %add3A_3575 = arith.addf %add3A_3572, %integer_pow3A_3574 : vector<128x1xf32>
    %max3A_3576 = arith.maximumf %max3A_3552, %add3A_3575 : vector<128x1xf32>
    %get3A_3577 = arith.constant 0 : index
    %get3A_3578 = arith.constant 2432 : index
    %get3A_3579 = arith.constant 0 : index
    %get3A_3580 = vector.load %arg12[%get3A_3577, %get3A_3578, %get3A_3579] : memref<1x4096x3xf32, #tpu.memory_space<vmem>>, vector<1x128x1xf32>
    %get3A_3581 = vector.shape_cast %get3A_3580 : vector<1x128x1xf32> to vector<128x1xf32>
    %get3A_3582 = arith.constant 0 : index
    %get3A_3583 = arith.constant 2432 : index
    %get3A_3584 = arith.constant 1 : index
    %get3A_3585 = vector.load %arg12[%get3A_3582, %get3A_3583, %get3A_3584] : memref<1x4096x3xf32, #tpu.memory_space<vmem>>, vector<1x128x1xf32>
    %get3A_3586 = vector.shape_cast %get3A_3585 : vector<1x128x1xf32> to vector<128x1xf32>
    %get3A_3587 = arith.constant 0 : index
    %get3A_3588 = arith.constant 2432 : index
    %get3A_3589 = arith.constant 2 : index
    %get3A_3590 = vector.load %arg12[%get3A_3587, %get3A_3588, %get3A_3589] : memref<1x4096x3xf32, #tpu.memory_space<vmem>>, vector<1x128x1xf32>
    %get3A_3591 = vector.shape_cast %get3A_3590 : vector<1x128x1xf32> to vector<128x1xf32>
    %sub3A_3592 = arith.subf %get3A_3581, %mul3A_3489 : vector<128x1xf32>
    %integer_pow3A_3593 = arith.mulf %sub3A_3592, %sub3A_3592 : vector<128x1xf32>
    %sub3A_3594 = arith.subf %get3A_3586, %mul3A_3492 : vector<128x1xf32>
    %integer_pow3A_3595 = arith.mulf %sub3A_3594, %sub3A_3594 : vector<128x1xf32>
    %add3A_3596 = arith.addf %integer_pow3A_3593, %integer_pow3A_3595 : vector<128x1xf32>
    %sub3A_3597 = arith.subf %get3A_3591, %mul3A_3495 : vector<128x1xf32>
    %integer_pow3A_3598 = arith.mulf %sub3A_3597, %sub3A_3597 : vector<128x1xf32>
    %add3A_3599 = arith.addf %add3A_3596, %integer_pow3A_3598 : vector<128x1xf32>
    %max3A_3600 = arith.maximumf %max3A_3576, %add3A_3599 : vector<128x1xf32>
    %get3A_3601 = arith.constant 0 : index
    %get3A_3602 = arith.constant 2560 : index
    %get3A_3603 = arith.constant 0 : index
    %get3A_3604 = vector.load %arg12[%get3A_3601, %get3A_3602, %get3A_3603] : memref<1x4096x3xf32, #tpu.memory_space<vmem>>, vector<1x128x1xf32>
    %get3A_3605 = vector.shape_cast %get3A_3604 : vector<1x128x1xf32> to vector<128x1xf32>
    %get3A_3606 = arith.constant 0 : index
    %get3A_3607 = arith.constant 2560 : index
    %get3A_3608 = arith.constant 1 : index
    %get3A_3609 = vector.load %arg12[%get3A_3606, %get3A_3607, %get3A_3608] : memref<1x4096x3xf32, #tpu.memory_space<vmem>>, vector<1x128x1xf32>
    %get3A_3610 = vector.shape_cast %get3A_3609 : vector<1x128x1xf32> to vector<128x1xf32>
    %get3A_3611 = arith.constant 0 : index
    %get3A_3612 = arith.constant 2560 : index
    %get3A_3613 = arith.constant 2 : index
    %get3A_3614 = vector.load %arg12[%get3A_3611, %get3A_3612, %get3A_3613] : memref<1x4096x3xf32, #tpu.memory_space<vmem>>, vector<1x128x1xf32>
    %get3A_3615 = vector.shape_cast %get3A_3614 : vector<1x128x1xf32> to vector<128x1xf32>
    %sub3A_3616 = arith.subf %get3A_3605, %mul3A_3489 : vector<128x1xf32>
    %integer_pow3A_3617 = arith.mulf %sub3A_3616, %sub3A_3616 : vector<128x1xf32>
    %sub3A_3618 = arith.subf %get3A_3610, %mul3A_3492 : vector<128x1xf32>
    %integer_pow3A_3619 = arith.mulf %sub3A_3618, %sub3A_3618 : vector<128x1xf32>
    %add3A_3620 = arith.addf %integer_pow3A_3617, %integer_pow3A_3619 : vector<128x1xf32>
    %sub3A_3621 = arith.subf %get3A_3615, %mul3A_3495 : vector<128x1xf32>
    %integer_pow3A_3622 = arith.mulf %sub3A_3621, %sub3A_3621 : vector<128x1xf32>
    %add3A_3623 = arith.addf %add3A_3620, %integer_pow3A_3622 : vector<128x1xf32>
    %max3A_3624 = arith.maximumf %max3A_3600, %add3A_3623 : vector<128x1xf32>
    %get3A_3625 = arith.constant 0 : index
    %get3A_3626 = arith.constant 2688 : index
    %get3A_3627 = arith.constant 0 : index
    %get3A_3628 = vector.load %arg12[%get3A_3625, %get3A_3626, %get3A_3627] : memref<1x4096x3xf32, #tpu.memory_space<vmem>>, vector<1x128x1xf32>
    %get3A_3629 = vector.shape_cast %get3A_3628 : vector<1x128x1xf32> to vector<128x1xf32>
    %get3A_3630 = arith.constant 0 : index
    %get3A_3631 = arith.constant 2688 : index
    %get3A_3632 = arith.constant 1 : index
    %get3A_3633 = vector.load %arg12[%get3A_3630, %get3A_3631, %get3A_3632] : memref<1x4096x3xf32, #tpu.memory_space<vmem>>, vector<1x128x1xf32>
    %get3A_3634 = vector.shape_cast %get3A_3633 : vector<1x128x1xf32> to vector<128x1xf32>
    %get3A_3635 = arith.constant 0 : index
    %get3A_3636 = arith.constant 2688 : index
    %get3A_3637 = arith.constant 2 : index
    %get3A_3638 = vector.load %arg12[%get3A_3635, %get3A_3636, %get3A_3637] : memref<1x4096x3xf32, #tpu.memory_space<vmem>>, vector<1x128x1xf32>
    %get3A_3639 = vector.shape_cast %get3A_3638 : vector<1x128x1xf32> to vector<128x1xf32>
    %sub3A_3640 = arith.subf %get3A_3629, %mul3A_3489 : vector<128x1xf32>
    %integer_pow3A_3641 = arith.mulf %sub3A_3640, %sub3A_3640 : vector<128x1xf32>
    %sub3A_3642 = arith.subf %get3A_3634, %mul3A_3492 : vector<128x1xf32>
    %integer_pow3A_3643 = arith.mulf %sub3A_3642, %sub3A_3642 : vector<128x1xf32>
    %add3A_3644 = arith.addf %integer_pow3A_3641, %integer_pow3A_3643 : vector<128x1xf32>
    %sub3A_3645 = arith.subf %get3A_3639, %mul3A_3495 : vector<128x1xf32>
    %integer_pow3A_3646 = arith.mulf %sub3A_3645, %sub3A_3645 : vector<128x1xf32>
    %add3A_3647 = arith.addf %add3A_3644, %integer_pow3A_3646 : vector<128x1xf32>
    %max3A_3648 = arith.maximumf %max3A_3624, %add3A_3647 : vector<128x1xf32>
    %get3A_3649 = arith.constant 0 : index
    %get3A_3650 = arith.constant 2816 : index
    %get3A_3651 = arith.constant 0 : index
    %get3A_3652 = vector.load %arg12[%get3A_3649, %get3A_3650, %get3A_3651] : memref<1x4096x3xf32, #tpu.memory_space<vmem>>, vector<1x128x1xf32>
    %get3A_3653 = vector.shape_cast %get3A_3652 : vector<1x128x1xf32> to vector<128x1xf32>
    %get3A_3654 = arith.constant 0 : index
    %get3A_3655 = arith.constant 2816 : index
    %get3A_3656 = arith.constant 1 : index
    %get3A_3657 = vector.load %arg12[%get3A_3654, %get3A_3655, %get3A_3656] : memref<1x4096x3xf32, #tpu.memory_space<vmem>>, vector<1x128x1xf32>
    %get3A_3658 = vector.shape_cast %get3A_3657 : vector<1x128x1xf32> to vector<128x1xf32>
    %get3A_3659 = arith.constant 0 : index
    %get3A_3660 = arith.constant 2816 : index
    %get3A_3661 = arith.constant 2 : index
    %get3A_3662 = vector.load %arg12[%get3A_3659, %get3A_3660, %get3A_3661] : memref<1x4096x3xf32, #tpu.memory_space<vmem>>, vector<1x128x1xf32>
    %get3A_3663 = vector.shape_cast %get3A_3662 : vector<1x128x1xf32> to vector<128x1xf32>
    %sub3A_3664 = arith.subf %get3A_3653, %mul3A_3489 : vector<128x1xf32>
    %integer_pow3A_3665 = arith.mulf %sub3A_3664, %sub3A_3664 : vector<128x1xf32>
    %sub3A_3666 = arith.subf %get3A_3658, %mul3A_3492 : vector<128x1xf32>
    %integer_pow3A_3667 = arith.mulf %sub3A_3666, %sub3A_3666 : vector<128x1xf32>
    %add3A_3668 = arith.addf %integer_pow3A_3665, %integer_pow3A_3667 : vector<128x1xf32>
    %sub3A_3669 = arith.subf %get3A_3663, %mul3A_3495 : vector<128x1xf32>
    %integer_pow3A_3670 = arith.mulf %sub3A_3669, %sub3A_3669 : vector<128x1xf32>
    %add3A_3671 = arith.addf %add3A_3668, %integer_pow3A_3670 : vector<128x1xf32>
    %max3A_3672 = arith.maximumf %max3A_3648, %add3A_3671 : vector<128x1xf32>
    %get3A_3673 = arith.constant 0 : index
    %get3A_3674 = arith.constant 2944 : index
    %get3A_3675 = arith.constant 0 : index
    %get3A_3676 = vector.load %arg12[%get3A_3673, %get3A_3674, %get3A_3675] : memref<1x4096x3xf32, #tpu.memory_space<vmem>>, vector<1x128x1xf32>
    %get3A_3677 = vector.shape_cast %get3A_3676 : vector<1x128x1xf32> to vector<128x1xf32>
    %get3A_3678 = arith.constant 0 : index
    %get3A_3679 = arith.constant 2944 : index
    %get3A_3680 = arith.constant 1 : index
    %get3A_3681 = vector.load %arg12[%get3A_3678, %get3A_3679, %get3A_3680] : memref<1x4096x3xf32, #tpu.memory_space<vmem>>, vector<1x128x1xf32>
    %get3A_3682 = vector.shape_cast %get3A_3681 : vector<1x128x1xf32> to vector<128x1xf32>
    %get3A_3683 = arith.constant 0 : index
    %get3A_3684 = arith.constant 2944 : index
    %get3A_3685 = arith.constant 2 : index
    %get3A_3686 = vector.load %arg12[%get3A_3683, %get3A_3684, %get3A_3685] : memref<1x4096x3xf32, #tpu.memory_space<vmem>>, vector<1x128x1xf32>
    %get3A_3687 = vector.shape_cast %get3A_3686 : vector<1x128x1xf32> to vector<128x1xf32>
    %sub3A_3688 = arith.subf %get3A_3677, %mul3A_3489 : vector<128x1xf32>
    %integer_pow3A_3689 = arith.mulf %sub3A_3688, %sub3A_3688 : vector<128x1xf32>
    %sub3A_3690 = arith.subf %get3A_3682, %mul3A_3492 : vector<128x1xf32>
    %integer_pow3A_3691 = arith.mulf %sub3A_3690, %sub3A_3690 : vector<128x1xf32>
    %add3A_3692 = arith.addf %integer_pow3A_3689, %integer_pow3A_3691 : vector<128x1xf32>
    %sub3A_3693 = arith.subf %get3A_3687, %mul3A_3495 : vector<128x1xf32>
    %integer_pow3A_3694 = arith.mulf %sub3A_3693, %sub3A_3693 : vector<128x1xf32>
    %add3A_3695 = arith.addf %add3A_3692, %integer_pow3A_3694 : vector<128x1xf32>
    %max3A_3696 = arith.maximumf %max3A_3672, %add3A_3695 : vector<128x1xf32>
    %get3A_3697 = arith.constant 0 : index
    %get3A_3698 = arith.constant 3072 : index
    %get3A_3699 = arith.constant 0 : index
    %get3A_3700 = vector.load %arg12[%get3A_3697, %get3A_3698, %get3A_3699] : memref<1x4096x3xf32, #tpu.memory_space<vmem>>, vector<1x128x1xf32>
    %get3A_3701 = vector.shape_cast %get3A_3700 : vector<1x128x1xf32> to vector<128x1xf32>
    %get3A_3702 = arith.constant 0 : index
    %get3A_3703 = arith.constant 3072 : index
    %get3A_3704 = arith.constant 1 : index
    %get3A_3705 = vector.load %arg12[%get3A_3702, %get3A_3703, %get3A_3704] : memref<1x4096x3xf32, #tpu.memory_space<vmem>>, vector<1x128x1xf32>
    %get3A_3706 = vector.shape_cast %get3A_3705 : vector<1x128x1xf32> to vector<128x1xf32>
    %get3A_3707 = arith.constant 0 : index
    %get3A_3708 = arith.constant 3072 : index
    %get3A_3709 = arith.constant 2 : index
    %get3A_3710 = vector.load %arg12[%get3A_3707, %get3A_3708, %get3A_3709] : memref<1x4096x3xf32, #tpu.memory_space<vmem>>, vector<1x128x1xf32>
    %get3A_3711 = vector.shape_cast %get3A_3710 : vector<1x128x1xf32> to vector<128x1xf32>
    %sub3A_3712 = arith.subf %get3A_3701, %mul3A_3489 : vector<128x1xf32>
    %integer_pow3A_3713 = arith.mulf %sub3A_3712, %sub3A_3712 : vector<128x1xf32>
    %sub3A_3714 = arith.subf %get3A_3706, %mul3A_3492 : vector<128x1xf32>
    %integer_pow3A_3715 = arith.mulf %sub3A_3714, %sub3A_3714 : vector<128x1xf32>
    %add3A_3716 = arith.addf %integer_pow3A_3713, %integer_pow3A_3715 : vector<128x1xf32>
    %sub3A_3717 = arith.subf %get3A_3711, %mul3A_3495 : vector<128x1xf32>
    %integer_pow3A_3718 = arith.mulf %sub3A_3717, %sub3A_3717 : vector<128x1xf32>
    %add3A_3719 = arith.addf %add3A_3716, %integer_pow3A_3718 : vector<128x1xf32>
    %max3A_3720 = arith.maximumf %max3A_3696, %add3A_3719 : vector<128x1xf32>
    %get3A_3721 = arith.constant 0 : index
    %get3A_3722 = arith.constant 3200 : index
    %get3A_3723 = arith.constant 0 : index
    %get3A_3724 = vector.load %arg12[%get3A_3721, %get3A_3722, %get3A_3723] : memref<1x4096x3xf32, #tpu.memory_space<vmem>>, vector<1x128x1xf32>
    %get3A_3725 = vector.shape_cast %get3A_3724 : vector<1x128x1xf32> to vector<128x1xf32>
    %get3A_3726 = arith.constant 0 : index
    %get3A_3727 = arith.constant 3200 : index
    %get3A_3728 = arith.constant 1 : index
    %get3A_3729 = vector.load %arg12[%get3A_3726, %get3A_3727, %get3A_3728] : memref<1x4096x3xf32, #tpu.memory_space<vmem>>, vector<1x128x1xf32>
    %get3A_3730 = vector.shape_cast %get3A_3729 : vector<1x128x1xf32> to vector<128x1xf32>
    %get3A_3731 = arith.constant 0 : index
    %get3A_3732 = arith.constant 3200 : index
    %get3A_3733 = arith.constant 2 : index
    %get3A_3734 = vector.load %arg12[%get3A_3731, %get3A_3732, %get3A_3733] : memref<1x4096x3xf32, #tpu.memory_space<vmem>>, vector<1x128x1xf32>
    %get3A_3735 = vector.shape_cast %get3A_3734 : vector<1x128x1xf32> to vector<128x1xf32>
    %sub3A_3736 = arith.subf %get3A_3725, %mul3A_3489 : vector<128x1xf32>
    %integer_pow3A_3737 = arith.mulf %sub3A_3736, %sub3A_3736 : vector<128x1xf32>
    %sub3A_3738 = arith.subf %get3A_3730, %mul3A_3492 : vector<128x1xf32>
    %integer_pow3A_3739 = arith.mulf %sub3A_3738, %sub3A_3738 : vector<128x1xf32>
    %add3A_3740 = arith.addf %integer_pow3A_3737, %integer_pow3A_3739 : vector<128x1xf32>
    %sub3A_3741 = arith.subf %get3A_3735, %mul3A_3495 : vector<128x1xf32>
    %integer_pow3A_3742 = arith.mulf %sub3A_3741, %sub3A_3741 : vector<128x1xf32>
    %add3A_3743 = arith.addf %add3A_3740, %integer_pow3A_3742 : vector<128x1xf32>
    %max3A_3744 = arith.maximumf %max3A_3720, %add3A_3743 : vector<128x1xf32>
    %get3A_3745 = arith.constant 0 : index
    %get3A_3746 = arith.constant 3328 : index
    %get3A_3747 = arith.constant 0 : index
    %get3A_3748 = vector.load %arg12[%get3A_3745, %get3A_3746, %get3A_3747] : memref<1x4096x3xf32, #tpu.memory_space<vmem>>, vector<1x128x1xf32>
    %get3A_3749 = vector.shape_cast %get3A_3748 : vector<1x128x1xf32> to vector<128x1xf32>
    %get3A_3750 = arith.constant 0 : index
    %get3A_3751 = arith.constant 3328 : index
    %get3A_3752 = arith.constant 1 : index
    %get3A_3753 = vector.load %arg12[%get3A_3750, %get3A_3751, %get3A_3752] : memref<1x4096x3xf32, #tpu.memory_space<vmem>>, vector<1x128x1xf32>
    %get3A_3754 = vector.shape_cast %get3A_3753 : vector<1x128x1xf32> to vector<128x1xf32>
    %get3A_3755 = arith.constant 0 : index
    %get3A_3756 = arith.constant 3328 : index
    %get3A_3757 = arith.constant 2 : index
    %get3A_3758 = vector.load %arg12[%get3A_3755, %get3A_3756, %get3A_3757] : memref<1x4096x3xf32, #tpu.memory_space<vmem>>, vector<1x128x1xf32>
    %get3A_3759 = vector.shape_cast %get3A_3758 : vector<1x128x1xf32> to vector<128x1xf32>
    %sub3A_3760 = arith.subf %get3A_3749, %mul3A_3489 : vector<128x1xf32>
    %integer_pow3A_3761 = arith.mulf %sub3A_3760, %sub3A_3760 : vector<128x1xf32>
    %sub3A_3762 = arith.subf %get3A_3754, %mul3A_3492 : vector<128x1xf32>
    %integer_pow3A_3763 = arith.mulf %sub3A_3762, %sub3A_3762 : vector<128x1xf32>
    %add3A_3764 = arith.addf %integer_pow3A_3761, %integer_pow3A_3763 : vector<128x1xf32>
    %sub3A_3765 = arith.subf %get3A_3759, %mul3A_3495 : vector<128x1xf32>
    %integer_pow3A_3766 = arith.mulf %sub3A_3765, %sub3A_3765 : vector<128x1xf32>
    %add3A_3767 = arith.addf %add3A_3764, %integer_pow3A_3766 : vector<128x1xf32>
    %max3A_3768 = arith.maximumf %max3A_3744, %add3A_3767 : vector<128x1xf32>
    %get3A_3769 = arith.constant 0 : index
    %get3A_3770 = arith.constant 3456 : index
    %get3A_3771 = arith.constant 0 : index
    %get3A_3772 = vector.load %arg12[%get3A_3769, %get3A_3770, %get3A_3771] : memref<1x4096x3xf32, #tpu.memory_space<vmem>>, vector<1x128x1xf32>
    %get3A_3773 = vector.shape_cast %get3A_3772 : vector<1x128x1xf32> to vector<128x1xf32>
    %get3A_3774 = arith.constant 0 : index
    %get3A_3775 = arith.constant 3456 : index
    %get3A_3776 = arith.constant 1 : index
    %get3A_3777 = vector.load %arg12[%get3A_3774, %get3A_3775, %get3A_3776] : memref<1x4096x3xf32, #tpu.memory_space<vmem>>, vector<1x128x1xf32>
    %get3A_3778 = vector.shape_cast %get3A_3777 : vector<1x128x1xf32> to vector<128x1xf32>
    %get3A_3779 = arith.constant 0 : index
    %get3A_3780 = arith.constant 3456 : index
    %get3A_3781 = arith.constant 2 : index
    %get3A_3782 = vector.load %arg12[%get3A_3779, %get3A_3780, %get3A_3781] : memref<1x4096x3xf32, #tpu.memory_space<vmem>>, vector<1x128x1xf32>
    %get3A_3783 = vector.shape_cast %get3A_3782 : vector<1x128x1xf32> to vector<128x1xf32>
    %sub3A_3784 = arith.subf %get3A_3773, %mul3A_3489 : vector<128x1xf32>
    %integer_pow3A_3785 = arith.mulf %sub3A_3784, %sub3A_3784 : vector<128x1xf32>
    %sub3A_3786 = arith.subf %get3A_3778, %mul3A_3492 : vector<128x1xf32>
    %integer_pow3A_3787 = arith.mulf %sub3A_3786, %sub3A_3786 : vector<128x1xf32>
    %add3A_3788 = arith.addf %integer_pow3A_3785, %integer_pow3A_3787 : vector<128x1xf32>
    %sub3A_3789 = arith.subf %get3A_3783, %mul3A_3495 : vector<128x1xf32>
    %integer_pow3A_3790 = arith.mulf %sub3A_3789, %sub3A_3789 : vector<128x1xf32>
    %add3A_3791 = arith.addf %add3A_3788, %integer_pow3A_3790 : vector<128x1xf32>
    %max3A_3792 = arith.maximumf %max3A_3768, %add3A_3791 : vector<128x1xf32>
    %get3A_3793 = arith.constant 0 : index
    %get3A_3794 = arith.constant 3584 : index
    %get3A_3795 = arith.constant 0 : index
    %get3A_3796 = vector.load %arg12[%get3A_3793, %get3A_3794, %get3A_3795] : memref<1x4096x3xf32, #tpu.memory_space<vmem>>, vector<1x128x1xf32>
    %get3A_3797 = vector.shape_cast %get3A_3796 : vector<1x128x1xf32> to vector<128x1xf32>
    %get3A_3798 = arith.constant 0 : index
    %get3A_3799 = arith.constant 3584 : index
    %get3A_3800 = arith.constant 1 : index
    %get3A_3801 = vector.load %arg12[%get3A_3798, %get3A_3799, %get3A_3800] : memref<1x4096x3xf32, #tpu.memory_space<vmem>>, vector<1x128x1xf32>
    %get3A_3802 = vector.shape_cast %get3A_3801 : vector<1x128x1xf32> to vector<128x1xf32>
    %get3A_3803 = arith.constant 0 : index
    %get3A_3804 = arith.constant 3584 : index
    %get3A_3805 = arith.constant 2 : index
    %get3A_3806 = vector.load %arg12[%get3A_3803, %get3A_3804, %get3A_3805] : memref<1x4096x3xf32, #tpu.memory_space<vmem>>, vector<1x128x1xf32>
    %get3A_3807 = vector.shape_cast %get3A_3806 : vector<1x128x1xf32> to vector<128x1xf32>
    %sub3A_3808 = arith.subf %get3A_3797, %mul3A_3489 : vector<128x1xf32>
    %integer_pow3A_3809 = arith.mulf %sub3A_3808, %sub3A_3808 : vector<128x1xf32>
    %sub3A_3810 = arith.subf %get3A_3802, %mul3A_3492 : vector<128x1xf32>
    %integer_pow3A_3811 = arith.mulf %sub3A_3810, %sub3A_3810 : vector<128x1xf32>
    %add3A_3812 = arith.addf %integer_pow3A_3809, %integer_pow3A_3811 : vector<128x1xf32>
    %sub3A_3813 = arith.subf %get3A_3807, %mul3A_3495 : vector<128x1xf32>
    %integer_pow3A_3814 = arith.mulf %sub3A_3813, %sub3A_3813 : vector<128x1xf32>
    %add3A_3815 = arith.addf %add3A_3812, %integer_pow3A_3814 : vector<128x1xf32>
    %max3A_3816 = arith.maximumf %max3A_3792, %add3A_3815 : vector<128x1xf32>
    %get3A_3817 = arith.constant 0 : index
    %get3A_3818 = arith.constant 3712 : index
    %get3A_3819 = arith.constant 0 : index
    %get3A_3820 = vector.load %arg12[%get3A_3817, %get3A_3818, %get3A_3819] : memref<1x4096x3xf32, #tpu.memory_space<vmem>>, vector<1x128x1xf32>
    %get3A_3821 = vector.shape_cast %get3A_3820 : vector<1x128x1xf32> to vector<128x1xf32>
    %get3A_3822 = arith.constant 0 : index
    %get3A_3823 = arith.constant 3712 : index
    %get3A_3824 = arith.constant 1 : index
    %get3A_3825 = vector.load %arg12[%get3A_3822, %get3A_3823, %get3A_3824] : memref<1x4096x3xf32, #tpu.memory_space<vmem>>, vector<1x128x1xf32>
    %get3A_3826 = vector.shape_cast %get3A_3825 : vector<1x128x1xf32> to vector<128x1xf32>
    %get3A_3827 = arith.constant 0 : index
    %get3A_3828 = arith.constant 3712 : index
    %get3A_3829 = arith.constant 2 : index
    %get3A_3830 = vector.load %arg12[%get3A_3827, %get3A_3828, %get3A_3829] : memref<1x4096x3xf32, #tpu.memory_space<vmem>>, vector<1x128x1xf32>
    %get3A_3831 = vector.shape_cast %get3A_3830 : vector<1x128x1xf32> to vector<128x1xf32>
    %sub3A_3832 = arith.subf %get3A_3821, %mul3A_3489 : vector<128x1xf32>
    %integer_pow3A_3833 = arith.mulf %sub3A_3832, %sub3A_3832 : vector<128x1xf32>
    %sub3A_3834 = arith.subf %get3A_3826, %mul3A_3492 : vector<128x1xf32>
    %integer_pow3A_3835 = arith.mulf %sub3A_3834, %sub3A_3834 : vector<128x1xf32>
    %add3A_3836 = arith.addf %integer_pow3A_3833, %integer_pow3A_3835 : vector<128x1xf32>
    %sub3A_3837 = arith.subf %get3A_3831, %mul3A_3495 : vector<128x1xf32>
    %integer_pow3A_3838 = arith.mulf %sub3A_3837, %sub3A_3837 : vector<128x1xf32>
    %add3A_3839 = arith.addf %add3A_3836, %integer_pow3A_3838 : vector<128x1xf32>
    %max3A_3840 = arith.maximumf %max3A_3816, %add3A_3839 : vector<128x1xf32>
    %get3A_3841 = arith.constant 0 : index
    %get3A_3842 = arith.constant 3840 : index
    %get3A_3843 = arith.constant 0 : index
    %get3A_3844 = vector.load %arg12[%get3A_3841, %get3A_3842, %get3A_3843] : memref<1x4096x3xf32, #tpu.memory_space<vmem>>, vector<1x128x1xf32>
    %get3A_3845 = vector.shape_cast %get3A_3844 : vector<1x128x1xf32> to vector<128x1xf32>
    %get3A_3846 = arith.constant 0 : index
    %get3A_3847 = arith.constant 3840 : index
    %get3A_3848 = arith.constant 1 : index
    %get3A_3849 = vector.load %arg12[%get3A_3846, %get3A_3847, %get3A_3848] : memref<1x4096x3xf32, #tpu.memory_space<vmem>>, vector<1x128x1xf32>
    %get3A_3850 = vector.shape_cast %get3A_3849 : vector<1x128x1xf32> to vector<128x1xf32>
    %get3A_3851 = arith.constant 0 : index
    %get3A_3852 = arith.constant 3840 : index
    %get3A_3853 = arith.constant 2 : index
    %get3A_3854 = vector.load %arg12[%get3A_3851, %get3A_3852, %get3A_3853] : memref<1x4096x3xf32, #tpu.memory_space<vmem>>, vector<1x128x1xf32>
    %get3A_3855 = vector.shape_cast %get3A_3854 : vector<1x128x1xf32> to vector<128x1xf32>
    %sub3A_3856 = arith.subf %get3A_3845, %mul3A_3489 : vector<128x1xf32>
    %integer_pow3A_3857 = arith.mulf %sub3A_3856, %sub3A_3856 : vector<128x1xf32>
    %sub3A_3858 = arith.subf %get3A_3850, %mul3A_3492 : vector<128x1xf32>
    %integer_pow3A_3859 = arith.mulf %sub3A_3858, %sub3A_3858 : vector<128x1xf32>
    %add3A_3860 = arith.addf %integer_pow3A_3857, %integer_pow3A_3859 : vector<128x1xf32>
    %sub3A_3861 = arith.subf %get3A_3855, %mul3A_3495 : vector<128x1xf32>
    %integer_pow3A_3862 = arith.mulf %sub3A_3861, %sub3A_3861 : vector<128x1xf32>
    %add3A_3863 = arith.addf %add3A_3860, %integer_pow3A_3862 : vector<128x1xf32>
    %max3A_3864 = arith.maximumf %max3A_3840, %add3A_3863 : vector<128x1xf32>
    %get3A_3865 = arith.constant 0 : index
    %get3A_3866 = arith.constant 3968 : index
    %get3A_3867 = arith.constant 0 : index
    %get3A_3868 = vector.load %arg12[%get3A_3865, %get3A_3866, %get3A_3867] : memref<1x4096x3xf32, #tpu.memory_space<vmem>>, vector<1x128x1xf32>
    %get3A_3869 = vector.shape_cast %get3A_3868 : vector<1x128x1xf32> to vector<128x1xf32>
    %get3A_3870 = arith.constant 0 : index
    %get3A_3871 = arith.constant 3968 : index
    %get3A_3872 = arith.constant 1 : index
    %get3A_3873 = vector.load %arg12[%get3A_3870, %get3A_3871, %get3A_3872] : memref<1x4096x3xf32, #tpu.memory_space<vmem>>, vector<1x128x1xf32>
    %get3A_3874 = vector.shape_cast %get3A_3873 : vector<1x128x1xf32> to vector<128x1xf32>
    %get3A_3875 = arith.constant 0 : index
    %get3A_3876 = arith.constant 3968 : index
    %get3A_3877 = arith.constant 2 : index
    %get3A_3878 = vector.load %arg12[%get3A_3875, %get3A_3876, %get3A_3877] : memref<1x4096x3xf32, #tpu.memory_space<vmem>>, vector<1x128x1xf32>
    %get3A_3879 = vector.shape_cast %get3A_3878 : vector<1x128x1xf32> to vector<128x1xf32>
    %sub3A_3880 = arith.subf %get3A_3869, %mul3A_3489 : vector<128x1xf32>
    %integer_pow3A_3881 = arith.mulf %sub3A_3880, %sub3A_3880 : vector<128x1xf32>
    %sub3A_3882 = arith.subf %get3A_3874, %mul3A_3492 : vector<128x1xf32>
    %integer_pow3A_3883 = arith.mulf %sub3A_3882, %sub3A_3882 : vector<128x1xf32>
    %add3A_3884 = arith.addf %integer_pow3A_3881, %integer_pow3A_3883 : vector<128x1xf32>
    %sub3A_3885 = arith.subf %get3A_3879, %mul3A_3495 : vector<128x1xf32>
    %integer_pow3A_3886 = arith.mulf %sub3A_3885, %sub3A_3885 : vector<128x1xf32>
    %add3A_3887 = arith.addf %add3A_3884, %integer_pow3A_3886 : vector<128x1xf32>
    %max3A_3888 = arith.maximumf %max3A_3864, %add3A_3887 : vector<128x1xf32>
    %mul3A_3889 = arith.constant 1.000200e+00 : f32
    %mul3A_3890 = vector.broadcast %mul3A_3889 : f32 to vector<128x1xf32>
    %mul3A_3891 = arith.mulf %max3A_3888, %mul3A_3890 : vector<128x1xf32>
    %add3A_3892 = arith.constant 9.99999996E-13 : f32
    %add3A_3893 = vector.broadcast %add3A_3892 : f32 to vector<128x1xf32>
    %add3A_3894 = arith.addf %mul3A_3891, %add3A_3893 : vector<128x1xf32>
    %sqrt3A_3895 = math.sqrt %add3A_3894 : vector<128x1xf32>
    %mul3A_3896 = arith.constant 1.000100e+00 : f32
    %mul3A_3897 = vector.broadcast %mul3A_3896 : f32 to vector<128x1xf32>
    %mul3A_3898 = arith.mulf %sqrt3A_3895, %mul3A_3897 : vector<128x1xf32>
    %concatenate3A_3899 = tpu.concatenate %add3A_3483, %mul3A_3486, %add3A_3894, %mul3A_3898 in 1 : vector<128x1xf32>, vector<128x1xf32>, vector<128x1xf32>, vector<128x1xf32> -> vector<128x4xf32>
    %swap3A_3900 = arith.constant 0 : index
    %swap3A_3901 = arith.constant 0 : index
    %swap3A_3902 = arith.constant 0 : index
    %swap3A_3903 = vector.load %arg15[%swap3A_3900, %swap3A_3901, %swap3A_3902] : memref<1x128x4xf32, #tpu.memory_space<vmem>>, vector<1x128x4xf32>
    %swap3A_3904 = vector.shape_cast %swap3A_3903 : vector<1x128x4xf32> to vector<128x4xf32>
    %swap3A_3905 = vector.shape_cast %concatenate3A_3899 : vector<128x4xf32> to vector<1x128x4xf32>
    tpu.vector_store %arg15[%swap3A_3900, %swap3A_3901, %swap3A_3902], %swap3A_3905 {strides = array<i32>} : memref<1x128x4xf32, #tpu.memory_space<vmem>>, vector<1x128x4xf32>,
    return
  }
  func.func @transform_0(%arg0: i32) -> (i32, i32) {
    %c0_i32 = arith.constant 0 : i32
    %c0_i32_0 = arith.constant 0 : i32
    %c0_i32_1 = arith.constant 0 : i32
    return %c0_i32, %c0_i32_0 : i32, i32
  }
  func.func @transform_1(%arg0: i32) -> (i32, i32, i32) {
    %c0_i32 = arith.constant 0 : i32
    %c0_i32_0 = arith.constant 0 : i32
    %c0_i32_1 = arith.constant 0 : i32
    return %arg0, %c0_i32, %c0_i32_0 : i32, i32, i32
  }
  func.func @transform_2(%arg0: i32) -> (i32, i32) {
    %c0_i32 = arith.constant 0 : i32
    %c0_i32_0 = arith.constant 0 : i32
    %c0_i32_1 = arith.constant 0 : i32
    return %c0_i32, %c0_i32_0 : i32, i32
  }
  func.func @transform_3(%arg0: i32) -> (i32, i32) {
    %c0_i32 = arith.constant 0 : i32
    %c0_i32_0 = arith.constant 0 : i32
    %c0_i32_1 = arith.constant 0 : i32
    return %c0_i32, %c0_i32_0 : i32, i32
  }
  func.func @transform_4(%arg0: i32) -> (i32, i32) {
    %c0_i32 = arith.constant 0 : i32
    %c0_i32_0 = arith.constant 0 : i32
    %c0_i32_1 = arith.constant 0 : i32
    return %c0_i32, %c0_i32_0 : i32, i32
  }
  func.func @transform_5(%arg0: i32) -> (i32, i32) {
    %c0_i32 = arith.constant 0 : i32
    %c0_i32_0 = arith.constant 0 : i32
    %c0_i32_1 = arith.constant 0 : i32
    return %c0_i32, %c0_i32_0 : i32, i32
  }
  func.func @transform_6(%arg0: i32) -> (i32, i32) {
    %c0_i32 = arith.constant 0 : i32
    %c0_i32_0 = arith.constant 0 : i32
    %c0_i32_1 = arith.constant 0 : i32
    return %c0_i32, %c0_i32_0 : i32, i32
  }
  func.func @transform_7(%arg0: i32) -> (i32, i32) {
    %c0_i32 = arith.constant 0 : i32
    %c0_i32_0 = arith.constant 0 : i32
    %c0_i32_1 = arith.constant 0 : i32
    return %c0_i32, %c0_i32_0 : i32, i32
  }
  func.func @transform_8(%arg0: i32) -> (i32, i32) {
    %c0_i32 = arith.constant 0 : i32
    %c0_i32_0 = arith.constant 0 : i32
    %c0_i32_1 = arith.constant 0 : i32
    return %c0_i32, %c0_i32_0 : i32, i32
  }
  func.func @transform_9(%arg0: i32) -> (i32, i32) {
    %c0_i32 = arith.constant 0 : i32
    %c0_i32_0 = arith.constant 0 : i32
    %c0_i32_1 = arith.constant 0 : i32
    return %c0_i32, %c0_i32_0 : i32, i32
  }
  func.func @transform_10(%arg0: i32) -> (i32, i32) {
    %c0_i32 = arith.constant 0 : i32
    %c0_i32_0 = arith.constant 0 : i32
    %c0_i32_1 = arith.constant 0 : i32
    return %c0_i32, %c0_i32_0 : i32, i32
  }
  func.func @transform_11(%arg0: i32) -> (i32, i32, i32) {
    %c0_i32 = arith.constant 0 : i32
    %c0_i32_0 = arith.constant 0 : i32
    %c0_i32_1 = arith.constant 0 : i32
    return %arg0, %c0_i32, %c0_i32_0 : i32, i32, i32
  }
  func.func @transform_12(%arg0: i32) -> (i32, i32, i32) {
    %c0_i32 = arith.constant 0 : i32
    %c0_i32_0 = arith.constant 0 : i32
    %c0_i32_1 = arith.constant 0 : i32
    return %arg0, %c0_i32, %c0_i32_0 : i32, i32, i32
  }
  func.func @transform_13(%arg0: i32) -> (i32, i32, i32) {
    %c0_i32 = arith.constant 0 : i32
    %c0_i32_0 = arith.constant 0 : i32
    %c0_i32_1 = arith.constant 0 : i32
    return %arg0, %c0_i32, %c0_i32_0 : i32, i32, i32
  }
  func.func @transform_14(%arg0: i32) -> (i32, i32, i32) {
    %c0_i32 = arith.constant 0 : i32
    %c0_i32_0 = arith.constant 0 : i32
    %c0_i32_1 = arith.constant 0 : i32
    return %arg0, %c0_i32, %c0_i32_0 : i32, i32, i32
  }
}

</mosaic_0001>

<sc_bundles>
// kernel: gather_offload_async_start.1
scs
__scs_entry_jumppad:
0x0: {  	(pc) =	sbr.rel $0x88, $3  }
0x1: {  	(tag) =	ssettag $0x0;
	lr =	simm.s32 $0x1  }
0x2: {  	[smem:$0x3F97] =	sst lr;
	_ =	strace $0xD0000000  }
0x3: {  	_ = 	snop  }
0x4: {  	_ = 	snop  }
0x5: {  	_ = 	snop  }
0x6: {  	_ = 	snop  }
0x7: {  	_ = 	snop  }
__scs_overlays_trampoline_lowered:
0x8: {  	[smem:$0x3FA6] =	sst s0  }
0x9: {  	[smem:$0x3FA7] =	sst s1  }
0xa: {  	[smem:$0x3FA8] =	sst s2  }
0xb: {  	[smem:$0x3FA9] =	sst s3  }
0xc: {  	[smem:$0x3FAA] =	sst s4  }
0xd: {  	[smem:$0x3FAB] =	sst s5  }
0xe: {  	[smem:$0x3FAC] =	sst s6  }
0xf: {  	[smem:$0x3FAD] =	sst s7  }
0x10: {  	[smem:$0x3FAE] =	sst s8  }
0x11: {  	[smem:$0x3FAF] =	sst s9;
	s0 =	simm.s32 @!p0 $0x0  }
0x12: {  	s1 =	sld [smem:$0x3F95];
	s0 =	simm.s32 @p0 $0x1  }
0x13: {  	[smem:$0x3FB0] =	sst s0;
	s0 =	simm.s32 @!p1 $0x0  }
0x14: {  	s2 =	sld [smem:$0x3F94];
	s0 =	simm.s32 @p1 $0x1  }
0x15: {  	[smem:$0x3FB1] =	sst s0;
	s0 =	simm.s32 @!p2 $0x0  }
0x16: {  	s3 =	sld [smem:$0x3FDB];
	s0 =	simm.s32 @p2 $0x1  }
0x17: {  	s4 =	simm.s32 $0x1BF5;
	[smem:$0x3FB3] =	sst s0  }
0x18: {  	s0 =	sld [smem:$0x3F96];
	_ =	swait.ge [sflag:s4], $0x0  }
0x19: {  	s7 =	sld [smem:$0x3F97]  }
0x1a: {  	s8 =	sadd.s32 $0xFFFFE003, lr  }
0x1b: {  	s9 =	sadd.s32 $0xFFFFFEF7, lr;
	s5 =	simm.s32 $0xFFFFFFFF;
	p2 =	slt.u32 s8, $0xFFFFF086  }
0x1c: {  	p1 =	slt.u32 s9, $0xF7A;
	s5 =	simm.s32 @!p2 $0x0  }
0x1d: {  	s5 =	simm.s32 @p1 $0x1;
	p0 =	seq.s32 s7, s2  }
0x1e: {  	s7 =	smul.u32 @!p0 $0xF7A, s2;
	p2 =	seq.s32 @!p0 s5, $0x0  }
0x1f: {  	s9 =	smul.u32 $0xF7A, s1;
	s8 =	simm.s32 @!p0 $0x1BF5;
	p2 =	por !p2, p0  }
0x20: {  	[sflag:s8] =	ssyncset.s32 @!p0 $0xFFFFF086;
	s6 =	sadd.s32 @!p0 s3, s7;
	s7 =	simm.s32 @!p0 $0x108  }
0x21: {  	s3 =	sadd.s32 s3, s9;
	s6 =	sadd.s32 @!p0 $0x88, s6;
	s7 =	simm.s32 @p2 $0x1082  }
0x22: {  	[simem:s7], [sflag:s8] =	dma.local @!p0 [hbm:s6], $0xF7A  }
0x23: {  	s9 =	sor.u32 $0xD0000000, s2;
	s6 =	simm.s32 $0x108;
	_ =	swait.ge @!p0 [sflag:s8], $0x0  }
0x24: {  	s3 =	sadd.s32 $0x88, s3;
	s6 =	simm.s32 @!p1 $0x1082;
	[sflag:s4] =	ssyncset.s32 $0xFFFFF086  }
0x25: {  	[simem:s6], [sflag:s4] =	dma.local [hbm:s3], $0xF7A  }
0x26: {  	[smem:$0x3F97] =	sst s1;
	(tag) =	ssettag s2;
	_ =	strace s9  }
0x27: {  	s1 =	sld [smem:$0x3FA7]  }
0x28: {  	s2 =	sld [smem:$0x3FA8]  }
0x29: {  	s4 =	sld [smem:$0x3FAA]  }
0x2a: {  	p0 =	seq.s32 s5, $0x0;
	s5 =	sld [smem:$0x3FAB]  }
0x2b: {  	s6 =	sld [smem:$0x3FAC]  }
0x2c: {  	s7 =	sld [smem:$0x3FAD]  }
0x2d: {  	s3 =	simm.s32 $0x108;
	s8 =	sld [smem:$0x3FAE]  }
0x2e: {  	s3 =	simm.s32 @!p0 $0x1082;
	s9 =	sld [smem:$0x3FAF]  }
0x2f: {  	lr =	sadd.s32 s0, s3;
	s0 =	sld [smem:$0x3FA6]  }
0x30: {  	s3 =	sld [smem:$0x3FA9]  }
0x31: {  	[smem:$0x3FB2] =	sst s10  }
0x32: {  	s10 =	sld [smem:$0x3FB0];
	_ =	sdelay $0x3  }
0x33: {  	p0 =	seq.s32 s10, $0x1;
	s10 =	sld [smem:$0x3FB2];
	_ =	sdelay $0x3  }
0x34: {  	[smem:$0x3FB2] =	sst s10  }
0x35: {  	s10 =	sld [smem:$0x3FB1];
	_ =	sdelay $0x3  }
0x36: {  	p1 =	seq.s32 s10, $0x1;
	s10 =	sld [smem:$0x3FB2];
	_ =	sdelay $0x3  }
0x37: {  	[smem:$0x3FB2] =	sst s10  }
0x38: {  	s10 =	sld [smem:$0x3FB3]  }
0x39: {  	_ = 	snop;
	(pc) =	sbr.ind lr, $3  }
0x3a: {  	_ = 	snop  }
0x3b: {  	_ = 	snop  }
0x3c: {  	p2 =	seq.s32 s10, $0x1;
	s10 =	sld [smem:$0x3FB2]  }
0x3d: {  	_ =	shalt  }
0x3e: {  	_ =	shalt  }
0x3f: {  	_ =	shalt  }
0x40: {  	_ =	shalt  }
0x41: {  	_ =	shalt  }
0x42: {  	_ =	shalt  }
0x43: {  	_ =	shalt  }
0x44: {  	_ =	shalt  }
0x45: {  	_ =	shalt  }
0x46: {  	_ =	shalt  }
0x47: {  	_ =	shalt  }
0x48: {  	_ =	shalt  }
0x49: {  	_ =	shalt  }
0x4a: {  	_ =	shalt  }
0x4b: {  	_ =	shalt  }
0x4c: {  	_ =	shalt  }
0x4d: {  	_ =	shalt  }
0x4e: {  	_ =	shalt  }
0x4f: {  	_ =	shalt  }
0x50: {  	_ =	shalt  }
0x51: {  	_ =	shalt  }
0x52: {  	_ =	shalt  }
0x53: {  	_ =	shalt  }
0x54: {  	_ =	shalt  }
0x55: {  	_ =	shalt  }
0x56: {  	_ =	shalt  }
0x57: {  	_ =	shalt  }
0x58: {  	_ =	shalt  }
0x59: {  	_ =	shalt  }
0x5a: {  	_ =	shalt  }
0x5b: {  	_ =	shalt  }
0x5c: {  	_ =	shalt  }
0x5d: {  	_ =	shalt  }
0x5e: {  	_ =	shalt  }
0x5f: {  	_ =	shalt  }
0x60: {  	_ =	shalt  }
0x61: {  	_ =	shalt  }
0x62: {  	_ =	shalt  }
0x63: {  	_ =	shalt  }
0x64: {  	_ =	shalt  }
0x65: {  	_ =	shalt  }
0x66: {  	_ =	shalt  }
0x67: {  	_ =	shalt  }
0x68: {  	_ =	shalt  }
0x69: {  	_ =	shalt  }
0x6a: {  	_ =	shalt  }
0x6b: {  	_ =	shalt  }
0x6c: {  	_ =	shalt  }
0x6d: {  	_ =	shalt  }
0x6e: {  	_ =	shalt  }
0x6f: {  	_ =	shalt  }
0x70: {  	_ =	shalt  }
0x71: {  	_ =	shalt  }
0x72: {  	_ =	shalt  }
0x73: {  	_ =	shalt  }
0x74: {  	_ =	shalt  }
0x75: {  	_ =	shalt  }
0x76: {  	_ =	shalt  }
0x77: {  	_ =	shalt  }
0x78: {  	_ =	shalt  }
0x79: {  	_ =	shalt  }
0x7a: {  	_ =	shalt  }
0x7b: {  	_ =	shalt  }
0x7c: {  	_ =	shalt  }
0x7d: {  	_ =	shalt  }
0x7e: {  	_ =	shalt  }
0x7f: {  	_ =	shalt  }
0x80: {  	_ =	shalt  }
0x81: {  	_ =	shalt  }
0x82: {  	_ =	shalt  }
0x83: {  	_ =	shalt  }
0x84: {  	_ =	shalt  }
0x85: {  	_ =	shalt  }
0x86: {  	_ =	shalt  }
0x87: {  	_ =	shalt  }
.Lfunc_end0:
.L_simem_size_0:
called_computation.1_lowered:
.L_overlay_start_0:
0x88: {  	s2 =	sld [smem:$0x3FD9]  }
0x89: {  	s3 =	sld [smem:$0x3FFE];
	_ =	sdelay $0x1  }
0x8a: {  	s1 =	srdreg.scid  }
0x8b: {  	s0 =	sand.u32 $0x1, s1  }
0x8c: {  	s16 =	sshll.u32 s0, $0xA;
	s2 =	sadd.s32 s3, s2  }
0x8d: {  	s2 =	sadd.s32 s2, s16  }
0x8e: {  	[smem:$0x3FBE] =	sst s2  }
0x8f: {  	_ = 	snop  }
0x90: {  	(tm) =	ssettm $0x1  }
0x91: {  	s17 =	sld [smem:$0x3FFB];
	_ =	sdelay $0x3  }
0x92: {  	_ =	strace s17  }
0x93: {  	s2 =	sld [smem:$0x3FFC];
	_ =	sdelay $0x3  }
0x94: {  	_ =	strace s2  }
0x95: {  	s2 =	sld [smem:$0x3FFD];
	_ =	sdelay $0x3  }
0x96: {  	_ =	strace s2  }
0x97: {  	_ =	strace $0x8FFFFFFF  }
0x98: {  	s18 =	sld [smem:$0x3FDB];
	_ =	sdelay $0x1  }
0x99: {  	s19 =	simm.s32 $_scs_section_size  }
0x9a: {  	s4 =	simm.s32 $_size__tile_overlayer_lowered;
	s5 =	simm.s32 $_tile_overlayer_lowered  }
0x9b: {  	s22 =	simm.s32 $0x1BFF;
	s21 =	sshll.u32 s5, $0x1;
	s2 =	sadd.s32 s19, s18  }
0x9c: {  	s6 =	simm.s32 $0x0;
	s20 =	sshll.u32 s4, $0x1;
	s4 =	sadd.s32 s21, s2  }
0x9d: {  	[timem:s6], [sflag:s22] =	dma.local [hbm:s4], s20  }
0x9e: {  	_ =	swait.ge [sflag:s22], s20  }
0x9f: {  	s3 =	ssub.s32 $0x0, s20;
	[sflag:s22] =	ssyncset.done $0x0  }
0xa0: {  	[sflag:s22] =	ssyncadd.s32 s3;
	_ =	sdelay $0x1  }
0xa1: {  	s23 =	simm.s32 $0x1B8B  }
0xa2: {  	_ =	swait.ge [sflag:s23], $0x1  }
0xa3: {  	[sflag:s23] =	ssyncset.done $0x0  }
0xa4: {  	s25 =	simm.s32 $0x1B8E;
	s24 =	sld [smem:$0x3FFE];
	[sflag:s23] =	ssyncadd.s32 $0xFFFFFFFF  }
0xa5: {  	s26 =	simm.s32 $execute0_lowered;
	[smem:$0x3FD2] =	sst s25  }
0xa6: {  	s4 =	sshll.u32 s26, $0x1;
	_ =	strace $0x80000049;
	[dreg:$0x1] =	wrdreg $0xFFFFFFFF  }
0xa7: {  	s28 =	simm.s32 $_size_execute0_lowered;
	s2 =	sadd.s32 s2, s4;
	[dreg:$0x0] =	wrdreg $0x0  }
0xa8: {  	s4 =	sshll.u32 s28, $0x1;
	[dreg:$0x2] =	wrdreg s2  }
0xa9: {  	[dreg:$0x3] =	wrdreg s4  }
0xaa: {  	[dreg:$0x4] =	wrdreg $0xC0  }
0xab: {  	_ =	task [dreg:s6], $0x5FFFF  }
0xac: {  	[dreg:$0x1] =	wrdreg $0xFFFFFFFF  }
0xad: {  	[dreg:$0x0] =	wrdreg $0x60  }
0xae: {  	[dreg:$0x2] =	wrdreg s24  }
0xaf: {  	[dreg:$0x3] =	wrdreg $0x9  }
0xb0: {  	_ =	task.clear_ibuf [dreg:s6], $0x4FFFF;
	_ =	strace $0x90000049  }
0xb1: {  	s29 =	simm.s32 $0x9;
	_ =	strace $0x8000004B  }
0xb2: {  	_ =	swait.ge [sflag:s29], $0x1  }
0xb3: {  	[sflag:s29] =	ssyncadd.s32 $0xFFFFFFFF  }
0xb4: {  	_ =	strace $0x9000004B  }
0xb5: {  	_ =	sfence  }
0xb6: {  	s30 =	sld [smem:$0x0];
	_ =	sdelay $0x2  }
0xb7: {  	s31 =	sshll.u32 s1, $0xD;
	s1 =	sshrl.u32 s1, $0x2  }
0xb8: {  	s3 =	sand.u32 $0x4000, s31;
	s1 =	sadd.s32 s1, s30  }
0xb9: {  	s0 =	sor.u32 s3, s0;
	s1 =	sshll.u32 s1, $0x11  }
0xba: {  	s0 =	sor.u32 s1, s0  }
0xbb: {  	s0 =	sadd.s32 $0x8F2B, s0  }
0xbc: {  	[sflag:s0] =	ssyncadd.remote.s32 $0x1  }
0xbd: {  	_ =	sfence.sel $0xFFFF  }
0xbe: {  	[dreg:$0x0] =	wrdreg $0xFFFFFFFF;
	(pc) =	sbr.abs _section_cstart, $3  }
0xbf: {  	[dreg:$0x1] =	wrdreg $0xFFFFFFFF  }
0xc0: {  	_ =	task.clear_ibuf [dreg:s6], $0x2FFFF;
	_ =	strace $0x9FFFFFFF  }
0xc1: {  	(tm) =	ssettm $0x7FFFFFFF  }
tec
execute0_lowered:
.L_overlay_start_1:
0x0: {  	(tag) =	ssettag $0x1  }
0x1: {  	s2 =	rddreg [dreg:$0x0]  }
0x2: {  	s0 =	rddreg [dreg:$0x1]  }
0x3: {  	s1 =	srdreg.scid;
	_ =	strace $0x8000004A;
	s4 =	simm.s32 $0x1  }
0x4: {  	s9 =	simm.s32 $0x3;
	s11 =	simm.s32 $0x0;
	s5 =	sshll.u32 s1, $0x4  }
.Ltmp0:
0x5: {  	s1 =	stileid.u32;
	s5 =	sand.u32 $0x10, s5;
	(pc) =	sbr.rel .LBB2_1-.Ltmp0, $4  }
0x6: {  	p0 =	por $0x0, $0x0;
	s3 =	sadd.s32 $0x42200, s2;
	s6 =	sor.u32 s1, s5  }
0x7: {  	[sflag:s4] =	ssyncpa.u1 $0x0;
	s5 =	simm.s32 $0x2;
	s6 =	sshll.u32 s6, $0x9  }
0x8: {  	s7 =	sadd.s32 $0x42A00, s2;
	[sflag:s5] =	ssyncpa.u1 $0x0;
	s8 =	sadd.s32 $0x200, s6  }
0x9: {  	vm0 =	vmmov $0xff;
	vm1 =	vcmask $0x3F20;
	[sflag:s9] =	ssyncpa.u1 $0x0;
	s10 =	smov.u32 s6;
	s9 =	simm.s32 $0x0  }
.LBB2_7:
0xa: {  	p1 =	slt.u32 s9, $0x2;
	s11 =	sadd.s32 $0x100, s10  }
0xb: {  	s13 =	smov.u32 s6;
	s9 =	sadd.s32 $0x1, s9;
	p2 =	slt.s32 s11, s8  }
0xc: {  	s13 =	smov.u32 @p2 s11;
	p2 =	sne.s32 s9, $0x4  }
.Ltmp1:
0xd: {  	_ = 	snop;
	(pc) =	sbr.rel @!p2 .LBB2_8-.Ltmp1, $4  }
0xe: {  	s12 =	simm.s32 @!p1 $0x3  }
0xf: {  	_ =	swait.ge @!p1 [sflag:s12], $0x8000  }
0x10: {  	p0 =	por !p0, !p0;
	[sflag:s12] =	ssyncset.done @!p1 $0x0  }
0x11: {  	s11 =	smov.u32 s10;
	s10 =	smov.u32 s13;
	[sflag:s12] =	ssyncadd.s32 @!p1 $0xFFFF8000  }
.LBB2_1:
0x12: {  	p1 =	sgt.u32 s9, $0x1  }
0x13: {  	s12 =	sshll.u32 @!p1 s9, $0x8;
	s13 =	sshrl.u32 @!p1 s10, $0x3  }
0x14: {  	s14 =	sand.u32 @!p1 $0x7, s10;
	s12 =	sxor.u32 @!p1 $0x100, s12;
	s13 =	sadd.s32 @!p1 s3, s13  }
0x15: {  	[tilespmem:s12], [sflag:$0x2] =	stream.linear.gather @!p1 [hbm4b:s13+s14], $0x100, $0x38;
	[tilespmem:$0x10200] =	vst v63  }
0x16: {  	p1 =	seq.s32 s9, $0x0  }
0x17: {  	p2 =	seq.s32 @!p1 s9, $0x3  }
0x18: {  	p1 =	por p1, p2  }
.Ltmp2:
0x19: {  	_ = 	snop;
	(pc) =	sbr.rel @p1 .LBB2_7-.Ltmp2, $1  }
0x1a: {  	_ =	sdelay $0x3  }
0x1b: {  	s12 =	simm.s32 $0x1  }
0x1c: {  	_ =	swait.ge [sflag:s5], $0x100;
	s12 =	simm.s32 @!p0 $0x0  }
0x1d: {  	[sflag:s5] =	ssyncset.done $0x0;
	s14 =	sshll.u32 s12, $0x8  }
0x1e: {  	[sflag:s5] =	ssyncadd.s32 $0xFFFFFF00;
	s13 =	sadd.s32 $0x0, s14  }
0x1f: {  	v0 =	vld.msk [tilespmem:s13+$0x0 ss:$0x1], $0xffff;
	_ =	sdelay $0x4  }
0x20: {  	vm2 =	veq.s32 v0, $0x80000000  }
0x21: {  	v1 =	vshll.u32 v0, $0x13;
	v2 =	vshll.u32 v0, $0xD;
	v0 =	vshll.u32 v0, $0x1  }
0x22: {  	v1 =	vand.u32 $0x180000, v1;
	v2 =	vand.u32 $0x78000, v2;
	v0 =	vand.u32 $0x7F80, v0  }
0x23: {  	v1 =	vor.u32 v2, v1;
	v0 =	vsel vm2, $0xFFFFFF80, v0  }
0x24: {  	v1 =	vsel vm2, $0xFFF78000, v1;
	v2 =	vand.u32 $0xFFFFFC00, v0  }
0x25: {  	v0 =	vand.u32 $0x380, v0;
	v1 =	vadd.s32 v2, v1  }
0x26: {  	v0 =	vor.u32 v0, v1  }
0x27: {  	v0 =	vshrl.u32 v0, $0x3;
	_ =	sdelay $0x2  }
0x28: {  	s12 =	sshll.u32 s12, $0xF  }
0x29: {  	s12 =	sor.u32 $0x200, s12  }
0x2a: {  	[tilespmem:s12], [sflag:$0x1] =	stream.indirect_vreg.gather [hbm:s2], $0x80, v0, vm0, $0x38;
	[tilespmem:$0x10200] =	vst v63  }
0x2b: {  	s15 =	sadd.s32 $0x10, s14;
	s13 =	sadd.s32 $0x400, s12  }
0x2c: {  	[tilespmem:s13], [sflag:$0x1] =	stream.indirect_vreg.gather [hbm:s2], $0x80, v0, vm1, $0x38;
	[tilespmem:$0x10200] =	vst v63  }
0x2d: {  	s16 =	simm.s32 $0x80;
	v0 =	vld.msk [tilespmem:s15+$0x0 ss:$0x1], $0xffff;
	s15 =	smov.u32 s12  }
.LBB2_3:
0x2e: {  	p1 =	sne.s32 s16, $0x3C0;
	_ =	sdelay $0x4  }
0x2f: {  	vm2 =	veq.s32 v0, $0x80000000  }
0x30: {  	v1 =	vshll.u32 v0, $0x13;
	v2 =	vshll.u32 v0, $0xD;
	v0 =	vshll.u32 v0, $0x1  }
0x31: {  	v1 =	vand.u32 $0x180000, v1;
	v2 =	vand.u32 $0x78000, v2;
	v0 =	vand.u32 $0x7F80, v0  }
0x32: {  	v1 =	vor.u32 v2, v1;
	v0 =	vsel vm2, $0xFFFFFF80, v0  }
0x33: {  	v1 =	vsel vm2, $0xFFF78000, v1;
	v2 =	vand.u32 $0xFFFFFC00, v0  }
0x34: {  	v0 =	vand.u32 $0x380, v0;
	v1 =	vadd.s32 v2, v1  }
0x35: {  	v0 =	vor.u32 v0, v1  }
0x36: {  	v0 =	vshrl.u32 v0, $0x3;
	_ =	sdelay $0x3  }
.Ltmp3:
0x37: {  	s17 =	sshra.s32 s16, $0x2;
	s15 =	sadd.s32 $0x800, s15;
	(pc) =	sbr.rel @p1 .LBB2_3-.Ltmp3, $4  }
0x38: {  	[tilespmem:s15], [sflag:$0x1] =	stream.indirect_vreg.gather [hbm:s2], $0x80, v0, vm0, $0x38;
	[tilespmem:$0x10200] =	vst v63  }
0x39: {  	s17 =	sadd.s32 s17, s14;
	s18 =	sadd.s32 $0x400, s15  }
0x3a: {  	[tilespmem:s18], [sflag:$0x1] =	stream.indirect_vreg.gather [hbm:s2], $0x80, v0, vm1, $0x38;
	[tilespmem:$0x10200] =	vst v63  }
0x3b: {  	s16 =	sadd.s32 $0x40, s16;
	v0 =	vld.msk [tilespmem:s17+$0x0 ss:$0x1], $0xffff  }
0x3c: {  	_ =	sdelay $0x3  }
0x3d: {  	vm2 =	veq.s32 v0, $0x80000000  }
0x3e: {  	v1 =	vshll.u32 v0, $0x13;
	v2 =	vshll.u32 v0, $0xD;
	v62 =	vshll.u32 v0, $0x1  }
0x3f: {  	v1 =	vand.u32 $0x180000, v1;
	v2 =	vand.u32 $0x78000, v2;
	v0 =	vand.u32 $0x7F80, v62  }
0x40: {  	v1 =	vor.u32 v2, v1;
	v0 =	vsel vm2, $0xFFFFFF80, v0  }
0x41: {  	v1 =	vsel vm2, $0xFFF78000, v1;
	v63 =	vand.u32 $0xFFFFFC00, v0  }
0x42: {  	v0 =	vand.u32 $0x380, v0;
	v1 =	vadd.s32 v63, v1  }
0x43: {  	v0 =	vor.u32 v0, v1  }
0x44: {  	v0 =	vshrl.u32 v0, $0x3;
	_ =	sdelay $0x3  }
0x45: {  	s14 =	sadd.s32 $0x800, s15  }
0x46: {  	[tilespmem:s14], [sflag:$0x1] =	stream.indirect_vreg.gather [hbm:s2], $0x80, v0, vm0, $0x38;
	[tilespmem:$0x10200] =	vst v63  }
0x47: {  	s14 =	sadd.s32 $0x400, s14  }
0x48: {  	[tilespmem:s14], [sflag:$0x1] =	stream.indirect_vreg.gather [hbm:s2], $0x80, v0, vm1, $0x38;
	[tilespmem:$0x10200] =	vst v63  }
0x49: {  	s11 =	sshll.u32 s11, $0x4;
	_ =	swait.ge [sflag:s4], $0x8000  }
0x4a: {  	s11 =	sadd.s32 s11, s7;
	[sflag:s4] =	ssyncset.done $0x0  }
0x4b: {  	s15 =	sadd.s32 $0x0, s11;
	s14 =	simm.s32 $0x80;
	[sflag:s4] =	ssyncadd.s32 $0xFFFF8000  }
.LBB2_5:
0x4c: {  	[hbm:s15] =	stream.linear.scatter [tilespmem:s12], [sflag:$0x3], $0x400, $0x38;
	[tilespmem:$0x10200] =	vst v63  }
0x4d: {  	s15 =	smov.u32 s14;
	s12 =	smov.u32 s13;
	p1 =	sne.s32 s14, $0xF80  }
.Ltmp4:
0x4e: {  	s14 =	sadd.s32 $0x80, s14;
	(pc) =	sbr.rel @p1 .LBB2_5-.Ltmp4, $2  }
0x4f: {  	_ =	sdelay $0x2  }
0x50: {  	s13 =	sadd.s32 $0x400, s13;
	s15 =	sadd.s32 s15, s11  }
.Ltmp5:
0x51: {  	(pc) =	sbr.rel .LBB2_7-.Ltmp5, $2  }
0x52: {  	_ =	sdelay $0x2  }
0x53: {  	[hbm:s15] =	stream.linear.scatter [tilespmem:s12], [sflag:$0x3], $0x400, $0x38;
	[tilespmem:$0x10200] =	vst v63  }
.LBB2_8:
0x54: {  	_ =	sfence.sel $0x180000  }
0x55: {  	s2 =	simm.s32 $0x2;
	[bflag:$0x0] =	sbarrier.arrive $0xFFFF  }
0x56: {  	s30 =	simm.s32 $0x3;
	[sflag:s2] =	ssyncpa.u1 $0x1  }
0x57: {  	s31 =	simm.s32 $0x1;
	[sflag:s30] =	ssyncpa.u1 $0x1  }
0x58: {  	[sflag:s31] =	ssyncpa.u1 $0x1  }
0x59: {  	p0 =	sne.s32 s1, $0x0;
	_ =	strace $0x9000004A  }
0x5a: {  	s0 =	sadd.s32 @!p0 $0x100000, s0;
	[bflag:$0x2] =	sbarrier.arrive $0xFFFF  }
0x5b: {  	[sflag:s0] =	ssyncadd.tile.s32 @!p0 $0x1;
	_ =	shalt  }
.Lfunc_end2:
_tile_overlayer_lowered:
.L_overlay_start_2:
0x5c: {  	(tag) =	ssettag $0x2  }
0x5d: {  	s0 =	rddreg [dreg:$0x0];
	s2 =	stileid.u32  }
0x5e: {  	s1 =	rddreg [dreg:$0x1];
	p0 =	sne.s32 s2, $0x0  }
0x5f: {  	s3 =	rddreg [dreg:$0x2];
	[bflag:$0x3] =	sbarrier.arrive $0xFFFF;
	s2 =	simm.s32 @!p0 $0x1C01  }
0x60: {  	[timem:s3], [sflag:s2] =	dma.local @!p0 [hbm:s0], s1  }
0x61: {  	s0 =	simm.s32 @!p0 $0x1  }
0x62: {  	_ =	swait.ge @!p0 [sflag:s0], s1  }
0x63: {  	s1 =	ssub.s32 @!p0 $0x0, s1;
	[sflag:s0] =	ssyncset.done @!p0 $0x0  }
0x64: {  	[sflag:s0] =	ssyncadd.s32 @!p0 s1  }
0x65: {  	[bflag:$0x3] =	sbarrier.arrive $0xFFFF  }
0x66: {  	_ =	shalt  }

// kernel: gather_offload_async_start.2
scs
__scs_entry_jumppad:
0x0: {  	(pc) =	sbr.rel $0x88, $3  }
0x1: {  	(tag) =	ssettag $0x0;
	lr =	simm.s32 $0x1  }
0x2: {  	[smem:$0x3F97] =	sst lr;
	_ =	strace $0xD0000000  }
0x3: {  	_ = 	snop  }
0x4: {  	_ = 	snop  }
0x5: {  	_ = 	snop  }
0x6: {  	_ = 	snop  }
0x7: {  	_ = 	snop  }
__scs_overlays_trampoline_lowered:
0x8: {  	[smem:$0x3FA6] =	sst s0  }
0x9: {  	[smem:$0x3FA7] =	sst s1  }
0xa: {  	[smem:$0x3FA8] =	sst s2  }
0xb: {  	[smem:$0x3FA9] =	sst s3  }
0xc: {  	[smem:$0x3FAA] =	sst s4  }
0xd: {  	[smem:$0x3FAB] =	sst s5  }
0xe: {  	[smem:$0x3FAC] =	sst s6  }
0xf: {  	[smem:$0x3FAD] =	sst s7  }
0x10: {  	[smem:$0x3FAE] =	sst s8  }
0x11: {  	[smem:$0x3FAF] =	sst s9;
	s0 =	simm.s32 @!p0 $0x0  }
0x12: {  	s1 =	sld [smem:$0x3F95];
	s0 =	simm.s32 @p0 $0x1  }
0x13: {  	[smem:$0x3FB0] =	sst s0;
	s0 =	simm.s32 @!p1 $0x0  }
0x14: {  	s2 =	sld [smem:$0x3F94];
	s0 =	simm.s32 @p1 $0x1  }
0x15: {  	[smem:$0x3FB1] =	sst s0;
	s0 =	simm.s32 @!p2 $0x0  }
0x16: {  	s3 =	sld [smem:$0x3FDB];
	s0 =	simm.s32 @p2 $0x1  }
0x17: {  	s4 =	simm.s32 $0x1BF5;
	[smem:$0x3FB3] =	sst s0  }
0x18: {  	s0 =	sld [smem:$0x3F96];
	_ =	swait.ge [sflag:s4], $0x0  }
0x19: {  	s7 =	sld [smem:$0x3F97]  }
0x1a: {  	s8 =	sadd.s32 $0xFFFFE003, lr  }
0x1b: {  	s9 =	sadd.s32 $0xFFFFFEF7, lr;
	s5 =	simm.s32 $0xFFFFFFFF;
	p2 =	slt.u32 s8, $0xFFFFF086  }
0x1c: {  	p1 =	slt.u32 s9, $0xF7A;
	s5 =	simm.s32 @!p2 $0x0  }
0x1d: {  	s5 =	simm.s32 @p1 $0x1;
	p0 =	seq.s32 s7, s2  }
0x1e: {  	s7 =	smul.u32 @!p0 $0xF7A, s2;
	p2 =	seq.s32 @!p0 s5, $0x0  }
0x1f: {  	s9 =	smul.u32 $0xF7A, s1;
	s8 =	simm.s32 @!p0 $0x1BF5;
	p2 =	por !p2, p0  }
0x20: {  	[sflag:s8] =	ssyncset.s32 @!p0 $0xFFFFF086;
	s6 =	sadd.s32 @!p0 s3, s7;
	s7 =	simm.s32 @!p0 $0x108  }
0x21: {  	s3 =	sadd.s32 s3, s9;
	s6 =	sadd.s32 @!p0 $0x88, s6;
	s7 =	simm.s32 @p2 $0x1082  }
0x22: {  	[simem:s7], [sflag:s8] =	dma.local @!p0 [hbm:s6], $0xF7A  }
0x23: {  	s9 =	sor.u32 $0xD0000000, s2;
	s6 =	simm.s32 $0x108;
	_ =	swait.ge @!p0 [sflag:s8], $0x0  }
0x24: {  	s3 =	sadd.s32 $0x88, s3;
	s6 =	simm.s32 @!p1 $0x1082;
	[sflag:s4] =	ssyncset.s32 $0xFFFFF086  }
0x25: {  	[simem:s6], [sflag:s4] =	dma.local [hbm:s3], $0xF7A  }
0x26: {  	[smem:$0x3F97] =	sst s1;
	(tag) =	ssettag s2;
	_ =	strace s9  }
0x27: {  	s1 =	sld [smem:$0x3FA7]  }
0x28: {  	s2 =	sld [smem:$0x3FA8]  }
0x29: {  	s4 =	sld [smem:$0x3FAA]  }
0x2a: {  	p0 =	seq.s32 s5, $0x0;
	s5 =	sld [smem:$0x3FAB]  }
0x2b: {  	s6 =	sld [smem:$0x3FAC]  }
0x2c: {  	s7 =	sld [smem:$0x3FAD]  }
0x2d: {  	s3 =	simm.s32 $0x108;
	s8 =	sld [smem:$0x3FAE]  }
0x2e: {  	s3 =	simm.s32 @!p0 $0x1082;
	s9 =	sld [smem:$0x3FAF]  }
0x2f: {  	lr =	sadd.s32 s0, s3;
	s0 =	sld [smem:$0x3FA6]  }
0x30: {  	s3 =	sld [smem:$0x3FA9]  }
0x31: {  	[smem:$0x3FB2] =	sst s10  }
0x32: {  	s10 =	sld [smem:$0x3FB0];
	_ =	sdelay $0x3  }
0x33: {  	p0 =	seq.s32 s10, $0x1;
	s10 =	sld [smem:$0x3FB2];
	_ =	sdelay $0x3  }
0x34: {  	[smem:$0x3FB2] =	sst s10  }
0x35: {  	s10 =	sld [smem:$0x3FB1];
	_ =	sdelay $0x3  }
0x36: {  	p1 =	seq.s32 s10, $0x1;
	s10 =	sld [smem:$0x3FB2];
	_ =	sdelay $0x3  }
0x37: {  	[smem:$0x3FB2] =	sst s10  }
0x38: {  	s10 =	sld [smem:$0x3FB3]  }
0x39: {  	_ = 	snop;
	(pc) =	sbr.ind lr, $3  }
0x3a: {  	_ = 	snop  }
0x3b: {  	_ = 	snop  }
0x3c: {  	p2 =	seq.s32 s10, $0x1;
	s10 =	sld [smem:$0x3FB2]  }
0x3d: {  	_ =	shalt  }
0x3e: {  	_ =	shalt  }
0x3f: {  	_ =	shalt  }
0x40: {  	_ =	shalt  }
0x41: {  	_ =	shalt  }
0x42: {  	_ =	shalt  }
0x43: {  	_ =	shalt  }
0x44: {  	_ =	shalt  }
0x45: {  	_ =	shalt  }
0x46: {  	_ =	shalt  }
0x47: {  	_ =	shalt  }
0x48: {  	_ =	shalt  }
0x49: {  	_ =	shalt  }
0x4a: {  	_ =	shalt  }
0x4b: {  	_ =	shalt  }
0x4c: {  	_ =	shalt  }
0x4d: {  	_ =	shalt  }
0x4e: {  	_ =	shalt  }
0x4f: {  	_ =	shalt  }
0x50: {  	_ =	shalt  }
0x51: {  	_ =	shalt  }
0x52: {  	_ =	shalt  }
0x53: {  	_ =	shalt  }
0x54: {  	_ =	shalt  }
0x55: {  	_ =	shalt  }
0x56: {  	_ =	shalt  }
0x57: {  	_ =	shalt  }
0x58: {  	_ =	shalt  }
0x59: {  	_ =	shalt  }
0x5a: {  	_ =	shalt  }
0x5b: {  	_ =	shalt  }
0x5c: {  	_ =	shalt  }
0x5d: {  	_ =	shalt  }
0x5e: {  	_ =	shalt  }
0x5f: {  	_ =	shalt  }
0x60: {  	_ =	shalt  }
0x61: {  	_ =	shalt  }
0x62: {  	_ =	shalt  }
0x63: {  	_ =	shalt  }
0x64: {  	_ =	shalt  }
0x65: {  	_ =	shalt  }
0x66: {  	_ =	shalt  }
0x67: {  	_ =	shalt  }
0x68: {  	_ =	shalt  }
0x69: {  	_ =	shalt  }
0x6a: {  	_ =	shalt  }
0x6b: {  	_ =	shalt  }
0x6c: {  	_ =	shalt  }
0x6d: {  	_ =	shalt  }
0x6e: {  	_ =	shalt  }
0x6f: {  	_ =	shalt  }
0x70: {  	_ =	shalt  }
0x71: {  	_ =	shalt  }
0x72: {  	_ =	shalt  }
0x73: {  	_ =	shalt  }
0x74: {  	_ =	shalt  }
0x75: {  	_ =	shalt  }
0x76: {  	_ =	shalt  }
0x77: {  	_ =	shalt  }
0x78: {  	_ =	shalt  }
0x79: {  	_ =	shalt  }
0x7a: {  	_ =	shalt  }
0x7b: {  	_ =	shalt  }
0x7c: {  	_ =	shalt  }
0x7d: {  	_ =	shalt  }
0x7e: {  	_ =	shalt  }
0x7f: {  	_ =	shalt  }
0x80: {  	_ =	shalt  }
0x81: {  	_ =	shalt  }
0x82: {  	_ =	shalt  }
0x83: {  	_ =	shalt  }
0x84: {  	_ =	shalt  }
0x85: {  	_ =	shalt  }
0x86: {  	_ =	shalt  }
0x87: {  	_ =	shalt  }
.Lfunc_end0:
.L_simem_size_0:
called_computation.2_lowered:
.L_overlay_start_0:
0x88: {  	s2 =	sld [smem:$0x3FD9]  }
0x89: {  	s3 =	sld [smem:$0x3FFE];
	_ =	sdelay $0x1  }
0x8a: {  	s1 =	srdreg.scid  }
0x8b: {  	s0 =	sand.u32 $0x1, s1  }
0x8c: {  	s16 =	sshll.u32 s0, $0xA;
	s2 =	sadd.s32 s3, s2  }
0x8d: {  	s2 =	sadd.s32 s2, s16  }
0x8e: {  	[smem:$0x3FBE] =	sst s2  }
0x8f: {  	_ = 	snop  }
0x90: {  	(tm) =	ssettm $0x1  }
0x91: {  	s17 =	sld [smem:$0x3FFB];
	_ =	sdelay $0x3  }
0x92: {  	_ =	strace s17  }
0x93: {  	s2 =	sld [smem:$0x3FFC];
	_ =	sdelay $0x3  }
0x94: {  	_ =	strace s2  }
0x95: {  	s2 =	sld [smem:$0x3FFD];
	_ =	sdelay $0x3  }
0x96: {  	_ =	strace s2  }
0x97: {  	_ =	strace $0x8FFFFFFF  }
0x98: {  	s18 =	sld [smem:$0x3FDB];
	_ =	sdelay $0x1  }
0x99: {  	s19 =	simm.s32 $_scs_section_size  }
0x9a: {  	s4 =	simm.s32 $_size__tile_overlayer_lowered;
	s5 =	simm.s32 $_tile_overlayer_lowered  }
0x9b: {  	s22 =	simm.s32 $0x1BFF;
	s21 =	sshll.u32 s5, $0x1;
	s2 =	sadd.s32 s19, s18  }
0x9c: {  	s6 =	simm.s32 $0x0;
	s20 =	sshll.u32 s4, $0x1;
	s4 =	sadd.s32 s21, s2  }
0x9d: {  	[timem:s6], [sflag:s22] =	dma.local [hbm:s4], s20  }
0x9e: {  	_ =	swait.ge [sflag:s22], s20  }
0x9f: {  	s3 =	ssub.s32 $0x0, s20;
	[sflag:s22] =	ssyncset.done $0x0  }
0xa0: {  	[sflag:s22] =	ssyncadd.s32 s3;
	_ =	sdelay $0x1  }
0xa1: {  	s23 =	simm.s32 $0x1B8B  }
0xa2: {  	_ =	swait.ge [sflag:s23], $0x1  }
0xa3: {  	[sflag:s23] =	ssyncset.done $0x0  }
0xa4: {  	s25 =	simm.s32 $0x1B8E;
	s24 =	sld [smem:$0x3FFE];
	[sflag:s23] =	ssyncadd.s32 $0xFFFFFFFF  }
0xa5: {  	s26 =	simm.s32 $execute0_lowered;
	[smem:$0x3FD2] =	sst s25  }
0xa6: {  	s4 =	sshll.u32 s26, $0x1;
	_ =	strace $0x8000004C;
	[dreg:$0x1] =	wrdreg $0xFFFFFFFF  }
0xa7: {  	s28 =	simm.s32 $_size_execute0_lowered;
	s2 =	sadd.s32 s2, s4;
	[dreg:$0x0] =	wrdreg $0x0  }
0xa8: {  	s4 =	sshll.u32 s28, $0x1;
	[dreg:$0x2] =	wrdreg s2  }
0xa9: {  	[dreg:$0x3] =	wrdreg s4  }
0xaa: {  	[dreg:$0x4] =	wrdreg $0xC0  }
0xab: {  	_ =	task [dreg:s6], $0x5FFFF  }
0xac: {  	[dreg:$0x1] =	wrdreg $0xFFFFFFFF  }
0xad: {  	[dreg:$0x0] =	wrdreg $0x60  }
0xae: {  	[dreg:$0x2] =	wrdreg s24  }
0xaf: {  	[dreg:$0x3] =	wrdreg $0x9  }
0xb0: {  	_ =	task.clear_ibuf [dreg:s6], $0x4FFFF;
	_ =	strace $0x9000004C  }
0xb1: {  	s29 =	simm.s32 $0x9;
	_ =	strace $0x8000004E  }
0xb2: {  	_ =	swait.ge [sflag:s29], $0x1  }
0xb3: {  	[sflag:s29] =	ssyncadd.s32 $0xFFFFFFFF  }
0xb4: {  	_ =	strace $0x9000004E  }
0xb5: {  	_ =	sfence  }
0xb6: {  	s30 =	sld [smem:$0x0];
	_ =	sdelay $0x2  }
0xb7: {  	s31 =	sshll.u32 s1, $0xD;
	s1 =	sshrl.u32 s1, $0x2  }
0xb8: {  	s3 =	sand.u32 $0x4000, s31;
	s1 =	sadd.s32 s1, s30  }
0xb9: {  	s0 =	sor.u32 s3, s0;
	s1 =	sshll.u32 s1, $0x11  }
0xba: {  	s0 =	sor.u32 s1, s0  }
0xbb: {  	s0 =	sadd.s32 $0x8F2B, s0  }
0xbc: {  	[sflag:s0] =	ssyncadd.remote.s32 $0x1  }
0xbd: {  	_ =	sfence.sel $0xFFFF  }
0xbe: {  	[dreg:$0x0] =	wrdreg $0xFFFFFFFF;
	(pc) =	sbr.abs _section_cstart, $3  }
0xbf: {  	[dreg:$0x1] =	wrdreg $0xFFFFFFFF  }
0xc0: {  	_ =	task.clear_ibuf [dreg:s6], $0x2FFFF;
	_ =	strace $0x9FFFFFFF  }
0xc1: {  	(tm) =	ssettm $0x7FFFFFFF  }
tec
execute0_lowered:
.L_overlay_start_1:
0x0: {  	(tag) =	ssettag $0x1  }
0x1: {  	s2 =	rddreg [dreg:$0x0]  }
0x2: {  	s0 =	rddreg [dreg:$0x1]  }
0x3: {  	s1 =	srdreg.scid;
	_ =	strace $0x8000004D;
	s4 =	simm.s32 $0x1  }
0x4: {  	s9 =	simm.s32 $0x3;
	s11 =	simm.s32 $0x0;
	s5 =	sshll.u32 s1, $0x4  }
.Ltmp0:
0x5: {  	s1 =	stileid.u32;
	s5 =	sand.u32 $0x10, s5;
	(pc) =	sbr.rel .LBB2_1-.Ltmp0, $4  }
0x6: {  	p0 =	por $0x0, $0x0;
	s3 =	sadd.s32 $0x42200, s2;
	s6 =	sor.u32 s1, s5  }
0x7: {  	[sflag:s4] =	ssyncpa.u1 $0x0;
	s5 =	simm.s32 $0x2;
	s6 =	sshll.u32 s6, $0x9  }
0x8: {  	s7 =	sadd.s32 $0x42A00, s2;
	[sflag:s5] =	ssyncpa.u1 $0x0;
	s8 =	sadd.s32 $0x200, s6  }
0x9: {  	vm0 =	vmmov $0xff;
	vm1 =	vcmask $0x3F20;
	[sflag:s9] =	ssyncpa.u1 $0x0;
	s10 =	smov.u32 s6;
	s9 =	simm.s32 $0x0  }
.LBB2_7:
0xa: {  	p1 =	slt.u32 s9, $0x2;
	s11 =	sadd.s32 $0x100, s10  }
0xb: {  	s13 =	smov.u32 s6;
	s9 =	sadd.s32 $0x1, s9;
	p2 =	slt.s32 s11, s8  }
0xc: {  	s13 =	smov.u32 @p2 s11;
	p2 =	sne.s32 s9, $0x4  }
.Ltmp1:
0xd: {  	_ = 	snop;
	(pc) =	sbr.rel @!p2 .LBB2_8-.Ltmp1, $4  }
0xe: {  	s12 =	simm.s32 @!p1 $0x3  }
0xf: {  	_ =	swait.ge @!p1 [sflag:s12], $0x8000  }
0x10: {  	p0 =	por !p0, !p0;
	[sflag:s12] =	ssyncset.done @!p1 $0x0  }
0x11: {  	s11 =	smov.u32 s10;
	s10 =	smov.u32 s13;
	[sflag:s12] =	ssyncadd.s32 @!p1 $0xFFFF8000  }
.LBB2_1:
0x12: {  	p1 =	sgt.u32 s9, $0x1  }
0x13: {  	s12 =	sshll.u32 @!p1 s9, $0x8;
	s13 =	sshrl.u32 @!p1 s10, $0x3  }
0x14: {  	s14 =	sand.u32 @!p1 $0x7, s10;
	s12 =	sxor.u32 @!p1 $0x100, s12;
	s13 =	sadd.s32 @!p1 s3, s13  }
0x15: {  	[tilespmem:s12], [sflag:$0x2] =	stream.linear.gather @!p1 [hbm4b:s13+s14], $0x100, $0x38;
	[tilespmem:$0x10200] =	vst v63  }
0x16: {  	p1 =	seq.s32 s9, $0x0  }
0x17: {  	p2 =	seq.s32 @!p1 s9, $0x3  }
0x18: {  	p1 =	por p1, p2  }
.Ltmp2:
0x19: {  	_ = 	snop;
	(pc) =	sbr.rel @p1 .LBB2_7-.Ltmp2, $1  }
0x1a: {  	_ =	sdelay $0x3  }
0x1b: {  	s12 =	simm.s32 $0x1  }
0x1c: {  	_ =	swait.ge [sflag:s5], $0x100;
	s12 =	simm.s32 @!p0 $0x0  }
0x1d: {  	[sflag:s5] =	ssyncset.done $0x0;
	s14 =	sshll.u32 s12, $0x8  }
0x1e: {  	[sflag:s5] =	ssyncadd.s32 $0xFFFFFF00;
	s13 =	sadd.s32 $0x0, s14  }
0x1f: {  	v0 =	vld.msk [tilespmem:s13+$0x0 ss:$0x1], $0xffff;
	_ =	sdelay $0x4  }
0x20: {  	vm2 =	veq.s32 v0, $0x80000000  }
0x21: {  	v1 =	vshll.u32 v0, $0x13;
	v2 =	vshll.u32 v0, $0xD;
	v3 =	vshll.u32 v0, $0x5  }
0x22: {  	v0 =	vshrl.u32 v0, $0x3;
	v1 =	vand.u32 $0x180000, v1;
	v2 =	vand.u32 $0x78000, v2  }
0x23: {  	v0 =	vand.u32 $0x780, v0;
	v1 =	vor.u32 v2, v1;
	v2 =	vand.u32 $0x7800, v3  }
0x24: {  	v0 =	vsel vm2, $0xFFFFFF80, v0;
	v1 =	vor.u32 v2, v1  }
0x25: {  	v2 =	vand.u32 $0xFFFFFC00, v0;
	v1 =	vsel vm2, $0xFFF77800, v1  }
0x26: {  	v0 =	vand.u32 $0x380, v0;
	v1 =	vadd.s32 v2, v1  }
0x27: {  	v0 =	vor.u32 v0, v1  }
0x28: {  	v0 =	vshrl.u32 v0, $0x3;
	_ =	sdelay $0x2  }
0x29: {  	s12 =	sshll.u32 s12, $0xF  }
0x2a: {  	s12 =	sor.u32 $0x200, s12  }
0x2b: {  	[tilespmem:s12], [sflag:$0x1] =	stream.indirect_vreg.gather [hbm:s2], $0x80, v0, vm0, $0x38;
	[tilespmem:$0x10200] =	vst v63  }
0x2c: {  	s15 =	sadd.s32 $0x10, s14;
	s13 =	sadd.s32 $0x400, s12  }
0x2d: {  	[tilespmem:s13], [sflag:$0x1] =	stream.indirect_vreg.gather [hbm:s2], $0x80, v0, vm1, $0x38;
	[tilespmem:$0x10200] =	vst v63  }
0x2e: {  	s16 =	simm.s32 $0x80;
	v0 =	vld.msk [tilespmem:s15+$0x0 ss:$0x1], $0xffff;
	s15 =	smov.u32 s12  }
.LBB2_3:
0x2f: {  	p1 =	sne.s32 s16, $0x3C0;
	_ =	sdelay $0x4  }
0x30: {  	vm2 =	veq.s32 v0, $0x80000000  }
0x31: {  	v1 =	vshll.u32 v0, $0x13;
	v2 =	vshll.u32 v0, $0xD;
	v3 =	vshll.u32 v0, $0x5  }
0x32: {  	v0 =	vshrl.u32 v0, $0x3;
	v1 =	vand.u32 $0x180000, v1;
	v2 =	vand.u32 $0x78000, v2  }
0x33: {  	v0 =	vand.u32 $0x780, v0;
	v1 =	vor.u32 v2, v1;
	v2 =	vand.u32 $0x7800, v3  }
0x34: {  	v0 =	vsel vm2, $0xFFFFFF80, v0;
	v1 =	vor.u32 v2, v1  }
0x35: {  	v2 =	vand.u32 $0xFFFFFC00, v0;
	v1 =	vsel vm2, $0xFFF77800, v1  }
0x36: {  	v0 =	vand.u32 $0x380, v0;
	v1 =	vadd.s32 v2, v1  }
0x37: {  	v0 =	vor.u32 v0, v1  }
0x38: {  	v0 =	vshrl.u32 v0, $0x3;
	_ =	sdelay $0x3  }
.Ltmp3:
0x39: {  	s17 =	sshra.s32 s16, $0x2;
	s15 =	sadd.s32 $0x800, s15;
	(pc) =	sbr.rel @p1 .LBB2_3-.Ltmp3, $4  }
0x3a: {  	[tilespmem:s15], [sflag:$0x1] =	stream.indirect_vreg.gather [hbm:s2], $0x80, v0, vm0, $0x38;
	[tilespmem:$0x10200] =	vst v63  }
0x3b: {  	s17 =	sadd.s32 s17, s14;
	s18 =	sadd.s32 $0x400, s15  }
0x3c: {  	[tilespmem:s18], [sflag:$0x1] =	stream.indirect_vreg.gather [hbm:s2], $0x80, v0, vm1, $0x38;
	[tilespmem:$0x10200] =	vst v63  }
0x3d: {  	s16 =	sadd.s32 $0x40, s16;
	v0 =	vld.msk [tilespmem:s17+$0x0 ss:$0x1], $0xffff  }
0x3e: {  	_ =	sdelay $0x3  }
0x3f: {  	vm2 =	veq.s32 v0, $0x80000000  }
0x40: {  	v1 =	vshll.u32 v0, $0x13;
	v2 =	vshll.u32 v0, $0xD;
	v3 =	vshll.u32 v0, $0x5  }
0x41: {  	v61 =	vshrl.u32 v0, $0x3;
	v1 =	vand.u32 $0x180000, v1;
	v2 =	vand.u32 $0x78000, v2  }
0x42: {  	v62 =	vand.u32 $0x7800, v3;
	v0 =	vand.u32 $0x780, v61;
	v1 =	vor.u32 v2, v1  }
0x43: {  	v0 =	vsel vm2, $0xFFFFFF80, v0;
	v1 =	vor.u32 v62, v1  }
0x44: {  	v63 =	vand.u32 $0xFFFFFC00, v0;
	v1 =	vsel vm2, $0xFFF77800, v1  }
0x45: {  	v0 =	vand.u32 $0x380, v0;
	v1 =	vadd.s32 v63, v1  }
0x46: {  	v0 =	vor.u32 v0, v1  }
0x47: {  	v0 =	vshrl.u32 v0, $0x3;
	_ =	sdelay $0x3  }
0x48: {  	s14 =	sadd.s32 $0x800, s15  }
0x49: {  	[tilespmem:s14], [sflag:$0x1] =	stream.indirect_vreg.gather [hbm:s2], $0x80, v0, vm0, $0x38;
	[tilespmem:$0x10200] =	vst v63  }
0x4a: {  	s14 =	sadd.s32 $0x400, s14  }
0x4b: {  	[tilespmem:s14], [sflag:$0x1] =	stream.indirect_vreg.gather [hbm:s2], $0x80, v0, vm1, $0x38;
	[tilespmem:$0x10200] =	vst v63  }
0x4c: {  	s11 =	sshll.u32 s11, $0x4;
	_ =	swait.ge [sflag:s4], $0x8000  }
0x4d: {  	s11 =	sadd.s32 s11, s7;
	[sflag:s4] =	ssyncset.done $0x0  }
0x4e: {  	s15 =	sadd.s32 $0x0, s11;
	s14 =	simm.s32 $0x80;
	[sflag:s4] =	ssyncadd.s32 $0xFFFF8000  }
.LBB2_5:
0x4f: {  	[hbm:s15] =	stream.linear.scatter [tilespmem:s12], [sflag:$0x3], $0x400, $0x38;
	[tilespmem:$0x10200] =	vst v63  }
0x50: {  	s15 =	smov.u32 s14;
	s12 =	smov.u32 s13;
	p1 =	sne.s32 s14, $0xF80  }
.Ltmp4:
0x51: {  	s14 =	sadd.s32 $0x80, s14;
	(pc) =	sbr.rel @p1 .LBB2_5-.Ltmp4, $2  }
0x52: {  	_ =	sdelay $0x2  }
0x53: {  	s13 =	sadd.s32 $0x400, s13;
	s15 =	sadd.s32 s15, s11  }
.Ltmp5:
0x54: {  	(pc) =	sbr.rel .LBB2_7-.Ltmp5, $2  }
0x55: {  	_ =	sdelay $0x2  }
0x56: {  	[hbm:s15] =	stream.linear.scatter [tilespmem:s12], [sflag:$0x3], $0x400, $0x38;
	[tilespmem:$0x10200] =	vst v63  }
.LBB2_8:
0x57: {  	_ =	sfence.sel $0x180000  }
0x58: {  	s2 =	simm.s32 $0x2;
	[bflag:$0x0] =	sbarrier.arrive $0xFFFF  }
0x59: {  	s30 =	simm.s32 $0x3;
	[sflag:s2] =	ssyncpa.u1 $0x1  }
0x5a: {  	s31 =	simm.s32 $0x1;
	[sflag:s30] =	ssyncpa.u1 $0x1  }
0x5b: {  	[sflag:s31] =	ssyncpa.u1 $0x1  }
0x5c: {  	p0 =	sne.s32 s1, $0x0;
	_ =	strace $0x9000004D  }
0x5d: {  	s0 =	sadd.s32 @!p0 $0x100000, s0;
	[bflag:$0x2] =	sbarrier.arrive $0xFFFF  }
0x5e: {  	[sflag:s0] =	ssyncadd.tile.s32 @!p0 $0x1;
	_ =	shalt  }
.Lfunc_end2:
_tile_overlayer_lowered:
.L_overlay_start_2:
0x5f: {  	(tag) =	ssettag $0x2  }
0x60: {  	s0 =	rddreg [dreg:$0x0];
	s2 =	stileid.u32  }
0x61: {  	s1 =	rddreg [dreg:$0x1];
	p0 =	sne.s32 s2, $0x0  }
0x62: {  	s3 =	rddreg [dreg:$0x2];
	[bflag:$0x3] =	sbarrier.arrive $0xFFFF;
	s2 =	simm.s32 @!p0 $0x1C01  }
0x63: {  	[timem:s3], [sflag:s2] =	dma.local @!p0 [hbm:s0], s1  }
0x64: {  	s0 =	simm.s32 @!p0 $0x1  }
0x65: {  	_ =	swait.ge @!p0 [sflag:s0], s1  }
0x66: {  	s1 =	ssub.s32 @!p0 $0x0, s1;
	[sflag:s0] =	ssyncset.done @!p0 $0x0  }
0x67: {  	[sflag:s0] =	ssyncadd.s32 @!p0 s1  }
0x68: {  	[bflag:$0x3] =	sbarrier.arrive $0xFFFF  }
0x69: {  	_ =	shalt  }

// kernel: gather_offload_async_start
scs
__scs_entry_jumppad:
0x0: {  	(pc) =	sbr.rel $0x88, $3  }
0x1: {  	(tag) =	ssettag $0x0;
	lr =	simm.s32 $0x1  }
0x2: {  	[smem:$0x3F97] =	sst lr;
	_ =	strace $0xD0000000  }
0x3: {  	_ = 	snop  }
0x4: {  	_ = 	snop  }
0x5: {  	_ = 	snop  }
0x6: {  	_ = 	snop  }
0x7: {  	_ = 	snop  }
__scs_overlays_trampoline_lowered:
0x8: {  	[smem:$0x3FA6] =	sst s0  }
0x9: {  	[smem:$0x3FA7] =	sst s1  }
0xa: {  	[smem:$0x3FA8] =	sst s2  }
0xb: {  	[smem:$0x3FA9] =	sst s3  }
0xc: {  	[smem:$0x3FAA] =	sst s4  }
0xd: {  	[smem:$0x3FAB] =	sst s5  }
0xe: {  	[smem:$0x3FAC] =	sst s6  }
0xf: {  	[smem:$0x3FAD] =	sst s7  }
0x10: {  	[smem:$0x3FAE] =	sst s8  }
0x11: {  	[smem:$0x3FAF] =	sst s9;
	s0 =	simm.s32 @!p0 $0x0  }
0x12: {  	s1 =	sld [smem:$0x3F95];
	s0 =	simm.s32 @p0 $0x1  }
0x13: {  	[smem:$0x3FB0] =	sst s0;
	s0 =	simm.s32 @!p1 $0x0  }
0x14: {  	s2 =	sld [smem:$0x3F94];
	s0 =	simm.s32 @p1 $0x1  }
0x15: {  	[smem:$0x3FB1] =	sst s0;
	s0 =	simm.s32 @!p2 $0x0  }
0x16: {  	s3 =	sld [smem:$0x3FDB];
	s0 =	simm.s32 @p2 $0x1  }
0x17: {  	s4 =	simm.s32 $0x1BF5;
	[smem:$0x3FB3] =	sst s0  }
0x18: {  	s0 =	sld [smem:$0x3F96];
	_ =	swait.ge [sflag:s4], $0x0  }
0x19: {  	s7 =	sld [smem:$0x3F97]  }
0x1a: {  	s8 =	sadd.s32 $0xFFFFE003, lr  }
0x1b: {  	s9 =	sadd.s32 $0xFFFFFEF7, lr;
	s5 =	simm.s32 $0xFFFFFFFF;
	p2 =	slt.u32 s8, $0xFFFFF086  }
0x1c: {  	p1 =	slt.u32 s9, $0xF7A;
	s5 =	simm.s32 @!p2 $0x0  }
0x1d: {  	s5 =	simm.s32 @p1 $0x1;
	p0 =	seq.s32 s7, s2  }
0x1e: {  	s7 =	smul.u32 @!p0 $0xF7A, s2;
	p2 =	seq.s32 @!p0 s5, $0x0  }
0x1f: {  	s9 =	smul.u32 $0xF7A, s1;
	s8 =	simm.s32 @!p0 $0x1BF5;
	p2 =	por !p2, p0  }
0x20: {  	[sflag:s8] =	ssyncset.s32 @!p0 $0xFFFFF086;
	s6 =	sadd.s32 @!p0 s3, s7;
	s7 =	simm.s32 @!p0 $0x108  }
0x21: {  	s3 =	sadd.s32 s3, s9;
	s6 =	sadd.s32 @!p0 $0x88, s6;
	s7 =	simm.s32 @p2 $0x1082  }
0x22: {  	[simem:s7], [sflag:s8] =	dma.local @!p0 [hbm:s6], $0xF7A  }
0x23: {  	s9 =	sor.u32 $0xD0000000, s2;
	s6 =	simm.s32 $0x108;
	_ =	swait.ge @!p0 [sflag:s8], $0x0  }
0x24: {  	s3 =	sadd.s32 $0x88, s3;
	s6 =	simm.s32 @!p1 $0x1082;
	[sflag:s4] =	ssyncset.s32 $0xFFFFF086  }
0x25: {  	[simem:s6], [sflag:s4] =	dma.local [hbm:s3], $0xF7A  }
0x26: {  	[smem:$0x3F97] =	sst s1;
	(tag) =	ssettag s2;
	_ =	strace s9  }
0x27: {  	s1 =	sld [smem:$0x3FA7]  }
0x28: {  	s2 =	sld [smem:$0x3FA8]  }
0x29: {  	s4 =	sld [smem:$0x3FAA]  }
0x2a: {  	p0 =	seq.s32 s5, $0x0;
	s5 =	sld [smem:$0x3FAB]  }
0x2b: {  	s6 =	sld [smem:$0x3FAC]  }
0x2c: {  	s7 =	sld [smem:$0x3FAD]  }
0x2d: {  	s3 =	simm.s32 $0x108;
	s8 =	sld [smem:$0x3FAE]  }
0x2e: {  	s3 =	simm.s32 @!p0 $0x1082;
	s9 =	sld [smem:$0x3FAF]  }
0x2f: {  	lr =	sadd.s32 s0, s3;
	s0 =	sld [smem:$0x3FA6]  }
0x30: {  	s3 =	sld [smem:$0x3FA9]  }
0x31: {  	[smem:$0x3FB2] =	sst s10  }
0x32: {  	s10 =	sld [smem:$0x3FB0];
	_ =	sdelay $0x3  }
0x33: {  	p0 =	seq.s32 s10, $0x1;
	s10 =	sld [smem:$0x3FB2];
	_ =	sdelay $0x3  }
0x34: {  	[smem:$0x3FB2] =	sst s10  }
0x35: {  	s10 =	sld [smem:$0x3FB1];
	_ =	sdelay $0x3  }
0x36: {  	p1 =	seq.s32 s10, $0x1;
	s10 =	sld [smem:$0x3FB2];
	_ =	sdelay $0x3  }
0x37: {  	[smem:$0x3FB2] =	sst s10  }
0x38: {  	s10 =	sld [smem:$0x3FB3]  }
0x39: {  	_ = 	snop;
	(pc) =	sbr.ind lr, $3  }
0x3a: {  	_ = 	snop  }
0x3b: {  	_ = 	snop  }
0x3c: {  	p2 =	seq.s32 s10, $0x1;
	s10 =	sld [smem:$0x3FB2]  }
0x3d: {  	_ =	shalt  }
0x3e: {  	_ =	shalt  }
0x3f: {  	_ =	shalt  }
0x40: {  	_ =	shalt  }
0x41: {  	_ =	shalt  }
0x42: {  	_ =	shalt  }
0x43: {  	_ =	shalt  }
0x44: {  	_ =	shalt  }
0x45: {  	_ =	shalt  }
0x46: {  	_ =	shalt  }
0x47: {  	_ =	shalt  }
0x48: {  	_ =	shalt  }
0x49: {  	_ =	shalt  }
0x4a: {  	_ =	shalt  }
0x4b: {  	_ =	shalt  }
0x4c: {  	_ =	shalt  }
0x4d: {  	_ =	shalt  }
0x4e: {  	_ =	shalt  }
0x4f: {  	_ =	shalt  }
0x50: {  	_ =	shalt  }
0x51: {  	_ =	shalt  }
0x52: {  	_ =	shalt  }
0x53: {  	_ =	shalt  }
0x54: {  	_ =	shalt  }
0x55: {  	_ =	shalt  }
0x56: {  	_ =	shalt  }
0x57: {  	_ =	shalt  }
0x58: {  	_ =	shalt  }
0x59: {  	_ =	shalt  }
0x5a: {  	_ =	shalt  }
0x5b: {  	_ =	shalt  }
0x5c: {  	_ =	shalt  }
0x5d: {  	_ =	shalt  }
0x5e: {  	_ =	shalt  }
0x5f: {  	_ =	shalt  }
0x60: {  	_ =	shalt  }
0x61: {  	_ =	shalt  }
0x62: {  	_ =	shalt  }
0x63: {  	_ =	shalt  }
0x64: {  	_ =	shalt  }
0x65: {  	_ =	shalt  }
0x66: {  	_ =	shalt  }
0x67: {  	_ =	shalt  }
0x68: {  	_ =	shalt  }
0x69: {  	_ =	shalt  }
0x6a: {  	_ =	shalt  }
0x6b: {  	_ =	shalt  }
0x6c: {  	_ =	shalt  }
0x6d: {  	_ =	shalt  }
0x6e: {  	_ =	shalt  }
0x6f: {  	_ =	shalt  }
0x70: {  	_ =	shalt  }
0x71: {  	_ =	shalt  }
0x72: {  	_ =	shalt  }
0x73: {  	_ =	shalt  }
0x74: {  	_ =	shalt  }
0x75: {  	_ =	shalt  }
0x76: {  	_ =	shalt  }
0x77: {  	_ =	shalt  }
0x78: {  	_ =	shalt  }
0x79: {  	_ =	shalt  }
0x7a: {  	_ =	shalt  }
0x7b: {  	_ =	shalt  }
0x7c: {  	_ =	shalt  }
0x7d: {  	_ =	shalt  }
0x7e: {  	_ =	shalt  }
0x7f: {  	_ =	shalt  }
0x80: {  	_ =	shalt  }
0x81: {  	_ =	shalt  }
0x82: {  	_ =	shalt  }
0x83: {  	_ =	shalt  }
0x84: {  	_ =	shalt  }
0x85: {  	_ =	shalt  }
0x86: {  	_ =	shalt  }
0x87: {  	_ =	shalt  }
.Lfunc_end0:
.L_simem_size_0:
called_computation_lowered:
.L_overlay_start_0:
0x88: {  	s2 =	sld [smem:$0x3FD9]  }
0x89: {  	s3 =	sld [smem:$0x3FFE];
	_ =	sdelay $0x1  }
0x8a: {  	s1 =	srdreg.scid  }
0x8b: {  	s0 =	sand.u32 $0x1, s1  }
0x8c: {  	s16 =	sshll.u32 s0, $0xA;
	s2 =	sadd.s32 s3, s2  }
0x8d: {  	s2 =	sadd.s32 s2, s16  }
0x8e: {  	[smem:$0x3FBE] =	sst s2  }
0x8f: {  	_ = 	snop  }
0x90: {  	(tm) =	ssettm $0x1  }
0x91: {  	s17 =	sld [smem:$0x3FFB];
	_ =	sdelay $0x3  }
0x92: {  	_ =	strace s17  }
0x93: {  	s2 =	sld [smem:$0x3FFC];
	_ =	sdelay $0x3  }
0x94: {  	_ =	strace s2  }
0x95: {  	s2 =	sld [smem:$0x3FFD];
	_ =	sdelay $0x3  }
0x96: {  	_ =	strace s2  }
0x97: {  	_ =	strace $0x8FFFFFFF  }
0x98: {  	s18 =	sld [smem:$0x3FDB];
	_ =	sdelay $0x1  }
0x99: {  	s19 =	simm.s32 $_scs_section_size  }
0x9a: {  	s4 =	simm.s32 $_size__tile_overlayer_lowered;
	s5 =	simm.s32 $_tile_overlayer_lowered  }
0x9b: {  	s22 =	simm.s32 $0x1BFF;
	s21 =	sshll.u32 s5, $0x1;
	s2 =	sadd.s32 s19, s18  }
0x9c: {  	s6 =	simm.s32 $0x0;
	s20 =	sshll.u32 s4, $0x1;
	s4 =	sadd.s32 s21, s2  }
0x9d: {  	[timem:s6], [sflag:s22] =	dma.local [hbm:s4], s20  }
0x9e: {  	_ =	swait.ge [sflag:s22], s20  }
0x9f: {  	s3 =	ssub.s32 $0x0, s20;
	[sflag:s22] =	ssyncset.done $0x0  }
0xa0: {  	[sflag:s22] =	ssyncadd.s32 s3;
	_ =	sdelay $0x1  }
0xa1: {  	s23 =	simm.s32 $0x1B8B  }
0xa2: {  	_ =	swait.ge [sflag:s23], $0x1  }
0xa3: {  	[sflag:s23] =	ssyncset.done $0x0  }
0xa4: {  	s25 =	simm.s32 $0x1B8E;
	s24 =	sld [smem:$0x3FFE];
	[sflag:s23] =	ssyncadd.s32 $0xFFFFFFFF  }
0xa5: {  	s26 =	simm.s32 $execute0_lowered;
	[smem:$0x3FD2] =	sst s25  }
0xa6: {  	s4 =	sshll.u32 s26, $0x1;
	_ =	strace $0x80000046;
	[dreg:$0x1] =	wrdreg $0xFFFFFFFF  }
0xa7: {  	s28 =	simm.s32 $_size_execute0_lowered;
	s2 =	sadd.s32 s2, s4;
	[dreg:$0x0] =	wrdreg $0x0  }
0xa8: {  	s4 =	sshll.u32 s28, $0x1;
	[dreg:$0x2] =	wrdreg s2  }
0xa9: {  	[dreg:$0x3] =	wrdreg s4  }
0xaa: {  	[dreg:$0x4] =	wrdreg $0xC0  }
0xab: {  	_ =	task [dreg:s6], $0x5FFFF  }
0xac: {  	[dreg:$0x1] =	wrdreg $0xFFFFFFFF  }
0xad: {  	[dreg:$0x0] =	wrdreg $0x60  }
0xae: {  	[dreg:$0x2] =	wrdreg s24  }
0xaf: {  	[dreg:$0x3] =	wrdreg $0x9  }
0xb0: {  	_ =	task.clear_ibuf [dreg:s6], $0x4FFFF;
	_ =	strace $0x90000046  }
0xb1: {  	s29 =	simm.s32 $0x9;
	_ =	strace $0x80000048  }
0xb2: {  	_ =	swait.ge [sflag:s29], $0x1  }
0xb3: {  	[sflag:s29] =	ssyncadd.s32 $0xFFFFFFFF  }
0xb4: {  	_ =	strace $0x90000048  }
0xb5: {  	_ =	sfence  }
0xb6: {  	s30 =	sld [smem:$0x0];
	_ =	sdelay $0x2  }
0xb7: {  	s31 =	sshll.u32 s1, $0xD;
	s1 =	sshrl.u32 s1, $0x2  }
0xb8: {  	s3 =	sand.u32 $0x4000, s31;
	s1 =	sadd.s32 s1, s30  }
0xb9: {  	s0 =	sor.u32 s3, s0;
	s1 =	sshll.u32 s1, $0x11  }
0xba: {  	s0 =	sor.u32 s1, s0  }
0xbb: {  	s0 =	sadd.s32 $0x8F2B, s0  }
0xbc: {  	[sflag:s0] =	ssyncadd.remote.s32 $0x1  }
0xbd: {  	_ =	sfence.sel $0xFFFF  }
0xbe: {  	[dreg:$0x0] =	wrdreg $0xFFFFFFFF;
	(pc) =	sbr.abs _section_cstart, $3  }
0xbf: {  	[dreg:$0x1] =	wrdreg $0xFFFFFFFF  }
0xc0: {  	_ =	task.clear_ibuf [dreg:s6], $0x2FFFF;
	_ =	strace $0x9FFFFFFF  }
0xc1: {  	(tm) =	ssettm $0x7FFFFFFF  }
tec
execute0_lowered:
.L_overlay_start_1:
0x0: {  	(tag) =	ssettag $0x1  }
0x1: {  	s7 =	rddreg [dreg:$0x0]  }
0x2: {  	s0 =	rddreg [dreg:$0x1];
	_ =	strace $0x80000047  }
0x3: {  	s1 =	srdreg.scid;
	s4 =	simm.s32 $0x1;
	s9 =	simm.s32 $0x3  }
0x4: {  	s11 =	simm.s32 $0x0;
	p0 =	por $0x0, $0x0;
	s5 =	sshll.u32 s1, $0x4  }
.Ltmp0:
0x5: {  	s1 =	stileid.u32;
	s5 =	sand.u32 $0x10, s5;
	(pc) =	sbr.rel .LBB2_1-.Ltmp0, $4  }
0x6: {  	s2 =	sadd.s32 $0x200, s7;
	s3 =	sadd.s32 $0x42200, s7;
	s6 =	sor.u32 s1, s5  }
0x7: {  	[sflag:s4] =	ssyncpa.u1 $0x0;
	s5 =	simm.s32 $0x2;
	s6 =	sshll.u32 s6, $0x9  }
0x8: {  	s7 =	sadd.s32 $0x42A00, s7;
	[sflag:s5] =	ssyncpa.u1 $0x0;
	s8 =	sadd.s32 $0x200, s6  }
0x9: {  	vm0 =	vmmov $0xff;
	vm1 =	vcmask $0x3F20;
	[sflag:s9] =	ssyncpa.u1 $0x0;
	s10 =	smov.u32 s6;
	s9 =	simm.s32 $0x0  }
.LBB2_7:
0xa: {  	p1 =	slt.u32 s9, $0x2;
	s11 =	sadd.s32 $0x100, s10  }
0xb: {  	s13 =	smov.u32 s6;
	s9 =	sadd.s32 $0x1, s9;
	p2 =	slt.s32 s11, s8  }
0xc: {  	s13 =	smov.u32 @p2 s11;
	p2 =	sne.s32 s9, $0x4  }
.Ltmp1:
0xd: {  	_ = 	snop;
	(pc) =	sbr.rel @!p2 .LBB2_8-.Ltmp1, $4  }
0xe: {  	s12 =	simm.s32 @!p1 $0x3  }
0xf: {  	_ =	swait.ge @!p1 [sflag:s12], $0x8000  }
0x10: {  	p0 =	por !p0, !p0;
	[sflag:s12] =	ssyncset.done @!p1 $0x0  }
0x11: {  	s11 =	smov.u32 s10;
	s10 =	smov.u32 s13;
	[sflag:s12] =	ssyncadd.s32 @!p1 $0xFFFF8000  }
.LBB2_1:
0x12: {  	p1 =	sgt.u32 s9, $0x1  }
0x13: {  	s12 =	sshll.u32 @!p1 s9, $0x8;
	s13 =	sshrl.u32 @!p1 s10, $0x3  }
0x14: {  	s14 =	sand.u32 @!p1 $0x7, s10;
	s12 =	sxor.u32 @!p1 $0x100, s12;
	s13 =	sadd.s32 @!p1 s3, s13  }
0x15: {  	[tilespmem:s12], [sflag:$0x2] =	stream.linear.gather @!p1 [hbm4b:s13+s14], $0x100, $0x38;
	[tilespmem:$0x10200] =	vst v63  }
0x16: {  	p1 =	seq.s32 s9, $0x0  }
0x17: {  	p2 =	seq.s32 @!p1 s9, $0x3  }
0x18: {  	p1 =	por p1, p2  }
.Ltmp2:
0x19: {  	_ = 	snop;
	(pc) =	sbr.rel @p1 .LBB2_7-.Ltmp2, $1  }
0x1a: {  	_ =	sdelay $0x3  }
0x1b: {  	s12 =	simm.s32 $0x1  }
0x1c: {  	_ =	swait.ge [sflag:s5], $0x100;
	s12 =	simm.s32 @!p0 $0x0  }
0x1d: {  	[sflag:s5] =	ssyncset.done $0x0;
	s14 =	sshll.u32 s12, $0x8  }
0x1e: {  	[sflag:s5] =	ssyncadd.s32 $0xFFFFFF00;
	s13 =	sadd.s32 $0x0, s14  }
0x1f: {  	v0 =	vld.msk [tilespmem:s13+$0x0 ss:$0x1], $0xffff;
	_ =	sdelay $0x4  }
0x20: {  	v1 =	vshll.u32 v0, $0x5  }
0x21: {  	vm2 =	veq.s32 v0, $0x80000000;
	v0 =	vshll.u32 v0, $0x13;
	v1 =	vand.u32 $0x7FF80, v1  }
0x22: {  	v0 =	vand.u32 $0x180000, v0;
	v1 =	vsel vm2, $0xFFFFFF80, v1  }
0x23: {  	v0 =	vsel vm2, $0xFFF80000, v0;
	v2 =	vand.u32 $0xFFFFFC00, v1  }
0x24: {  	v1 =	vand.u32 $0x380, v1;
	v0 =	vadd.s32 v0, v2  }
0x25: {  	v0 =	vor.u32 v1, v0  }
0x26: {  	v0 =	vshrl.u32 v0, $0x3;
	_ =	sdelay $0x2  }
0x27: {  	s12 =	sshll.u32 s12, $0xF  }
0x28: {  	s12 =	sor.u32 $0x200, s12  }
0x29: {  	[tilespmem:s12], [sflag:$0x1] =	stream.indirect_vreg.gather [hbm:s2], $0x80, v0, vm0, $0x38;
	[tilespmem:$0x10200] =	vst v63  }
0x2a: {  	s15 =	sadd.s32 $0x10, s14;
	s13 =	sadd.s32 $0x400, s12  }
0x2b: {  	[tilespmem:s13], [sflag:$0x1] =	stream.indirect_vreg.gather [hbm:s2], $0x80, v0, vm1, $0x38;
	[tilespmem:$0x10200] =	vst v63  }
0x2c: {  	s16 =	simm.s32 $0x80;
	v0 =	vld.msk [tilespmem:s15+$0x0 ss:$0x1], $0xffff;
	s15 =	smov.u32 s12  }
.LBB2_3:
0x2d: {  	p1 =	sne.s32 s16, $0x3C0;
	_ =	sdelay $0x4  }
0x2e: {  	v1 =	vshll.u32 v0, $0x5  }
0x2f: {  	vm2 =	veq.s32 v0, $0x80000000;
	v0 =	vshll.u32 v0, $0x13;
	v1 =	vand.u32 $0x7FF80, v1  }
0x30: {  	v0 =	vand.u32 $0x180000, v0;
	v1 =	vsel vm2, $0xFFFFFF80, v1  }
0x31: {  	v0 =	vsel vm2, $0xFFF80000, v0;
	v2 =	vand.u32 $0xFFFFFC00, v1  }
0x32: {  	v1 =	vand.u32 $0x380, v1;
	v0 =	vadd.s32 v0, v2  }
0x33: {  	v0 =	vor.u32 v1, v0  }
0x34: {  	v0 =	vshrl.u32 v0, $0x3;
	_ =	sdelay $0x3  }
.Ltmp3:
0x35: {  	s17 =	sshra.s32 s16, $0x2;
	s15 =	sadd.s32 $0x800, s15;
	(pc) =	sbr.rel @p1 .LBB2_3-.Ltmp3, $4  }
0x36: {  	[tilespmem:s15], [sflag:$0x1] =	stream.indirect_vreg.gather [hbm:s2], $0x80, v0, vm0, $0x38;
	[tilespmem:$0x10200] =	vst v63  }
0x37: {  	s17 =	sadd.s32 s17, s14;
	s18 =	sadd.s32 $0x400, s15  }
0x38: {  	[tilespmem:s18], [sflag:$0x1] =	stream.indirect_vreg.gather [hbm:s2], $0x80, v0, vm1, $0x38;
	[tilespmem:$0x10200] =	vst v63  }
0x39: {  	s16 =	sadd.s32 $0x40, s16;
	v0 =	vld.msk [tilespmem:s17+$0x0 ss:$0x1], $0xffff  }
0x3a: {  	_ =	sdelay $0x3  }
0x3b: {  	v1 =	vshll.u32 v0, $0x5  }
0x3c: {  	vm2 =	veq.s32 v0, $0x80000000;
	v63 =	vshll.u32 v0, $0x13;
	v1 =	vand.u32 $0x7FF80, v1  }
0x3d: {  	v0 =	vand.u32 $0x180000, v63;
	v1 =	vsel vm2, $0xFFFFFF80, v1  }
0x3e: {  	v0 =	vsel vm2, $0xFFF80000, v0;
	v2 =	vand.u32 $0xFFFFFC00, v1  }
0x3f: {  	v1 =	vand.u32 $0x380, v1;
	v0 =	vadd.s32 v0, v2  }
0x40: {  	v0 =	vor.u32 v1, v0  }
0x41: {  	v0 =	vshrl.u32 v0, $0x3;
	_ =	sdelay $0x3  }
0x42: {  	s14 =	sadd.s32 $0x800, s15  }
0x43: {  	[tilespmem:s14], [sflag:$0x1] =	stream.indirect_vreg.gather [hbm:s2], $0x80, v0, vm0, $0x38;
	[tilespmem:$0x10200] =	vst v63  }
0x44: {  	s14 =	sadd.s32 $0x400, s14  }
0x45: {  	[tilespmem:s14], [sflag:$0x1] =	stream.indirect_vreg.gather [hbm:s2], $0x80, v0, vm1, $0x38;
	[tilespmem:$0x10200] =	vst v63  }
0x46: {  	s11 =	sshll.u32 s11, $0x4;
	_ =	swait.ge [sflag:s4], $0x8000  }
0x47: {  	s11 =	sadd.s32 s11, s7;
	[sflag:s4] =	ssyncset.done $0x0  }
0x48: {  	s15 =	sadd.s32 $0x0, s11;
	s14 =	simm.s32 $0x80;
	[sflag:s4] =	ssyncadd.s32 $0xFFFF8000  }
.LBB2_5:
0x49: {  	[hbm:s15] =	stream.linear.scatter [tilespmem:s12], [sflag:$0x3], $0x400, $0x38;
	[tilespmem:$0x10200] =	vst v63  }
0x4a: {  	s15 =	smov.u32 s14;
	s12 =	smov.u32 s13;
	p1 =	sne.s32 s14, $0xF80  }
.Ltmp4:
0x4b: {  	s14 =	sadd.s32 $0x80, s14;
	(pc) =	sbr.rel @p1 .LBB2_5-.Ltmp4, $2  }
0x4c: {  	_ =	sdelay $0x2  }
0x4d: {  	s13 =	sadd.s32 $0x400, s13;
	s15 =	sadd.s32 s15, s11  }
.Ltmp5:
0x4e: {  	(pc) =	sbr.rel .LBB2_7-.Ltmp5, $2  }
0x4f: {  	_ =	sdelay $0x2  }
0x50: {  	[hbm:s15] =	stream.linear.scatter [tilespmem:s12], [sflag:$0x3], $0x400, $0x38;
	[tilespmem:$0x10200] =	vst v63  }
.LBB2_8:
0x51: {  	_ =	sfence.sel $0x180000  }
0x52: {  	s2 =	simm.s32 $0x2;
	[bflag:$0x0] =	sbarrier.arrive $0xFFFF  }
0x53: {  	s30 =	simm.s32 $0x3;
	[sflag:s2] =	ssyncpa.u1 $0x1  }
0x54: {  	s31 =	simm.s32 $0x1;
	[sflag:s30] =	ssyncpa.u1 $0x1  }
0x55: {  	[sflag:s31] =	ssyncpa.u1 $0x1  }
0x56: {  	p0 =	sne.s32 s1, $0x0;
	_ =	strace $0x90000047  }
0x57: {  	s0 =	sadd.s32 @!p0 $0x100000, s0;
	[bflag:$0x2] =	sbarrier.arrive $0xFFFF  }
0x58: {  	[sflag:s0] =	ssyncadd.tile.s32 @!p0 $0x1;
	_ =	shalt  }
.Lfunc_end2:
_tile_overlayer_lowered:
.L_overlay_start_2:
0x59: {  	(tag) =	ssettag $0x2  }
0x5a: {  	s0 =	rddreg [dreg:$0x0];
	s2 =	stileid.u32  }
0x5b: {  	s1 =	rddreg [dreg:$0x1];
	p0 =	sne.s32 s2, $0x0  }
0x5c: {  	s3 =	rddreg [dreg:$0x2];
	[bflag:$0x3] =	sbarrier.arrive $0xFFFF;
	s2 =	simm.s32 @!p0 $0x1C01  }
0x5d: {  	[timem:s3], [sflag:s2] =	dma.local @!p0 [hbm:s0], s1  }
0x5e: {  	s0 =	simm.s32 @!p0 $0x1  }
0x5f: {  	_ =	swait.ge @!p0 [sflag:s0], s1  }
0x60: {  	s1 =	ssub.s32 @!p0 $0x0, s1;
	[sflag:s0] =	ssyncset.done @!p0 $0x0  }
0x61: {  	[sflag:s0] =	ssyncadd.s32 @!p0 s1  }
0x62: {  	[bflag:$0x3] =	sbarrier.arrive $0xFFFF  }
0x63: {  	_ =	shalt  }

// kernel: kernel.4.cloned.1.call-start
scs
__scs_entry_jumppad:
0x0: {  	(pc) =	sbr.rel $0x88, $3  }
0x1: {  	(tag) =	ssettag $0x0;
	lr =	simm.s32 $0x1  }
0x2: {  	[smem:$0x3F97] =	sst lr;
	_ =	strace $0xD0000000  }
0x3: {  	_ = 	snop  }
0x4: {  	_ = 	snop  }
0x5: {  	_ = 	snop  }
0x6: {  	_ = 	snop  }
0x7: {  	_ = 	snop  }
__scs_overlays_trampoline_lowered:
0x8: {  	[smem:$0x3FA6] =	sst s0  }
0x9: {  	[smem:$0x3FA7] =	sst s1  }
0xa: {  	[smem:$0x3FA8] =	sst s2  }
0xb: {  	[smem:$0x3FA9] =	sst s3  }
0xc: {  	[smem:$0x3FAA] =	sst s4  }
0xd: {  	[smem:$0x3FAB] =	sst s5  }
0xe: {  	[smem:$0x3FAC] =	sst s6  }
0xf: {  	[smem:$0x3FAD] =	sst s7  }
0x10: {  	[smem:$0x3FAE] =	sst s8  }
0x11: {  	[smem:$0x3FAF] =	sst s9;
	s0 =	simm.s32 @!p0 $0x0  }
0x12: {  	s1 =	sld [smem:$0x3F95];
	s0 =	simm.s32 @p0 $0x1  }
0x13: {  	[smem:$0x3FB0] =	sst s0;
	s0 =	simm.s32 @!p1 $0x0  }
0x14: {  	s2 =	sld [smem:$0x3F94];
	s0 =	simm.s32 @p1 $0x1  }
0x15: {  	[smem:$0x3FB1] =	sst s0;
	s0 =	simm.s32 @!p2 $0x0  }
0x16: {  	s3 =	sld [smem:$0x3FDB];
	s0 =	simm.s32 @p2 $0x1  }
0x17: {  	s4 =	simm.s32 $0x1BF5;
	[smem:$0x3FB3] =	sst s0  }
0x18: {  	s0 =	sld [smem:$0x3F96];
	_ =	swait.ge [sflag:s4], $0x0  }
0x19: {  	s7 =	sld [smem:$0x3F97]  }
0x1a: {  	s8 =	sadd.s32 $0xFFFFE003, lr  }
0x1b: {  	s9 =	sadd.s32 $0xFFFFFEF7, lr;
	s5 =	simm.s32 $0xFFFFFFFF;
	p2 =	slt.u32 s8, $0xFFFFF086  }
0x1c: {  	p1 =	slt.u32 s9, $0xF7A;
	s5 =	simm.s32 @!p2 $0x0  }
0x1d: {  	s5 =	simm.s32 @p1 $0x1;
	p0 =	seq.s32 s7, s2  }
0x1e: {  	s7 =	smul.u32 @!p0 $0xF7A, s2;
	p2 =	seq.s32 @!p0 s5, $0x0  }
0x1f: {  	s9 =	smul.u32 $0xF7A, s1;
	s8 =	simm.s32 @!p0 $0x1BF5;
	p2 =	por !p2, p0  }
0x20: {  	[sflag:s8] =	ssyncset.s32 @!p0 $0xFFFFF086;
	s6 =	sadd.s32 @!p0 s3, s7;
	s7 =	simm.s32 @!p0 $0x108  }
0x21: {  	s3 =	sadd.s32 s3, s9;
	s6 =	sadd.s32 @!p0 $0x88, s6;
	s7 =	simm.s32 @p2 $0x1082  }
0x22: {  	[simem:s7], [sflag:s8] =	dma.local @!p0 [hbm:s6], $0xF7A  }
0x23: {  	s9 =	sor.u32 $0xD0000000, s2;
	s6 =	simm.s32 $0x108;
	_ =	swait.ge @!p0 [sflag:s8], $0x0  }
0x24: {  	s3 =	sadd.s32 $0x88, s3;
	s6 =	simm.s32 @!p1 $0x1082;
	[sflag:s4] =	ssyncset.s32 $0xFFFFF086  }
0x25: {  	[simem:s6], [sflag:s4] =	dma.local [hbm:s3], $0xF7A  }
0x26: {  	[smem:$0x3F97] =	sst s1;
	(tag) =	ssettag s2;
	_ =	strace s9  }
0x27: {  	s1 =	sld [smem:$0x3FA7]  }
0x28: {  	s2 =	sld [smem:$0x3FA8]  }
0x29: {  	s4 =	sld [smem:$0x3FAA]  }
0x2a: {  	p0 =	seq.s32 s5, $0x0;
	s5 =	sld [smem:$0x3FAB]  }
0x2b: {  	s6 =	sld [smem:$0x3FAC]  }
0x2c: {  	s7 =	sld [smem:$0x3FAD]  }
0x2d: {  	s3 =	simm.s32 $0x108;
	s8 =	sld [smem:$0x3FAE]  }
0x2e: {  	s3 =	simm.s32 @!p0 $0x1082;
	s9 =	sld [smem:$0x3FAF]  }
0x2f: {  	lr =	sadd.s32 s0, s3;
	s0 =	sld [smem:$0x3FA6]  }
0x30: {  	s3 =	sld [smem:$0x3FA9]  }
0x31: {  	[smem:$0x3FB2] =	sst s10  }
0x32: {  	s10 =	sld [smem:$0x3FB0];
	_ =	sdelay $0x3  }
0x33: {  	p0 =	seq.s32 s10, $0x1;
	s10 =	sld [smem:$0x3FB2];
	_ =	sdelay $0x3  }
0x34: {  	[smem:$0x3FB2] =	sst s10  }
0x35: {  	s10 =	sld [smem:$0x3FB1];
	_ =	sdelay $0x3  }
0x36: {  	p1 =	seq.s32 s10, $0x1;
	s10 =	sld [smem:$0x3FB2];
	_ =	sdelay $0x3  }
0x37: {  	[smem:$0x3FB2] =	sst s10  }
0x38: {  	s10 =	sld [smem:$0x3FB3]  }
0x39: {  	_ = 	snop;
	(pc) =	sbr.ind lr, $3  }
0x3a: {  	_ = 	snop  }
0x3b: {  	_ = 	snop  }
0x3c: {  	p2 =	seq.s32 s10, $0x1;
	s10 =	sld [smem:$0x3FB2]  }
0x3d: {  	_ =	shalt  }
0x3e: {  	_ =	shalt  }
0x3f: {  	_ =	shalt  }
0x40: {  	_ =	shalt  }
0x41: {  	_ =	shalt  }
0x42: {  	_ =	shalt  }
0x43: {  	_ =	shalt  }
0x44: {  	_ =	shalt  }
0x45: {  	_ =	shalt  }
0x46: {  	_ =	shalt  }
0x47: {  	_ =	shalt  }
0x48: {  	_ =	shalt  }
0x49: {  	_ =	shalt  }
0x4a: {  	_ =	shalt  }
0x4b: {  	_ =	shalt  }
0x4c: {  	_ =	shalt  }
0x4d: {  	_ =	shalt  }
0x4e: {  	_ =	shalt  }
0x4f: {  	_ =	shalt  }
0x50: {  	_ =	shalt  }
0x51: {  	_ =	shalt  }
0x52: {  	_ =	shalt  }
0x53: {  	_ =	shalt  }
0x54: {  	_ =	shalt  }
0x55: {  	_ =	shalt  }
0x56: {  	_ =	shalt  }
0x57: {  	_ =	shalt  }
0x58: {  	_ =	shalt  }
0x59: {  	_ =	shalt  }
0x5a: {  	_ =	shalt  }
0x5b: {  	_ =	shalt  }
0x5c: {  	_ =	shalt  }
0x5d: {  	_ =	shalt  }
0x5e: {  	_ =	shalt  }
0x5f: {  	_ =	shalt  }
0x60: {  	_ =	shalt  }
0x61: {  	_ =	shalt  }
0x62: {  	_ =	shalt  }
0x63: {  	_ =	shalt  }
0x64: {  	_ =	shalt  }
0x65: {  	_ =	shalt  }
0x66: {  	_ =	shalt  }
0x67: {  	_ =	shalt  }
0x68: {  	_ =	shalt  }
0x69: {  	_ =	shalt  }
0x6a: {  	_ =	shalt  }
0x6b: {  	_ =	shalt  }
0x6c: {  	_ =	shalt  }
0x6d: {  	_ =	shalt  }
0x6e: {  	_ =	shalt  }
0x6f: {  	_ =	shalt  }
0x70: {  	_ =	shalt  }
0x71: {  	_ =	shalt  }
0x72: {  	_ =	shalt  }
0x73: {  	_ =	shalt  }
0x74: {  	_ =	shalt  }
0x75: {  	_ =	shalt  }
0x76: {  	_ =	shalt  }
0x77: {  	_ =	shalt  }
0x78: {  	_ =	shalt  }
0x79: {  	_ =	shalt  }
0x7a: {  	_ =	shalt  }
0x7b: {  	_ =	shalt  }
0x7c: {  	_ =	shalt  }
0x7d: {  	_ =	shalt  }
0x7e: {  	_ =	shalt  }
0x7f: {  	_ =	shalt  }
0x80: {  	_ =	shalt  }
0x81: {  	_ =	shalt  }
0x82: {  	_ =	shalt  }
0x83: {  	_ =	shalt  }
0x84: {  	_ =	shalt  }
0x85: {  	_ =	shalt  }
0x86: {  	_ =	shalt  }
0x87: {  	_ =	shalt  }
.Lfunc_end0:
.L_simem_size_0:
called_computation.3_lowered:
.L_overlay_start_0:
0x88: {  	s2 =	sld [smem:$0x3FD9]  }
0x89: {  	s3 =	sld [smem:$0x3FFE];
	_ =	sdelay $0x1  }
0x8a: {  	s1 =	srdreg.scid  }
0x8b: {  	s0 =	sand.u32 $0x1, s1  }
0x8c: {  	s16 =	sshll.u32 s0, $0xA;
	s2 =	sadd.s32 s3, s2  }
0x8d: {  	s2 =	sadd.s32 s2, s16  }
0x8e: {  	[smem:$0x3FBE] =	sst s2  }
0x8f: {  	_ = 	snop  }
0x90: {  	(tm) =	ssettm $0x1  }
0x91: {  	s17 =	sld [smem:$0x3FFB];
	_ =	sdelay $0x3  }
0x92: {  	_ =	strace s17  }
0x93: {  	s2 =	sld [smem:$0x3FFC];
	_ =	sdelay $0x3  }
0x94: {  	_ =	strace s2  }
0x95: {  	s2 =	sld [smem:$0x3FFD];
	_ =	sdelay $0x3  }
0x96: {  	_ =	strace s2  }
0x97: {  	_ =	strace $0x8FFFFFFF  }
0x98: {  	s18 =	sld [smem:$0x3FDB];
	_ =	sdelay $0x1  }
0x99: {  	s19 =	simm.s32 $_scs_section_size  }
0x9a: {  	s4 =	simm.s32 $_size__tile_overlayer_lowered;
	s5 =	simm.s32 $_tile_overlayer_lowered  }
0x9b: {  	s22 =	simm.s32 $0x1BFF;
	s21 =	sshll.u32 s5, $0x1;
	s2 =	sadd.s32 s19, s18  }
0x9c: {  	s6 =	simm.s32 $0x0;
	s20 =	sshll.u32 s4, $0x1;
	s4 =	sadd.s32 s21, s2  }
0x9d: {  	[timem:s6], [sflag:s22] =	dma.local [hbm:s4], s20  }
0x9e: {  	_ =	swait.ge [sflag:s22], s20  }
0x9f: {  	s3 =	ssub.s32 $0x0, s20;
	[sflag:s22] =	ssyncset.done $0x0  }
0xa0: {  	[sflag:s22] =	ssyncadd.s32 s3;
	_ =	sdelay $0x1  }
0xa1: {  	s23 =	simm.s32 $0x1B8B  }
0xa2: {  	_ =	swait.ge [sflag:s23], $0x1  }
0xa3: {  	[sflag:s23] =	ssyncset.done $0x0  }
0xa4: {  	s25 =	simm.s32 $0x1B8E;
	s24 =	sld [smem:$0x3FFE];
	[sflag:s23] =	ssyncadd.s32 $0xFFFFFFFF  }
0xa5: {  	s26 =	simm.s32 $execute0_lowered;
	[smem:$0x3FD2] =	sst s25  }
0xa6: {  	s4 =	sshll.u32 s26, $0x1;
	_ =	strace $0x8000004F;
	[dreg:$0x1] =	wrdreg $0xFFFFFFFF  }
0xa7: {  	s28 =	simm.s32 $_size_execute0_lowered;
	s2 =	sadd.s32 s2, s4;
	[dreg:$0x0] =	wrdreg $0x0  }
0xa8: {  	s4 =	sshll.u32 s28, $0x1;
	[dreg:$0x2] =	wrdreg s2  }
0xa9: {  	[dreg:$0x3] =	wrdreg s4  }
0xaa: {  	[dreg:$0x4] =	wrdreg $0xC0  }
0xab: {  	_ =	task [dreg:s6], $0x5FFFF  }
0xac: {  	[dreg:$0x1] =	wrdreg $0xFFFFFFFF  }
0xad: {  	[dreg:$0x0] =	wrdreg $0x60  }
0xae: {  	[dreg:$0x2] =	wrdreg s24  }
0xaf: {  	[dreg:$0x3] =	wrdreg $0x9  }
0xb0: {  	_ =	task.clear_ibuf [dreg:s6], $0x4FFFF;
	_ =	strace $0x9000004F  }
0xb1: {  	s29 =	simm.s32 $0x9;
	_ =	strace $0x80000051  }
0xb2: {  	_ =	swait.ge [sflag:s29], $0x1  }
0xb3: {  	[sflag:s29] =	ssyncadd.s32 $0xFFFFFFFF  }
0xb4: {  	_ =	strace $0x90000051  }
0xb5: {  	_ =	sfence  }
0xb6: {  	s30 =	sld [smem:$0x0];
	_ =	sdelay $0x2  }
0xb7: {  	s31 =	sshll.u32 s1, $0xD;
	s1 =	sshrl.u32 s1, $0x2  }
0xb8: {  	s3 =	sand.u32 $0x4000, s31;
	s1 =	sadd.s32 s1, s30  }
0xb9: {  	s0 =	sor.u32 s3, s0;
	s1 =	sshll.u32 s1, $0x11  }
0xba: {  	s0 =	sor.u32 s1, s0  }
0xbb: {  	s0 =	sadd.s32 $0x8F2B, s0  }
0xbc: {  	[sflag:s0] =	ssyncadd.remote.s32 $0x1  }
0xbd: {  	_ =	sfence.sel $0xFFFF  }
0xbe: {  	[dreg:$0x0] =	wrdreg $0xFFFFFFFF;
	(pc) =	sbr.abs _section_cstart, $3  }
0xbf: {  	[dreg:$0x1] =	wrdreg $0xFFFFFFFF  }
0xc0: {  	_ =	task.clear_ibuf [dreg:s6], $0x2FFFF;
	_ =	strace $0x9FFFFFFF  }
0xc1: {  	(tm) =	ssettm $0x7FFFFFFF  }
tec
execute0_lowered:
.L_overlay_start_1:
0x0: {  	(tag) =	ssettag $0x1  }
0x1: {  	s1 =	rddreg [dreg:$0x0]  }
0x2: {  	s2 =	srdreg.scid;
	s0 =	stileid.u32  }
0x3: {  	s3 =	simm.s32 $0x0;
	s10 =	simm.s32 $0x400;
	s11 =	simm.s32 $0x1  }
0x4: {  	s12 =	simm.s32 $0x600;
	s13 =	simm.s32 $0xC00;
	s14 =	simm.s32 $0x1800  }
0x5: {  	v0 =	vimm.s32 $0xFEDCBA98;
	v1 =	vimm.s32 $0x76543210;
	s15 =	simm.s32 $0x4900;
	s16 =	simm.s32 $0x0;
	s4 =	sand.u32 $0x1, s2  }
0x6: {  	v2 =	vimm.s32 $0xBA98FEDC;
	v3 =	vimm.s32 $0x32107654;
	v4 =	vimm.s32 $0xDCFE98BA;
	s5 =	sshrl.u32 s0, $0x2;
	s28 =	sshll.u32 s0, $0x8;
	s2 =	rddreg [dreg:$0x1]  }
0x7: {  	v5 =	vimm.s32 $0x54761032;
	v6 =	vimm.s32 $0xEFCDAB89;
	[smem:$0x7FF] =	sst s3;
	s6 =	sshll.u32 s4, $0x7;
	s8 =	smul.u32 $0x3000, s5  }
0x8: {  	v7 =	vimm.s32 $0x67452301;
	v0 =	vunpack.c.l.s4.s8 v0;
	v1 =	vunpack.c.l.s4.s8 v1;
	s7 =	sand.u32 $0x300, s28;
	s29 =	smul.u32 $0x6000, s5;
	_ =	strace $0x80000050  }
0x9: {  	v2 =	vunpack.c.l.s4.s8 v2;
	v3 =	vunpack.c.l.s4.s8 v3;
	v4 =	vunpack.c.l.s4.s8 v4;
	s5 =	sshll.u32 s5, $0xA;
	s4 =	ssub.s32 $0x2, s4;
	s6 =	sor.u32 s6, s7  }
0xa: {  	v5 =	vunpack.c.l.s4.s8 v5;
	v6 =	vunpack.c.l.s4.s8 v6;
	v7 =	vunpack.c.l.s4.s8 v7;
	s31 =	sshrl.u32 s4, $0x1;
	s7 =	sor.u32 s8, s6;
	s8 =	sor.u32 s29, s6  }
.Ltmp0:
0xb: {  	v0 =	vunpack.c.0.s8.s32 v0;
	v1 =	vunpack.c.0.s8.s32 v1;
	v2 =	vunpack.c.0.s8.s32 v2;
	s5 =	sor.u32 s5, s6;
	s7 =	sshrl.u32 s7, $0x3;
	(pc) =	sbr.rel .LBB2_1-.Ltmp0, $4  }
0xc: {  	v3 =	vunpack.c.0.s8.s32 v3;
	v4 =	vunpack.c.0.s8.s32 v4;
	v5 =	vunpack.c.0.s8.s32 v5;
	s8 =	sshrl.u32 s8, $0x3;
	s5 =	sshrl.u32 s5, $0x3;
	s7 =	sadd.s32 s7, s1  }
0xd: {  	v6 =	vunpack.c.0.s8.s32 v6;
	v7 =	vunpack.c.0.s8.s32 v7;
	v0 =	vand.u32 $0xF, v0;
	s30 =	sadd.s32 s8, s1;
	s9 =	sadd.s32 s5, s1;
	s8 =	ssub.s32 s4, s31  }
0xe: {  	v0 =	vcombine.low v0, v1;
	v1 =	vcombine.low v3, v2;
	s4 =	sadd.s32 $0x82E00, s7;
	s5 =	sadd.s32 $0x84600, s7;
	s6 =	sadd.s32 $0x85E00, s30  }
0xf: {  	v2 =	vcombine.low v5, v4;
	v3 =	vimm.f32 $0.0e+00;
	v4 =	vcombine.low v7, v6;
	s7 =	sadd.s32 $0x1800, s9;
	s8 =	smax.u32 s8, $0x1;
	s9 =	simm.s32 $0x80  }
.LBB2_9:
0x10: {  	s16 =	sadd.s32 $0x1, s16  }
0x11: {  	p0 =	sne.s32 s16, s8  }
.Ltmp1:
0x12: {  	_ = 	snop;
	(pc) =	sbr.rel @!p0 .LBB2_10-.Ltmp1, $4  }
0x13: {  	[hbm4b:s7+s3] =	stream.linear.scatter [tilespmem:s15], [sflag:$0x1], $0x80, $0x38;
	[tilespmem:$0x4980] =	vst v63  }
0x14: {  	_ =	swait.ge [sflag:s11], $0x80  }
0x15: {  	[sflag:s11] =	ssyncset.done $0x0  }
0x16: {  	[sflag:s11] =	ssyncadd.s32 $0xFFFFFF80  }
.LBB2_1:
0x17: {  	[tilespmem:s3], [sflag:$0x1] =	stream.strided.gather [hbm4b:s4+s9], $0x600, s10, s9, $0x38;
	[tilespmem:$0x4980] =	vst v63  }
0x18: {  	_ =	swait.ge [sflag:s11], $0x600  }
0x19: {  	[sflag:s11] =	ssyncset.done $0x0  }
0x1a: {  	[sflag:s11] =	ssyncadd.s32 $0xFFFFFA00  }
0x1b: {  	[tilespmem:s12], [sflag:$0x1] =	stream.strided.gather [hbm4b:s5+s9], $0x600, s10, s9, $0x38;
	[tilespmem:$0x4980] =	vst v63  }
0x1c: {  	_ =	swait.ge [sflag:s11], $0x600  }
0x1d: {  	[sflag:s11] =	ssyncset.done $0x0  }
0x1e: {  	[sflag:s11] =	ssyncadd.s32 $0xFFFFFA00  }
0x1f: {  	[tilespmem:s13], [sflag:$0x1] =	stream.strided.gather [hbm4b:s6+s9], $0xC00, s10, s9, $0x38;
	[tilespmem:$0x4980] =	vst v63  }
.Ltmp2:
0x20: {  	_ = 	snop;
	(pc) =	sbr.rel .LBB2_2-.Ltmp2, $4  }
0x21: {  	_ =	swait.ge [sflag:s11], $0xC00  }
0x22: {  	[sflag:s11] =	ssyncset.done $0x0  }
0x23: {  	[sflag:s11] =	ssyncadd.s32 $0xFFFFF400  }
0x24: {  	s17 =	simm.s32 $0x0;
	[tilespmem:$0x4900] =	vst v3  }
.LBB2_8:
0x25: {  	v8 =	vld [tilespmem:$0x4880]  }
0x26: {  	v9 =	vld [tilespmem:$0x4890]  }
0x27: {  	v12 =	vld [tilespmem:$0x48A0];
	_ =	sdelay $0x3  }
0x28: {  	v10 =	vadd.s32 $0x1000, v8  }
0x29: {  	v53 =	vld.idx.msk [tilespmem:v13+s14+$0x0], $0xffff;
	v11 =	vadd.s32 $0x2000, v8  }
0x2a: {  	v14 =	vadd.s32 $0x1000, v9;
	v8 =	vld.idx.msk [tilespmem:v8+s14+$0x0], $0xffff  }
0x2b: {  	v15 =	vadd.s32 $0x2000, v9;
	v9 =	vld.idx.msk [tilespmem:v9+s14+$0x0], $0xffff  }
0x2c: {  	v16 =	vadd.s32 $0x1000, v12;
	v17 =	vadd.s32 $0x2000, v12;
	v12 =	vld.idx.msk [tilespmem:v12+s14+$0x0], $0xffff  }
0x2d: {  	v18 =	vadd.s32 $0x1000, v13;
	v10 =	vld.idx.msk [tilespmem:v10+s14+$0x0], $0xffff  }
0x2e: {  	v11 =	vld.idx.msk [tilespmem:v11+s14+$0x0], $0xffff  }
0x2f: {  	v14 =	vld.idx.msk [tilespmem:v14+s14+$0x0], $0xffff  }
0x30: {  	v19 =	vadd.s32 $0x2000, v13;
	v15 =	vld.idx.msk [tilespmem:v15+s14+$0x0], $0xffff;
	v8 =	vadd.f32 $0.0e+00, v8  }
0x31: {  	v16 =	vld.idx.msk [tilespmem:v16+s14+$0x0], $0xffff  }
0x32: {  	v56 =	vld.idx.msk [tilespmem:v18+s14+$0x0], $0xffff;
	v8 =	vadd.f32 v9, v8;
	v54 =	vadd.f32 $0.0e+00, v10  }
0x33: {  	v55 =	vld.idx.msk [tilespmem:v17+s14+$0x0], $0xffff;
	v11 =	vadd.f32 $0.0e+00, v11  }
0x34: {  	v9 =	vadd.f32 v14, v54;
	v8 =	vadd.f32 v12, v8  }
0x35: {  	v57 =	vld.idx.msk [tilespmem:v19+s14+$0x0], $0xffff;
	v11 =	vadd.f32 v15, v11  }
0x36: {  	v9 =	vadd.f32 v16, v9;
	v8 =	vadd.f32 v53, v8  }
0x37: {  	v58 =	vld [tilespmem:s18+$0x600]  }
0x38: {  	v10 =	vadd.f32 v55, v11;
	v9 =	vadd.f32 v56, v9;
	v8 =	vmul.f32 $2.500000000e-01, v8  }
0x39: {  	v59 =	vld [tilespmem:s19+$0x600]  }
0x3a: {  	v60 =	vld [tilespmem:s20+$0x600];
	v10 =	vadd.f32 v57, v10;
	v7 =	vsub.f32 v8, v7;
	v61 =	vmul.f32 $2.500000000e-01, v9  }
0x3b: {  	v62 =	vld [tilespmem:$0x4900]  }
0x3c: {  	v63 =	vmul.f32 $2.500000000e-01, v10;
	v7 =	vsub.f32 v58, v7;
	v6 =	vsub.f32 v61, v6;
	_ =	sdelay $0x1  }
0x3d: {  	v5 =	vsub.f32 v63, v5;
	v6 =	vsub.f32 v59, v6;
	v7 =	vmul.f32 v7, v7;
	_ =	sdelay $0x1  }
0x3e: {  	s17 =	sadd.s32 $0x1, s17;
	v5 =	vsub.f32 v60, v5;
	v7 =	vadd.f32 v62, v7;
	v6 =	vmul.f32 v6, v6  }
0x3f: {  	p0 =	sne.s32 s17, $0x20  }
.Ltmp3:
0x40: {  	v5 =	vmul.f32 v5, v5;
	v6 =	vadd.f32 v7, v6;
	(pc) =	sbr.rel @!p0 .LBB2_9-.Ltmp3, $3  }
0x41: {  	_ = 	snop  }
0x42: {  	v5 =	vadd.f32 v6, v5;
	_ =	sdelay $0x1  }
0x43: {  	[tilespmem:$0x4900] =	vst v5  }
.LBB2_2:
0x44: {  	s18 =	sand.u32 $0x7, s17  }
0x45: {  	s19 =	sshrl.u32 s17, $0x3;
	p0 =	sne.s32 s18, $0x0  }
0x46: {  	s20 =	sshll.u32 @!p0 s19, $0x4;
	s21 =	simm.s32 @!p0 $0x80  }
0x47: {  	s22 =	simm.s32 @!p0 $0x200;
	s23 =	simm.s32 @!p0 $0x1800;
	s20 =	sadd.s32 @!p0 s1, s20  }
0x48: {  	[tilespmem:s23], [sflag:$0x1] =	stream.strided.gather @!p0 [hbm4b:s20+s21], $0x3000, s22, s21, $0x38;
	[tilespmem:$0x4980] =	vst v63  }
0x49: {  	s20 =	simm.s32 @!p0 $0x1  }
0x4a: {  	s28 =	smul.u32 $0x180, s17;
	_ =	swait.ge @!p0 [sflag:s20], $0x3000  }
0x4b: {  	[sflag:s20] =	ssyncset.done @!p0 $0x0  }
0x4c: {  	s29 =	sshra.s32 s28, $0x2;
	[sflag:s20] =	ssyncadd.s32 @!p0 $0xFFFFD000  }
0x4d: {  	v5 =	vld [tilespmem:s29+$0xC50];
	_ =	sdelay $0x3  }
0x4e: {  	s19 =	smul.u32 $0xC, s19  }
0x4f: {  	s30 =	sshrl.u32 s18, $0x1;
	(v2sf) =	vpush v5, $0x0  }
0x50: {  	s18 =	sshll.u32 s18, $0x4;
	s19 =	sor.u32 s30, s19;
	s21 =	sshll.u32 s30, $0x5  }
0x51: {  	s19 =	sshll.u32 s19, $0x5;
	s18 =	ssub.s32 s18, s21  }
0x52: {  	s18 =	sadd.s32 s18, s19  }
0x53: {  	v7 =	vld [tilespmem:s18+$0x0]  }
0x54: {  	v6 =	vld [tilespmem:s18+$0x80]  }
0x55: {  	v8 =	vld [tilespmem:s29+$0xC00]  }
0x56: {  	v9 =	vld [tilespmem:s29+$0xC10]  }
0x57: {  	v10 =	vld [tilespmem:s29+$0xC20]  }
0x58: {  	v11 =	vld [tilespmem:s29+$0xC30]  }
0x59: {  	v14 =	vimm.f32 $1.000000020e+30;
	v12 =	vld [tilespmem:s29+$0xC40]  }
0x5a: {  	v13 =	vimm.s32 $0x0;
	v5 =	vld [tilespmem:s18+$0x100];
	[tilespmem:$0x4800] =	vst v14  }
0x5b: {  	[tilespmem:$0x4880] =	vst v13  }
0x5c: {  	[tilespmem:$0x4810] =	vst v14  }
.Ltmp4:
0x5d: {  	[tilespmem:$0x4890] =	vst v13;
	(pc) =	sbr.rel .LBB2_3-.Ltmp4, $4  }
0x5e: {  	[tilespmem:$0x4820] =	vst v14;
	s31 =	spop (v2sf)  }
0x5f: {  	[tilespmem:$0x48A0] =	vst v13;
	s21 =	scvt.f32.s32 s31  }
0x60: {  	s23 =	simm.s32 $0x0;
	[tilespmem:$0x4830] =	vst v14  }
0x61: {  	s19 =	sadd.s32 $0x80, s18;
	s20 =	sadd.s32 $0x100, s18;
	[tilespmem:$0x48B0] =	vst v13;
	v12 =	vadd.f32 v12, v12;
	s22 =	sshll.u32 s21, $0x4  }
.LBB2_6:
0x62: {  	vm0 =	vlt.f32 v21, v19;
	v22 =	vld [tilespmem:$0x48A0]  }
0x63: {  	v41 =	vld [tilespmem:$0x4830];
	v23 =	vsel vm0, v21, v19;
	v40 =	vsel vm0, v19, v21  }
0x64: {  	v24 =	vnsel vm0, s25, v20;
	v42 =	vsel vm0, s25, v20;
	[tilespmem:$0x4800] =	vst v23;
	vm12 =	vlt.f32 v40, v17  }
0x65: {  	v43 =	vld [tilespmem:$0x48B0];
	[tilespmem:$0x4880] =	vst v42;
	v44 =	vsel vm12, v24, v18;
	v25 =	vsel vm12, v17, v40  }
0x66: {  	v45 =	vsel vm12, v40, v17;
	v46 =	vsel vm12, v18, v24;
	[tilespmem:$0x4890] =	vst v44;
	vm13 =	vlt.f32 v25, v13  }
0x67: {  	[tilespmem:$0x4810] =	vst v45;
	v47 =	vsel vm13, v46, v22;
	v48 =	vsel vm13, v13, v25  }
0x68: {  	v13 =	vsel vm13, v25, v13;
	[tilespmem:$0x48A0] =	vst v47;
	vm1 =	vlt.f32 v48, v41  }
0x69: {  	v49 =	vsel vm13, v22, v46;
	[tilespmem:$0x4820] =	vst v13;
	v13 =	vsel vm1, v48, v41  }
0x6a: {  	v17 =	vsel vm1, v49, v43;
	[tilespmem:$0x4830] =	vst v13  }
0x6b: {  	[tilespmem:$0x48B0] =	vst v17  }
0x6c: {  	v13 =	vld.idx.msk [tilespmem:v16+s14+$0x0], $0xffff  }
0x6d: {  	v14 =	vld.idx.msk [tilespmem:v14+s14+$0x0], $0xffff;
	_ =	sdelay $0x1  }
0x6e: {  	v15 =	vld.idx.msk [tilespmem:v15+s14+$0x0], $0xffff;
	_ =	sdelay $0x2  }
0x6f: {  	v14 =	vsub.f32 v7, v14;
	v13 =	vsub.f32 v6, v13;
	_ =	sdelay $0x1  }
0x70: {  	v15 =	vsub.f32 v5, v15;
	v14 =	vmul.f32 v14, v14;
	v13 =	vmul.f32 v13, v13  }
0x71: {  	v50 =	vld [tilespmem:$0x4800]  }
0x72: {  	v13 =	vadd.f32 v13, v14;
	v14 =	vmul.f32 v15, v15  }
0x73: {  	v15 =	vld [tilespmem:$0x4810]  }
0x74: {  	v13 =	vadd.f32 v14, v13  }
0x75: {  	v14 =	vld [tilespmem:$0x4820]  }
0x76: {  	vm3 =	vlt.f32 v13, v50  }
0x77: {  	v52 =	vld [tilespmem:$0x4830];
	v51 =	vsel vm3, v50, v13  }
0x78: {  	vm2 =	vlt.f32 v51, v15  }
0x79: {  	v53 =	vsel vm2, v15, v51  }
0x7a: {  	vm14 =	vlt.f32 v53, v14  }
0x7b: {  	v54 =	vsel vm14, v14, v53  }
0x7c: {  	vm15 =	vlt.f32 v54, v52  }
0x7d: {  	v18 =	vsel vm15, v54, v52  }
0x7e: {  	[tilespmem:$0x4830] =	vst v18  }
0x7f: {  	v18 =	vld [tilespmem:$0x4830];
	_ =	sdelay $0x4  }
0x80: {  	v55 =	vperm.xlane v18, v0;
	_ =	sdelay $0x1  }
0x81: {  	v18 =	vmax.f32 v18, v55  }
0x82: {  	v20 =	vperm.xlane v18, v1;
	_ =	sdelay $0x1  }
0x83: {  	v18 =	vmax.f32 v18, v20  }
0x84: {  	v20 =	vperm.xlane v18, v2;
	_ =	sdelay $0x1  }
0x85: {  	v18 =	vmax.f32 v18, v20  }
0x86: {  	v20 =	vperm.xlane v18, v4;
	_ =	sdelay $0x1  }
0x87: {  	v18 =	vmax.f32 v18, v20  }
0x88: {  	v20 =	vshrl.u32 v18, $0x1;
	v56 =	vmul.f32 $5.000000000e-01, v18  }
0x89: {  	v20 =	vsub.s32 $0x5F3759DF, v20  }
0x8a: {  	v57 =	vmul.f32 v20, v56;
	_ =	sdelay $0x1  }
0x8b: {  	v22 =	vmul.f32 v20, v57;
	_ =	sdelay $0x1  }
0x8c: {  	v22 =	vsub.f32 $1.500000000e+00, v22;
	_ =	sdelay $0x1  }
0x8d: {  	v20 =	vmul.f32 v20, v22;
	_ =	sdelay $0x1  }
0x8e: {  	v22 =	vmul.f32 v20, v56;
	_ =	sdelay $0x1  }
0x8f: {  	v22 =	vmul.f32 v22, v20;
	_ =	sdelay $0x1  }
0x90: {  	v22 =	vsub.f32 $1.500000000e+00, v22;
	_ =	sdelay $0x1  }
0x91: {  	v20 =	vmul.f32 v22, v20;
	_ =	sdelay $0x1  }
0x92: {  	v21 =	vmul.f32 v20, v56;
	_ =	sdelay $0x1  }
0x93: {  	v58 =	vld [tilespmem:$0x4880];
	v21 =	vmul.f32 v21, v20  }
0x94: {  	v59 =	vld [tilespmem:$0x4890]  }
0x95: {  	v21 =	vsub.f32 $1.500000000e+00, v21  }
0x96: {  	v60 =	vld [tilespmem:$0x48A0]  }
0x97: {  	v13 =	vsel vm3, v13, v50;
	v20 =	vmul.f32 v21, v20  }
0x98: {  	v61 =	vnsel vm3, s24, v58;
	[tilespmem:$0x4800] =	vst v13;
	v13 =	vld [tilespmem:$0x48B0]  }
0x99: {  	v62 =	vsel vm2, v61, v59;
	v20 =	vmul.f32 v20, v18  }
0x9a: {  	v15 =	vsel vm2, v51, v15;
	v16 =	vsel vm2, v59, v61;
	[tilespmem:$0x4890] =	vst v62  }
0x9b: {  	[tilespmem:$0x4810] =	vst v15;
	v15 =	vsel vm14, v16, v60;
	v63 =	vmul.f32 $1.000200030e+00, v20  }
0x9c: {  	v14 =	vsel vm14, v53, v14;
	v16 =	vsel vm14, v60, v16;
	[tilespmem:$0x48A0] =	vst v15  }
0x9d: {  	[tilespmem:$0x4820] =	vst v14;
	v13 =	vsel vm15, v16, v13;
	v15 =	vadd.f32 v18, v11;
	v17 =	vmul.f32 v63, v12  }
0x9e: {  	[tilespmem:$0x48B0] =	vst v13;
	v22 =	vsel vm3, s24, v58  }
0x9f: {  	[tilespmem:$0x4880] =	vst v22;
	v14 =	vadd.f32 v17, v15  }
.LBB2_7:
0xa0: {  	s23 =	sadd.s32 $0x1, s23  }
0xa1: {  	p0 =	sne.s32 s23, $0x100  }
.Ltmp5:
0xa2: {  	_ = 	snop;
	(pc) =	sbr.rel @!p0 .LBB2_8-.Ltmp5, $2  }
0xa3: {  	_ =	sdelay $0x2  }
0xa4: {  	s22 =	sadd.s32 $0x10, s22  }
.LBB2_3:
0xa5: {  	s25 =	sadd.s32 s21, s23  }
0xa6: {  	s24 =	simm.s32 $0x0;
	p0 =	slt.s32 s25, $0x100  }
0xa7: {  	s24 =	simm.s32 @!p0 $0xFFFFF00  }
0xa8: {  	s25 =	sadd.s32 s25, s24  }
0xa9: {  	s25 =	sshll.u32 s25, $0x4  }
0xaa: {  	v15 =	vld [tilespmem:s25+$0x1800]  }
0xab: {  	v16 =	vld [tilespmem:s25+$0x2800];
	_ =	sdelay $0x1  }
0xac: {  	v17 =	vld [tilespmem:s25+$0x3800];
	_ =	sdelay $0x2  }
0xad: {  	v15 =	vsub.f32 v15, v8;
	v16 =	vsub.f32 v16, v9;
	_ =	sdelay $0x1  }
0xae: {  	v17 =	vsub.f32 v17, v10;
	v15 =	vmul.f32 v15, v15;
	v16 =	vmul.f32 v16, v16;
	_ =	sdelay $0x1  }
0xaf: {  	v62 =	vmul.f32 v17, v17;
	v15 =	vadd.f32 v16, v15;
	_ =	sdelay $0x1  }
0xb0: {  	v15 =	vadd.f32 v62, v15;
	_ =	sdelay $0x1  }
0xb1: {  	v15 =	vsub.f32 v15, v14;
	_ =	sdelay $0x1  }
0xb2: {  	v63 =	vperm.xlane v15, v0;
	_ =	sdelay $0x1  }
0xb3: {  	v15 =	vmin.f32 v15, v63  }
0xb4: {  	v16 =	vperm.xlane v15, v1;
	_ =	sdelay $0x1  }
0xb5: {  	v15 =	vmin.f32 v15, v16  }
0xb6: {  	v16 =	vperm.xlane v15, v2;
	_ =	sdelay $0x1  }
0xb7: {  	v15 =	vmin.f32 v15, v16  }
0xb8: {  	v16 =	vperm.xlane v15, v4;
	_ =	sdelay $0x1  }
0xb9: {  	v15 =	vmin.f32 v15, v16  }
0xba: {  	(v2sf) =	vpush v15, $0x0;
	_ =	sdelay $0xe  }
0xbb: {  	s31 =	spop (v2sf)  }
0xbc: {  	p0 =	sle.f32 s31, $0.0e+00  }
.Ltmp6:
0xbd: {  	_ = 	snop;
	(pc) =	sbr.rel @!p0 .LBB2_7-.Ltmp6, $1  }
0xbe: {  	_ =	sdelay $0x3  }
0xbf: {  	s24 =	sshll.u32 s24, $0x4  }
0xc0: {  	s26 =	sadd.s32 s24, s22  }
0xc1: {  	s25 =	sadd.s32 $0x0, s26  }
0xc2: {  	v13 =	vmov s25  }
0xc3: {  	v14 =	vadd.s32 $0x1000, v13;
	_ =	sdelay $0x1  }
0xc4: {  	v15 =	vadd.s32 $0x2000, v13;
	_ =	sdelay $0x1  }
0xc5: {  	v13 =	vld.idx.msk [tilespmem:v13+s14+$0x0], $0xffff  }
0xc6: {  	v14 =	vld.idx.msk [tilespmem:v14+s14+$0x0], $0xffff;
	_ =	sdelay $0x1  }
0xc7: {  	v15 =	vld.idx.msk [tilespmem:v15+s14+$0x0], $0xffff;
	_ =	sdelay $0x2  }
0xc8: {  	v16 =	vsub.f32 v7, v13;
	v14 =	vsub.f32 v6, v14;
	_ =	sdelay $0x1  }
0xc9: {  	v19 =	vld [tilespmem:$0x4800];
	v15 =	vsub.f32 v5, v15;
	v16 =	vmul.f32 v16, v16;
	v14 =	vmul.f32 v14, v14  }
0xca: {  	v20 =	vld [tilespmem:$0x4880]  }
0xcb: {  	v17 =	vld [tilespmem:$0x4810];
	s24 =	sadd.s32 $0x1, s26;
	v21 =	vmul.f32 v15, v15;
	v18 =	vadd.f32 v14, v16  }
0xcc: {  	v13 =	vld [tilespmem:$0x4820];
	v14 =	vmov s24  }
0xcd: {  	s28 =	simm.s32 $0x2;
	v16 =	vadd.s32 $0x1000, v14;
	v15 =	vadd.s32 $0x2000, v14;
	v21 =	vadd.f32 v21, v18;
	v18 =	vld [tilespmem:$0x4890]  }
.LBB2_5:
0xce: {  	p0 =	sne.s32 s28, $0xF;
	s29 =	smov.u32 s28;
	s28 =	sadd.s32 $0x1, s28  }
0xcf: {  	vm0 =	vlt.f32 v21, v19;
	v22 =	vld [tilespmem:$0x48A0]  }
0xd0: {  	v23 =	vsel vm0, v21, v19;
	v19 =	vsel vm0, v19, v21;
	v21 =	vnsel vm0, s25, v20;
	v24 =	vld [tilespmem:$0x4830]  }
0xd1: {  	v20 =	vsel vm0, s25, v20;
	s25 =	smov.u32 s24;
	vm0 =	vlt.f32 v19, v17;
	[tilespmem:$0x4800] =	vst v23;
	v23 =	vld [tilespmem:$0x48B0]  }
0xd2: {  	v25 =	vsel vm0, v21, v18;
	[tilespmem:$0x4880] =	vst v20;
	v20 =	vsel vm0, v19, v17;
	v17 =	vsel vm0, v17, v19  }
0xd3: {  	v18 =	vsel vm0, v18, v21;
	[tilespmem:$0x4890] =	vst v25;
	vm0 =	vlt.f32 v17, v13  }
0xd4: {  	[tilespmem:$0x4810] =	vst v20;
	v19 =	vsel vm0, v17, v13;
	v20 =	vsel vm0, v18, v22;
	v13 =	vsel vm0, v13, v17  }
0xd5: {  	v17 =	vsel vm0, v22, v18;
	[tilespmem:$0x48A0] =	vst v20;
	vm0 =	vlt.f32 v13, v24  }
0xd6: {  	[tilespmem:$0x4820] =	vst v19;
	v18 =	vsel vm0, v13, v24;
	v17 =	vsel vm0, v17, v23  }
0xd7: {  	v13 =	vld [tilespmem:$0x4820];
	[tilespmem:$0x4830] =	vst v18  }
0xd8: {  	[tilespmem:$0x48B0] =	vst v17  }
0xd9: {  	v16 =	vld.idx.msk [tilespmem:v16+s14+$0x0], $0xffff  }
0xda: {  	v14 =	vld.idx.msk [tilespmem:v14+s14+$0x0], $0xffff;
	_ =	sdelay $0x1  }
0xdb: {  	v15 =	vld.idx.msk [tilespmem:v15+s14+$0x0], $0xffff;
	_ =	sdelay $0x3  }
0xdc: {  	v16 =	vsub.f32 v6, v16;
	v14 =	vsub.f32 v7, v14;
	_ =	sdelay $0x1  }
.Ltmp7:
0xdd: {  	v16 =	vmul.f32 v16, v16;
	v15 =	vsub.f32 v5, v15;
	v17 =	vmul.f32 v14, v14;
	(pc) =	sbr.rel @p0 .LBB2_5-.Ltmp7, $4  }
0xde: {  	s24 =	sadd.s32 s29, s26;
	v19 =	vld [tilespmem:$0x4800]  }
0xdf: {  	v14 =	vmov s24;
	v18 =	vadd.f32 v16, v17;
	v21 =	vmul.f32 v15, v15;
	v20 =	vld [tilespmem:$0x4880]  }
0xe0: {  	v16 =	vadd.s32 $0x1000, v14;
	v17 =	vld [tilespmem:$0x4810]  }
0xe1: {  	v15 =	vadd.s32 $0x2000, v14;
	v21 =	vadd.f32 v21, v18;
	v18 =	vld [tilespmem:$0x4890]  }
.Ltmp8:
0xe2: {  	_ = 	snop;
	(pc) =	sbr.rel .LBB2_6-.Ltmp8, $1  }
0xe3: {  	_ =	sdelay $0x3  }
.LBB2_10:
0xe4: {  	_ =	sfence.sel $0x180000  }
0xe5: {  	[bflag:$0x0] =	sbarrier.arrive $0xFFFF  }
0xe6: {  	p0 =	sne.s32 s0, $0x0;
	_ =	strace $0x90000050  }
0xe7: {  	s0 =	sadd.s32 @!p0 $0x100000, s2;
	[bflag:$0x2] =	sbarrier.arrive $0xFFFF  }
0xe8: {  	[sflag:s0] =	ssyncadd.tile.s32 @!p0 $0x1;
	_ =	shalt  }
.Lfunc_end2:
_tile_overlayer_lowered:
.L_overlay_start_2:
0xe9: {  	(tag) =	ssettag $0x2  }
0xea: {  	s0 =	rddreg [dreg:$0x0];
	s2 =	stileid.u32  }
0xeb: {  	s1 =	rddreg [dreg:$0x1];
	p0 =	sne.s32 s2, $0x0  }
0xec: {  	s3 =	rddreg [dreg:$0x2];
	[bflag:$0x3] =	sbarrier.arrive $0xFFFF;
	s2 =	simm.s32 @!p0 $0x1C01  }
0xed: {  	[timem:s3], [sflag:s2] =	dma.local @!p0 [hbm:s0], s1  }
0xee: {  	s0 =	simm.s32 @!p0 $0x1  }
0xef: {  	_ =	swait.ge @!p0 [sflag:s0], s1  }
0xf0: {  	s1 =	ssub.s32 @!p0 $0x0, s1;
	[sflag:s0] =	ssyncset.done @!p0 $0x0  }
0xf1: {  	[sflag:s0] =	ssyncadd.s32 @!p0 s1  }
0xf2: {  	[bflag:$0x3] =	sbarrier.arrive $0xFFFF  }
0xf3: {  	_ =	shalt  }

</sc_bundles>
